<compile_context>
chip_gen: v7x
topology: tpu7x:2x2x1
jax: 0.10.2.dev20260603
libtpu: 0.0.44.dev20260713+nightly
codegen_flags: <defaults>
</compile_context>

<pallas_src>
import functools

import jax
import jax.numpy as jnp
from jax import lax
from jax.experimental import pallas as pl
from jax.experimental.pallas import tpu as pltpu
from jax.experimental.pallas import tpu_sc as plsc

N = 10000
E = 320000
B = 512
IN_DIM = 128
HID = 256

NC = 2
NS = 16
CH = 80
EPT = E // NS
NCH = EPT // CH
RPT0 = 640
RPT_LAST = N - 15 * RPT0
NBLK = 5
IBE = EPT // NBLK
BCH = IBE // CH

_mesh = plsc.VectorSubcoreMesh(core_axis_name="c", subcore_axis_name="s",
                               num_cores=NC, num_subcores=NS)


@functools.partial(
    pl.kernel,
    out_type=jax.ShapeDtypeStruct((NC * N, 128), jnp.float32),
    mesh=_mesh,
    scratch_types=[
        pltpu.VMEM((EPT,), jnp.int32),
        pltpu.VMEM((CH, 128), jnp.float32),
        pltpu.VMEM((CH, 128), jnp.float32),
        pltpu.VMEM_SHARED((N, 128), jnp.float32),
    ],
)
def _deg_kernel(dst1_hbm, dst2_hbm, deg_out, idx_v, ones_v, zer_v, acc):
    c = lax.axis_index("c")
    s = lax.axis_index("s")

    def fill_ones(i, _):
        for k in range(8):
            ones_v[i, pl.ds(k * 16, 16)] = jnp.ones((16,), jnp.float32)
            zer_v[i, pl.ds(k * 16, 16)] = jnp.zeros((16,), jnp.float32)
        return 0

    lax.fori_loop(0, CH, fill_ones, 0)

    @pl.when(s < 15)
    def _():
        for k in range(RPT0 // CH):
            pltpu.sync_copy(zer_v, acc.at[pl.ds(s * RPT0 + k * CH, CH)])

    @pl.when(s == 15)
    def _():
        for k in range(RPT_LAST // CH):
            pltpu.sync_copy(zer_v, acc.at[pl.ds(15 * RPT0 + k * CH, CH)])

    plsc.subcore_barrier()

    @pl.when(c == 0)
    def _():
        pltpu.sync_copy(dst1_hbm.at[pl.ds(s * EPT, EPT)], idx_v)

    @pl.when(c == 1)
    def _():
        pltpu.sync_copy(dst2_hbm.at[pl.ds(s * EPT, EPT)], idx_v)

    def body(j, _):
        pltpu.sync_copy(ones_v, acc.at[idx_v.at[pl.ds(j * CH, CH)]],
                        add=True)
        return 0

    lax.fori_loop(0, NCH, body, 0)
    plsc.subcore_barrier()

    @pl.when(s < 15)
    def _():
        pltpu.sync_copy(acc.at[pl.ds(s * RPT0, RPT0)],
                        deg_out.at[pl.ds(c * N + s * RPT0, RPT0)])

    @pl.when(s == 15)
    def _():
        pltpu.sync_copy(acc.at[pl.ds(15 * RPT0, RPT_LAST)],
                        deg_out.at[pl.ds(c * N + 15 * RPT0, RPT_LAST)])


_PROP_SCRATCH = [
    pltpu.VMEM((IBE,), jnp.int32),
    pltpu.VMEM((IBE,), jnp.int32),
    pltpu.VMEM((CH, 128), jnp.float32),
    pltpu.VMEM((CH, 128), jnp.float32),
    pltpu.VMEM((CH, 128), jnp.float32),
    pltpu.VMEM_SHARED((N, 128), jnp.float32),
    pltpu.SemaphoreType.DMA,
    pltpu.SemaphoreType.DMA,
]


def _fill_zero_rows(zer_v):
    def fill_zero(i, _):
        for k in range(8):
            zer_v[i, pl.ds(k * 16, 16)] = jnp.zeros((16,), jnp.float32)
        return 0

    lax.fori_loop(0, CH, fill_zero, 0)


def _zero_acc(s, zer_v, acc):
    @pl.when(s < 15)
    def _():
        for k in range(RPT0 // CH):
            pltpu.sync_copy(zer_v, acc.at[pl.ds(s * RPT0 + k * CH, CH)])

    @pl.when(s == 15)
    def _():
        for k in range(RPT_LAST // CH):
            pltpu.sync_copy(zer_v, acc.at[pl.ds(15 * RPT0 + k * CH, CH)])


def _add_off(src_v, off):
    offv = jnp.full((16,), off, jnp.int32)

    def body(k, _):
        src_v[pl.ds(k * 16, 16)] = src_v[pl.ds(k * 16, 16)] + offv
        return 0

    lax.fori_loop(0, IBE // 16, body, 0)


def _prop_pipeline(table_hbm, src_v, dst_v, acc, rows_a, rows_b, sem_a, sem_b):
    def gather(j, buf, sem):
        return pltpu.async_copy(
            table_hbm.at[src_v.at[pl.ds(j * CH, CH)]], buf, sem)

    def scat(j, buf):
        pltpu.sync_copy(buf, acc.at[dst_v.at[pl.ds(j * CH, CH)]], add=True)

    gather(0, rows_a, sem_a)

    def body(i, _):
        ja = 2 * i
        gather(ja + 1, rows_b, sem_b)
        pltpu.make_async_copy(
            table_hbm.at[src_v.at[pl.ds(ja * CH, CH)]], rows_a, sem_a).wait()
        scat(ja, rows_a)

        @pl.when(i + 1 < BCH // 2)
        def _():
            gather(ja + 2, rows_a, sem_a)

        pltpu.make_async_copy(
            table_hbm.at[src_v.at[pl.ds((ja + 1) * CH, CH)]],
            rows_b, sem_b).wait()
        scat(ja + 1, rows_b)
        return 0

    lax.fori_loop(0, BCH // 2, body, 0)


def _prop_out(c, s, acc, out_hbm):
    @pl.when(s < 15)
    def _():
        pltpu.sync_copy(acc.at[pl.ds(s * RPT0, RPT0)],
                        out_hbm.at[pl.ds(c * N + s * RPT0, RPT0)])

    @pl.when(s == 15)
    def _():
        pltpu.sync_copy(acc.at[pl.ds(15 * RPT0, RPT_LAST)],
                        out_hbm.at[pl.ds(c * N + 15 * RPT0, RPT_LAST)])


@functools.partial(
    pl.kernel,
    out_type=jax.ShapeDtypeStruct((2 * N, 128), jnp.float32),
    mesh=_mesh,
    scratch_types=_PROP_SCRATCH,
)
def _prop1(table_hbm, src1_hbm, dst1_hbm, src2_hbm, dst2_hbm, out_hbm,
           src_v, dst_v, rows_a, rows_b, zer_v, acc, sem_a, sem_b):
    c = lax.axis_index("c")
    s = lax.axis_index("s")
    _fill_zero_rows(zer_v)
    _zero_acc(s, zer_v, acc)
    plsc.subcore_barrier()

    def blk(bi, _):
        bbase = s * EPT + bi * IBE

        @pl.when(c == 0)
        def _():
            pltpu.sync_copy(src1_hbm.at[pl.ds(bbase, IBE)], src_v)
            pltpu.sync_copy(dst1_hbm.at[pl.ds(bbase, IBE)], dst_v)

        @pl.when(c == 1)
        def _():
            pltpu.sync_copy(src2_hbm.at[pl.ds(bbase, IBE)], src_v)
            pltpu.sync_copy(dst2_hbm.at[pl.ds(bbase, IBE)], dst_v)

        _add_off(src_v, c * N)
        _prop_pipeline(table_hbm, src_v, dst_v, acc, rows_a, rows_b,
                       sem_a, sem_b)
        return 0

    lax.fori_loop(0, NBLK, blk, 0)
    plsc.subcore_barrier()
    _prop_out(c, s, acc, out_hbm)


def _make_prop2(g):
    @functools.partial(
        pl.kernel,
        out_type=jax.ShapeDtypeStruct((2 * N, 128), jnp.float32),
        mesh=_mesh,
        scratch_types=_PROP_SCRATCH,
    )
    def prop(table_hbm, src_hbm, dst_hbm, out_hbm,
             src_v, dst_v, rows_a, rows_b, zer_v, acc, sem_a, sem_b):
        c = lax.axis_index("c")
        s = lax.axis_index("s")
        _fill_zero_rows(zer_v)
        _zero_acc(s, zer_v, acc)
        plsc.subcore_barrier()

        def blk(bi, _):
            bbase = s * EPT + bi * IBE
            pltpu.sync_copy(src_hbm.at[pl.ds(bbase, IBE)], src_v)
            pltpu.sync_copy(dst_hbm.at[pl.ds(bbase, IBE)], dst_v)
            _add_off(src_v, g * 2 * N + c * N)
            _prop_pipeline(table_hbm, src_v, dst_v, acc, rows_a, rows_b,
                           sem_a, sem_b)
            return 0

        lax.fori_loop(0, NBLK, blk, 0)
        plsc.subcore_barrier()
        _prop_out(c, s, acc, out_hbm)

    return prop


_prop2g = (_make_prop2(0), _make_prop2(1))


_BN = 2000
_NB = N // _BN


def _prescale_body(x_ref, deg_ref, o_ref):
    d = deg_ref[0][:, 0:1]
    dinv = lax.rsqrt(d + 1.0)
    o_ref[0] = x_ref[0] * dinv


_prescale = pl.pallas_call(
    _prescale_body,
    grid=(2, _NB),
    in_specs=[pl.BlockSpec((1, _BN, IN_DIM), lambda g, i: (g, i, 0)),
              pl.BlockSpec((1, _BN, 128), lambda g, i: (g, i, 0))],
    out_specs=pl.BlockSpec((1, _BN, IN_DIM), lambda g, i: (g, i, 0)),
    out_shape=jax.ShapeDtypeStruct((2, N, IN_DIM), jnp.float32),
)


def _conv1_body(tmp_ref, xs_ref, deg_ref, w_ref, b_ref, o_ref):
    d = deg_ref[0][:, 0:1]
    dinv = lax.rsqrt(d + 1.0)
    p = dinv * (tmp_ref[0] + xs_ref[0])
    h = jnp.dot(p, w_ref[...], preferred_element_type=jnp.float32,
                 precision=lax.Precision.HIGHEST)
    h = jnp.maximum(h + b_ref[0], 0.0)
    hs = h * dinv
    o_ref[0, 0] = hs[:, :128]
    o_ref[0, 1] = hs[:, 128:]


_conv1 = pl.pallas_call(
    _conv1_body,
    grid=(2, _NB),
    in_specs=[pl.BlockSpec((1, _BN, IN_DIM), lambda g, i: (g, i, 0)),
              pl.BlockSpec((1, _BN, IN_DIM), lambda g, i: (g, i, 0)),
              pl.BlockSpec((1, _BN, 128), lambda g, i: (g, i, 0)),
              pl.BlockSpec((IN_DIM, HID), lambda g, i: (0, 0)),
              pl.BlockSpec((1, HID), lambda g, i: (0, 0))],
    out_specs=pl.BlockSpec((1, 2, _BN, 128), lambda g, i: (g, 0, i, 0)),
    out_shape=jax.ShapeDtypeStruct((2, 2, N, 128), jnp.float32),
)


def _conv2_pool_body(tmp_ref, hs_ref, deg_ref, w_ref, b_ref, batch_ref, o_ref):
    i = pl.program_id(0)
    d = deg_ref[0][:, 0:1]
    dinv = lax.rsqrt(d + 1.0)
    p_lo = dinv * (tmp_ref[0] + hs_ref[0, 0])
    p_hi = dinv * (tmp_ref[1] + hs_ref[0, 1])
    h2 = jnp.dot(p_lo, w_ref[:128, :], preferred_element_type=jnp.float32,
                 precision=lax.Precision.HIGHEST)
    h2 = h2 + jnp.dot(p_hi, w_ref[128:, :], preferred_element_type=jnp.float32,
                 precision=lax.Precision.HIGHEST)
    h2 = jnp.maximum(h2 + b_ref[0], 0.0)
    bvec = batch_ref[0, 0, :]
    seg = lax.broadcasted_iota(jnp.int32, (B, _BN), 0)
    m = (seg == bvec[None, :]).astype(jnp.bfloat16)
    h2e = jnp.concatenate([h2, jnp.ones((_BN, 128), jnp.float32)], axis=1)
    a1 = h2e.astype(jnp.bfloat16)
    a2 = (h2e - a1.astype(jnp.float32)).astype(jnp.bfloat16)
    part = (jnp.dot(m, a1, preferred_element_type=jnp.float32)
            + jnp.dot(m, a2, preferred_element_type=jnp.float32))

    @pl.when(i == 0)
    def _():
        o_ref[...] = part

    @pl.when(i > 0)
    def _():
        o_ref[...] += part


def _make_conv2_pool(g):
    return pl.pallas_call(
        _conv2_pool_body,
        grid=(_NB,),
        in_specs=[pl.BlockSpec((2, _BN, 128), lambda i: (0, i, 0)),
                  pl.BlockSpec((1, 2, _BN, 128), lambda i: (g, 0, i, 0)),
                  pl.BlockSpec((1, _BN, 128), lambda i: (g, i, 0)),
                  pl.BlockSpec((HID, HID), lambda i: (0, 0)),
                  pl.BlockSpec((1, HID), lambda i: (0, 0)),
                  pl.BlockSpec((1, 1, _BN), lambda i: (i, 0, 0))],
        out_specs=pl.BlockSpec((B, HID + 128), lambda i: (0, 0)),
        out_shape=jax.ShapeDtypeStruct((B, HID + 128), jnp.float32),
    )


_conv2_poolg = (_make_conv2_pool(0), _make_conv2_pool(1))


def _cls_body(s1_ref, s2_ref, wc1_ref, bc1_ref, wc2_ref, bc2_ref, o_ref):
    s1 = s1_ref[...]
    s2 = s2_ref[...]
    g1 = s1[:, :HID] / jnp.maximum(s1[:, HID:HID + 1], 1.0)
    g2 = s2[:, :HID] / jnp.maximum(s2[:, HID:HID + 1], 1.0)
    pair = jnp.concatenate([g1 * g2, jnp.abs(g1 - g2)], axis=1)
    hid = jnp.dot(pair, wc1_ref[...], preferred_element_type=jnp.float32,
                 precision=lax.Precision.HIGHEST)
    hid = jnp.maximum(hid + bc1_ref[0], 0.0)
    r = jnp.dot(hid, wc2_ref[...], preferred_element_type=jnp.float32,
                 precision=lax.Precision.HIGHEST)
    r = r + bc2_ref[0]
    o_ref[...] = jnp.broadcast_to(r, (B, 128))


_cls = pl.pallas_call(
    _cls_body,
    out_shape=jax.ShapeDtypeStruct((B, 128), jnp.float32),
)


def kernel(x1, edge_index1, batch1, x2, edge_index2, batch2,
           W1, b1, W2, b2, Wc1, bc1, Wc2, bc2):
    src1, dst1 = edge_index1[0], edge_index1[1]
    src2, dst2 = edge_index2[0], edge_index2[1]

    deg = _deg_kernel(dst1, dst2).reshape(2, N, 128)
    X = jnp.stack([x1, x2])
    XS = _prescale(X, deg)
    tmp1 = _prop1(XS.reshape(2 * N, 128), src1, dst1, src2, dst2)
    HS4 = _conv1(tmp1.reshape(2, N, 128), XS, deg, W1, b1.reshape(1, HID))

    b2r = b2.reshape(1, HID)
    HS4f = HS4.reshape(4 * N, 128)
    tmp2_1 = _prop2g[0](HS4f, src1, dst1)
    tmp2_2 = _prop2g[1](HS4f, src2, dst2)
    sums1 = _conv2_poolg[0](tmp2_1.reshape(2, N, 128), HS4, deg, W2, b2r,
                            batch1.reshape(_NB, 1, _BN))
    sums2 = _conv2_poolg[1](tmp2_2.reshape(2, N, 128), HS4, deg, W2, b2r,
                            batch2.reshape(_NB, 1, _BN))
    out = _cls(sums1, sums2, Wc1, bc1.reshape(1, HID), Wc2, bc2.reshape(1, 1))
    return out[:, 0]

# --- scband reference (transcript-rebuilt; emitter-appended) ---
"""Pipeline reference for scband-graphlet-link-predictor-90941637525519 (READ-ONLY COPY).

The authoritative reference and input builder live on the scoring server;
editing this copy changes nothing except your own understanding.
"""

import jax, jax.numpy as jnp
import numpy as np

N = 10000
E = 320000
B = 512
IN_DIM = 128
HID = 256


def setup_inputs(seed: int = 0) -> dict:
    key = jax.random.key(seed)
    ks = jax.random.split(key, 16)
    x1 = jax.random.normal(ks[0], (N, IN_DIM), dtype=jnp.float32)
    x2 = jax.random.normal(ks[1], (N, IN_DIM), dtype=jnp.float32)
    edge_index1 = jax.random.randint(ks[2], (2, E), 0, N, dtype=jnp.int32)
    edge_index2 = jax.random.randint(ks[3], (2, E), 0, N, dtype=jnp.int32)
    batch1 = jnp.sort(jax.random.randint(ks[4], (N,), 0, B, dtype=jnp.int32))
    batch2 = jnp.sort(jax.random.randint(ks[5], (N,), 0, B, dtype=jnp.int32))
    W1 = jax.random.normal(ks[6], (IN_DIM, HID), dtype=jnp.float32) * (1.0 / np.sqrt(IN_DIM))
    b1 = jnp.zeros((HID,), dtype=jnp.float32)
    W2 = jax.random.normal(ks[7], (HID, HID), dtype=jnp.float32) * (1.0 / np.sqrt(HID))
    b2 = jnp.zeros((HID,), dtype=jnp.float32)
    Wc1 = jax.random.normal(ks[8], (2 * HID, HID), dtype=jnp.float32) * (1.0 / np.sqrt(2 * HID))
    bc1 = jnp.zeros((HID,), dtype=jnp.float32)
    Wc2 = jax.random.normal(ks[9], (HID, 1), dtype=jnp.float32) * (1.0 / np.sqrt(HID))
    bc2 = jnp.zeros((1,), dtype=jnp.float32)
    return {"x1": x1, "edge_index1": edge_index1, "batch1": batch1,
            "x2": x2, "edge_index2": edge_index2, "batch2": batch2,
            "W1": W1, "b1": b1, "W2": W2, "b2": b2,
            "Wc1": Wc1, "bc1": bc1, "Wc2": Wc2, "bc2": bc2}


def _gcn_conv(x, edge_index, W, b):
    n = x.shape[0]
    loop = jnp.arange(n, dtype=edge_index.dtype)
    src = jnp.concatenate([edge_index[0], loop])
    dst = jnp.concatenate([edge_index[1], loop])
    deg = jnp.zeros((n,), dtype=x.dtype).at[dst].add(jnp.ones_like(src, dtype=x.dtype))
    dinv = jax.lax.rsqrt(jnp.maximum(deg, 1.0))
    norm = dinv[src] * dinv[dst]
    h = x @ W
    msg = jnp.take(h, src, axis=0) * norm[:, None]
    out = jnp.zeros((n, W.shape[1]), dtype=x.dtype).at[dst].add(msg)
    return out + b


def _encode(x, edge_index, batch, W1, b1, W2, b2):
    h = jax.nn.relu(_gcn_conv(x, edge_index, W1, b1))
    # dropout is identity in eval mode (training=False)
    h = jax.nn.relu(_gcn_conv(h, edge_index, W2, b2))
    sums = jax.ops.segment_sum(h, batch, num_segments=B)
    cnt = jax.ops.segment_sum(jnp.ones((h.shape[0],), dtype=h.dtype), batch, num_segments=B)
    return sums / jnp.maximum(cnt, 1.0)[:, None]


def reference(x1, edge_index1, batch1, x2, edge_index2, batch2,
              W1, b1, W2, b2, Wc1, bc1, Wc2, bc2):
    h1 = _encode(x1, edge_index1, batch1, W1, b1, W2, b2)
    h2 = _encode(x2, edge_index2, batch2, W1, b1, W2, b2)
    pair = jnp.concatenate([h1 * h2, jnp.abs(h1 - h2)], axis=1)
    hid = jax.nn.relu(pair @ Wc1 + bc1)
    out = hid @ Wc2 + bc2
    return jnp.squeeze(out, axis=-1)

if __name__ == "__main__":
    import jax
    _d = setup_inputs()
    print(jax.jit(kernel)(*tuple(_d.values())))

</pallas_src>

<mosaic_0001>
#map = affine_map<(d0, d1) -> (0, 0)>
#map1 = affine_map<(d0, d1) -> (0)>
module attributes {stable_mosaic.version = 14 : i64} {
  func.func @prop(%arg0: i32, %arg1: i32, %arg2: memref<40000x128xf32, #tpu.memory_space<hbm>>, %arg3: memref<320000xi32, #tpu.memory_space<hbm>>, %arg4: memref<320000xi32, #tpu.memory_space<hbm>>, %arg5: memref<20000x128xf32, #tpu.memory_space<hbm>>, %arg6: memref<4000xi32, #tpu.memory_space<vmem>>, %arg7: memref<4000xi32, #tpu.memory_space<vmem>>, %arg8: memref<80x128xf32, #tpu.memory_space<vmem>>, %arg9: memref<80x128xf32, #tpu.memory_space<vmem>>, %arg10: memref<80x128xf32, #tpu.memory_space<vmem>>, %arg11: memref<10000x128xf32, #tpu.memory_space<vmem_shared>>, %arg12: memref<!tpu.dma_semaphore, #tpu.memory_space<semaphore_mem>>, %arg13: memref<!tpu.dma_semaphore, #tpu.memory_space<semaphore_mem>>) attributes {dimension_semantics = [#tpu.dimension_semantics<core_parallel>, #tpu.dimension_semantics<subcore_parallel>], iteration_bounds = array<i64: 2, 16>, scalar_prefetch = 0 : i64, scratch_operands = 8 : i64, tpu.core_type = #tpu.core_type<sc_vector_subcore>, window_params = [{transform_indices = #map}, {transform_indices = #map1}, {transform_indices = #map1}, {transform_indices = #map}]} {
    %scan3A = arith.constant 0 : i32
    %scan3A_0 = arith.constant 0 : i32
    %scan3A_1 = arith.constant 80 : i32
    %scan3A_2 = arith.addi %scan3A_0, %scan3A_1 : i32
    %scan3A_3 = arith.constant 1 : i32
    %scan3A_4 = scf.for %scan3A_30 = %scan3A_0 to %scan3A_2 step %scan3A_3 iter_args(%scan3A_31 = %scan3A) -> (i32)  : i32 {
      %broadcast_in_dim3A = arith.constant 0.000000e+00 : f32
      %broadcast_in_dim3A_32 = vector.broadcast %broadcast_in_dim3A : f32 to vector<16xf32>
      %swap3A = arith.index_cast %scan3A_30 : i32 to index
      %swap3A_33 = arith.constant 0 : index
      %swap3A_34 = tpu.vector_load %arg10[%swap3A, %swap3A_33] {strides = array<i32>} : memref<80x128xf32, #tpu.memory_space<vmem>>, vector<1x16xf32>,
      %swap3A_35 = vector.shape_cast %swap3A_34 : vector<1x16xf32> to vector<16xf32>
      %swap3A_36 = vector.shape_cast %broadcast_in_dim3A_32 : vector<16xf32> to vector<1x16xf32>
      tpu.vector_store %arg10[%swap3A, %swap3A_33], %swap3A_36 {strides = array<i32>} : memref<80x128xf32, #tpu.memory_space<vmem>>, vector<1x16xf32>,
      %broadcast_in_dim3A_37 = arith.constant 0.000000e+00 : f32
      %broadcast_in_dim3A_38 = vector.broadcast %broadcast_in_dim3A_37 : f32 to vector<16xf32>
      %swap3A_39 = arith.index_cast %scan3A_30 : i32 to index
      %swap3A_40 = arith.constant 16 : index
      %swap3A_41 = tpu.vector_load %arg10[%swap3A_39, %swap3A_40] {strides = array<i32>} : memref<80x128xf32, #tpu.memory_space<vmem>>, vector<1x16xf32>,
      %swap3A_42 = vector.shape_cast %swap3A_41 : vector<1x16xf32> to vector<16xf32>
      %swap3A_43 = vector.shape_cast %broadcast_in_dim3A_38 : vector<16xf32> to vector<1x16xf32>
      tpu.vector_store %arg10[%swap3A_39, %swap3A_40], %swap3A_43 {strides = array<i32>} : memref<80x128xf32, #tpu.memory_space<vmem>>, vector<1x16xf32>,
      %broadcast_in_dim3A_44 = arith.constant 0.000000e+00 : f32
      %broadcast_in_dim3A_45 = vector.broadcast %broadcast_in_dim3A_44 : f32 to vector<16xf32>
      %swap3A_46 = arith.index_cast %scan3A_30 : i32 to index
      %swap3A_47 = arith.constant 32 : index
      %swap3A_48 = tpu.vector_load %arg10[%swap3A_46, %swap3A_47] {strides = array<i32>} : memref<80x128xf32, #tpu.memory_space<vmem>>, vector<1x16xf32>,
      %swap3A_49 = vector.shape_cast %swap3A_48 : vector<1x16xf32> to vector<16xf32>
      %swap3A_50 = vector.shape_cast %broadcast_in_dim3A_45 : vector<16xf32> to vector<1x16xf32>
      tpu.vector_store %arg10[%swap3A_46, %swap3A_47], %swap3A_50 {strides = array<i32>} : memref<80x128xf32, #tpu.memory_space<vmem>>, vector<1x16xf32>,
      %broadcast_in_dim3A_51 = arith.constant 0.000000e+00 : f32
      %broadcast_in_dim3A_52 = vector.broadcast %broadcast_in_dim3A_51 : f32 to vector<16xf32>
      %swap3A_53 = arith.index_cast %scan3A_30 : i32 to index
      %swap3A_54 = arith.constant 48 : index
      %swap3A_55 = tpu.vector_load %arg10[%swap3A_53, %swap3A_54] {strides = array<i32>} : memref<80x128xf32, #tpu.memory_space<vmem>>, vector<1x16xf32>,
      %swap3A_56 = vector.shape_cast %swap3A_55 : vector<1x16xf32> to vector<16xf32>
      %swap3A_57 = vector.shape_cast %broadcast_in_dim3A_52 : vector<16xf32> to vector<1x16xf32>
      tpu.vector_store %arg10[%swap3A_53, %swap3A_54], %swap3A_57 {strides = array<i32>} : memref<80x128xf32, #tpu.memory_space<vmem>>, vector<1x16xf32>,
      %broadcast_in_dim3A_58 = arith.constant 0.000000e+00 : f32
      %broadcast_in_dim3A_59 = vector.broadcast %broadcast_in_dim3A_58 : f32 to vector<16xf32>
      %swap3A_60 = arith.index_cast %scan3A_30 : i32 to index
      %swap3A_61 = arith.constant 64 : index
      %swap3A_62 = tpu.vector_load %arg10[%swap3A_60, %swap3A_61] {strides = array<i32>} : memref<80x128xf32, #tpu.memory_space<vmem>>, vector<1x16xf32>,
      %swap3A_63 = vector.shape_cast %swap3A_62 : vector<1x16xf32> to vector<16xf32>
      %swap3A_64 = vector.shape_cast %broadcast_in_dim3A_59 : vector<16xf32> to vector<1x16xf32>
      tpu.vector_store %arg10[%swap3A_60, %swap3A_61], %swap3A_64 {strides = array<i32>} : memref<80x128xf32, #tpu.memory_space<vmem>>, vector<1x16xf32>,
      %broadcast_in_dim3A_65 = arith.constant 0.000000e+00 : f32
      %broadcast_in_dim3A_66 = vector.broadcast %broadcast_in_dim3A_65 : f32 to vector<16xf32>
      %swap3A_67 = arith.index_cast %scan3A_30 : i32 to index
      %swap3A_68 = arith.constant 80 : index
      %swap3A_69 = tpu.vector_load %arg10[%swap3A_67, %swap3A_68] {strides = array<i32>} : memref<80x128xf32, #tpu.memory_space<vmem>>, vector<1x16xf32>,
      %swap3A_70 = vector.shape_cast %swap3A_69 : vector<1x16xf32> to vector<16xf32>
      %swap3A_71 = vector.shape_cast %broadcast_in_dim3A_66 : vector<16xf32> to vector<1x16xf32>
      tpu.vector_store %arg10[%swap3A_67, %swap3A_68], %swap3A_71 {strides = array<i32>} : memref<80x128xf32, #tpu.memory_space<vmem>>, vector<1x16xf32>,
      %broadcast_in_dim3A_72 = arith.constant 0.000000e+00 : f32
      %broadcast_in_dim3A_73 = vector.broadcast %broadcast_in_dim3A_72 : f32 to vector<16xf32>
      %swap3A_74 = arith.index_cast %scan3A_30 : i32 to index
      %swap3A_75 = arith.constant 96 : index
      %swap3A_76 = tpu.vector_load %arg10[%swap3A_74, %swap3A_75] {strides = array<i32>} : memref<80x128xf32, #tpu.memory_space<vmem>>, vector<1x16xf32>,
      %swap3A_77 = vector.shape_cast %swap3A_76 : vector<1x16xf32> to vector<16xf32>
      %swap3A_78 = vector.shape_cast %broadcast_in_dim3A_73 : vector<16xf32> to vector<1x16xf32>
      tpu.vector_store %arg10[%swap3A_74, %swap3A_75], %swap3A_78 {strides = array<i32>} : memref<80x128xf32, #tpu.memory_space<vmem>>, vector<1x16xf32>,
      %broadcast_in_dim3A_79 = arith.constant 0.000000e+00 : f32
      %broadcast_in_dim3A_80 = vector.broadcast %broadcast_in_dim3A_79 : f32 to vector<16xf32>
      %swap3A_81 = arith.index_cast %scan3A_30 : i32 to index
      %swap3A_82 = arith.constant 112 : index
      %swap3A_83 = tpu.vector_load %arg10[%swap3A_81, %swap3A_82] {strides = array<i32>} : memref<80x128xf32, #tpu.memory_space<vmem>>, vector<1x16xf32>,
      %swap3A_84 = vector.shape_cast %swap3A_83 : vector<1x16xf32> to vector<16xf32>
      %swap3A_85 = vector.shape_cast %broadcast_in_dim3A_80 : vector<16xf32> to vector<1x16xf32>
      tpu.vector_store %arg10[%swap3A_81, %swap3A_82], %swap3A_85 {strides = array<i32>} : memref<80x128xf32, #tpu.memory_space<vmem>>, vector<1x16xf32>,
      %scan3A_86 = arith.constant 0 : i32
      scf.yield %scan3A_86 : i32
    }
    %scan3A_5 = arith.constant 80 : i32
    %lt3A = arith.constant 15 : i32
    %lt3A_6 = arith.cmpi slt, %arg1, %lt3A : i32
    %convert_element_type3A = arith.extui %lt3A_6 : i1 to i32
    %cond3A = arith.constant 0 : i32
    %cond3A_7 = arith.cmpi ne, %convert_element_type3A, %cond3A : i32
    scf.if %cond3A_7 {
      %mul3A = arith.constant 640 : i32
      %mul3A_30 = arith.muli %arg1, %mul3A : i32
      %add3A = arith.constant 0 : i32
      %add3A_31 = arith.addi %mul3A_30, %add3A : i32
      "tpu.region"() ({
        %run_scoped3A = tpu.sem_alloc : memref<!tpu.dma_semaphore, #tpu.memory_space<semaphore_mem>>
        %dma_start3A = arith.constant 0 : i32
        %dma_start3A_60 = tpu.memref_slice %arg11[%add3A_31, %dma_start3A] : memref<10000x128xf32, #tpu.memory_space<vmem_shared>> -> memref<80x128xf32, #tpu.memory_space<vmem_shared>>
        %dma_start3A_61 = arith.constant 0 : i32
        %dma_start3A_62 = tpu.memref_slice %arg11[%add3A_31, %dma_start3A_61] : memref<10000x128xf32, #tpu.memory_space<vmem_shared>> -> memref<80x128xf32, #tpu.memory_space<vmem_shared>>
        tpu.enqueue_dma source(%arg10 : memref<80x128xf32, #tpu.memory_space<vmem>>) target(%dma_start3A_62 : memref<80x128xf32, #tpu.memory_space<vmem_shared>>) target_semaphore(%run_scoped3A : memref<!tpu.dma_semaphore, #tpu.memory_space<semaphore_mem>>)
        %dma_wait3A = arith.constant 0 : i32
        %dma_wait3A_63 = tpu.memref_slice %arg11[%add3A_31, %dma_wait3A] : memref<10000x128xf32, #tpu.memory_space<vmem_shared>> -> memref<80x128xf32, #tpu.memory_space<vmem_shared>>
        %dma_wait3A_64 = arith.constant 0 : i32
        %dma_wait3A_65 = tpu.memref_slice %arg11[%add3A_31, %dma_wait3A_64] : memref<10000x128xf32, #tpu.memory_space<vmem_shared>> -> memref<80x128xf32, #tpu.memory_space<vmem_shared>>
        tpu.wait_dma2 semaphore(%run_scoped3A : memref<!tpu.dma_semaphore, #tpu.memory_space<semaphore_mem>>) src(%arg10 : memref<80x128xf32, #tpu.memory_space<vmem>>) dst(%dma_wait3A_65 : memref<80x128xf32, #tpu.memory_space<vmem_shared>>)
        tpu.yield
      }) : () -> ()
      %mul3A_32 = arith.constant 640 : i32
      %mul3A_33 = arith.muli %arg1, %mul3A_32 : i32
      %add3A_34 = arith.constant 80 : i32
      %add3A_35 = arith.addi %mul3A_33, %add3A_34 : i32
      "tpu.region"() ({
        %run_scoped3A = tpu.sem_alloc : memref<!tpu.dma_semaphore, #tpu.memory_space<semaphore_mem>>
        %dma_start3A = arith.constant 0 : i32
        %dma_start3A_60 = tpu.memref_slice %arg11[%add3A_35, %dma_start3A] : memref<10000x128xf32, #tpu.memory_space<vmem_shared>> -> memref<80x128xf32, #tpu.memory_space<vmem_shared>>
        %dma_start3A_61 = arith.constant 0 : i32
        %dma_start3A_62 = tpu.memref_slice %arg11[%add3A_35, %dma_start3A_61] : memref<10000x128xf32, #tpu.memory_space<vmem_shared>> -> memref<80x128xf32, #tpu.memory_space<vmem_shared>>
        tpu.enqueue_dma source(%arg10 : memref<80x128xf32, #tpu.memory_space<vmem>>) target(%dma_start3A_62 : memref<80x128xf32, #tpu.memory_space<vmem_shared>>) target_semaphore(%run_scoped3A : memref<!tpu.dma_semaphore, #tpu.memory_space<semaphore_mem>>)
        %dma_wait3A = arith.constant 0 : i32
        %dma_wait3A_63 = tpu.memref_slice %arg11[%add3A_35, %dma_wait3A] : memref<10000x128xf32, #tpu.memory_space<vmem_shared>> -> memref<80x128xf32, #tpu.memory_space<vmem_shared>>
        %dma_wait3A_64 = arith.constant 0 : i32
        %dma_wait3A_65 = tpu.memref_slice %arg11[%add3A_35, %dma_wait3A_64] : memref<10000x128xf32, #tpu.memory_space<vmem_shared>> -> memref<80x128xf32, #tpu.memory_space<vmem_shared>>
        tpu.wait_dma2 semaphore(%run_scoped3A : memref<!tpu.dma_semaphore, #tpu.memory_space<semaphore_mem>>) src(%arg10 : memref<80x128xf32, #tpu.memory_space<vmem>>) dst(%dma_wait3A_65 : memref<80x128xf32, #tpu.memory_space<vmem_shared>>)
        tpu.yield
      }) : () -> ()
      %mul3A_36 = arith.constant 640 : i32
      %mul3A_37 = arith.muli %arg1, %mul3A_36 : i32
      %add3A_38 = arith.constant 160 : i32
      %add3A_39 = arith.addi %mul3A_37, %add3A_38 : i32
      "tpu.region"() ({
        %run_scoped3A = tpu.sem_alloc : memref<!tpu.dma_semaphore, #tpu.memory_space<semaphore_mem>>
        %dma_start3A = arith.constant 0 : i32
        %dma_start3A_60 = tpu.memref_slice %arg11[%add3A_39, %dma_start3A] : memref<10000x128xf32, #tpu.memory_space<vmem_shared>> -> memref<80x128xf32, #tpu.memory_space<vmem_shared>>
        %dma_start3A_61 = arith.constant 0 : i32
        %dma_start3A_62 = tpu.memref_slice %arg11[%add3A_39, %dma_start3A_61] : memref<10000x128xf32, #tpu.memory_space<vmem_shared>> -> memref<80x128xf32, #tpu.memory_space<vmem_shared>>
        tpu.enqueue_dma source(%arg10 : memref<80x128xf32, #tpu.memory_space<vmem>>) target(%dma_start3A_62 : memref<80x128xf32, #tpu.memory_space<vmem_shared>>) target_semaphore(%run_scoped3A : memref<!tpu.dma_semaphore, #tpu.memory_space<semaphore_mem>>)
        %dma_wait3A = arith.constant 0 : i32
        %dma_wait3A_63 = tpu.memref_slice %arg11[%add3A_39, %dma_wait3A] : memref<10000x128xf32, #tpu.memory_space<vmem_shared>> -> memref<80x128xf32, #tpu.memory_space<vmem_shared>>
        %dma_wait3A_64 = arith.constant 0 : i32
        %dma_wait3A_65 = tpu.memref_slice %arg11[%add3A_39, %dma_wait3A_64] : memref<10000x128xf32, #tpu.memory_space<vmem_shared>> -> memref<80x128xf32, #tpu.memory_space<vmem_shared>>
        tpu.wait_dma2 semaphore(%run_scoped3A : memref<!tpu.dma_semaphore, #tpu.memory_space<semaphore_mem>>) src(%arg10 : memref<80x128xf32, #tpu.memory_space<vmem>>) dst(%dma_wait3A_65 : memref<80x128xf32, #tpu.memory_space<vmem_shared>>)
        tpu.yield
      }) : () -> ()
      %mul3A_40 = arith.constant 640 : i32
      %mul3A_41 = arith.muli %arg1, %mul3A_40 : i32
      %add3A_42 = arith.constant 240 : i32
      %add3A_43 = arith.addi %mul3A_41, %add3A_42 : i32
      "tpu.region"() ({
        %run_scoped3A = tpu.sem_alloc : memref<!tpu.dma_semaphore, #tpu.memory_space<semaphore_mem>>
        %dma_start3A = arith.constant 0 : i32
        %dma_start3A_60 = tpu.memref_slice %arg11[%add3A_43, %dma_start3A] : memref<10000x128xf32, #tpu.memory_space<vmem_shared>> -> memref<80x128xf32, #tpu.memory_space<vmem_shared>>
        %dma_start3A_61 = arith.constant 0 : i32
        %dma_start3A_62 = tpu.memref_slice %arg11[%add3A_43, %dma_start3A_61] : memref<10000x128xf32, #tpu.memory_space<vmem_shared>> -> memref<80x128xf32, #tpu.memory_space<vmem_shared>>
        tpu.enqueue_dma source(%arg10 : memref<80x128xf32, #tpu.memory_space<vmem>>) target(%dma_start3A_62 : memref<80x128xf32, #tpu.memory_space<vmem_shared>>) target_semaphore(%run_scoped3A : memref<!tpu.dma_semaphore, #tpu.memory_space<semaphore_mem>>)
        %dma_wait3A = arith.constant 0 : i32
        %dma_wait3A_63 = tpu.memref_slice %arg11[%add3A_43, %dma_wait3A] : memref<10000x128xf32, #tpu.memory_space<vmem_shared>> -> memref<80x128xf32, #tpu.memory_space<vmem_shared>>
        %dma_wait3A_64 = arith.constant 0 : i32
        %dma_wait3A_65 = tpu.memref_slice %arg11[%add3A_43, %dma_wait3A_64] : memref<10000x128xf32, #tpu.memory_space<vmem_shared>> -> memref<80x128xf32, #tpu.memory_space<vmem_shared>>
        tpu.wait_dma2 semaphore(%run_scoped3A : memref<!tpu.dma_semaphore, #tpu.memory_space<semaphore_mem>>) src(%arg10 : memref<80x128xf32, #tpu.memory_space<vmem>>) dst(%dma_wait3A_65 : memref<80x128xf32, #tpu.memory_space<vmem_shared>>)
        tpu.yield
      }) : () -> ()
      %mul3A_44 = arith.constant 640 : i32
      %mul3A_45 = arith.muli %arg1, %mul3A_44 : i32
      %add3A_46 = arith.constant 320 : i32
      %add3A_47 = arith.addi %mul3A_45, %add3A_46 : i32
      "tpu.region"() ({
        %run_scoped3A = tpu.sem_alloc : memref<!tpu.dma_semaphore, #tpu.memory_space<semaphore_mem>>
        %dma_start3A = arith.constant 0 : i32
        %dma_start3A_60 = tpu.memref_slice %arg11[%add3A_47, %dma_start3A] : memref<10000x128xf32, #tpu.memory_space<vmem_shared>> -> memref<80x128xf32, #tpu.memory_space<vmem_shared>>
        %dma_start3A_61 = arith.constant 0 : i32
        %dma_start3A_62 = tpu.memref_slice %arg11[%add3A_47, %dma_start3A_61] : memref<10000x128xf32, #tpu.memory_space<vmem_shared>> -> memref<80x128xf32, #tpu.memory_space<vmem_shared>>
        tpu.enqueue_dma source(%arg10 : memref<80x128xf32, #tpu.memory_space<vmem>>) target(%dma_start3A_62 : memref<80x128xf32, #tpu.memory_space<vmem_shared>>) target_semaphore(%run_scoped3A : memref<!tpu.dma_semaphore, #tpu.memory_space<semaphore_mem>>)
        %dma_wait3A = arith.constant 0 : i32
        %dma_wait3A_63 = tpu.memref_slice %arg11[%add3A_47, %dma_wait3A] : memref<10000x128xf32, #tpu.memory_space<vmem_shared>> -> memref<80x128xf32, #tpu.memory_space<vmem_shared>>
        %dma_wait3A_64 = arith.constant 0 : i32
        %dma_wait3A_65 = tpu.memref_slice %arg11[%add3A_47, %dma_wait3A_64] : memref<10000x128xf32, #tpu.memory_space<vmem_shared>> -> memref<80x128xf32, #tpu.memory_space<vmem_shared>>
        tpu.wait_dma2 semaphore(%run_scoped3A : memref<!tpu.dma_semaphore, #tpu.memory_space<semaphore_mem>>) src(%arg10 : memref<80x128xf32, #tpu.memory_space<vmem>>) dst(%dma_wait3A_65 : memref<80x128xf32, #tpu.memory_space<vmem_shared>>)
        tpu.yield
      }) : () -> ()
      %mul3A_48 = arith.constant 640 : i32
      %mul3A_49 = arith.muli %arg1, %mul3A_48 : i32
      %add3A_50 = arith.constant 400 : i32
      %add3A_51 = arith.addi %mul3A_49, %add3A_50 : i32
      "tpu.region"() ({
        %run_scoped3A = tpu.sem_alloc : memref<!tpu.dma_semaphore, #tpu.memory_space<semaphore_mem>>
        %dma_start3A = arith.constant 0 : i32
        %dma_start3A_60 = tpu.memref_slice %arg11[%add3A_51, %dma_start3A] : memref<10000x128xf32, #tpu.memory_space<vmem_shared>> -> memref<80x128xf32, #tpu.memory_space<vmem_shared>>
        %dma_start3A_61 = arith.constant 0 : i32
        %dma_start3A_62 = tpu.memref_slice %arg11[%add3A_51, %dma_start3A_61] : memref<10000x128xf32, #tpu.memory_space<vmem_shared>> -> memref<80x128xf32, #tpu.memory_space<vmem_shared>>
        tpu.enqueue_dma source(%arg10 : memref<80x128xf32, #tpu.memory_space<vmem>>) target(%dma_start3A_62 : memref<80x128xf32, #tpu.memory_space<vmem_shared>>) target_semaphore(%run_scoped3A : memref<!tpu.dma_semaphore, #tpu.memory_space<semaphore_mem>>)
        %dma_wait3A = arith.constant 0 : i32
        %dma_wait3A_63 = tpu.memref_slice %arg11[%add3A_51, %dma_wait3A] : memref<10000x128xf32, #tpu.memory_space<vmem_shared>> -> memref<80x128xf32, #tpu.memory_space<vmem_shared>>
        %dma_wait3A_64 = arith.constant 0 : i32
        %dma_wait3A_65 = tpu.memref_slice %arg11[%add3A_51, %dma_wait3A_64] : memref<10000x128xf32, #tpu.memory_space<vmem_shared>> -> memref<80x128xf32, #tpu.memory_space<vmem_shared>>
        tpu.wait_dma2 semaphore(%run_scoped3A : memref<!tpu.dma_semaphore, #tpu.memory_space<semaphore_mem>>) src(%arg10 : memref<80x128xf32, #tpu.memory_space<vmem>>) dst(%dma_wait3A_65 : memref<80x128xf32, #tpu.memory_space<vmem_shared>>)
        tpu.yield
      }) : () -> ()
      %mul3A_52 = arith.constant 640 : i32
      %mul3A_53 = arith.muli %arg1, %mul3A_52 : i32
      %add3A_54 = arith.constant 480 : i32
      %add3A_55 = arith.addi %mul3A_53, %add3A_54 : i32
      "tpu.region"() ({
        %run_scoped3A = tpu.sem_alloc : memref<!tpu.dma_semaphore, #tpu.memory_space<semaphore_mem>>
        %dma_start3A = arith.constant 0 : i32
        %dma_start3A_60 = tpu.memref_slice %arg11[%add3A_55, %dma_start3A] : memref<10000x128xf32, #tpu.memory_space<vmem_shared>> -> memref<80x128xf32, #tpu.memory_space<vmem_shared>>
        %dma_start3A_61 = arith.constant 0 : i32
        %dma_start3A_62 = tpu.memref_slice %arg11[%add3A_55, %dma_start3A_61] : memref<10000x128xf32, #tpu.memory_space<vmem_shared>> -> memref<80x128xf32, #tpu.memory_space<vmem_shared>>
        tpu.enqueue_dma source(%arg10 : memref<80x128xf32, #tpu.memory_space<vmem>>) target(%dma_start3A_62 : memref<80x128xf32, #tpu.memory_space<vmem_shared>>) target_semaphore(%run_scoped3A : memref<!tpu.dma_semaphore, #tpu.memory_space<semaphore_mem>>)
        %dma_wait3A = arith.constant 0 : i32
        %dma_wait3A_63 = tpu.memref_slice %arg11[%add3A_55, %dma_wait3A] : memref<10000x128xf32, #tpu.memory_space<vmem_shared>> -> memref<80x128xf32, #tpu.memory_space<vmem_shared>>
        %dma_wait3A_64 = arith.constant 0 : i32
        %dma_wait3A_65 = tpu.memref_slice %arg11[%add3A_55, %dma_wait3A_64] : memref<10000x128xf32, #tpu.memory_space<vmem_shared>> -> memref<80x128xf32, #tpu.memory_space<vmem_shared>>
        tpu.wait_dma2 semaphore(%run_scoped3A : memref<!tpu.dma_semaphore, #tpu.memory_space<semaphore_mem>>) src(%arg10 : memref<80x128xf32, #tpu.memory_space<vmem>>) dst(%dma_wait3A_65 : memref<80x128xf32, #tpu.memory_space<vmem_shared>>)
        tpu.yield
      }) : () -> ()
      %mul3A_56 = arith.constant 640 : i32
      %mul3A_57 = arith.muli %arg1, %mul3A_56 : i32
      %add3A_58 = arith.constant 560 : i32
      %add3A_59 = arith.addi %mul3A_57, %add3A_58 : i32
      "tpu.region"() ({
        %run_scoped3A = tpu.sem_alloc : memref<!tpu.dma_semaphore, #tpu.memory_space<semaphore_mem>>
        %dma_start3A = arith.constant 0 : i32
        %dma_start3A_60 = tpu.memref_slice %arg11[%add3A_59, %dma_start3A] : memref<10000x128xf32, #tpu.memory_space<vmem_shared>> -> memref<80x128xf32, #tpu.memory_space<vmem_shared>>
        %dma_start3A_61 = arith.constant 0 : i32
        %dma_start3A_62 = tpu.memref_slice %arg11[%add3A_59, %dma_start3A_61] : memref<10000x128xf32, #tpu.memory_space<vmem_shared>> -> memref<80x128xf32, #tpu.memory_space<vmem_shared>>
        tpu.enqueue_dma source(%arg10 : memref<80x128xf32, #tpu.memory_space<vmem>>) target(%dma_start3A_62 : memref<80x128xf32, #tpu.memory_space<vmem_shared>>) target_semaphore(%run_scoped3A : memref<!tpu.dma_semaphore, #tpu.memory_space<semaphore_mem>>)
        %dma_wait3A = arith.constant 0 : i32
        %dma_wait3A_63 = tpu.memref_slice %arg11[%add3A_59, %dma_wait3A] : memref<10000x128xf32, #tpu.memory_space<vmem_shared>> -> memref<80x128xf32, #tpu.memory_space<vmem_shared>>
        %dma_wait3A_64 = arith.constant 0 : i32
        %dma_wait3A_65 = tpu.memref_slice %arg11[%add3A_59, %dma_wait3A_64] : memref<10000x128xf32, #tpu.memory_space<vmem_shared>> -> memref<80x128xf32, #tpu.memory_space<vmem_shared>>
        tpu.wait_dma2 semaphore(%run_scoped3A : memref<!tpu.dma_semaphore, #tpu.memory_space<semaphore_mem>>) src(%arg10 : memref<80x128xf32, #tpu.memory_space<vmem>>) dst(%dma_wait3A_65 : memref<80x128xf32, #tpu.memory_space<vmem_shared>>)
        tpu.yield
      }) : () -> ()
    } else {
    }
    %eq3A = arith.constant 15 : i32
    %eq3A_8 = arith.cmpi eq, %arg1, %eq3A : i32
    %convert_element_type3A_9 = arith.extui %eq3A_8 : i1 to i32
    %cond3A_10 = arith.constant 0 : i32
    %cond3A_11 = arith.cmpi ne, %convert_element_type3A_9, %cond3A_10 : i32
    scf.if %cond3A_11 {
      "tpu.region"() ({
        %run_scoped3A = tpu.sem_alloc : memref<!tpu.dma_semaphore, #tpu.memory_space<semaphore_mem>>
        %dma_start3A = arith.constant 9600 : i32
        %dma_start3A_30 = arith.constant 0 : i32
        %dma_start3A_31 = tpu.memref_slice %arg11[%dma_start3A, %dma_start3A_30] : memref<10000x128xf32, #tpu.memory_space<vmem_shared>> -> memref<80x128xf32, #tpu.memory_space<vmem_shared>>
        %dma_start3A_32 = arith.constant 9600 : i32
        %dma_start3A_33 = arith.constant 0 : i32
        %dma_start3A_34 = tpu.memref_slice %arg11[%dma_start3A_32, %dma_start3A_33] : memref<10000x128xf32, #tpu.memory_space<vmem_shared>> -> memref<80x128xf32, #tpu.memory_space<vmem_shared>>
        tpu.enqueue_dma source(%arg10 : memref<80x128xf32, #tpu.memory_space<vmem>>) target(%dma_start3A_34 : memref<80x128xf32, #tpu.memory_space<vmem_shared>>) target_semaphore(%run_scoped3A : memref<!tpu.dma_semaphore, #tpu.memory_space<semaphore_mem>>)
        %dma_wait3A = arith.constant 9600 : i32
        %dma_wait3A_35 = arith.constant 0 : i32
        %dma_wait3A_36 = tpu.memref_slice %arg11[%dma_wait3A, %dma_wait3A_35] : memref<10000x128xf32, #tpu.memory_space<vmem_shared>> -> memref<80x128xf32, #tpu.memory_space<vmem_shared>>
        %dma_wait3A_37 = arith.constant 9600 : i32
        %dma_wait3A_38 = arith.constant 0 : i32
        %dma_wait3A_39 = tpu.memref_slice %arg11[%dma_wait3A_37, %dma_wait3A_38] : memref<10000x128xf32, #tpu.memory_space<vmem_shared>> -> memref<80x128xf32, #tpu.memory_space<vmem_shared>>
        tpu.wait_dma2 semaphore(%run_scoped3A : memref<!tpu.dma_semaphore, #tpu.memory_space<semaphore_mem>>) src(%arg10 : memref<80x128xf32, #tpu.memory_space<vmem>>) dst(%dma_wait3A_39 : memref<80x128xf32, #tpu.memory_space<vmem_shared>>)
        tpu.yield
      }) : () -> ()
      "tpu.region"() ({
        %run_scoped3A = tpu.sem_alloc : memref<!tpu.dma_semaphore, #tpu.memory_space<semaphore_mem>>
        %dma_start3A = arith.constant 9680 : i32
        %dma_start3A_30 = arith.constant 0 : i32
        %dma_start3A_31 = tpu.memref_slice %arg11[%dma_start3A, %dma_start3A_30] : memref<10000x128xf32, #tpu.memory_space<vmem_shared>> -> memref<80x128xf32, #tpu.memory_space<vmem_shared>>
        %dma_start3A_32 = arith.constant 9680 : i32
        %dma_start3A_33 = arith.constant 0 : i32
        %dma_start3A_34 = tpu.memref_slice %arg11[%dma_start3A_32, %dma_start3A_33] : memref<10000x128xf32, #tpu.memory_space<vmem_shared>> -> memref<80x128xf32, #tpu.memory_space<vmem_shared>>
        tpu.enqueue_dma source(%arg10 : memref<80x128xf32, #tpu.memory_space<vmem>>) target(%dma_start3A_34 : memref<80x128xf32, #tpu.memory_space<vmem_shared>>) target_semaphore(%run_scoped3A : memref<!tpu.dma_semaphore, #tpu.memory_space<semaphore_mem>>)
        %dma_wait3A = arith.constant 9680 : i32
        %dma_wait3A_35 = arith.constant 0 : i32
        %dma_wait3A_36 = tpu.memref_slice %arg11[%dma_wait3A, %dma_wait3A_35] : memref<10000x128xf32, #tpu.memory_space<vmem_shared>> -> memref<80x128xf32, #tpu.memory_space<vmem_shared>>
        %dma_wait3A_37 = arith.constant 9680 : i32
        %dma_wait3A_38 = arith.constant 0 : i32
        %dma_wait3A_39 = tpu.memref_slice %arg11[%dma_wait3A_37, %dma_wait3A_38] : memref<10000x128xf32, #tpu.memory_space<vmem_shared>> -> memref<80x128xf32, #tpu.memory_space<vmem_shared>>
        tpu.wait_dma2 semaphore(%run_scoped3A : memref<!tpu.dma_semaphore, #tpu.memory_space<semaphore_mem>>) src(%arg10 : memref<80x128xf32, #tpu.memory_space<vmem>>) dst(%dma_wait3A_39 : memref<80x128xf32, #tpu.memory_space<vmem_shared>>)
        tpu.yield
      }) : () -> ()
      "tpu.region"() ({
        %run_scoped3A = tpu.sem_alloc : memref<!tpu.dma_semaphore, #tpu.memory_space<semaphore_mem>>
        %dma_start3A = arith.constant 9760 : i32
        %dma_start3A_30 = arith.constant 0 : i32
        %dma_start3A_31 = tpu.memref_slice %arg11[%dma_start3A, %dma_start3A_30] : memref<10000x128xf32, #tpu.memory_space<vmem_shared>> -> memref<80x128xf32, #tpu.memory_space<vmem_shared>>
        %dma_start3A_32 = arith.constant 9760 : i32
        %dma_start3A_33 = arith.constant 0 : i32
        %dma_start3A_34 = tpu.memref_slice %arg11[%dma_start3A_32, %dma_start3A_33] : memref<10000x128xf32, #tpu.memory_space<vmem_shared>> -> memref<80x128xf32, #tpu.memory_space<vmem_shared>>
        tpu.enqueue_dma source(%arg10 : memref<80x128xf32, #tpu.memory_space<vmem>>) target(%dma_start3A_34 : memref<80x128xf32, #tpu.memory_space<vmem_shared>>) target_semaphore(%run_scoped3A : memref<!tpu.dma_semaphore, #tpu.memory_space<semaphore_mem>>)
        %dma_wait3A = arith.constant 9760 : i32
        %dma_wait3A_35 = arith.constant 0 : i32
        %dma_wait3A_36 = tpu.memref_slice %arg11[%dma_wait3A, %dma_wait3A_35] : memref<10000x128xf32, #tpu.memory_space<vmem_shared>> -> memref<80x128xf32, #tpu.memory_space<vmem_shared>>
        %dma_wait3A_37 = arith.constant 9760 : i32
        %dma_wait3A_38 = arith.constant 0 : i32
        %dma_wait3A_39 = tpu.memref_slice %arg11[%dma_wait3A_37, %dma_wait3A_38] : memref<10000x128xf32, #tpu.memory_space<vmem_shared>> -> memref<80x128xf32, #tpu.memory_space<vmem_shared>>
        tpu.wait_dma2 semaphore(%run_scoped3A : memref<!tpu.dma_semaphore, #tpu.memory_space<semaphore_mem>>) src(%arg10 : memref<80x128xf32, #tpu.memory_space<vmem>>) dst(%dma_wait3A_39 : memref<80x128xf32, #tpu.memory_space<vmem_shared>>)
        tpu.yield
      }) : () -> ()
      "tpu.region"() ({
        %run_scoped3A = tpu.sem_alloc : memref<!tpu.dma_semaphore, #tpu.memory_space<semaphore_mem>>
        %dma_start3A = arith.constant 9840 : i32
        %dma_start3A_30 = arith.constant 0 : i32
        %dma_start3A_31 = tpu.memref_slice %arg11[%dma_start3A, %dma_start3A_30] : memref<10000x128xf32, #tpu.memory_space<vmem_shared>> -> memref<80x128xf32, #tpu.memory_space<vmem_shared>>
        %dma_start3A_32 = arith.constant 9840 : i32
        %dma_start3A_33 = arith.constant 0 : i32
        %dma_start3A_34 = tpu.memref_slice %arg11[%dma_start3A_32, %dma_start3A_33] : memref<10000x128xf32, #tpu.memory_space<vmem_shared>> -> memref<80x128xf32, #tpu.memory_space<vmem_shared>>
        tpu.enqueue_dma source(%arg10 : memref<80x128xf32, #tpu.memory_space<vmem>>) target(%dma_start3A_34 : memref<80x128xf32, #tpu.memory_space<vmem_shared>>) target_semaphore(%run_scoped3A : memref<!tpu.dma_semaphore, #tpu.memory_space<semaphore_mem>>)
        %dma_wait3A = arith.constant 9840 : i32
        %dma_wait3A_35 = arith.constant 0 : i32
        %dma_wait3A_36 = tpu.memref_slice %arg11[%dma_wait3A, %dma_wait3A_35] : memref<10000x128xf32, #tpu.memory_space<vmem_shared>> -> memref<80x128xf32, #tpu.memory_space<vmem_shared>>
        %dma_wait3A_37 = arith.constant 9840 : i32
        %dma_wait3A_38 = arith.constant 0 : i32
        %dma_wait3A_39 = tpu.memref_slice %arg11[%dma_wait3A_37, %dma_wait3A_38] : memref<10000x128xf32, #tpu.memory_space<vmem_shared>> -> memref<80x128xf32, #tpu.memory_space<vmem_shared>>
        tpu.wait_dma2 semaphore(%run_scoped3A : memref<!tpu.dma_semaphore, #tpu.memory_space<semaphore_mem>>) src(%arg10 : memref<80x128xf32, #tpu.memory_space<vmem>>) dst(%dma_wait3A_39 : memref<80x128xf32, #tpu.memory_space<vmem_shared>>)
        tpu.yield
      }) : () -> ()
      "tpu.region"() ({
        %run_scoped3A = tpu.sem_alloc : memref<!tpu.dma_semaphore, #tpu.memory_space<semaphore_mem>>
        %dma_start3A = arith.constant 9920 : i32
        %dma_start3A_30 = arith.constant 0 : i32
        %dma_start3A_31 = tpu.memref_slice %arg11[%dma_start3A, %dma_start3A_30] : memref<10000x128xf32, #tpu.memory_space<vmem_shared>> -> memref<80x128xf32, #tpu.memory_space<vmem_shared>>
        %dma_start3A_32 = arith.constant 9920 : i32
        %dma_start3A_33 = arith.constant 0 : i32
        %dma_start3A_34 = tpu.memref_slice %arg11[%dma_start3A_32, %dma_start3A_33] : memref<10000x128xf32, #tpu.memory_space<vmem_shared>> -> memref<80x128xf32, #tpu.memory_space<vmem_shared>>
        tpu.enqueue_dma source(%arg10 : memref<80x128xf32, #tpu.memory_space<vmem>>) target(%dma_start3A_34 : memref<80x128xf32, #tpu.memory_space<vmem_shared>>) target_semaphore(%run_scoped3A : memref<!tpu.dma_semaphore, #tpu.memory_space<semaphore_mem>>)
        %dma_wait3A = arith.constant 9920 : i32
        %dma_wait3A_35 = arith.constant 0 : i32
        %dma_wait3A_36 = tpu.memref_slice %arg11[%dma_wait3A, %dma_wait3A_35] : memref<10000x128xf32, #tpu.memory_space<vmem_shared>> -> memref<80x128xf32, #tpu.memory_space<vmem_shared>>
        %dma_wait3A_37 = arith.constant 9920 : i32
        %dma_wait3A_38 = arith.constant 0 : i32
        %dma_wait3A_39 = tpu.memref_slice %arg11[%dma_wait3A_37, %dma_wait3A_38] : memref<10000x128xf32, #tpu.memory_space<vmem_shared>> -> memref<80x128xf32, #tpu.memory_space<vmem_shared>>
        tpu.wait_dma2 semaphore(%run_scoped3A : memref<!tpu.dma_semaphore, #tpu.memory_space<semaphore_mem>>) src(%arg10 : memref<80x128xf32, #tpu.memory_space<vmem>>) dst(%dma_wait3A_39 : memref<80x128xf32, #tpu.memory_space<vmem_shared>>)
        tpu.yield
      }) : () -> ()
    } else {
    }
    %barrier3A = arith.constant 0 : index
    tpu.barrier barrier_id(%barrier3A)
    %scan3A_12 = arith.constant 0 : i32
    %scan3A_13 = arith.constant 0 : i32
    %scan3A_14 = arith.constant 5 : i32
    %scan3A_15 = arith.addi %scan3A_13, %scan3A_14 : i32
    %scan3A_16 = arith.constant 1 : i32
    %scan3A_17 = scf.for %scan3A_30 = %scan3A_13 to %scan3A_15 step %scan3A_16 iter_args(%scan3A_31 = %scan3A_12) -> (i32)  : i32 {
      %mul3A = arith.constant 20000 : i32
      %mul3A_32 = arith.muli %arg1, %mul3A : i32
      %mul3A_33 = arith.constant 4000 : i32
      %mul3A_34 = arith.muli %scan3A_30, %mul3A_33 : i32
      %add3A = arith.addi %mul3A_32, %mul3A_34 : i32
      "tpu.region"() ({
        %run_scoped3A = tpu.sem_alloc : memref<!tpu.dma_semaphore, #tpu.memory_space<semaphore_mem>>
        %dma_start3A_58 = tpu.memref_slice %arg3[%add3A] : memref<320000xi32, #tpu.memory_space<hbm>> -> memref<4000xi32, #tpu.memory_space<hbm>>
        %dma_start3A_59 = tpu.memref_slice %arg3[%add3A] : memref<320000xi32, #tpu.memory_space<hbm>> -> memref<4000xi32, #tpu.memory_space<hbm>>
        tpu.enqueue_dma source(%dma_start3A_59 : memref<4000xi32, #tpu.memory_space<hbm>>) target(%arg6 : memref<4000xi32, #tpu.memory_space<vmem>>) target_semaphore(%run_scoped3A : memref<!tpu.dma_semaphore, #tpu.memory_space<semaphore_mem>>)
        %dma_wait3A = tpu.memref_slice %arg3[%add3A] : memref<320000xi32, #tpu.memory_space<hbm>> -> memref<4000xi32, #tpu.memory_space<hbm>>
        %dma_wait3A_60 = tpu.memref_slice %arg3[%add3A] : memref<320000xi32, #tpu.memory_space<hbm>> -> memref<4000xi32, #tpu.memory_space<hbm>>
        tpu.wait_dma2 semaphore(%run_scoped3A : memref<!tpu.dma_semaphore, #tpu.memory_space<semaphore_mem>>) src(%dma_wait3A_60 : memref<4000xi32, #tpu.memory_space<hbm>>) dst(%arg6 : memref<4000xi32, #tpu.memory_space<vmem>>)
        tpu.yield
      }) : () -> ()
      "tpu.region"() ({
        %run_scoped3A = tpu.sem_alloc : memref<!tpu.dma_semaphore, #tpu.memory_space<semaphore_mem>>
        %dma_start3A_58 = tpu.memref_slice %arg4[%add3A] : memref<320000xi32, #tpu.memory_space<hbm>> -> memref<4000xi32, #tpu.memory_space<hbm>>
        %dma_start3A_59 = tpu.memref_slice %arg4[%add3A] : memref<320000xi32, #tpu.memory_space<hbm>> -> memref<4000xi32, #tpu.memory_space<hbm>>
        tpu.enqueue_dma source(%dma_start3A_59 : memref<4000xi32, #tpu.memory_space<hbm>>) target(%arg7 : memref<4000xi32, #tpu.memory_space<vmem>>) target_semaphore(%run_scoped3A : memref<!tpu.dma_semaphore, #tpu.memory_space<semaphore_mem>>)
        %dma_wait3A = tpu.memref_slice %arg4[%add3A] : memref<320000xi32, #tpu.memory_space<hbm>> -> memref<4000xi32, #tpu.memory_space<hbm>>
        %dma_wait3A_60 = tpu.memref_slice %arg4[%add3A] : memref<320000xi32, #tpu.memory_space<hbm>> -> memref<4000xi32, #tpu.memory_space<hbm>>
        tpu.wait_dma2 semaphore(%run_scoped3A : memref<!tpu.dma_semaphore, #tpu.memory_space<semaphore_mem>>) src(%dma_wait3A_60 : memref<4000xi32, #tpu.memory_space<hbm>>) dst(%arg7 : memref<4000xi32, #tpu.memory_space<vmem>>)
        tpu.yield
      }) : () -> ()
      %mul3A_35 = arith.constant 10000 : i32
      %mul3A_36 = arith.muli %arg0, %mul3A_35 : i32
      %add3A_37 = arith.constant 0 : i32
      %add3A_38 = arith.addi %add3A_37, %mul3A_36 : i32
      %broadcast_in_dim3A = vector.broadcast %add3A_38 : i32 to vector<16xi32>
      %scan3A_39 = arith.constant 0 : i32
      %scan3A_40 = arith.constant 0 : i32
      %scan3A_41 = arith.constant 250 : i32
      %scan3A_42 = arith.addi %scan3A_40, %scan3A_41 : i32
      %scan3A_43 = arith.constant 1 : i32
      %scan3A_44 = scf.for %scan3A_58 = %scan3A_40 to %scan3A_42 step %scan3A_43 iter_args(%scan3A_59 = %scan3A_39) -> (i32)  : i32 {
        %mul3A_60 = arith.constant 16 : i32
        %mul3A_61 = arith.muli %scan3A_58, %mul3A_60 : i32
        %get3A = arith.index_cast %mul3A_61 : i32 to index
        %get3A_62 = tpu.vector_load %arg6[%get3A] {strides = array<i32>} : memref<4000xi32, #tpu.memory_space<vmem>>, vector<16xi32>,
        %get3A_63 = vector.shape_cast %get3A_62 : vector<16xi32> to vector<16xi32>
        %add3A_64 = arith.addi %get3A_63, %broadcast_in_dim3A : vector<16xi32>
        %mul3A_65 = arith.constant 16 : i32
        %mul3A_66 = arith.muli %scan3A_58, %mul3A_65 : i32
        %swap3A = arith.index_cast %mul3A_66 : i32 to index
        %swap3A_67 = tpu.vector_load %arg6[%swap3A] {strides = array<i32>} : memref<4000xi32, #tpu.memory_space<vmem>>, vector<16xi32>,
        %swap3A_68 = vector.shape_cast %swap3A_67 : vector<16xi32> to vector<16xi32>
        %swap3A_69 = vector.shape_cast %add3A_64 : vector<16xi32> to vector<16xi32>
        tpu.vector_store %arg6[%swap3A], %swap3A_69 {strides = array<i32>} : memref<4000xi32, #tpu.memory_space<vmem>>, vector<16xi32>,
        %scan3A_70 = arith.constant 0 : i32
        scf.yield %scan3A_70 : i32
      }
      %scan3A_45 = arith.constant 250 : i32
      %dma_start3A = arith.constant 0 : i32
      %dma_start3A_46 = tpu.memref_slice %arg6[%dma_start3A] : memref<4000xi32, #tpu.memory_space<vmem>> -> memref<80xi32, #tpu.memory_space<vmem>>
      %dma_start3A_47 = arith.constant 0 : i32
      %dma_start3A_48 = arith.constant 0 : i32
      %dma_start3A_49 = tpu.memref_slice %arg2[%dma_start3A_47, %dma_start3A_48] : memref<40000x128xf32, #tpu.memory_space<hbm>> -> memref<40000x128xf32, #tpu.memory_space<hbm>>
      tpu.enqueue_indirect_dma source(%dma_start3A_49 : memref<40000x128xf32, #tpu.memory_space<hbm>>) target(%arg8 : memref<80x128xf32, #tpu.memory_space<vmem>>) offsets(%dma_start3A_46 : memref<80xi32, #tpu.memory_space<vmem>>) semaphore(%arg12 : memref<!tpu.dma_semaphore, #tpu.memory_space<semaphore_mem>>)
      %scan3A_50 = arith.constant 0 : i32
      %scan3A_51 = arith.constant 0 : i32
      %scan3A_52 = arith.constant 25 : i32
      %scan3A_53 = arith.addi %scan3A_51, %scan3A_52 : i32
      %scan3A_54 = arith.constant 1 : i32
      %scan3A_55 = scf.for %scan3A_58 = %scan3A_51 to %scan3A_53 step %scan3A_54 iter_args(%scan3A_59 = %scan3A_50) -> (i32)  : i32 {
        %mul3A_60 = arith.constant 2 : i32
        %mul3A_61 = arith.muli %mul3A_60, %scan3A_58 : i32
        %add3A_62 = arith.constant 1 : i32
        %add3A_63 = arith.addi %mul3A_61, %add3A_62 : i32
        %mul3A_64 = arith.constant 80 : i32
        %mul3A_65 = arith.muli %add3A_63, %mul3A_64 : i32
        %dma_start3A_66 = tpu.memref_slice %arg6[%mul3A_65] : memref<4000xi32, #tpu.memory_space<vmem>> -> memref<80xi32, #tpu.memory_space<vmem>>
        %dma_start3A_67 = arith.constant 0 : i32
        %dma_start3A_68 = arith.constant 0 : i32
        %dma_start3A_69 = tpu.memref_slice %arg2[%dma_start3A_67, %dma_start3A_68] : memref<40000x128xf32, #tpu.memory_space<hbm>> -> memref<40000x128xf32, #tpu.memory_space<hbm>>
        tpu.enqueue_indirect_dma source(%dma_start3A_69 : memref<40000x128xf32, #tpu.memory_space<hbm>>) target(%arg9 : memref<80x128xf32, #tpu.memory_space<vmem>>) offsets(%dma_start3A_66 : memref<80xi32, #tpu.memory_space<vmem>>) semaphore(%arg13 : memref<!tpu.dma_semaphore, #tpu.memory_space<semaphore_mem>>)
        %mul3A_70 = arith.constant 80 : i32
        %mul3A_71 = arith.muli %mul3A_61, %mul3A_70 : i32
        %dma_wait3A = tpu.memref_slice %arg6[%mul3A_71] : memref<4000xi32, #tpu.memory_space<vmem>> -> memref<80xi32, #tpu.memory_space<vmem>>
        %dma_wait3A_72 = arith.constant 0 : i32
        %dma_wait3A_73 = arith.constant 0 : i32
        %dma_wait3A_74 = tpu.memref_slice %arg2[%dma_wait3A_72, %dma_wait3A_73] : memref<40000x128xf32, #tpu.memory_space<hbm>> -> memref<40000x128xf32, #tpu.memory_space<hbm>>
        tpu.wait_indirect_dma semaphore(%arg12 : memref<!tpu.dma_semaphore, #tpu.memory_space<semaphore_mem>>) src(%dma_wait3A_74 : memref<40000x128xf32, #tpu.memory_space<hbm>>) dst(%arg8 : memref<80x128xf32, #tpu.memory_space<vmem>>)
        %mul3A_75 = arith.constant 80 : i32
        %mul3A_76 = arith.muli %mul3A_61, %mul3A_75 : i32
        "tpu.region"() ({
          %run_scoped3A = tpu.sem_alloc : memref<!tpu.dma_semaphore, #tpu.memory_space<semaphore_mem>>
          %dma_start3A_97 = tpu.memref_slice %arg7[%mul3A_76] : memref<4000xi32, #tpu.memory_space<vmem>> -> memref<80xi32, #tpu.memory_space<vmem>>
          %dma_start3A_98 = arith.constant 0 : i32
          %dma_start3A_99 = arith.constant 0 : i32
          %dma_start3A_100 = tpu.memref_slice %arg11[%dma_start3A_98, %dma_start3A_99] : memref<10000x128xf32, #tpu.memory_space<vmem_shared>> -> memref<10000x128xf32, #tpu.memory_space<vmem_shared>>
          tpu.enqueue_indirect_dma source(%arg8 : memref<80x128xf32, #tpu.memory_space<vmem>>) target(%dma_start3A_100 : memref<10000x128xf32, #tpu.memory_space<vmem_shared>>) offsets(%dma_start3A_97 : memref<80xi32, #tpu.memory_space<vmem>>) semaphore(%run_scoped3A : memref<!tpu.dma_semaphore, #tpu.memory_space<semaphore_mem>>) {add = true}
          %dma_wait3A_101 = tpu.memref_slice %arg7[%mul3A_76] : memref<4000xi32, #tpu.memory_space<vmem>> -> memref<80xi32, #tpu.memory_space<vmem>>
          %dma_wait3A_102 = arith.constant 0 : i32
          %dma_wait3A_103 = arith.constant 0 : i32
          %dma_wait3A_104 = tpu.memref_slice %arg11[%dma_wait3A_102, %dma_wait3A_103] : memref<10000x128xf32, #tpu.memory_space<vmem_shared>> -> memref<10000x128xf32, #tpu.memory_space<vmem_shared>>
          tpu.wait_indirect_dma semaphore(%run_scoped3A : memref<!tpu.dma_semaphore, #tpu.memory_space<semaphore_mem>>) src(%arg8 : memref<80x128xf32, #tpu.memory_space<vmem>>) dst(%dma_wait3A_104 : memref<10000x128xf32, #tpu.memory_space<vmem_shared>>)
          tpu.yield
        }) : () -> ()
        %add3A_77 = arith.constant 1 : i32
        %add3A_78 = arith.addi %scan3A_58, %add3A_77 : i32
        %lt3A_79 = arith.constant 25 : i32
        %lt3A_80 = arith.cmpi slt, %add3A_78, %lt3A_79 : i32
        %convert_element_type3A_81 = arith.extui %lt3A_80 : i1 to i32
        %cond3A_82 = arith.constant 0 : i32
        %cond3A_83 = arith.cmpi ne, %convert_element_type3A_81, %cond3A_82 : i32
        scf.if %cond3A_83 {
          %add3A_97 = arith.constant 2 : i32
          %add3A_98 = arith.addi %mul3A_61, %add3A_97 : i32
          %mul3A_99 = arith.constant 80 : i32
          %mul3A_100 = arith.muli %add3A_98, %mul3A_99 : i32
          %dma_start3A_101 = tpu.memref_slice %arg6[%mul3A_100] : memref<4000xi32, #tpu.memory_space<vmem>> -> memref<80xi32, #tpu.memory_space<vmem>>
          %dma_start3A_102 = arith.constant 0 : i32
          %dma_start3A_103 = arith.constant 0 : i32
          %dma_start3A_104 = tpu.memref_slice %arg2[%dma_start3A_102, %dma_start3A_103] : memref<40000x128xf32, #tpu.memory_space<hbm>> -> memref<40000x128xf32, #tpu.memory_space<hbm>>
          tpu.enqueue_indirect_dma source(%dma_start3A_104 : memref<40000x128xf32, #tpu.memory_space<hbm>>) target(%arg8 : memref<80x128xf32, #tpu.memory_space<vmem>>) offsets(%dma_start3A_101 : memref<80xi32, #tpu.memory_space<vmem>>) semaphore(%arg12 : memref<!tpu.dma_semaphore, #tpu.memory_space<semaphore_mem>>)
        } else {
        }
        %add3A_84 = arith.constant 1 : i32
        %add3A_85 = arith.addi %mul3A_61, %add3A_84 : i32
        %mul3A_86 = arith.constant 80 : i32
        %mul3A_87 = arith.muli %add3A_85, %mul3A_86 : i32
        %dma_wait3A_88 = tpu.memref_slice %arg6[%mul3A_87] : memref<4000xi32, #tpu.memory_space<vmem>> -> memref<80xi32, #tpu.memory_space<vmem>>
        %dma_wait3A_89 = arith.constant 0 : i32
        %dma_wait3A_90 = arith.constant 0 : i32
        %dma_wait3A_91 = tpu.memref_slice %arg2[%dma_wait3A_89, %dma_wait3A_90] : memref<40000x128xf32, #tpu.memory_space<hbm>> -> memref<40000x128xf32, #tpu.memory_space<hbm>>
        tpu.wait_indirect_dma semaphore(%arg13 : memref<!tpu.dma_semaphore, #tpu.memory_space<semaphore_mem>>) src(%dma_wait3A_91 : memref<40000x128xf32, #tpu.memory_space<hbm>>) dst(%arg9 : memref<80x128xf32, #tpu.memory_space<vmem>>)
        %add3A_92 = arith.constant 1 : i32
        %add3A_93 = arith.addi %mul3A_61, %add3A_92 : i32
        %mul3A_94 = arith.constant 80 : i32
        %mul3A_95 = arith.muli %add3A_93, %mul3A_94 : i32
        "tpu.region"() ({
          %run_scoped3A = tpu.sem_alloc : memref<!tpu.dma_semaphore, #tpu.memory_space<semaphore_mem>>
          %dma_start3A_97 = tpu.memref_slice %arg7[%mul3A_95] : memref<4000xi32, #tpu.memory_space<vmem>> -> memref<80xi32, #tpu.memory_space<vmem>>
          %dma_start3A_98 = arith.constant 0 : i32
          %dma_start3A_99 = arith.constant 0 : i32
          %dma_start3A_100 = tpu.memref_slice %arg11[%dma_start3A_98, %dma_start3A_99] : memref<10000x128xf32, #tpu.memory_space<vmem_shared>> -> memref<10000x128xf32, #tpu.memory_space<vmem_shared>>
          tpu.enqueue_indirect_dma source(%arg9 : memref<80x128xf32, #tpu.memory_space<vmem>>) target(%dma_start3A_100 : memref<10000x128xf32, #tpu.memory_space<vmem_shared>>) offsets(%dma_start3A_97 : memref<80xi32, #tpu.memory_space<vmem>>) semaphore(%run_scoped3A : memref<!tpu.dma_semaphore, #tpu.memory_space<semaphore_mem>>) {add = true}
          %dma_wait3A_101 = tpu.memref_slice %arg7[%mul3A_95] : memref<4000xi32, #tpu.memory_space<vmem>> -> memref<80xi32, #tpu.memory_space<vmem>>
          %dma_wait3A_102 = arith.constant 0 : i32
          %dma_wait3A_103 = arith.constant 0 : i32
          %dma_wait3A_104 = tpu.memref_slice %arg11[%dma_wait3A_102, %dma_wait3A_103] : memref<10000x128xf32, #tpu.memory_space<vmem_shared>> -> memref<10000x128xf32, #tpu.memory_space<vmem_shared>>
          tpu.wait_indirect_dma semaphore(%run_scoped3A : memref<!tpu.dma_semaphore, #tpu.memory_space<semaphore_mem>>) src(%arg9 : memref<80x128xf32, #tpu.memory_space<vmem>>) dst(%dma_wait3A_104 : memref<10000x128xf32, #tpu.memory_space<vmem_shared>>)
          tpu.yield
        }) : () -> ()
        %scan3A_96 = arith.constant 0 : i32
        scf.yield %scan3A_96 : i32
      }
      %scan3A_56 = arith.constant 25 : i32
      %scan3A_57 = arith.constant 0 : i32
      scf.yield %scan3A_57 : i32
    }
    %scan3A_18 = arith.constant 5 : i32
    %barrier3A_19 = arith.constant 0 : index
    tpu.barrier barrier_id(%barrier3A_19)
    %lt3A_20 = arith.constant 15 : i32
    %lt3A_21 = arith.cmpi slt, %arg1, %lt3A_20 : i32
    %convert_element_type3A_22 = arith.extui %lt3A_21 : i1 to i32
    %cond3A_23 = arith.constant 0 : i32
    %cond3A_24 = arith.cmpi ne, %convert_element_type3A_22, %cond3A_23 : i32
    scf.if %cond3A_24 {
      %mul3A = arith.constant 640 : i32
      %mul3A_30 = arith.muli %arg1, %mul3A : i32
      %mul3A_31 = arith.constant 10000 : i32
      %mul3A_32 = arith.muli %arg0, %mul3A_31 : i32
      %mul3A_33 = arith.constant 640 : i32
      %mul3A_34 = arith.muli %arg1, %mul3A_33 : i32
      %add3A = arith.addi %mul3A_32, %mul3A_34 : i32
      "tpu.region"() ({
        %run_scoped3A = tpu.sem_alloc : memref<!tpu.dma_semaphore, #tpu.memory_space<semaphore_mem>>
        %dma_start3A = arith.constant 0 : i32
        %dma_start3A_35 = tpu.memref_slice %arg5[%add3A, %dma_start3A] : memref<20000x128xf32, #tpu.memory_space<hbm>> -> memref<640x128xf32, #tpu.memory_space<hbm>>
        %dma_start3A_36 = arith.constant 0 : i32
        %dma_start3A_37 = tpu.memref_slice %arg11[%mul3A_30, %dma_start3A_36] : memref<10000x128xf32, #tpu.memory_space<vmem_shared>> -> memref<640x128xf32, #tpu.memory_space<vmem_shared>>
        tpu.enqueue_dma source(%dma_start3A_37 : memref<640x128xf32, #tpu.memory_space<vmem_shared>>) target(%dma_start3A_35 : memref<640x128xf32, #tpu.memory_space<hbm>>) target_semaphore(%run_scoped3A : memref<!tpu.dma_semaphore, #tpu.memory_space<semaphore_mem>>)
        %dma_wait3A = arith.constant 0 : i32
        %dma_wait3A_38 = tpu.memref_slice %arg5[%add3A, %dma_wait3A] : memref<20000x128xf32, #tpu.memory_space<hbm>> -> memref<640x128xf32, #tpu.memory_space<hbm>>
        %dma_wait3A_39 = arith.constant 0 : i32
        %dma_wait3A_40 = tpu.memref_slice %arg11[%mul3A_30, %dma_wait3A_39] : memref<10000x128xf32, #tpu.memory_space<vmem_shared>> -> memref<640x128xf32, #tpu.memory_space<vmem_shared>>
        tpu.wait_dma2 semaphore(%run_scoped3A : memref<!tpu.dma_semaphore, #tpu.memory_space<semaphore_mem>>) src(%dma_wait3A_40 : memref<640x128xf32, #tpu.memory_space<vmem_shared>>) dst(%dma_wait3A_38 : memref<640x128xf32, #tpu.memory_space<hbm>>)
        tpu.yield
      }) : () -> ()
    } else {
    }
    %eq3A_25 = arith.constant 15 : i32
    %eq3A_26 = arith.cmpi eq, %arg1, %eq3A_25 : i32
    %convert_element_type3A_27 = arith.extui %eq3A_26 : i1 to i32
    %cond3A_28 = arith.constant 0 : i32
    %cond3A_29 = arith.cmpi ne, %convert_element_type3A_27, %cond3A_28 : i32
    scf.if %cond3A_29 {
      %mul3A = arith.constant 10000 : i32
      %mul3A_30 = arith.muli %arg0, %mul3A : i32
      %add3A = arith.constant 9600 : i32
      %add3A_31 = arith.addi %mul3A_30, %add3A : i32
      "tpu.region"() ({
        %run_scoped3A = tpu.sem_alloc : memref<!tpu.dma_semaphore, #tpu.memory_space<semaphore_mem>>
        %dma_start3A = arith.constant 0 : i32
        %dma_start3A_32 = tpu.memref_slice %arg5[%add3A_31, %dma_start3A] : memref<20000x128xf32, #tpu.memory_space<hbm>> -> memref<400x128xf32, #tpu.memory_space<hbm>>
        %dma_start3A_33 = arith.constant 9600 : i32
        %dma_start3A_34 = arith.constant 0 : i32
        %dma_start3A_35 = tpu.memref_slice %arg11[%dma_start3A_33, %dma_start3A_34] : memref<10000x128xf32, #tpu.memory_space<vmem_shared>> -> memref<400x128xf32, #tpu.memory_space<vmem_shared>>
        tpu.enqueue_dma source(%dma_start3A_35 : memref<400x128xf32, #tpu.memory_space<vmem_shared>>) target(%dma_start3A_32 : memref<400x128xf32, #tpu.memory_space<hbm>>) target_semaphore(%run_scoped3A : memref<!tpu.dma_semaphore, #tpu.memory_space<semaphore_mem>>)
        %dma_wait3A = arith.constant 0 : i32
        %dma_wait3A_36 = tpu.memref_slice %arg5[%add3A_31, %dma_wait3A] : memref<20000x128xf32, #tpu.memory_space<hbm>> -> memref<400x128xf32, #tpu.memory_space<hbm>>
        %dma_wait3A_37 = arith.constant 9600 : i32
        %dma_wait3A_38 = arith.constant 0 : i32
        %dma_wait3A_39 = tpu.memref_slice %arg11[%dma_wait3A_37, %dma_wait3A_38] : memref<10000x128xf32, #tpu.memory_space<vmem_shared>> -> memref<400x128xf32, #tpu.memory_space<vmem_shared>>
        tpu.wait_dma2 semaphore(%run_scoped3A : memref<!tpu.dma_semaphore, #tpu.memory_space<semaphore_mem>>) src(%dma_wait3A_39 : memref<400x128xf32, #tpu.memory_space<vmem_shared>>) dst(%dma_wait3A_36 : memref<400x128xf32, #tpu.memory_space<hbm>>)
        tpu.yield
      }) : () -> ()
    } else {
    }
    return
  }
}

#map = affine_map<(d0, d1) -> (0)>
#map1 = affine_map<(d0, d1) -> (0, 0)>
module attributes {stable_mosaic.version = 14 : i64} {
  func.func @_deg_kernel(%arg0: i32, %arg1: i32, %arg2: memref<320000xi32, #tpu.memory_space<hbm>>, %arg3: memref<320000xi32, #tpu.memory_space<hbm>>, %arg4: memref<20000x128xf32, #tpu.memory_space<hbm>>, %arg5: memref<20000xi32, #tpu.memory_space<vmem>>, %arg6: memref<80x128xf32, #tpu.memory_space<vmem>>, %arg7: memref<80x128xf32, #tpu.memory_space<vmem>>, %arg8: memref<10000x128xf32, #tpu.memory_space<vmem_shared>>) attributes {dimension_semantics = [#tpu.dimension_semantics<core_parallel>, #tpu.dimension_semantics<subcore_parallel>], iteration_bounds = array<i64: 2, 16>, scalar_prefetch = 0 : i64, scratch_operands = 4 : i64, tpu.core_type = #tpu.core_type<sc_vector_subcore>, window_params = [{transform_indices = #map}, {transform_indices = #map}, {transform_indices = #map1}]} {
    %scan3A = arith.constant 0 : i32
    %scan3A_0 = arith.constant 0 : i32
    %scan3A_1 = arith.constant 80 : i32
    %scan3A_2 = arith.addi %scan3A_0, %scan3A_1 : i32
    %scan3A_3 = arith.constant 1 : i32
    %scan3A_4 = scf.for %scan3A_40 = %scan3A_0 to %scan3A_2 step %scan3A_3 iter_args(%scan3A_41 = %scan3A) -> (i32)  : i32 {
      %broadcast_in_dim3A = arith.constant 1.000000e+00 : f32
      %broadcast_in_dim3A_42 = vector.broadcast %broadcast_in_dim3A : f32 to vector<16xf32>
      %swap3A = arith.index_cast %scan3A_40 : i32 to index
      %swap3A_43 = arith.constant 0 : index
      %swap3A_44 = tpu.vector_load %arg6[%swap3A, %swap3A_43] {strides = array<i32>} : memref<80x128xf32, #tpu.memory_space<vmem>>, vector<1x16xf32>,
      %swap3A_45 = vector.shape_cast %swap3A_44 : vector<1x16xf32> to vector<16xf32>
      %swap3A_46 = vector.shape_cast %broadcast_in_dim3A_42 : vector<16xf32> to vector<1x16xf32>
      tpu.vector_store %arg6[%swap3A, %swap3A_43], %swap3A_46 {strides = array<i32>} : memref<80x128xf32, #tpu.memory_space<vmem>>, vector<1x16xf32>,
      %broadcast_in_dim3A_47 = arith.constant 0.000000e+00 : f32
      %broadcast_in_dim3A_48 = vector.broadcast %broadcast_in_dim3A_47 : f32 to vector<16xf32>
      %swap3A_49 = arith.index_cast %scan3A_40 : i32 to index
      %swap3A_50 = arith.constant 0 : index
      %swap3A_51 = tpu.vector_load %arg7[%swap3A_49, %swap3A_50] {strides = array<i32>} : memref<80x128xf32, #tpu.memory_space<vmem>>, vector<1x16xf32>,
      %swap3A_52 = vector.shape_cast %swap3A_51 : vector<1x16xf32> to vector<16xf32>
      %swap3A_53 = vector.shape_cast %broadcast_in_dim3A_48 : vector<16xf32> to vector<1x16xf32>
      tpu.vector_store %arg7[%swap3A_49, %swap3A_50], %swap3A_53 {strides = array<i32>} : memref<80x128xf32, #tpu.memory_space<vmem>>, vector<1x16xf32>,
      %broadcast_in_dim3A_54 = arith.constant 1.000000e+00 : f32
      %broadcast_in_dim3A_55 = vector.broadcast %broadcast_in_dim3A_54 : f32 to vector<16xf32>
      %swap3A_56 = arith.index_cast %scan3A_40 : i32 to index
      %swap3A_57 = arith.constant 16 : index
      %swap3A_58 = tpu.vector_load %arg6[%swap3A_56, %swap3A_57] {strides = array<i32>} : memref<80x128xf32, #tpu.memory_space<vmem>>, vector<1x16xf32>,
      %swap3A_59 = vector.shape_cast %swap3A_58 : vector<1x16xf32> to vector<16xf32>
      %swap3A_60 = vector.shape_cast %broadcast_in_dim3A_55 : vector<16xf32> to vector<1x16xf32>
      tpu.vector_store %arg6[%swap3A_56, %swap3A_57], %swap3A_60 {strides = array<i32>} : memref<80x128xf32, #tpu.memory_space<vmem>>, vector<1x16xf32>,
      %broadcast_in_dim3A_61 = arith.constant 0.000000e+00 : f32
      %broadcast_in_dim3A_62 = vector.broadcast %broadcast_in_dim3A_61 : f32 to vector<16xf32>
      %swap3A_63 = arith.index_cast %scan3A_40 : i32 to index
      %swap3A_64 = arith.constant 16 : index
      %swap3A_65 = tpu.vector_load %arg7[%swap3A_63, %swap3A_64] {strides = array<i32>} : memref<80x128xf32, #tpu.memory_space<vmem>>, vector<1x16xf32>,
      %swap3A_66 = vector.shape_cast %swap3A_65 : vector<1x16xf32> to vector<16xf32>
      %swap3A_67 = vector.shape_cast %broadcast_in_dim3A_62 : vector<16xf32> to vector<1x16xf32>
      tpu.vector_store %arg7[%swap3A_63, %swap3A_64], %swap3A_67 {strides = array<i32>} : memref<80x128xf32, #tpu.memory_space<vmem>>, vector<1x16xf32>,
      %broadcast_in_dim3A_68 = arith.constant 1.000000e+00 : f32
      %broadcast_in_dim3A_69 = vector.broadcast %broadcast_in_dim3A_68 : f32 to vector<16xf32>
      %swap3A_70 = arith.index_cast %scan3A_40 : i32 to index
      %swap3A_71 = arith.constant 32 : index
      %swap3A_72 = tpu.vector_load %arg6[%swap3A_70, %swap3A_71] {strides = array<i32>} : memref<80x128xf32, #tpu.memory_space<vmem>>, vector<1x16xf32>,
      %swap3A_73 = vector.shape_cast %swap3A_72 : vector<1x16xf32> to vector<16xf32>
      %swap3A_74 = vector.shape_cast %broadcast_in_dim3A_69 : vector<16xf32> to vector<1x16xf32>
      tpu.vector_store %arg6[%swap3A_70, %swap3A_71], %swap3A_74 {strides = array<i32>} : memref<80x128xf32, #tpu.memory_space<vmem>>, vector<1x16xf32>,
      %broadcast_in_dim3A_75 = arith.constant 0.000000e+00 : f32
      %broadcast_in_dim3A_76 = vector.broadcast %broadcast_in_dim3A_75 : f32 to vector<16xf32>
      %swap3A_77 = arith.index_cast %scan3A_40 : i32 to index
      %swap3A_78 = arith.constant 32 : index
      %swap3A_79 = tpu.vector_load %arg7[%swap3A_77, %swap3A_78] {strides = array<i32>} : memref<80x128xf32, #tpu.memory_space<vmem>>, vector<1x16xf32>,
      %swap3A_80 = vector.shape_cast %swap3A_79 : vector<1x16xf32> to vector<16xf32>
      %swap3A_81 = vector.shape_cast %broadcast_in_dim3A_76 : vector<16xf32> to vector<1x16xf32>
      tpu.vector_store %arg7[%swap3A_77, %swap3A_78], %swap3A_81 {strides = array<i32>} : memref<80x128xf32, #tpu.memory_space<vmem>>, vector<1x16xf32>,
      %broadcast_in_dim3A_82 = arith.constant 1.000000e+00 : f32
      %broadcast_in_dim3A_83 = vector.broadcast %broadcast_in_dim3A_82 : f32 to vector<16xf32>
      %swap3A_84 = arith.index_cast %scan3A_40 : i32 to index
      %swap3A_85 = arith.constant 48 : index
      %swap3A_86 = tpu.vector_load %arg6[%swap3A_84, %swap3A_85] {strides = array<i32>} : memref<80x128xf32, #tpu.memory_space<vmem>>, vector<1x16xf32>,
      %swap3A_87 = vector.shape_cast %swap3A_86 : vector<1x16xf32> to vector<16xf32>
      %swap3A_88 = vector.shape_cast %broadcast_in_dim3A_83 : vector<16xf32> to vector<1x16xf32>
      tpu.vector_store %arg6[%swap3A_84, %swap3A_85], %swap3A_88 {strides = array<i32>} : memref<80x128xf32, #tpu.memory_space<vmem>>, vector<1x16xf32>,
      %broadcast_in_dim3A_89 = arith.constant 0.000000e+00 : f32
      %broadcast_in_dim3A_90 = vector.broadcast %broadcast_in_dim3A_89 : f32 to vector<16xf32>
      %swap3A_91 = arith.index_cast %scan3A_40 : i32 to index
      %swap3A_92 = arith.constant 48 : index
      %swap3A_93 = tpu.vector_load %arg7[%swap3A_91, %swap3A_92] {strides = array<i32>} : memref<80x128xf32, #tpu.memory_space<vmem>>, vector<1x16xf32>,
      %swap3A_94 = vector.shape_cast %swap3A_93 : vector<1x16xf32> to vector<16xf32>
      %swap3A_95 = vector.shape_cast %broadcast_in_dim3A_90 : vector<16xf32> to vector<1x16xf32>
      tpu.vector_store %arg7[%swap3A_91, %swap3A_92], %swap3A_95 {strides = array<i32>} : memref<80x128xf32, #tpu.memory_space<vmem>>, vector<1x16xf32>,
      %broadcast_in_dim3A_96 = arith.constant 1.000000e+00 : f32
      %broadcast_in_dim3A_97 = vector.broadcast %broadcast_in_dim3A_96 : f32 to vector<16xf32>
      %swap3A_98 = arith.index_cast %scan3A_40 : i32 to index
      %swap3A_99 = arith.constant 64 : index
      %swap3A_100 = tpu.vector_load %arg6[%swap3A_98, %swap3A_99] {strides = array<i32>} : memref<80x128xf32, #tpu.memory_space<vmem>>, vector<1x16xf32>,
      %swap3A_101 = vector.shape_cast %swap3A_100 : vector<1x16xf32> to vector<16xf32>
      %swap3A_102 = vector.shape_cast %broadcast_in_dim3A_97 : vector<16xf32> to vector<1x16xf32>
      tpu.vector_store %arg6[%swap3A_98, %swap3A_99], %swap3A_102 {strides = array<i32>} : memref<80x128xf32, #tpu.memory_space<vmem>>, vector<1x16xf32>,
      %broadcast_in_dim3A_103 = arith.constant 0.000000e+00 : f32
      %broadcast_in_dim3A_104 = vector.broadcast %broadcast_in_dim3A_103 : f32 to vector<16xf32>
      %swap3A_105 = arith.index_cast %scan3A_40 : i32 to index
      %swap3A_106 = arith.constant 64 : index
      %swap3A_107 = tpu.vector_load %arg7[%swap3A_105, %swap3A_106] {strides = array<i32>} : memref<80x128xf32, #tpu.memory_space<vmem>>, vector<1x16xf32>,
      %swap3A_108 = vector.shape_cast %swap3A_107 : vector<1x16xf32> to vector<16xf32>
      %swap3A_109 = vector.shape_cast %broadcast_in_dim3A_104 : vector<16xf32> to vector<1x16xf32>
      tpu.vector_store %arg7[%swap3A_105, %swap3A_106], %swap3A_109 {strides = array<i32>} : memref<80x128xf32, #tpu.memory_space<vmem>>, vector<1x16xf32>,
      %broadcast_in_dim3A_110 = arith.constant 1.000000e+00 : f32
      %broadcast_in_dim3A_111 = vector.broadcast %broadcast_in_dim3A_110 : f32 to vector<16xf32>
      %swap3A_112 = arith.index_cast %scan3A_40 : i32 to index
      %swap3A_113 = arith.constant 80 : index
      %swap3A_114 = tpu.vector_load %arg6[%swap3A_112, %swap3A_113] {strides = array<i32>} : memref<80x128xf32, #tpu.memory_space<vmem>>, vector<1x16xf32>,
      %swap3A_115 = vector.shape_cast %swap3A_114 : vector<1x16xf32> to vector<16xf32>
      %swap3A_116 = vector.shape_cast %broadcast_in_dim3A_111 : vector<16xf32> to vector<1x16xf32>
      tpu.vector_store %arg6[%swap3A_112, %swap3A_113], %swap3A_116 {strides = array<i32>} : memref<80x128xf32, #tpu.memory_space<vmem>>, vector<1x16xf32>,
      %broadcast_in_dim3A_117 = arith.constant 0.000000e+00 : f32
      %broadcast_in_dim3A_118 = vector.broadcast %broadcast_in_dim3A_117 : f32 to vector<16xf32>
      %swap3A_119 = arith.index_cast %scan3A_40 : i32 to index
      %swap3A_120 = arith.constant 80 : index
      %swap3A_121 = tpu.vector_load %arg7[%swap3A_119, %swap3A_120] {strides = array<i32>} : memref<80x128xf32, #tpu.memory_space<vmem>>, vector<1x16xf32>,
      %swap3A_122 = vector.shape_cast %swap3A_121 : vector<1x16xf32> to vector<16xf32>
      %swap3A_123 = vector.shape_cast %broadcast_in_dim3A_118 : vector<16xf32> to vector<1x16xf32>
      tpu.vector_store %arg7[%swap3A_119, %swap3A_120], %swap3A_123 {strides = array<i32>} : memref<80x128xf32, #tpu.memory_space<vmem>>, vector<1x16xf32>,
      %broadcast_in_dim3A_124 = arith.constant 1.000000e+00 : f32
      %broadcast_in_dim3A_125 = vector.broadcast %broadcast_in_dim3A_124 : f32 to vector<16xf32>
      %swap3A_126 = arith.index_cast %scan3A_40 : i32 to index
      %swap3A_127 = arith.constant 96 : index
      %swap3A_128 = tpu.vector_load %arg6[%swap3A_126, %swap3A_127] {strides = array<i32>} : memref<80x128xf32, #tpu.memory_space<vmem>>, vector<1x16xf32>,
      %swap3A_129 = vector.shape_cast %swap3A_128 : vector<1x16xf32> to vector<16xf32>
      %swap3A_130 = vector.shape_cast %broadcast_in_dim3A_125 : vector<16xf32> to vector<1x16xf32>
      tpu.vector_store %arg6[%swap3A_126, %swap3A_127], %swap3A_130 {strides = array<i32>} : memref<80x128xf32, #tpu.memory_space<vmem>>, vector<1x16xf32>,
      %broadcast_in_dim3A_131 = arith.constant 0.000000e+00 : f32
      %broadcast_in_dim3A_132 = vector.broadcast %broadcast_in_dim3A_131 : f32 to vector<16xf32>
      %swap3A_133 = arith.index_cast %scan3A_40 : i32 to index
      %swap3A_134 = arith.constant 96 : index
      %swap3A_135 = tpu.vector_load %arg7[%swap3A_133, %swap3A_134] {strides = array<i32>} : memref<80x128xf32, #tpu.memory_space<vmem>>, vector<1x16xf32>,
      %swap3A_136 = vector.shape_cast %swap3A_135 : vector<1x16xf32> to vector<16xf32>
      %swap3A_137 = vector.shape_cast %broadcast_in_dim3A_132 : vector<16xf32> to vector<1x16xf32>
      tpu.vector_store %arg7[%swap3A_133, %swap3A_134], %swap3A_137 {strides = array<i32>} : memref<80x128xf32, #tpu.memory_space<vmem>>, vector<1x16xf32>,
      %broadcast_in_dim3A_138 = arith.constant 1.000000e+00 : f32
      %broadcast_in_dim3A_139 = vector.broadcast %broadcast_in_dim3A_138 : f32 to vector<16xf32>
      %swap3A_140 = arith.index_cast %scan3A_40 : i32 to index
      %swap3A_141 = arith.constant 112 : index
      %swap3A_142 = tpu.vector_load %arg6[%swap3A_140, %swap3A_141] {strides = array<i32>} : memref<80x128xf32, #tpu.memory_space<vmem>>, vector<1x16xf32>,
      %swap3A_143 = vector.shape_cast %swap3A_142 : vector<1x16xf32> to vector<16xf32>
      %swap3A_144 = vector.shape_cast %broadcast_in_dim3A_139 : vector<16xf32> to vector<1x16xf32>
      tpu.vector_store %arg6[%swap3A_140, %swap3A_141], %swap3A_144 {strides = array<i32>} : memref<80x128xf32, #tpu.memory_space<vmem>>, vector<1x16xf32>,
      %broadcast_in_dim3A_145 = arith.constant 0.000000e+00 : f32
      %broadcast_in_dim3A_146 = vector.broadcast %broadcast_in_dim3A_145 : f32 to vector<16xf32>
      %swap3A_147 = arith.index_cast %scan3A_40 : i32 to index
      %swap3A_148 = arith.constant 112 : index
      %swap3A_149 = tpu.vector_load %arg7[%swap3A_147, %swap3A_148] {strides = array<i32>} : memref<80x128xf32, #tpu.memory_space<vmem>>, vector<1x16xf32>,
      %swap3A_150 = vector.shape_cast %swap3A_149 : vector<1x16xf32> to vector<16xf32>
      %swap3A_151 = vector.shape_cast %broadcast_in_dim3A_146 : vector<16xf32> to vector<1x16xf32>
      tpu.vector_store %arg7[%swap3A_147, %swap3A_148], %swap3A_151 {strides = array<i32>} : memref<80x128xf32, #tpu.memory_space<vmem>>, vector<1x16xf32>,
      %scan3A_152 = arith.constant 0 : i32
      scf.yield %scan3A_152 : i32
    }
    %scan3A_5 = arith.constant 80 : i32
    %lt3A = arith.constant 15 : i32
    %lt3A_6 = arith.cmpi slt, %arg1, %lt3A : i32
    %convert_element_type3A = arith.extui %lt3A_6 : i1 to i32
    %cond3A = arith.constant 0 : i32
    %cond3A_7 = arith.cmpi ne, %convert_element_type3A, %cond3A : i32
    scf.if %cond3A_7 {
      %mul3A = arith.constant 640 : i32
      %mul3A_40 = arith.muli %arg1, %mul3A : i32
      %add3A = arith.constant 0 : i32
      %add3A_41 = arith.addi %mul3A_40, %add3A : i32
      "tpu.region"() ({
        %run_scoped3A = tpu.sem_alloc : memref<!tpu.dma_semaphore, #tpu.memory_space<semaphore_mem>>
        %dma_start3A = arith.constant 0 : i32
        %dma_start3A_70 = tpu.memref_slice %arg8[%add3A_41, %dma_start3A] : memref<10000x128xf32, #tpu.memory_space<vmem_shared>> -> memref<80x128xf32, #tpu.memory_space<vmem_shared>>
        %dma_start3A_71 = arith.constant 0 : i32
        %dma_start3A_72 = tpu.memref_slice %arg8[%add3A_41, %dma_start3A_71] : memref<10000x128xf32, #tpu.memory_space<vmem_shared>> -> memref<80x128xf32, #tpu.memory_space<vmem_shared>>
        tpu.enqueue_dma source(%arg7 : memref<80x128xf32, #tpu.memory_space<vmem>>) target(%dma_start3A_72 : memref<80x128xf32, #tpu.memory_space<vmem_shared>>) target_semaphore(%run_scoped3A : memref<!tpu.dma_semaphore, #tpu.memory_space<semaphore_mem>>)
        %dma_wait3A = arith.constant 0 : i32
        %dma_wait3A_73 = tpu.memref_slice %arg8[%add3A_41, %dma_wait3A] : memref<10000x128xf32, #tpu.memory_space<vmem_shared>> -> memref<80x128xf32, #tpu.memory_space<vmem_shared>>
        %dma_wait3A_74 = arith.constant 0 : i32
        %dma_wait3A_75 = tpu.memref_slice %arg8[%add3A_41, %dma_wait3A_74] : memref<10000x128xf32, #tpu.memory_space<vmem_shared>> -> memref<80x128xf32, #tpu.memory_space<vmem_shared>>
        tpu.wait_dma2 semaphore(%run_scoped3A : memref<!tpu.dma_semaphore, #tpu.memory_space<semaphore_mem>>) src(%arg7 : memref<80x128xf32, #tpu.memory_space<vmem>>) dst(%dma_wait3A_75 : memref<80x128xf32, #tpu.memory_space<vmem_shared>>)
        tpu.yield
      }) : () -> ()
      %mul3A_42 = arith.constant 640 : i32
      %mul3A_43 = arith.muli %arg1, %mul3A_42 : i32
      %add3A_44 = arith.constant 80 : i32
      %add3A_45 = arith.addi %mul3A_43, %add3A_44 : i32
      "tpu.region"() ({
        %run_scoped3A = tpu.sem_alloc : memref<!tpu.dma_semaphore, #tpu.memory_space<semaphore_mem>>
        %dma_start3A = arith.constant 0 : i32
        %dma_start3A_70 = tpu.memref_slice %arg8[%add3A_45, %dma_start3A] : memref<10000x128xf32, #tpu.memory_space<vmem_shared>> -> memref<80x128xf32, #tpu.memory_space<vmem_shared>>
        %dma_start3A_71 = arith.constant 0 : i32
        %dma_start3A_72 = tpu.memref_slice %arg8[%add3A_45, %dma_start3A_71] : memref<10000x128xf32, #tpu.memory_space<vmem_shared>> -> memref<80x128xf32, #tpu.memory_space<vmem_shared>>
        tpu.enqueue_dma source(%arg7 : memref<80x128xf32, #tpu.memory_space<vmem>>) target(%dma_start3A_72 : memref<80x128xf32, #tpu.memory_space<vmem_shared>>) target_semaphore(%run_scoped3A : memref<!tpu.dma_semaphore, #tpu.memory_space<semaphore_mem>>)
        %dma_wait3A = arith.constant 0 : i32
        %dma_wait3A_73 = tpu.memref_slice %arg8[%add3A_45, %dma_wait3A] : memref<10000x128xf32, #tpu.memory_space<vmem_shared>> -> memref<80x128xf32, #tpu.memory_space<vmem_shared>>
        %dma_wait3A_74 = arith.constant 0 : i32
        %dma_wait3A_75 = tpu.memref_slice %arg8[%add3A_45, %dma_wait3A_74] : memref<10000x128xf32, #tpu.memory_space<vmem_shared>> -> memref<80x128xf32, #tpu.memory_space<vmem_shared>>
        tpu.wait_dma2 semaphore(%run_scoped3A : memref<!tpu.dma_semaphore, #tpu.memory_space<semaphore_mem>>) src(%arg7 : memref<80x128xf32, #tpu.memory_space<vmem>>) dst(%dma_wait3A_75 : memref<80x128xf32, #tpu.memory_space<vmem_shared>>)
        tpu.yield
      }) : () -> ()
      %mul3A_46 = arith.constant 640 : i32
      %mul3A_47 = arith.muli %arg1, %mul3A_46 : i32
      %add3A_48 = arith.constant 160 : i32
      %add3A_49 = arith.addi %mul3A_47, %add3A_48 : i32
      "tpu.region"() ({
        %run_scoped3A = tpu.sem_alloc : memref<!tpu.dma_semaphore, #tpu.memory_space<semaphore_mem>>
        %dma_start3A = arith.constant 0 : i32
        %dma_start3A_70 = tpu.memref_slice %arg8[%add3A_49, %dma_start3A] : memref<10000x128xf32, #tpu.memory_space<vmem_shared>> -> memref<80x128xf32, #tpu.memory_space<vmem_shared>>
        %dma_start3A_71 = arith.constant 0 : i32
        %dma_start3A_72 = tpu.memref_slice %arg8[%add3A_49, %dma_start3A_71] : memref<10000x128xf32, #tpu.memory_space<vmem_shared>> -> memref<80x128xf32, #tpu.memory_space<vmem_shared>>
        tpu.enqueue_dma source(%arg7 : memref<80x128xf32, #tpu.memory_space<vmem>>) target(%dma_start3A_72 : memref<80x128xf32, #tpu.memory_space<vmem_shared>>) target_semaphore(%run_scoped3A : memref<!tpu.dma_semaphore, #tpu.memory_space<semaphore_mem>>)
        %dma_wait3A = arith.constant 0 : i32
        %dma_wait3A_73 = tpu.memref_slice %arg8[%add3A_49, %dma_wait3A] : memref<10000x128xf32, #tpu.memory_space<vmem_shared>> -> memref<80x128xf32, #tpu.memory_space<vmem_shared>>
        %dma_wait3A_74 = arith.constant 0 : i32
        %dma_wait3A_75 = tpu.memref_slice %arg8[%add3A_49, %dma_wait3A_74] : memref<10000x128xf32, #tpu.memory_space<vmem_shared>> -> memref<80x128xf32, #tpu.memory_space<vmem_shared>>
        tpu.wait_dma2 semaphore(%run_scoped3A : memref<!tpu.dma_semaphore, #tpu.memory_space<semaphore_mem>>) src(%arg7 : memref<80x128xf32, #tpu.memory_space<vmem>>) dst(%dma_wait3A_75 : memref<80x128xf32, #tpu.memory_space<vmem_shared>>)
        tpu.yield
      }) : () -> ()
      %mul3A_50 = arith.constant 640 : i32
      %mul3A_51 = arith.muli %arg1, %mul3A_50 : i32
      %add3A_52 = arith.constant 240 : i32
      %add3A_53 = arith.addi %mul3A_51, %add3A_52 : i32
      "tpu.region"() ({
        %run_scoped3A = tpu.sem_alloc : memref<!tpu.dma_semaphore, #tpu.memory_space<semaphore_mem>>
        %dma_start3A = arith.constant 0 : i32
        %dma_start3A_70 = tpu.memref_slice %arg8[%add3A_53, %dma_start3A] : memref<10000x128xf32, #tpu.memory_space<vmem_shared>> -> memref<80x128xf32, #tpu.memory_space<vmem_shared>>
        %dma_start3A_71 = arith.constant 0 : i32
        %dma_start3A_72 = tpu.memref_slice %arg8[%add3A_53, %dma_start3A_71] : memref<10000x128xf32, #tpu.memory_space<vmem_shared>> -> memref<80x128xf32, #tpu.memory_space<vmem_shared>>
        tpu.enqueue_dma source(%arg7 : memref<80x128xf32, #tpu.memory_space<vmem>>) target(%dma_start3A_72 : memref<80x128xf32, #tpu.memory_space<vmem_shared>>) target_semaphore(%run_scoped3A : memref<!tpu.dma_semaphore, #tpu.memory_space<semaphore_mem>>)
        %dma_wait3A = arith.constant 0 : i32
        %dma_wait3A_73 = tpu.memref_slice %arg8[%add3A_53, %dma_wait3A] : memref<10000x128xf32, #tpu.memory_space<vmem_shared>> -> memref<80x128xf32, #tpu.memory_space<vmem_shared>>
        %dma_wait3A_74 = arith.constant 0 : i32
        %dma_wait3A_75 = tpu.memref_slice %arg8[%add3A_53, %dma_wait3A_74] : memref<10000x128xf32, #tpu.memory_space<vmem_shared>> -> memref<80x128xf32, #tpu.memory_space<vmem_shared>>
        tpu.wait_dma2 semaphore(%run_scoped3A : memref<!tpu.dma_semaphore, #tpu.memory_space<semaphore_mem>>) src(%arg7 : memref<80x128xf32, #tpu.memory_space<vmem>>) dst(%dma_wait3A_75 : memref<80x128xf32, #tpu.memory_space<vmem_shared>>)
        tpu.yield
      }) : () -> ()
      %mul3A_54 = arith.constant 640 : i32
      %mul3A_55 = arith.muli %arg1, %mul3A_54 : i32
      %add3A_56 = arith.constant 320 : i32
      %add3A_57 = arith.addi %mul3A_55, %add3A_56 : i32
      "tpu.region"() ({
        %run_scoped3A = tpu.sem_alloc : memref<!tpu.dma_semaphore, #tpu.memory_space<semaphore_mem>>
        %dma_start3A = arith.constant 0 : i32
        %dma_start3A_70 = tpu.memref_slice %arg8[%add3A_57, %dma_start3A] : memref<10000x128xf32, #tpu.memory_space<vmem_shared>> -> memref<80x128xf32, #tpu.memory_space<vmem_shared>>
        %dma_start3A_71 = arith.constant 0 : i32
        %dma_start3A_72 = tpu.memref_slice %arg8[%add3A_57, %dma_start3A_71] : memref<10000x128xf32, #tpu.memory_space<vmem_shared>> -> memref<80x128xf32, #tpu.memory_space<vmem_shared>>
        tpu.enqueue_dma source(%arg7 : memref<80x128xf32, #tpu.memory_space<vmem>>) target(%dma_start3A_72 : memref<80x128xf32, #tpu.memory_space<vmem_shared>>) target_semaphore(%run_scoped3A : memref<!tpu.dma_semaphore, #tpu.memory_space<semaphore_mem>>)
        %dma_wait3A = arith.constant 0 : i32
        %dma_wait3A_73 = tpu.memref_slice %arg8[%add3A_57, %dma_wait3A] : memref<10000x128xf32, #tpu.memory_space<vmem_shared>> -> memref<80x128xf32, #tpu.memory_space<vmem_shared>>
        %dma_wait3A_74 = arith.constant 0 : i32
        %dma_wait3A_75 = tpu.memref_slice %arg8[%add3A_57, %dma_wait3A_74] : memref<10000x128xf32, #tpu.memory_space<vmem_shared>> -> memref<80x128xf32, #tpu.memory_space<vmem_shared>>
        tpu.wait_dma2 semaphore(%run_scoped3A : memref<!tpu.dma_semaphore, #tpu.memory_space<semaphore_mem>>) src(%arg7 : memref<80x128xf32, #tpu.memory_space<vmem>>) dst(%dma_wait3A_75 : memref<80x128xf32, #tpu.memory_space<vmem_shared>>)
        tpu.yield
      }) : () -> ()
      %mul3A_58 = arith.constant 640 : i32
      %mul3A_59 = arith.muli %arg1, %mul3A_58 : i32
      %add3A_60 = arith.constant 400 : i32
      %add3A_61 = arith.addi %mul3A_59, %add3A_60 : i32
      "tpu.region"() ({
        %run_scoped3A = tpu.sem_alloc : memref<!tpu.dma_semaphore, #tpu.memory_space<semaphore_mem>>
        %dma_start3A = arith.constant 0 : i32
        %dma_start3A_70 = tpu.memref_slice %arg8[%add3A_61, %dma_start3A] : memref<10000x128xf32, #tpu.memory_space<vmem_shared>> -> memref<80x128xf32, #tpu.memory_space<vmem_shared>>
        %dma_start3A_71 = arith.constant 0 : i32
        %dma_start3A_72 = tpu.memref_slice %arg8[%add3A_61, %dma_start3A_71] : memref<10000x128xf32, #tpu.memory_space<vmem_shared>> -> memref<80x128xf32, #tpu.memory_space<vmem_shared>>
        tpu.enqueue_dma source(%arg7 : memref<80x128xf32, #tpu.memory_space<vmem>>) target(%dma_start3A_72 : memref<80x128xf32, #tpu.memory_space<vmem_shared>>) target_semaphore(%run_scoped3A : memref<!tpu.dma_semaphore, #tpu.memory_space<semaphore_mem>>)
        %dma_wait3A = arith.constant 0 : i32
        %dma_wait3A_73 = tpu.memref_slice %arg8[%add3A_61, %dma_wait3A] : memref<10000x128xf32, #tpu.memory_space<vmem_shared>> -> memref<80x128xf32, #tpu.memory_space<vmem_shared>>
        %dma_wait3A_74 = arith.constant 0 : i32
        %dma_wait3A_75 = tpu.memref_slice %arg8[%add3A_61, %dma_wait3A_74] : memref<10000x128xf32, #tpu.memory_space<vmem_shared>> -> memref<80x128xf32, #tpu.memory_space<vmem_shared>>
        tpu.wait_dma2 semaphore(%run_scoped3A : memref<!tpu.dma_semaphore, #tpu.memory_space<semaphore_mem>>) src(%arg7 : memref<80x128xf32, #tpu.memory_space<vmem>>) dst(%dma_wait3A_75 : memref<80x128xf32, #tpu.memory_space<vmem_shared>>)
        tpu.yield
      }) : () -> ()
      %mul3A_62 = arith.constant 640 : i32
      %mul3A_63 = arith.muli %arg1, %mul3A_62 : i32
      %add3A_64 = arith.constant 480 : i32
      %add3A_65 = arith.addi %mul3A_63, %add3A_64 : i32
      "tpu.region"() ({
        %run_scoped3A = tpu.sem_alloc : memref<!tpu.dma_semaphore, #tpu.memory_space<semaphore_mem>>
        %dma_start3A = arith.constant 0 : i32
        %dma_start3A_70 = tpu.memref_slice %arg8[%add3A_65, %dma_start3A] : memref<10000x128xf32, #tpu.memory_space<vmem_shared>> -> memref<80x128xf32, #tpu.memory_space<vmem_shared>>
        %dma_start3A_71 = arith.constant 0 : i32
        %dma_start3A_72 = tpu.memref_slice %arg8[%add3A_65, %dma_start3A_71] : memref<10000x128xf32, #tpu.memory_space<vmem_shared>> -> memref<80x128xf32, #tpu.memory_space<vmem_shared>>
        tpu.enqueue_dma source(%arg7 : memref<80x128xf32, #tpu.memory_space<vmem>>) target(%dma_start3A_72 : memref<80x128xf32, #tpu.memory_space<vmem_shared>>) target_semaphore(%run_scoped3A : memref<!tpu.dma_semaphore, #tpu.memory_space<semaphore_mem>>)
        %dma_wait3A = arith.constant 0 : i32
        %dma_wait3A_73 = tpu.memref_slice %arg8[%add3A_65, %dma_wait3A] : memref<10000x128xf32, #tpu.memory_space<vmem_shared>> -> memref<80x128xf32, #tpu.memory_space<vmem_shared>>
        %dma_wait3A_74 = arith.constant 0 : i32
        %dma_wait3A_75 = tpu.memref_slice %arg8[%add3A_65, %dma_wait3A_74] : memref<10000x128xf32, #tpu.memory_space<vmem_shared>> -> memref<80x128xf32, #tpu.memory_space<vmem_shared>>
        tpu.wait_dma2 semaphore(%run_scoped3A : memref<!tpu.dma_semaphore, #tpu.memory_space<semaphore_mem>>) src(%arg7 : memref<80x128xf32, #tpu.memory_space<vmem>>) dst(%dma_wait3A_75 : memref<80x128xf32, #tpu.memory_space<vmem_shared>>)
        tpu.yield
      }) : () -> ()
      %mul3A_66 = arith.constant 640 : i32
      %mul3A_67 = arith.muli %arg1, %mul3A_66 : i32
      %add3A_68 = arith.constant 560 : i32
      %add3A_69 = arith.addi %mul3A_67, %add3A_68 : i32
      "tpu.region"() ({
        %run_scoped3A = tpu.sem_alloc : memref<!tpu.dma_semaphore, #tpu.memory_space<semaphore_mem>>
        %dma_start3A = arith.constant 0 : i32
        %dma_start3A_70 = tpu.memref_slice %arg8[%add3A_69, %dma_start3A] : memref<10000x128xf32, #tpu.memory_space<vmem_shared>> -> memref<80x128xf32, #tpu.memory_space<vmem_shared>>
        %dma_start3A_71 = arith.constant 0 : i32
        %dma_start3A_72 = tpu.memref_slice %arg8[%add3A_69, %dma_start3A_71] : memref<10000x128xf32, #tpu.memory_space<vmem_shared>> -> memref<80x128xf32, #tpu.memory_space<vmem_shared>>
        tpu.enqueue_dma source(%arg7 : memref<80x128xf32, #tpu.memory_space<vmem>>) target(%dma_start3A_72 : memref<80x128xf32, #tpu.memory_space<vmem_shared>>) target_semaphore(%run_scoped3A : memref<!tpu.dma_semaphore, #tpu.memory_space<semaphore_mem>>)
        %dma_wait3A = arith.constant 0 : i32
        %dma_wait3A_73 = tpu.memref_slice %arg8[%add3A_69, %dma_wait3A] : memref<10000x128xf32, #tpu.memory_space<vmem_shared>> -> memref<80x128xf32, #tpu.memory_space<vmem_shared>>
        %dma_wait3A_74 = arith.constant 0 : i32
        %dma_wait3A_75 = tpu.memref_slice %arg8[%add3A_69, %dma_wait3A_74] : memref<10000x128xf32, #tpu.memory_space<vmem_shared>> -> memref<80x128xf32, #tpu.memory_space<vmem_shared>>
        tpu.wait_dma2 semaphore(%run_scoped3A : memref<!tpu.dma_semaphore, #tpu.memory_space<semaphore_mem>>) src(%arg7 : memref<80x128xf32, #tpu.memory_space<vmem>>) dst(%dma_wait3A_75 : memref<80x128xf32, #tpu.memory_space<vmem_shared>>)
        tpu.yield
      }) : () -> ()
    } else {
    }
    %eq3A = arith.constant 15 : i32
    %eq3A_8 = arith.cmpi eq, %arg1, %eq3A : i32
    %convert_element_type3A_9 = arith.extui %eq3A_8 : i1 to i32
    %cond3A_10 = arith.constant 0 : i32
    %cond3A_11 = arith.cmpi ne, %convert_element_type3A_9, %cond3A_10 : i32
    scf.if %cond3A_11 {
      "tpu.region"() ({
        %run_scoped3A = tpu.sem_alloc : memref<!tpu.dma_semaphore, #tpu.memory_space<semaphore_mem>>
        %dma_start3A = arith.constant 9600 : i32
        %dma_start3A_40 = arith.constant 0 : i32
        %dma_start3A_41 = tpu.memref_slice %arg8[%dma_start3A, %dma_start3A_40] : memref<10000x128xf32, #tpu.memory_space<vmem_shared>> -> memref<80x128xf32, #tpu.memory_space<vmem_shared>>
        %dma_start3A_42 = arith.constant 9600 : i32
        %dma_start3A_43 = arith.constant 0 : i32
        %dma_start3A_44 = tpu.memref_slice %arg8[%dma_start3A_42, %dma_start3A_43] : memref<10000x128xf32, #tpu.memory_space<vmem_shared>> -> memref<80x128xf32, #tpu.memory_space<vmem_shared>>
        tpu.enqueue_dma source(%arg7 : memref<80x128xf32, #tpu.memory_space<vmem>>) target(%dma_start3A_44 : memref<80x128xf32, #tpu.memory_space<vmem_shared>>) target_semaphore(%run_scoped3A : memref<!tpu.dma_semaphore, #tpu.memory_space<semaphore_mem>>)
        %dma_wait3A = arith.constant 9600 : i32
        %dma_wait3A_45 = arith.constant 0 : i32
        %dma_wait3A_46 = tpu.memref_slice %arg8[%dma_wait3A, %dma_wait3A_45] : memref<10000x128xf32, #tpu.memory_space<vmem_shared>> -> memref<80x128xf32, #tpu.memory_space<vmem_shared>>
        %dma_wait3A_47 = arith.constant 9600 : i32
        %dma_wait3A_48 = arith.constant 0 : i32
        %dma_wait3A_49 = tpu.memref_slice %arg8[%dma_wait3A_47, %dma_wait3A_48] : memref<10000x128xf32, #tpu.memory_space<vmem_shared>> -> memref<80x128xf32, #tpu.memory_space<vmem_shared>>
        tpu.wait_dma2 semaphore(%run_scoped3A : memref<!tpu.dma_semaphore, #tpu.memory_space<semaphore_mem>>) src(%arg7 : memref<80x128xf32, #tpu.memory_space<vmem>>) dst(%dma_wait3A_49 : memref<80x128xf32, #tpu.memory_space<vmem_shared>>)
        tpu.yield
      }) : () -> ()
      "tpu.region"() ({
        %run_scoped3A = tpu.sem_alloc : memref<!tpu.dma_semaphore, #tpu.memory_space<semaphore_mem>>
        %dma_start3A = arith.constant 9680 : i32
        %dma_start3A_40 = arith.constant 0 : i32
        %dma_start3A_41 = tpu.memref_slice %arg8[%dma_start3A, %dma_start3A_40] : memref<10000x128xf32, #tpu.memory_space<vmem_shared>> -> memref<80x128xf32, #tpu.memory_space<vmem_shared>>
        %dma_start3A_42 = arith.constant 9680 : i32
        %dma_start3A_43 = arith.constant 0 : i32
        %dma_start3A_44 = tpu.memref_slice %arg8[%dma_start3A_42, %dma_start3A_43] : memref<10000x128xf32, #tpu.memory_space<vmem_shared>> -> memref<80x128xf32, #tpu.memory_space<vmem_shared>>
        tpu.enqueue_dma source(%arg7 : memref<80x128xf32, #tpu.memory_space<vmem>>) target(%dma_start3A_44 : memref<80x128xf32, #tpu.memory_space<vmem_shared>>) target_semaphore(%run_scoped3A : memref<!tpu.dma_semaphore, #tpu.memory_space<semaphore_mem>>)
        %dma_wait3A = arith.constant 9680 : i32
        %dma_wait3A_45 = arith.constant 0 : i32
        %dma_wait3A_46 = tpu.memref_slice %arg8[%dma_wait3A, %dma_wait3A_45] : memref<10000x128xf32, #tpu.memory_space<vmem_shared>> -> memref<80x128xf32, #tpu.memory_space<vmem_shared>>
        %dma_wait3A_47 = arith.constant 9680 : i32
        %dma_wait3A_48 = arith.constant 0 : i32
        %dma_wait3A_49 = tpu.memref_slice %arg8[%dma_wait3A_47, %dma_wait3A_48] : memref<10000x128xf32, #tpu.memory_space<vmem_shared>> -> memref<80x128xf32, #tpu.memory_space<vmem_shared>>
        tpu.wait_dma2 semaphore(%run_scoped3A : memref<!tpu.dma_semaphore, #tpu.memory_space<semaphore_mem>>) src(%arg7 : memref<80x128xf32, #tpu.memory_space<vmem>>) dst(%dma_wait3A_49 : memref<80x128xf32, #tpu.memory_space<vmem_shared>>)
        tpu.yield
      }) : () -> ()
      "tpu.region"() ({
        %run_scoped3A = tpu.sem_alloc : memref<!tpu.dma_semaphore, #tpu.memory_space<semaphore_mem>>
        %dma_start3A = arith.constant 9760 : i32
        %dma_start3A_40 = arith.constant 0 : i32
        %dma_start3A_41 = tpu.memref_slice %arg8[%dma_start3A, %dma_start3A_40] : memref<10000x128xf32, #tpu.memory_space<vmem_shared>> -> memref<80x128xf32, #tpu.memory_space<vmem_shared>>
        %dma_start3A_42 = arith.constant 9760 : i32
        %dma_start3A_43 = arith.constant 0 : i32
        %dma_start3A_44 = tpu.memref_slice %arg8[%dma_start3A_42, %dma_start3A_43] : memref<10000x128xf32, #tpu.memory_space<vmem_shared>> -> memref<80x128xf32, #tpu.memory_space<vmem_shared>>
        tpu.enqueue_dma source(%arg7 : memref<80x128xf32, #tpu.memory_space<vmem>>) target(%dma_start3A_44 : memref<80x128xf32, #tpu.memory_space<vmem_shared>>) target_semaphore(%run_scoped3A : memref<!tpu.dma_semaphore, #tpu.memory_space<semaphore_mem>>)
        %dma_wait3A = arith.constant 9760 : i32
        %dma_wait3A_45 = arith.constant 0 : i32
        %dma_wait3A_46 = tpu.memref_slice %arg8[%dma_wait3A, %dma_wait3A_45] : memref<10000x128xf32, #tpu.memory_space<vmem_shared>> -> memref<80x128xf32, #tpu.memory_space<vmem_shared>>
        %dma_wait3A_47 = arith.constant 9760 : i32
        %dma_wait3A_48 = arith.constant 0 : i32
        %dma_wait3A_49 = tpu.memref_slice %arg8[%dma_wait3A_47, %dma_wait3A_48] : memref<10000x128xf32, #tpu.memory_space<vmem_shared>> -> memref<80x128xf32, #tpu.memory_space<vmem_shared>>
        tpu.wait_dma2 semaphore(%run_scoped3A : memref<!tpu.dma_semaphore, #tpu.memory_space<semaphore_mem>>) src(%arg7 : memref<80x128xf32, #tpu.memory_space<vmem>>) dst(%dma_wait3A_49 : memref<80x128xf32, #tpu.memory_space<vmem_shared>>)
        tpu.yield
      }) : () -> ()
      "tpu.region"() ({
        %run_scoped3A = tpu.sem_alloc : memref<!tpu.dma_semaphore, #tpu.memory_space<semaphore_mem>>
        %dma_start3A = arith.constant 9840 : i32
        %dma_start3A_40 = arith.constant 0 : i32
        %dma_start3A_41 = tpu.memref_slice %arg8[%dma_start3A, %dma_start3A_40] : memref<10000x128xf32, #tpu.memory_space<vmem_shared>> -> memref<80x128xf32, #tpu.memory_space<vmem_shared>>
        %dma_start3A_42 = arith.constant 9840 : i32
        %dma_start3A_43 = arith.constant 0 : i32
        %dma_start3A_44 = tpu.memref_slice %arg8[%dma_start3A_42, %dma_start3A_43] : memref<10000x128xf32, #tpu.memory_space<vmem_shared>> -> memref<80x128xf32, #tpu.memory_space<vmem_shared>>
        tpu.enqueue_dma source(%arg7 : memref<80x128xf32, #tpu.memory_space<vmem>>) target(%dma_start3A_44 : memref<80x128xf32, #tpu.memory_space<vmem_shared>>) target_semaphore(%run_scoped3A : memref<!tpu.dma_semaphore, #tpu.memory_space<semaphore_mem>>)
        %dma_wait3A = arith.constant 9840 : i32
        %dma_wait3A_45 = arith.constant 0 : i32
        %dma_wait3A_46 = tpu.memref_slice %arg8[%dma_wait3A, %dma_wait3A_45] : memref<10000x128xf32, #tpu.memory_space<vmem_shared>> -> memref<80x128xf32, #tpu.memory_space<vmem_shared>>
        %dma_wait3A_47 = arith.constant 9840 : i32
        %dma_wait3A_48 = arith.constant 0 : i32
        %dma_wait3A_49 = tpu.memref_slice %arg8[%dma_wait3A_47, %dma_wait3A_48] : memref<10000x128xf32, #tpu.memory_space<vmem_shared>> -> memref<80x128xf32, #tpu.memory_space<vmem_shared>>
        tpu.wait_dma2 semaphore(%run_scoped3A : memref<!tpu.dma_semaphore, #tpu.memory_space<semaphore_mem>>) src(%arg7 : memref<80x128xf32, #tpu.memory_space<vmem>>) dst(%dma_wait3A_49 : memref<80x128xf32, #tpu.memory_space<vmem_shared>>)
        tpu.yield
      }) : () -> ()
      "tpu.region"() ({
        %run_scoped3A = tpu.sem_alloc : memref<!tpu.dma_semaphore, #tpu.memory_space<semaphore_mem>>
        %dma_start3A = arith.constant 9920 : i32
        %dma_start3A_40 = arith.constant 0 : i32
        %dma_start3A_41 = tpu.memref_slice %arg8[%dma_start3A, %dma_start3A_40] : memref<10000x128xf32, #tpu.memory_space<vmem_shared>> -> memref<80x128xf32, #tpu.memory_space<vmem_shared>>
        %dma_start3A_42 = arith.constant 9920 : i32
        %dma_start3A_43 = arith.constant 0 : i32
        %dma_start3A_44 = tpu.memref_slice %arg8[%dma_start3A_42, %dma_start3A_43] : memref<10000x128xf32, #tpu.memory_space<vmem_shared>> -> memref<80x128xf32, #tpu.memory_space<vmem_shared>>
        tpu.enqueue_dma source(%arg7 : memref<80x128xf32, #tpu.memory_space<vmem>>) target(%dma_start3A_44 : memref<80x128xf32, #tpu.memory_space<vmem_shared>>) target_semaphore(%run_scoped3A : memref<!tpu.dma_semaphore, #tpu.memory_space<semaphore_mem>>)
        %dma_wait3A = arith.constant 9920 : i32
        %dma_wait3A_45 = arith.constant 0 : i32
        %dma_wait3A_46 = tpu.memref_slice %arg8[%dma_wait3A, %dma_wait3A_45] : memref<10000x128xf32, #tpu.memory_space<vmem_shared>> -> memref<80x128xf32, #tpu.memory_space<vmem_shared>>
        %dma_wait3A_47 = arith.constant 9920 : i32
        %dma_wait3A_48 = arith.constant 0 : i32
        %dma_wait3A_49 = tpu.memref_slice %arg8[%dma_wait3A_47, %dma_wait3A_48] : memref<10000x128xf32, #tpu.memory_space<vmem_shared>> -> memref<80x128xf32, #tpu.memory_space<vmem_shared>>
        tpu.wait_dma2 semaphore(%run_scoped3A : memref<!tpu.dma_semaphore, #tpu.memory_space<semaphore_mem>>) src(%arg7 : memref<80x128xf32, #tpu.memory_space<vmem>>) dst(%dma_wait3A_49 : memref<80x128xf32, #tpu.memory_space<vmem_shared>>)
        tpu.yield
      }) : () -> ()
    } else {
    }
    %barrier3A = arith.constant 0 : index
    tpu.barrier barrier_id(%barrier3A)
    %eq3A_12 = arith.constant 0 : i32
    %eq3A_13 = arith.cmpi eq, %arg0, %eq3A_12 : i32
    %convert_element_type3A_14 = arith.extui %eq3A_13 : i1 to i32
    %cond3A_15 = arith.constant 0 : i32
    %cond3A_16 = arith.cmpi ne, %convert_element_type3A_14, %cond3A_15 : i32
    scf.if %cond3A_16 {
      %mul3A = arith.constant 20000 : i32
      %mul3A_40 = arith.muli %arg1, %mul3A : i32
      "tpu.region"() ({
        %run_scoped3A = tpu.sem_alloc : memref<!tpu.dma_semaphore, #tpu.memory_space<semaphore_mem>>
        %dma_start3A = tpu.memref_slice %arg2[%mul3A_40] : memref<320000xi32, #tpu.memory_space<hbm>> -> memref<20000xi32, #tpu.memory_space<hbm>>
        %dma_start3A_41 = tpu.memref_slice %arg2[%mul3A_40] : memref<320000xi32, #tpu.memory_space<hbm>> -> memref<20000xi32, #tpu.memory_space<hbm>>
        tpu.enqueue_dma source(%dma_start3A_41 : memref<20000xi32, #tpu.memory_space<hbm>>) target(%arg5 : memref<20000xi32, #tpu.memory_space<vmem>>) target_semaphore(%run_scoped3A : memref<!tpu.dma_semaphore, #tpu.memory_space<semaphore_mem>>)
        %dma_wait3A = tpu.memref_slice %arg2[%mul3A_40] : memref<320000xi32, #tpu.memory_space<hbm>> -> memref<20000xi32, #tpu.memory_space<hbm>>
        %dma_wait3A_42 = tpu.memref_slice %arg2[%mul3A_40] : memref<320000xi32, #tpu.memory_space<hbm>> -> memref<20000xi32, #tpu.memory_space<hbm>>
        tpu.wait_dma2 semaphore(%run_scoped3A : memref<!tpu.dma_semaphore, #tpu.memory_space<semaphore_mem>>) src(%dma_wait3A_42 : memref<20000xi32, #tpu.memory_space<hbm>>) dst(%arg5 : memref<20000xi32, #tpu.memory_space<vmem>>)
        tpu.yield
      }) : () -> ()
    } else {
    }
    %eq3A_17 = arith.constant 1 : i32
    %eq3A_18 = arith.cmpi eq, %arg0, %eq3A_17 : i32
    %convert_element_type3A_19 = arith.extui %eq3A_18 : i1 to i32
    %cond3A_20 = arith.constant 0 : i32
    %cond3A_21 = arith.cmpi ne, %convert_element_type3A_19, %cond3A_20 : i32
    scf.if %cond3A_21 {
      %mul3A = arith.constant 20000 : i32
      %mul3A_40 = arith.muli %arg1, %mul3A : i32
      "tpu.region"() ({
        %run_scoped3A = tpu.sem_alloc : memref<!tpu.dma_semaphore, #tpu.memory_space<semaphore_mem>>
        %dma_start3A = tpu.memref_slice %arg3[%mul3A_40] : memref<320000xi32, #tpu.memory_space<hbm>> -> memref<20000xi32, #tpu.memory_space<hbm>>
        %dma_start3A_41 = tpu.memref_slice %arg3[%mul3A_40] : memref<320000xi32, #tpu.memory_space<hbm>> -> memref<20000xi32, #tpu.memory_space<hbm>>
        tpu.enqueue_dma source(%dma_start3A_41 : memref<20000xi32, #tpu.memory_space<hbm>>) target(%arg5 : memref<20000xi32, #tpu.memory_space<vmem>>) target_semaphore(%run_scoped3A : memref<!tpu.dma_semaphore, #tpu.memory_space<semaphore_mem>>)
        %dma_wait3A = tpu.memref_slice %arg3[%mul3A_40] : memref<320000xi32, #tpu.memory_space<hbm>> -> memref<20000xi32, #tpu.memory_space<hbm>>
        %dma_wait3A_42 = tpu.memref_slice %arg3[%mul3A_40] : memref<320000xi32, #tpu.memory_space<hbm>> -> memref<20000xi32, #tpu.memory_space<hbm>>
        tpu.wait_dma2 semaphore(%run_scoped3A : memref<!tpu.dma_semaphore, #tpu.memory_space<semaphore_mem>>) src(%dma_wait3A_42 : memref<20000xi32, #tpu.memory_space<hbm>>) dst(%arg5 : memref<20000xi32, #tpu.memory_space<vmem>>)
        tpu.yield
      }) : () -> ()
    } else {
    }
    %scan3A_22 = arith.constant 0 : i32
    %scan3A_23 = arith.constant 0 : i32
    %scan3A_24 = arith.constant 250 : i32
    %scan3A_25 = arith.addi %scan3A_23, %scan3A_24 : i32
    %scan3A_26 = arith.constant 1 : i32
    %scan3A_27 = scf.for %scan3A_40 = %scan3A_23 to %scan3A_25 step %scan3A_26 iter_args(%scan3A_41 = %scan3A_22) -> (i32)  : i32 {
      %mul3A = arith.constant 80 : i32
      %mul3A_42 = arith.muli %scan3A_40, %mul3A : i32
      "tpu.region"() ({
        %run_scoped3A = tpu.sem_alloc : memref<!tpu.dma_semaphore, #tpu.memory_space<semaphore_mem>>
        %dma_start3A = tpu.memref_slice %arg5[%mul3A_42] : memref<20000xi32, #tpu.memory_space<vmem>> -> memref<80xi32, #tpu.memory_space<vmem>>
        %dma_start3A_44 = arith.constant 0 : i32
        %dma_start3A_45 = arith.constant 0 : i32
        %dma_start3A_46 = tpu.memref_slice %arg8[%dma_start3A_44, %dma_start3A_45] : memref<10000x128xf32, #tpu.memory_space<vmem_shared>> -> memref<10000x128xf32, #tpu.memory_space<vmem_shared>>
        tpu.enqueue_indirect_dma source(%arg6 : memref<80x128xf32, #tpu.memory_space<vmem>>) target(%dma_start3A_46 : memref<10000x128xf32, #tpu.memory_space<vmem_shared>>) offsets(%dma_start3A : memref<80xi32, #tpu.memory_space<vmem>>) semaphore(%run_scoped3A : memref<!tpu.dma_semaphore, #tpu.memory_space<semaphore_mem>>) {add = true}
        %dma_wait3A = tpu.memref_slice %arg5[%mul3A_42] : memref<20000xi32, #tpu.memory_space<vmem>> -> memref<80xi32, #tpu.memory_space<vmem>>
        %dma_wait3A_47 = arith.constant 0 : i32
        %dma_wait3A_48 = arith.constant 0 : i32
        %dma_wait3A_49 = tpu.memref_slice %arg8[%dma_wait3A_47, %dma_wait3A_48] : memref<10000x128xf32, #tpu.memory_space<vmem_shared>> -> memref<10000x128xf32, #tpu.memory_space<vmem_shared>>
        tpu.wait_indirect_dma semaphore(%run_scoped3A : memref<!tpu.dma_semaphore, #tpu.memory_space<semaphore_mem>>) src(%arg6 : memref<80x128xf32, #tpu.memory_space<vmem>>) dst(%dma_wait3A_49 : memref<10000x128xf32, #tpu.memory_space<vmem_shared>>)
        tpu.yield
      }) : () -> ()
      %scan3A_43 = arith.constant 0 : i32
      scf.yield %scan3A_43 : i32
    }
    %scan3A_28 = arith.constant 250 : i32
    %barrier3A_29 = arith.constant 0 : index
    tpu.barrier barrier_id(%barrier3A_29)
    %lt3A_30 = arith.constant 15 : i32
    %lt3A_31 = arith.cmpi slt, %arg1, %lt3A_30 : i32
    %convert_element_type3A_32 = arith.extui %lt3A_31 : i1 to i32
    %cond3A_33 = arith.constant 0 : i32
    %cond3A_34 = arith.cmpi ne, %convert_element_type3A_32, %cond3A_33 : i32
    scf.if %cond3A_34 {
      %mul3A = arith.constant 640 : i32
      %mul3A_40 = arith.muli %arg1, %mul3A : i32
      %mul3A_41 = arith.constant 10000 : i32
      %mul3A_42 = arith.muli %arg0, %mul3A_41 : i32
      %mul3A_43 = arith.constant 640 : i32
      %mul3A_44 = arith.muli %arg1, %mul3A_43 : i32
      %add3A = arith.addi %mul3A_42, %mul3A_44 : i32
      "tpu.region"() ({
        %run_scoped3A = tpu.sem_alloc : memref<!tpu.dma_semaphore, #tpu.memory_space<semaphore_mem>>
        %dma_start3A = arith.constant 0 : i32
        %dma_start3A_45 = tpu.memref_slice %arg4[%add3A, %dma_start3A] : memref<20000x128xf32, #tpu.memory_space<hbm>> -> memref<640x128xf32, #tpu.memory_space<hbm>>
        %dma_start3A_46 = arith.constant 0 : i32
        %dma_start3A_47 = tpu.memref_slice %arg8[%mul3A_40, %dma_start3A_46] : memref<10000x128xf32, #tpu.memory_space<vmem_shared>> -> memref<640x128xf32, #tpu.memory_space<vmem_shared>>
        tpu.enqueue_dma source(%dma_start3A_47 : memref<640x128xf32, #tpu.memory_space<vmem_shared>>) target(%dma_start3A_45 : memref<640x128xf32, #tpu.memory_space<hbm>>) target_semaphore(%run_scoped3A : memref<!tpu.dma_semaphore, #tpu.memory_space<semaphore_mem>>)
        %dma_wait3A = arith.constant 0 : i32
        %dma_wait3A_48 = tpu.memref_slice %arg4[%add3A, %dma_wait3A] : memref<20000x128xf32, #tpu.memory_space<hbm>> -> memref<640x128xf32, #tpu.memory_space<hbm>>
        %dma_wait3A_49 = arith.constant 0 : i32
        %dma_wait3A_50 = tpu.memref_slice %arg8[%mul3A_40, %dma_wait3A_49] : memref<10000x128xf32, #tpu.memory_space<vmem_shared>> -> memref<640x128xf32, #tpu.memory_space<vmem_shared>>
        tpu.wait_dma2 semaphore(%run_scoped3A : memref<!tpu.dma_semaphore, #tpu.memory_space<semaphore_mem>>) src(%dma_wait3A_50 : memref<640x128xf32, #tpu.memory_space<vmem_shared>>) dst(%dma_wait3A_48 : memref<640x128xf32, #tpu.memory_space<hbm>>)
        tpu.yield
      }) : () -> ()
    } else {
    }
    %eq3A_35 = arith.constant 15 : i32
    %eq3A_36 = arith.cmpi eq, %arg1, %eq3A_35 : i32
    %convert_element_type3A_37 = arith.extui %eq3A_36 : i1 to i32
    %cond3A_38 = arith.constant 0 : i32
    %cond3A_39 = arith.cmpi ne, %convert_element_type3A_37, %cond3A_38 : i32
    scf.if %cond3A_39 {
      %mul3A = arith.constant 10000 : i32
      %mul3A_40 = arith.muli %arg0, %mul3A : i32
      %add3A = arith.constant 9600 : i32
      %add3A_41 = arith.addi %mul3A_40, %add3A : i32
      "tpu.region"() ({
        %run_scoped3A = tpu.sem_alloc : memref<!tpu.dma_semaphore, #tpu.memory_space<semaphore_mem>>
        %dma_start3A = arith.constant 0 : i32
        %dma_start3A_42 = tpu.memref_slice %arg4[%add3A_41, %dma_start3A] : memref<20000x128xf32, #tpu.memory_space<hbm>> -> memref<400x128xf32, #tpu.memory_space<hbm>>
        %dma_start3A_43 = arith.constant 9600 : i32
        %dma_start3A_44 = arith.constant 0 : i32
        %dma_start3A_45 = tpu.memref_slice %arg8[%dma_start3A_43, %dma_start3A_44] : memref<10000x128xf32, #tpu.memory_space<vmem_shared>> -> memref<400x128xf32, #tpu.memory_space<vmem_shared>>
        tpu.enqueue_dma source(%dma_start3A_45 : memref<400x128xf32, #tpu.memory_space<vmem_shared>>) target(%dma_start3A_42 : memref<400x128xf32, #tpu.memory_space<hbm>>) target_semaphore(%run_scoped3A : memref<!tpu.dma_semaphore, #tpu.memory_space<semaphore_mem>>)
        %dma_wait3A = arith.constant 0 : i32
        %dma_wait3A_46 = tpu.memref_slice %arg4[%add3A_41, %dma_wait3A] : memref<20000x128xf32, #tpu.memory_space<hbm>> -> memref<400x128xf32, #tpu.memory_space<hbm>>
        %dma_wait3A_47 = arith.constant 9600 : i32
        %dma_wait3A_48 = arith.constant 0 : i32
        %dma_wait3A_49 = tpu.memref_slice %arg8[%dma_wait3A_47, %dma_wait3A_48] : memref<10000x128xf32, #tpu.memory_space<vmem_shared>> -> memref<400x128xf32, #tpu.memory_space<vmem_shared>>
        tpu.wait_dma2 semaphore(%run_scoped3A : memref<!tpu.dma_semaphore, #tpu.memory_space<semaphore_mem>>) src(%dma_wait3A_49 : memref<400x128xf32, #tpu.memory_space<vmem_shared>>) dst(%dma_wait3A_46 : memref<400x128xf32, #tpu.memory_space<hbm>>)
        tpu.yield
      }) : () -> ()
    } else {
    }
    return
  }
}

#map = affine_map<(d0, d1) -> (0, 0)>
#map1 = affine_map<(d0, d1) -> (0)>
module attributes {stable_mosaic.version = 14 : i64} {
  func.func @prop(%arg0: i32, %arg1: i32, %arg2: memref<40000x128xf32, #tpu.memory_space<hbm>>, %arg3: memref<320000xi32, #tpu.memory_space<hbm>>, %arg4: memref<320000xi32, #tpu.memory_space<hbm>>, %arg5: memref<20000x128xf32, #tpu.memory_space<hbm>>, %arg6: memref<4000xi32, #tpu.memory_space<vmem>>, %arg7: memref<4000xi32, #tpu.memory_space<vmem>>, %arg8: memref<80x128xf32, #tpu.memory_space<vmem>>, %arg9: memref<80x128xf32, #tpu.memory_space<vmem>>, %arg10: memref<80x128xf32, #tpu.memory_space<vmem>>, %arg11: memref<10000x128xf32, #tpu.memory_space<vmem_shared>>, %arg12: memref<!tpu.dma_semaphore, #tpu.memory_space<semaphore_mem>>, %arg13: memref<!tpu.dma_semaphore, #tpu.memory_space<semaphore_mem>>) attributes {dimension_semantics = [#tpu.dimension_semantics<core_parallel>, #tpu.dimension_semantics<subcore_parallel>], iteration_bounds = array<i64: 2, 16>, scalar_prefetch = 0 : i64, scratch_operands = 8 : i64, tpu.core_type = #tpu.core_type<sc_vector_subcore>, window_params = [{transform_indices = #map}, {transform_indices = #map1}, {transform_indices = #map1}, {transform_indices = #map}]} {
    %scan3A = arith.constant 0 : i32
    %scan3A_0 = arith.constant 0 : i32
    %scan3A_1 = arith.constant 80 : i32
    %scan3A_2 = arith.addi %scan3A_0, %scan3A_1 : i32
    %scan3A_3 = arith.constant 1 : i32
    %scan3A_4 = scf.for %scan3A_30 = %scan3A_0 to %scan3A_2 step %scan3A_3 iter_args(%scan3A_31 = %scan3A) -> (i32)  : i32 {
      %broadcast_in_dim3A = arith.constant 0.000000e+00 : f32
      %broadcast_in_dim3A_32 = vector.broadcast %broadcast_in_dim3A : f32 to vector<16xf32>
      %swap3A = arith.index_cast %scan3A_30 : i32 to index
      %swap3A_33 = arith.constant 0 : index
      %swap3A_34 = tpu.vector_load %arg10[%swap3A, %swap3A_33] {strides = array<i32>} : memref<80x128xf32, #tpu.memory_space<vmem>>, vector<1x16xf32>,
      %swap3A_35 = vector.shape_cast %swap3A_34 : vector<1x16xf32> to vector<16xf32>
      %swap3A_36 = vector.shape_cast %broadcast_in_dim3A_32 : vector<16xf32> to vector<1x16xf32>
      tpu.vector_store %arg10[%swap3A, %swap3A_33], %swap3A_36 {strides = array<i32>} : memref<80x128xf32, #tpu.memory_space<vmem>>, vector<1x16xf32>,
      %broadcast_in_dim3A_37 = arith.constant 0.000000e+00 : f32
      %broadcast_in_dim3A_38 = vector.broadcast %broadcast_in_dim3A_37 : f32 to vector<16xf32>
      %swap3A_39 = arith.index_cast %scan3A_30 : i32 to index
      %swap3A_40 = arith.constant 16 : index
      %swap3A_41 = tpu.vector_load %arg10[%swap3A_39, %swap3A_40] {strides = array<i32>} : memref<80x128xf32, #tpu.memory_space<vmem>>, vector<1x16xf32>,
      %swap3A_42 = vector.shape_cast %swap3A_41 : vector<1x16xf32> to vector<16xf32>
      %swap3A_43 = vector.shape_cast %broadcast_in_dim3A_38 : vector<16xf32> to vector<1x16xf32>
      tpu.vector_store %arg10[%swap3A_39, %swap3A_40], %swap3A_43 {strides = array<i32>} : memref<80x128xf32, #tpu.memory_space<vmem>>, vector<1x16xf32>,
      %broadcast_in_dim3A_44 = arith.constant 0.000000e+00 : f32
      %broadcast_in_dim3A_45 = vector.broadcast %broadcast_in_dim3A_44 : f32 to vector<16xf32>
      %swap3A_46 = arith.index_cast %scan3A_30 : i32 to index
      %swap3A_47 = arith.constant 32 : index
      %swap3A_48 = tpu.vector_load %arg10[%swap3A_46, %swap3A_47] {strides = array<i32>} : memref<80x128xf32, #tpu.memory_space<vmem>>, vector<1x16xf32>,
      %swap3A_49 = vector.shape_cast %swap3A_48 : vector<1x16xf32> to vector<16xf32>
      %swap3A_50 = vector.shape_cast %broadcast_in_dim3A_45 : vector<16xf32> to vector<1x16xf32>
      tpu.vector_store %arg10[%swap3A_46, %swap3A_47], %swap3A_50 {strides = array<i32>} : memref<80x128xf32, #tpu.memory_space<vmem>>, vector<1x16xf32>,
      %broadcast_in_dim3A_51 = arith.constant 0.000000e+00 : f32
      %broadcast_in_dim3A_52 = vector.broadcast %broadcast_in_dim3A_51 : f32 to vector<16xf32>
      %swap3A_53 = arith.index_cast %scan3A_30 : i32 to index
      %swap3A_54 = arith.constant 48 : index
      %swap3A_55 = tpu.vector_load %arg10[%swap3A_53, %swap3A_54] {strides = array<i32>} : memref<80x128xf32, #tpu.memory_space<vmem>>, vector<1x16xf32>,
      %swap3A_56 = vector.shape_cast %swap3A_55 : vector<1x16xf32> to vector<16xf32>
      %swap3A_57 = vector.shape_cast %broadcast_in_dim3A_52 : vector<16xf32> to vector<1x16xf32>
      tpu.vector_store %arg10[%swap3A_53, %swap3A_54], %swap3A_57 {strides = array<i32>} : memref<80x128xf32, #tpu.memory_space<vmem>>, vector<1x16xf32>,
      %broadcast_in_dim3A_58 = arith.constant 0.000000e+00 : f32
      %broadcast_in_dim3A_59 = vector.broadcast %broadcast_in_dim3A_58 : f32 to vector<16xf32>
      %swap3A_60 = arith.index_cast %scan3A_30 : i32 to index
      %swap3A_61 = arith.constant 64 : index
      %swap3A_62 = tpu.vector_load %arg10[%swap3A_60, %swap3A_61] {strides = array<i32>} : memref<80x128xf32, #tpu.memory_space<vmem>>, vector<1x16xf32>,
      %swap3A_63 = vector.shape_cast %swap3A_62 : vector<1x16xf32> to vector<16xf32>
      %swap3A_64 = vector.shape_cast %broadcast_in_dim3A_59 : vector<16xf32> to vector<1x16xf32>
      tpu.vector_store %arg10[%swap3A_60, %swap3A_61], %swap3A_64 {strides = array<i32>} : memref<80x128xf32, #tpu.memory_space<vmem>>, vector<1x16xf32>,
      %broadcast_in_dim3A_65 = arith.constant 0.000000e+00 : f32
      %broadcast_in_dim3A_66 = vector.broadcast %broadcast_in_dim3A_65 : f32 to vector<16xf32>
      %swap3A_67 = arith.index_cast %scan3A_30 : i32 to index
      %swap3A_68 = arith.constant 80 : index
      %swap3A_69 = tpu.vector_load %arg10[%swap3A_67, %swap3A_68] {strides = array<i32>} : memref<80x128xf32, #tpu.memory_space<vmem>>, vector<1x16xf32>,
      %swap3A_70 = vector.shape_cast %swap3A_69 : vector<1x16xf32> to vector<16xf32>
      %swap3A_71 = vector.shape_cast %broadcast_in_dim3A_66 : vector<16xf32> to vector<1x16xf32>
      tpu.vector_store %arg10[%swap3A_67, %swap3A_68], %swap3A_71 {strides = array<i32>} : memref<80x128xf32, #tpu.memory_space<vmem>>, vector<1x16xf32>,
      %broadcast_in_dim3A_72 = arith.constant 0.000000e+00 : f32
      %broadcast_in_dim3A_73 = vector.broadcast %broadcast_in_dim3A_72 : f32 to vector<16xf32>
      %swap3A_74 = arith.index_cast %scan3A_30 : i32 to index
      %swap3A_75 = arith.constant 96 : index
      %swap3A_76 = tpu.vector_load %arg10[%swap3A_74, %swap3A_75] {strides = array<i32>} : memref<80x128xf32, #tpu.memory_space<vmem>>, vector<1x16xf32>,
      %swap3A_77 = vector.shape_cast %swap3A_76 : vector<1x16xf32> to vector<16xf32>
      %swap3A_78 = vector.shape_cast %broadcast_in_dim3A_73 : vector<16xf32> to vector<1x16xf32>
      tpu.vector_store %arg10[%swap3A_74, %swap3A_75], %swap3A_78 {strides = array<i32>} : memref<80x128xf32, #tpu.memory_space<vmem>>, vector<1x16xf32>,
      %broadcast_in_dim3A_79 = arith.constant 0.000000e+00 : f32
      %broadcast_in_dim3A_80 = vector.broadcast %broadcast_in_dim3A_79 : f32 to vector<16xf32>
      %swap3A_81 = arith.index_cast %scan3A_30 : i32 to index
      %swap3A_82 = arith.constant 112 : index
      %swap3A_83 = tpu.vector_load %arg10[%swap3A_81, %swap3A_82] {strides = array<i32>} : memref<80x128xf32, #tpu.memory_space<vmem>>, vector<1x16xf32>,
      %swap3A_84 = vector.shape_cast %swap3A_83 : vector<1x16xf32> to vector<16xf32>
      %swap3A_85 = vector.shape_cast %broadcast_in_dim3A_80 : vector<16xf32> to vector<1x16xf32>
      tpu.vector_store %arg10[%swap3A_81, %swap3A_82], %swap3A_85 {strides = array<i32>} : memref<80x128xf32, #tpu.memory_space<vmem>>, vector<1x16xf32>,
      %scan3A_86 = arith.constant 0 : i32
      scf.yield %scan3A_86 : i32
    }
    %scan3A_5 = arith.constant 80 : i32
    %lt3A = arith.constant 15 : i32
    %lt3A_6 = arith.cmpi slt, %arg1, %lt3A : i32
    %convert_element_type3A = arith.extui %lt3A_6 : i1 to i32
    %cond3A = arith.constant 0 : i32
    %cond3A_7 = arith.cmpi ne, %convert_element_type3A, %cond3A : i32
    scf.if %cond3A_7 {
      %mul3A = arith.constant 640 : i32
      %mul3A_30 = arith.muli %arg1, %mul3A : i32
      %add3A = arith.constant 0 : i32
      %add3A_31 = arith.addi %mul3A_30, %add3A : i32
      "tpu.region"() ({
        %run_scoped3A = tpu.sem_alloc : memref<!tpu.dma_semaphore, #tpu.memory_space<semaphore_mem>>
        %dma_start3A = arith.constant 0 : i32
        %dma_start3A_60 = tpu.memref_slice %arg11[%add3A_31, %dma_start3A] : memref<10000x128xf32, #tpu.memory_space<vmem_shared>> -> memref<80x128xf32, #tpu.memory_space<vmem_shared>>
        %dma_start3A_61 = arith.constant 0 : i32
        %dma_start3A_62 = tpu.memref_slice %arg11[%add3A_31, %dma_start3A_61] : memref<10000x128xf32, #tpu.memory_space<vmem_shared>> -> memref<80x128xf32, #tpu.memory_space<vmem_shared>>
        tpu.enqueue_dma source(%arg10 : memref<80x128xf32, #tpu.memory_space<vmem>>) target(%dma_start3A_62 : memref<80x128xf32, #tpu.memory_space<vmem_shared>>) target_semaphore(%run_scoped3A : memref<!tpu.dma_semaphore, #tpu.memory_space<semaphore_mem>>)
        %dma_wait3A = arith.constant 0 : i32
        %dma_wait3A_63 = tpu.memref_slice %arg11[%add3A_31, %dma_wait3A] : memref<10000x128xf32, #tpu.memory_space<vmem_shared>> -> memref<80x128xf32, #tpu.memory_space<vmem_shared>>
        %dma_wait3A_64 = arith.constant 0 : i32
        %dma_wait3A_65 = tpu.memref_slice %arg11[%add3A_31, %dma_wait3A_64] : memref<10000x128xf32, #tpu.memory_space<vmem_shared>> -> memref<80x128xf32, #tpu.memory_space<vmem_shared>>
        tpu.wait_dma2 semaphore(%run_scoped3A : memref<!tpu.dma_semaphore, #tpu.memory_space<semaphore_mem>>) src(%arg10 : memref<80x128xf32, #tpu.memory_space<vmem>>) dst(%dma_wait3A_65 : memref<80x128xf32, #tpu.memory_space<vmem_shared>>)
        tpu.yield
      }) : () -> ()
      %mul3A_32 = arith.constant 640 : i32
      %mul3A_33 = arith.muli %arg1, %mul3A_32 : i32
      %add3A_34 = arith.constant 80 : i32
      %add3A_35 = arith.addi %mul3A_33, %add3A_34 : i32
      "tpu.region"() ({
        %run_scoped3A = tpu.sem_alloc : memref<!tpu.dma_semaphore, #tpu.memory_space<semaphore_mem>>
        %dma_start3A = arith.constant 0 : i32
        %dma_start3A_60 = tpu.memref_slice %arg11[%add3A_35, %dma_start3A] : memref<10000x128xf32, #tpu.memory_space<vmem_shared>> -> memref<80x128xf32, #tpu.memory_space<vmem_shared>>
        %dma_start3A_61 = arith.constant 0 : i32
        %dma_start3A_62 = tpu.memref_slice %arg11[%add3A_35, %dma_start3A_61] : memref<10000x128xf32, #tpu.memory_space<vmem_shared>> -> memref<80x128xf32, #tpu.memory_space<vmem_shared>>
        tpu.enqueue_dma source(%arg10 : memref<80x128xf32, #tpu.memory_space<vmem>>) target(%dma_start3A_62 : memref<80x128xf32, #tpu.memory_space<vmem_shared>>) target_semaphore(%run_scoped3A : memref<!tpu.dma_semaphore, #tpu.memory_space<semaphore_mem>>)
        %dma_wait3A = arith.constant 0 : i32
        %dma_wait3A_63 = tpu.memref_slice %arg11[%add3A_35, %dma_wait3A] : memref<10000x128xf32, #tpu.memory_space<vmem_shared>> -> memref<80x128xf32, #tpu.memory_space<vmem_shared>>
        %dma_wait3A_64 = arith.constant 0 : i32
        %dma_wait3A_65 = tpu.memref_slice %arg11[%add3A_35, %dma_wait3A_64] : memref<10000x128xf32, #tpu.memory_space<vmem_shared>> -> memref<80x128xf32, #tpu.memory_space<vmem_shared>>
        tpu.wait_dma2 semaphore(%run_scoped3A : memref<!tpu.dma_semaphore, #tpu.memory_space<semaphore_mem>>) src(%arg10 : memref<80x128xf32, #tpu.memory_space<vmem>>) dst(%dma_wait3A_65 : memref<80x128xf32, #tpu.memory_space<vmem_shared>>)
        tpu.yield
      }) : () -> ()
      %mul3A_36 = arith.constant 640 : i32
      %mul3A_37 = arith.muli %arg1, %mul3A_36 : i32
      %add3A_38 = arith.constant 160 : i32
      %add3A_39 = arith.addi %mul3A_37, %add3A_38 : i32
      "tpu.region"() ({
        %run_scoped3A = tpu.sem_alloc : memref<!tpu.dma_semaphore, #tpu.memory_space<semaphore_mem>>
        %dma_start3A = arith.constant 0 : i32
        %dma_start3A_60 = tpu.memref_slice %arg11[%add3A_39, %dma_start3A] : memref<10000x128xf32, #tpu.memory_space<vmem_shared>> -> memref<80x128xf32, #tpu.memory_space<vmem_shared>>
        %dma_start3A_61 = arith.constant 0 : i32
        %dma_start3A_62 = tpu.memref_slice %arg11[%add3A_39, %dma_start3A_61] : memref<10000x128xf32, #tpu.memory_space<vmem_shared>> -> memref<80x128xf32, #tpu.memory_space<vmem_shared>>
        tpu.enqueue_dma source(%arg10 : memref<80x128xf32, #tpu.memory_space<vmem>>) target(%dma_start3A_62 : memref<80x128xf32, #tpu.memory_space<vmem_shared>>) target_semaphore(%run_scoped3A : memref<!tpu.dma_semaphore, #tpu.memory_space<semaphore_mem>>)
        %dma_wait3A = arith.constant 0 : i32
        %dma_wait3A_63 = tpu.memref_slice %arg11[%add3A_39, %dma_wait3A] : memref<10000x128xf32, #tpu.memory_space<vmem_shared>> -> memref<80x128xf32, #tpu.memory_space<vmem_shared>>
        %dma_wait3A_64 = arith.constant 0 : i32
        %dma_wait3A_65 = tpu.memref_slice %arg11[%add3A_39, %dma_wait3A_64] : memref<10000x128xf32, #tpu.memory_space<vmem_shared>> -> memref<80x128xf32, #tpu.memory_space<vmem_shared>>
        tpu.wait_dma2 semaphore(%run_scoped3A : memref<!tpu.dma_semaphore, #tpu.memory_space<semaphore_mem>>) src(%arg10 : memref<80x128xf32, #tpu.memory_space<vmem>>) dst(%dma_wait3A_65 : memref<80x128xf32, #tpu.memory_space<vmem_shared>>)
        tpu.yield
      }) : () -> ()
      %mul3A_40 = arith.constant 640 : i32
      %mul3A_41 = arith.muli %arg1, %mul3A_40 : i32
      %add3A_42 = arith.constant 240 : i32
      %add3A_43 = arith.addi %mul3A_41, %add3A_42 : i32
      "tpu.region"() ({
        %run_scoped3A = tpu.sem_alloc : memref<!tpu.dma_semaphore, #tpu.memory_space<semaphore_mem>>
        %dma_start3A = arith.constant 0 : i32
        %dma_start3A_60 = tpu.memref_slice %arg11[%add3A_43, %dma_start3A] : memref<10000x128xf32, #tpu.memory_space<vmem_shared>> -> memref<80x128xf32, #tpu.memory_space<vmem_shared>>
        %dma_start3A_61 = arith.constant 0 : i32
        %dma_start3A_62 = tpu.memref_slice %arg11[%add3A_43, %dma_start3A_61] : memref<10000x128xf32, #tpu.memory_space<vmem_shared>> -> memref<80x128xf32, #tpu.memory_space<vmem_shared>>
        tpu.enqueue_dma source(%arg10 : memref<80x128xf32, #tpu.memory_space<vmem>>) target(%dma_start3A_62 : memref<80x128xf32, #tpu.memory_space<vmem_shared>>) target_semaphore(%run_scoped3A : memref<!tpu.dma_semaphore, #tpu.memory_space<semaphore_mem>>)
        %dma_wait3A = arith.constant 0 : i32
        %dma_wait3A_63 = tpu.memref_slice %arg11[%add3A_43, %dma_wait3A] : memref<10000x128xf32, #tpu.memory_space<vmem_shared>> -> memref<80x128xf32, #tpu.memory_space<vmem_shared>>
        %dma_wait3A_64 = arith.constant 0 : i32
        %dma_wait3A_65 = tpu.memref_slice %arg11[%add3A_43, %dma_wait3A_64] : memref<10000x128xf32, #tpu.memory_space<vmem_shared>> -> memref<80x128xf32, #tpu.memory_space<vmem_shared>>
        tpu.wait_dma2 semaphore(%run_scoped3A : memref<!tpu.dma_semaphore, #tpu.memory_space<semaphore_mem>>) src(%arg10 : memref<80x128xf32, #tpu.memory_space<vmem>>) dst(%dma_wait3A_65 : memref<80x128xf32, #tpu.memory_space<vmem_shared>>)
        tpu.yield
      }) : () -> ()
      %mul3A_44 = arith.constant 640 : i32
      %mul3A_45 = arith.muli %arg1, %mul3A_44 : i32
      %add3A_46 = arith.constant 320 : i32
      %add3A_47 = arith.addi %mul3A_45, %add3A_46 : i32
      "tpu.region"() ({
        %run_scoped3A = tpu.sem_alloc : memref<!tpu.dma_semaphore, #tpu.memory_space<semaphore_mem>>
        %dma_start3A = arith.constant 0 : i32
        %dma_start3A_60 = tpu.memref_slice %arg11[%add3A_47, %dma_start3A] : memref<10000x128xf32, #tpu.memory_space<vmem_shared>> -> memref<80x128xf32, #tpu.memory_space<vmem_shared>>
        %dma_start3A_61 = arith.constant 0 : i32
        %dma_start3A_62 = tpu.memref_slice %arg11[%add3A_47, %dma_start3A_61] : memref<10000x128xf32, #tpu.memory_space<vmem_shared>> -> memref<80x128xf32, #tpu.memory_space<vmem_shared>>
        tpu.enqueue_dma source(%arg10 : memref<80x128xf32, #tpu.memory_space<vmem>>) target(%dma_start3A_62 : memref<80x128xf32, #tpu.memory_space<vmem_shared>>) target_semaphore(%run_scoped3A : memref<!tpu.dma_semaphore, #tpu.memory_space<semaphore_mem>>)
        %dma_wait3A = arith.constant 0 : i32
        %dma_wait3A_63 = tpu.memref_slice %arg11[%add3A_47, %dma_wait3A] : memref<10000x128xf32, #tpu.memory_space<vmem_shared>> -> memref<80x128xf32, #tpu.memory_space<vmem_shared>>
        %dma_wait3A_64 = arith.constant 0 : i32
        %dma_wait3A_65 = tpu.memref_slice %arg11[%add3A_47, %dma_wait3A_64] : memref<10000x128xf32, #tpu.memory_space<vmem_shared>> -> memref<80x128xf32, #tpu.memory_space<vmem_shared>>
        tpu.wait_dma2 semaphore(%run_scoped3A : memref<!tpu.dma_semaphore, #tpu.memory_space<semaphore_mem>>) src(%arg10 : memref<80x128xf32, #tpu.memory_space<vmem>>) dst(%dma_wait3A_65 : memref<80x128xf32, #tpu.memory_space<vmem_shared>>)
        tpu.yield
      }) : () -> ()
      %mul3A_48 = arith.constant 640 : i32
      %mul3A_49 = arith.muli %arg1, %mul3A_48 : i32
      %add3A_50 = arith.constant 400 : i32
      %add3A_51 = arith.addi %mul3A_49, %add3A_50 : i32
      "tpu.region"() ({
        %run_scoped3A = tpu.sem_alloc : memref<!tpu.dma_semaphore, #tpu.memory_space<semaphore_mem>>
        %dma_start3A = arith.constant 0 : i32
        %dma_start3A_60 = tpu.memref_slice %arg11[%add3A_51, %dma_start3A] : memref<10000x128xf32, #tpu.memory_space<vmem_shared>> -> memref<80x128xf32, #tpu.memory_space<vmem_shared>>
        %dma_start3A_61 = arith.constant 0 : i32
        %dma_start3A_62 = tpu.memref_slice %arg11[%add3A_51, %dma_start3A_61] : memref<10000x128xf32, #tpu.memory_space<vmem_shared>> -> memref<80x128xf32, #tpu.memory_space<vmem_shared>>
        tpu.enqueue_dma source(%arg10 : memref<80x128xf32, #tpu.memory_space<vmem>>) target(%dma_start3A_62 : memref<80x128xf32, #tpu.memory_space<vmem_shared>>) target_semaphore(%run_scoped3A : memref<!tpu.dma_semaphore, #tpu.memory_space<semaphore_mem>>)
        %dma_wait3A = arith.constant 0 : i32
        %dma_wait3A_63 = tpu.memref_slice %arg11[%add3A_51, %dma_wait3A] : memref<10000x128xf32, #tpu.memory_space<vmem_shared>> -> memref<80x128xf32, #tpu.memory_space<vmem_shared>>
        %dma_wait3A_64 = arith.constant 0 : i32
        %dma_wait3A_65 = tpu.memref_slice %arg11[%add3A_51, %dma_wait3A_64] : memref<10000x128xf32, #tpu.memory_space<vmem_shared>> -> memref<80x128xf32, #tpu.memory_space<vmem_shared>>
        tpu.wait_dma2 semaphore(%run_scoped3A : memref<!tpu.dma_semaphore, #tpu.memory_space<semaphore_mem>>) src(%arg10 : memref<80x128xf32, #tpu.memory_space<vmem>>) dst(%dma_wait3A_65 : memref<80x128xf32, #tpu.memory_space<vmem_shared>>)
        tpu.yield
      }) : () -> ()
      %mul3A_52 = arith.constant 640 : i32
      %mul3A_53 = arith.muli %arg1, %mul3A_52 : i32
      %add3A_54 = arith.constant 480 : i32
      %add3A_55 = arith.addi %mul3A_53, %add3A_54 : i32
      "tpu.region"() ({
        %run_scoped3A = tpu.sem_alloc : memref<!tpu.dma_semaphore, #tpu.memory_space<semaphore_mem>>
        %dma_start3A = arith.constant 0 : i32
        %dma_start3A_60 = tpu.memref_slice %arg11[%add3A_55, %dma_start3A] : memref<10000x128xf32, #tpu.memory_space<vmem_shared>> -> memref<80x128xf32, #tpu.memory_space<vmem_shared>>
        %dma_start3A_61 = arith.constant 0 : i32
        %dma_start3A_62 = tpu.memref_slice %arg11[%add3A_55, %dma_start3A_61] : memref<10000x128xf32, #tpu.memory_space<vmem_shared>> -> memref<80x128xf32, #tpu.memory_space<vmem_shared>>
        tpu.enqueue_dma source(%arg10 : memref<80x128xf32, #tpu.memory_space<vmem>>) target(%dma_start3A_62 : memref<80x128xf32, #tpu.memory_space<vmem_shared>>) target_semaphore(%run_scoped3A : memref<!tpu.dma_semaphore, #tpu.memory_space<semaphore_mem>>)
        %dma_wait3A = arith.constant 0 : i32
        %dma_wait3A_63 = tpu.memref_slice %arg11[%add3A_55, %dma_wait3A] : memref<10000x128xf32, #tpu.memory_space<vmem_shared>> -> memref<80x128xf32, #tpu.memory_space<vmem_shared>>
        %dma_wait3A_64 = arith.constant 0 : i32
        %dma_wait3A_65 = tpu.memref_slice %arg11[%add3A_55, %dma_wait3A_64] : memref<10000x128xf32, #tpu.memory_space<vmem_shared>> -> memref<80x128xf32, #tpu.memory_space<vmem_shared>>
        tpu.wait_dma2 semaphore(%run_scoped3A : memref<!tpu.dma_semaphore, #tpu.memory_space<semaphore_mem>>) src(%arg10 : memref<80x128xf32, #tpu.memory_space<vmem>>) dst(%dma_wait3A_65 : memref<80x128xf32, #tpu.memory_space<vmem_shared>>)
        tpu.yield
      }) : () -> ()
      %mul3A_56 = arith.constant 640 : i32
      %mul3A_57 = arith.muli %arg1, %mul3A_56 : i32
      %add3A_58 = arith.constant 560 : i32
      %add3A_59 = arith.addi %mul3A_57, %add3A_58 : i32
      "tpu.region"() ({
        %run_scoped3A = tpu.sem_alloc : memref<!tpu.dma_semaphore, #tpu.memory_space<semaphore_mem>>
        %dma_start3A = arith.constant 0 : i32
        %dma_start3A_60 = tpu.memref_slice %arg11[%add3A_59, %dma_start3A] : memref<10000x128xf32, #tpu.memory_space<vmem_shared>> -> memref<80x128xf32, #tpu.memory_space<vmem_shared>>
        %dma_start3A_61 = arith.constant 0 : i32
        %dma_start3A_62 = tpu.memref_slice %arg11[%add3A_59, %dma_start3A_61] : memref<10000x128xf32, #tpu.memory_space<vmem_shared>> -> memref<80x128xf32, #tpu.memory_space<vmem_shared>>
        tpu.enqueue_dma source(%arg10 : memref<80x128xf32, #tpu.memory_space<vmem>>) target(%dma_start3A_62 : memref<80x128xf32, #tpu.memory_space<vmem_shared>>) target_semaphore(%run_scoped3A : memref<!tpu.dma_semaphore, #tpu.memory_space<semaphore_mem>>)
        %dma_wait3A = arith.constant 0 : i32
        %dma_wait3A_63 = tpu.memref_slice %arg11[%add3A_59, %dma_wait3A] : memref<10000x128xf32, #tpu.memory_space<vmem_shared>> -> memref<80x128xf32, #tpu.memory_space<vmem_shared>>
        %dma_wait3A_64 = arith.constant 0 : i32
        %dma_wait3A_65 = tpu.memref_slice %arg11[%add3A_59, %dma_wait3A_64] : memref<10000x128xf32, #tpu.memory_space<vmem_shared>> -> memref<80x128xf32, #tpu.memory_space<vmem_shared>>
        tpu.wait_dma2 semaphore(%run_scoped3A : memref<!tpu.dma_semaphore, #tpu.memory_space<semaphore_mem>>) src(%arg10 : memref<80x128xf32, #tpu.memory_space<vmem>>) dst(%dma_wait3A_65 : memref<80x128xf32, #tpu.memory_space<vmem_shared>>)
        tpu.yield
      }) : () -> ()
    } else {
    }
    %eq3A = arith.constant 15 : i32
    %eq3A_8 = arith.cmpi eq, %arg1, %eq3A : i32
    %convert_element_type3A_9 = arith.extui %eq3A_8 : i1 to i32
    %cond3A_10 = arith.constant 0 : i32
    %cond3A_11 = arith.cmpi ne, %convert_element_type3A_9, %cond3A_10 : i32
    scf.if %cond3A_11 {
      "tpu.region"() ({
        %run_scoped3A = tpu.sem_alloc : memref<!tpu.dma_semaphore, #tpu.memory_space<semaphore_mem>>
        %dma_start3A = arith.constant 9600 : i32
        %dma_start3A_30 = arith.constant 0 : i32
        %dma_start3A_31 = tpu.memref_slice %arg11[%dma_start3A, %dma_start3A_30] : memref<10000x128xf32, #tpu.memory_space<vmem_shared>> -> memref<80x128xf32, #tpu.memory_space<vmem_shared>>
        %dma_start3A_32 = arith.constant 9600 : i32
        %dma_start3A_33 = arith.constant 0 : i32
        %dma_start3A_34 = tpu.memref_slice %arg11[%dma_start3A_32, %dma_start3A_33] : memref<10000x128xf32, #tpu.memory_space<vmem_shared>> -> memref<80x128xf32, #tpu.memory_space<vmem_shared>>
        tpu.enqueue_dma source(%arg10 : memref<80x128xf32, #tpu.memory_space<vmem>>) target(%dma_start3A_34 : memref<80x128xf32, #tpu.memory_space<vmem_shared>>) target_semaphore(%run_scoped3A : memref<!tpu.dma_semaphore, #tpu.memory_space<semaphore_mem>>)
        %dma_wait3A = arith.constant 9600 : i32
        %dma_wait3A_35 = arith.constant 0 : i32
        %dma_wait3A_36 = tpu.memref_slice %arg11[%dma_wait3A, %dma_wait3A_35] : memref<10000x128xf32, #tpu.memory_space<vmem_shared>> -> memref<80x128xf32, #tpu.memory_space<vmem_shared>>
        %dma_wait3A_37 = arith.constant 9600 : i32
        %dma_wait3A_38 = arith.constant 0 : i32
        %dma_wait3A_39 = tpu.memref_slice %arg11[%dma_wait3A_37, %dma_wait3A_38] : memref<10000x128xf32, #tpu.memory_space<vmem_shared>> -> memref<80x128xf32, #tpu.memory_space<vmem_shared>>
        tpu.wait_dma2 semaphore(%run_scoped3A : memref<!tpu.dma_semaphore, #tpu.memory_space<semaphore_mem>>) src(%arg10 : memref<80x128xf32, #tpu.memory_space<vmem>>) dst(%dma_wait3A_39 : memref<80x128xf32, #tpu.memory_space<vmem_shared>>)
        tpu.yield
      }) : () -> ()
      "tpu.region"() ({
        %run_scoped3A = tpu.sem_alloc : memref<!tpu.dma_semaphore, #tpu.memory_space<semaphore_mem>>
        %dma_start3A = arith.constant 9680 : i32
        %dma_start3A_30 = arith.constant 0 : i32
        %dma_start3A_31 = tpu.memref_slice %arg11[%dma_start3A, %dma_start3A_30] : memref<10000x128xf32, #tpu.memory_space<vmem_shared>> -> memref<80x128xf32, #tpu.memory_space<vmem_shared>>
        %dma_start3A_32 = arith.constant 9680 : i32
        %dma_start3A_33 = arith.constant 0 : i32
        %dma_start3A_34 = tpu.memref_slice %arg11[%dma_start3A_32, %dma_start3A_33] : memref<10000x128xf32, #tpu.memory_space<vmem_shared>> -> memref<80x128xf32, #tpu.memory_space<vmem_shared>>
        tpu.enqueue_dma source(%arg10 : memref<80x128xf32, #tpu.memory_space<vmem>>) target(%dma_start3A_34 : memref<80x128xf32, #tpu.memory_space<vmem_shared>>) target_semaphore(%run_scoped3A : memref<!tpu.dma_semaphore, #tpu.memory_space<semaphore_mem>>)
        %dma_wait3A = arith.constant 9680 : i32
        %dma_wait3A_35 = arith.constant 0 : i32
        %dma_wait3A_36 = tpu.memref_slice %arg11[%dma_wait3A, %dma_wait3A_35] : memref<10000x128xf32, #tpu.memory_space<vmem_shared>> -> memref<80x128xf32, #tpu.memory_space<vmem_shared>>
        %dma_wait3A_37 = arith.constant 9680 : i32
        %dma_wait3A_38 = arith.constant 0 : i32
        %dma_wait3A_39 = tpu.memref_slice %arg11[%dma_wait3A_37, %dma_wait3A_38] : memref<10000x128xf32, #tpu.memory_space<vmem_shared>> -> memref<80x128xf32, #tpu.memory_space<vmem_shared>>
        tpu.wait_dma2 semaphore(%run_scoped3A : memref<!tpu.dma_semaphore, #tpu.memory_space<semaphore_mem>>) src(%arg10 : memref<80x128xf32, #tpu.memory_space<vmem>>) dst(%dma_wait3A_39 : memref<80x128xf32, #tpu.memory_space<vmem_shared>>)
        tpu.yield
      }) : () -> ()
      "tpu.region"() ({
        %run_scoped3A = tpu.sem_alloc : memref<!tpu.dma_semaphore, #tpu.memory_space<semaphore_mem>>
        %dma_start3A = arith.constant 9760 : i32
        %dma_start3A_30 = arith.constant 0 : i32
        %dma_start3A_31 = tpu.memref_slice %arg11[%dma_start3A, %dma_start3A_30] : memref<10000x128xf32, #tpu.memory_space<vmem_shared>> -> memref<80x128xf32, #tpu.memory_space<vmem_shared>>
        %dma_start3A_32 = arith.constant 9760 : i32
        %dma_start3A_33 = arith.constant 0 : i32
        %dma_start3A_34 = tpu.memref_slice %arg11[%dma_start3A_32, %dma_start3A_33] : memref<10000x128xf32, #tpu.memory_space<vmem_shared>> -> memref<80x128xf32, #tpu.memory_space<vmem_shared>>
        tpu.enqueue_dma source(%arg10 : memref<80x128xf32, #tpu.memory_space<vmem>>) target(%dma_start3A_34 : memref<80x128xf32, #tpu.memory_space<vmem_shared>>) target_semaphore(%run_scoped3A : memref<!tpu.dma_semaphore, #tpu.memory_space<semaphore_mem>>)
        %dma_wait3A = arith.constant 9760 : i32
        %dma_wait3A_35 = arith.constant 0 : i32
        %dma_wait3A_36 = tpu.memref_slice %arg11[%dma_wait3A, %dma_wait3A_35] : memref<10000x128xf32, #tpu.memory_space<vmem_shared>> -> memref<80x128xf32, #tpu.memory_space<vmem_shared>>
        %dma_wait3A_37 = arith.constant 9760 : i32
        %dma_wait3A_38 = arith.constant 0 : i32
        %dma_wait3A_39 = tpu.memref_slice %arg11[%dma_wait3A_37, %dma_wait3A_38] : memref<10000x128xf32, #tpu.memory_space<vmem_shared>> -> memref<80x128xf32, #tpu.memory_space<vmem_shared>>
        tpu.wait_dma2 semaphore(%run_scoped3A : memref<!tpu.dma_semaphore, #tpu.memory_space<semaphore_mem>>) src(%arg10 : memref<80x128xf32, #tpu.memory_space<vmem>>) dst(%dma_wait3A_39 : memref<80x128xf32, #tpu.memory_space<vmem_shared>>)
        tpu.yield
      }) : () -> ()
      "tpu.region"() ({
        %run_scoped3A = tpu.sem_alloc : memref<!tpu.dma_semaphore, #tpu.memory_space<semaphore_mem>>
        %dma_start3A = arith.constant 9840 : i32
        %dma_start3A_30 = arith.constant 0 : i32
        %dma_start3A_31 = tpu.memref_slice %arg11[%dma_start3A, %dma_start3A_30] : memref<10000x128xf32, #tpu.memory_space<vmem_shared>> -> memref<80x128xf32, #tpu.memory_space<vmem_shared>>
        %dma_start3A_32 = arith.constant 9840 : i32
        %dma_start3A_33 = arith.constant 0 : i32
        %dma_start3A_34 = tpu.memref_slice %arg11[%dma_start3A_32, %dma_start3A_33] : memref<10000x128xf32, #tpu.memory_space<vmem_shared>> -> memref<80x128xf32, #tpu.memory_space<vmem_shared>>
        tpu.enqueue_dma source(%arg10 : memref<80x128xf32, #tpu.memory_space<vmem>>) target(%dma_start3A_34 : memref<80x128xf32, #tpu.memory_space<vmem_shared>>) target_semaphore(%run_scoped3A : memref<!tpu.dma_semaphore, #tpu.memory_space<semaphore_mem>>)
        %dma_wait3A = arith.constant 9840 : i32
        %dma_wait3A_35 = arith.constant 0 : i32
        %dma_wait3A_36 = tpu.memref_slice %arg11[%dma_wait3A, %dma_wait3A_35] : memref<10000x128xf32, #tpu.memory_space<vmem_shared>> -> memref<80x128xf32, #tpu.memory_space<vmem_shared>>
        %dma_wait3A_37 = arith.constant 9840 : i32
        %dma_wait3A_38 = arith.constant 0 : i32
        %dma_wait3A_39 = tpu.memref_slice %arg11[%dma_wait3A_37, %dma_wait3A_38] : memref<10000x128xf32, #tpu.memory_space<vmem_shared>> -> memref<80x128xf32, #tpu.memory_space<vmem_shared>>
        tpu.wait_dma2 semaphore(%run_scoped3A : memref<!tpu.dma_semaphore, #tpu.memory_space<semaphore_mem>>) src(%arg10 : memref<80x128xf32, #tpu.memory_space<vmem>>) dst(%dma_wait3A_39 : memref<80x128xf32, #tpu.memory_space<vmem_shared>>)
        tpu.yield
      }) : () -> ()
      "tpu.region"() ({
        %run_scoped3A = tpu.sem_alloc : memref<!tpu.dma_semaphore, #tpu.memory_space<semaphore_mem>>
        %dma_start3A = arith.constant 9920 : i32
        %dma_start3A_30 = arith.constant 0 : i32
        %dma_start3A_31 = tpu.memref_slice %arg11[%dma_start3A, %dma_start3A_30] : memref<10000x128xf32, #tpu.memory_space<vmem_shared>> -> memref<80x128xf32, #tpu.memory_space<vmem_shared>>
        %dma_start3A_32 = arith.constant 9920 : i32
        %dma_start3A_33 = arith.constant 0 : i32
        %dma_start3A_34 = tpu.memref_slice %arg11[%dma_start3A_32, %dma_start3A_33] : memref<10000x128xf32, #tpu.memory_space<vmem_shared>> -> memref<80x128xf32, #tpu.memory_space<vmem_shared>>
        tpu.enqueue_dma source(%arg10 : memref<80x128xf32, #tpu.memory_space<vmem>>) target(%dma_start3A_34 : memref<80x128xf32, #tpu.memory_space<vmem_shared>>) target_semaphore(%run_scoped3A : memref<!tpu.dma_semaphore, #tpu.memory_space<semaphore_mem>>)
        %dma_wait3A = arith.constant 9920 : i32
        %dma_wait3A_35 = arith.constant 0 : i32
        %dma_wait3A_36 = tpu.memref_slice %arg11[%dma_wait3A, %dma_wait3A_35] : memref<10000x128xf32, #tpu.memory_space<vmem_shared>> -> memref<80x128xf32, #tpu.memory_space<vmem_shared>>
        %dma_wait3A_37 = arith.constant 9920 : i32
        %dma_wait3A_38 = arith.constant 0 : i32
        %dma_wait3A_39 = tpu.memref_slice %arg11[%dma_wait3A_37, %dma_wait3A_38] : memref<10000x128xf32, #tpu.memory_space<vmem_shared>> -> memref<80x128xf32, #tpu.memory_space<vmem_shared>>
        tpu.wait_dma2 semaphore(%run_scoped3A : memref<!tpu.dma_semaphore, #tpu.memory_space<semaphore_mem>>) src(%arg10 : memref<80x128xf32, #tpu.memory_space<vmem>>) dst(%dma_wait3A_39 : memref<80x128xf32, #tpu.memory_space<vmem_shared>>)
        tpu.yield
      }) : () -> ()
    } else {
    }
    %barrier3A = arith.constant 0 : index
    tpu.barrier barrier_id(%barrier3A)
    %scan3A_12 = arith.constant 0 : i32
    %scan3A_13 = arith.constant 0 : i32
    %scan3A_14 = arith.constant 5 : i32
    %scan3A_15 = arith.addi %scan3A_13, %scan3A_14 : i32
    %scan3A_16 = arith.constant 1 : i32
    %scan3A_17 = scf.for %scan3A_30 = %scan3A_13 to %scan3A_15 step %scan3A_16 iter_args(%scan3A_31 = %scan3A_12) -> (i32)  : i32 {
      %mul3A = arith.constant 20000 : i32
      %mul3A_32 = arith.muli %arg1, %mul3A : i32
      %mul3A_33 = arith.constant 4000 : i32
      %mul3A_34 = arith.muli %scan3A_30, %mul3A_33 : i32
      %add3A = arith.addi %mul3A_32, %mul3A_34 : i32
      "tpu.region"() ({
        %run_scoped3A = tpu.sem_alloc : memref<!tpu.dma_semaphore, #tpu.memory_space<semaphore_mem>>
        %dma_start3A_58 = tpu.memref_slice %arg3[%add3A] : memref<320000xi32, #tpu.memory_space<hbm>> -> memref<4000xi32, #tpu.memory_space<hbm>>
        %dma_start3A_59 = tpu.memref_slice %arg3[%add3A] : memref<320000xi32, #tpu.memory_space<hbm>> -> memref<4000xi32, #tpu.memory_space<hbm>>
        tpu.enqueue_dma source(%dma_start3A_59 : memref<4000xi32, #tpu.memory_space<hbm>>) target(%arg6 : memref<4000xi32, #tpu.memory_space<vmem>>) target_semaphore(%run_scoped3A : memref<!tpu.dma_semaphore, #tpu.memory_space<semaphore_mem>>)
        %dma_wait3A = tpu.memref_slice %arg3[%add3A] : memref<320000xi32, #tpu.memory_space<hbm>> -> memref<4000xi32, #tpu.memory_space<hbm>>
        %dma_wait3A_60 = tpu.memref_slice %arg3[%add3A] : memref<320000xi32, #tpu.memory_space<hbm>> -> memref<4000xi32, #tpu.memory_space<hbm>>
        tpu.wait_dma2 semaphore(%run_scoped3A : memref<!tpu.dma_semaphore, #tpu.memory_space<semaphore_mem>>) src(%dma_wait3A_60 : memref<4000xi32, #tpu.memory_space<hbm>>) dst(%arg6 : memref<4000xi32, #tpu.memory_space<vmem>>)
        tpu.yield
      }) : () -> ()
      "tpu.region"() ({
        %run_scoped3A = tpu.sem_alloc : memref<!tpu.dma_semaphore, #tpu.memory_space<semaphore_mem>>
        %dma_start3A_58 = tpu.memref_slice %arg4[%add3A] : memref<320000xi32, #tpu.memory_space<hbm>> -> memref<4000xi32, #tpu.memory_space<hbm>>
        %dma_start3A_59 = tpu.memref_slice %arg4[%add3A] : memref<320000xi32, #tpu.memory_space<hbm>> -> memref<4000xi32, #tpu.memory_space<hbm>>
        tpu.enqueue_dma source(%dma_start3A_59 : memref<4000xi32, #tpu.memory_space<hbm>>) target(%arg7 : memref<4000xi32, #tpu.memory_space<vmem>>) target_semaphore(%run_scoped3A : memref<!tpu.dma_semaphore, #tpu.memory_space<semaphore_mem>>)
        %dma_wait3A = tpu.memref_slice %arg4[%add3A] : memref<320000xi32, #tpu.memory_space<hbm>> -> memref<4000xi32, #tpu.memory_space<hbm>>
        %dma_wait3A_60 = tpu.memref_slice %arg4[%add3A] : memref<320000xi32, #tpu.memory_space<hbm>> -> memref<4000xi32, #tpu.memory_space<hbm>>
        tpu.wait_dma2 semaphore(%run_scoped3A : memref<!tpu.dma_semaphore, #tpu.memory_space<semaphore_mem>>) src(%dma_wait3A_60 : memref<4000xi32, #tpu.memory_space<hbm>>) dst(%arg7 : memref<4000xi32, #tpu.memory_space<vmem>>)
        tpu.yield
      }) : () -> ()
      %mul3A_35 = arith.constant 10000 : i32
      %mul3A_36 = arith.muli %arg0, %mul3A_35 : i32
      %add3A_37 = arith.constant 20000 : i32
      %add3A_38 = arith.addi %add3A_37, %mul3A_36 : i32
      %broadcast_in_dim3A = vector.broadcast %add3A_38 : i32 to vector<16xi32>
      %scan3A_39 = arith.constant 0 : i32
      %scan3A_40 = arith.constant 0 : i32
      %scan3A_41 = arith.constant 250 : i32
      %scan3A_42 = arith.addi %scan3A_40, %scan3A_41 : i32
      %scan3A_43 = arith.constant 1 : i32
      %scan3A_44 = scf.for %scan3A_58 = %scan3A_40 to %scan3A_42 step %scan3A_43 iter_args(%scan3A_59 = %scan3A_39) -> (i32)  : i32 {
        %mul3A_60 = arith.constant 16 : i32
        %mul3A_61 = arith.muli %scan3A_58, %mul3A_60 : i32
        %get3A = arith.index_cast %mul3A_61 : i32 to index
        %get3A_62 = tpu.vector_load %arg6[%get3A] {strides = array<i32>} : memref<4000xi32, #tpu.memory_space<vmem>>, vector<16xi32>,
        %get3A_63 = vector.shape_cast %get3A_62 : vector<16xi32> to vector<16xi32>
        %add3A_64 = arith.addi %get3A_63, %broadcast_in_dim3A : vector<16xi32>
        %mul3A_65 = arith.constant 16 : i32
        %mul3A_66 = arith.muli %scan3A_58, %mul3A_65 : i32
        %swap3A = arith.index_cast %mul3A_66 : i32 to index
        %swap3A_67 = tpu.vector_load %arg6[%swap3A] {strides = array<i32>} : memref<4000xi32, #tpu.memory_space<vmem>>, vector<16xi32>,
        %swap3A_68 = vector.shape_cast %swap3A_67 : vector<16xi32> to vector<16xi32>
        %swap3A_69 = vector.shape_cast %add3A_64 : vector<16xi32> to vector<16xi32>
        tpu.vector_store %arg6[%swap3A], %swap3A_69 {strides = array<i32>} : memref<4000xi32, #tpu.memory_space<vmem>>, vector<16xi32>,
        %scan3A_70 = arith.constant 0 : i32
        scf.yield %scan3A_70 : i32
      }
      %scan3A_45 = arith.constant 250 : i32
      %dma_start3A = arith.constant 0 : i32
      %dma_start3A_46 = tpu.memref_slice %arg6[%dma_start3A] : memref<4000xi32, #tpu.memory_space<vmem>> -> memref<80xi32, #tpu.memory_space<vmem>>
      %dma_start3A_47 = arith.constant 0 : i32
      %dma_start3A_48 = arith.constant 0 : i32
      %dma_start3A_49 = tpu.memref_slice %arg2[%dma_start3A_47, %dma_start3A_48] : memref<40000x128xf32, #tpu.memory_space<hbm>> -> memref<40000x128xf32, #tpu.memory_space<hbm>>
      tpu.enqueue_indirect_dma source(%dma_start3A_49 : memref<40000x128xf32, #tpu.memory_space<hbm>>) target(%arg8 : memref<80x128xf32, #tpu.memory_space<vmem>>) offsets(%dma_start3A_46 : memref<80xi32, #tpu.memory_space<vmem>>) semaphore(%arg12 : memref<!tpu.dma_semaphore, #tpu.memory_space<semaphore_mem>>)
      %scan3A_50 = arith.constant 0 : i32
      %scan3A_51 = arith.constant 0 : i32
      %scan3A_52 = arith.constant 25 : i32
      %scan3A_53 = arith.addi %scan3A_51, %scan3A_52 : i32
      %scan3A_54 = arith.constant 1 : i32
      %scan3A_55 = scf.for %scan3A_58 = %scan3A_51 to %scan3A_53 step %scan3A_54 iter_args(%scan3A_59 = %scan3A_50) -> (i32)  : i32 {
        %mul3A_60 = arith.constant 2 : i32
        %mul3A_61 = arith.muli %mul3A_60, %scan3A_58 : i32
        %add3A_62 = arith.constant 1 : i32
        %add3A_63 = arith.addi %mul3A_61, %add3A_62 : i32
        %mul3A_64 = arith.constant 80 : i32
        %mul3A_65 = arith.muli %add3A_63, %mul3A_64 : i32
        %dma_start3A_66 = tpu.memref_slice %arg6[%mul3A_65] : memref<4000xi32, #tpu.memory_space<vmem>> -> memref<80xi32, #tpu.memory_space<vmem>>
        %dma_start3A_67 = arith.constant 0 : i32
        %dma_start3A_68 = arith.constant 0 : i32
        %dma_start3A_69 = tpu.memref_slice %arg2[%dma_start3A_67, %dma_start3A_68] : memref<40000x128xf32, #tpu.memory_space<hbm>> -> memref<40000x128xf32, #tpu.memory_space<hbm>>
        tpu.enqueue_indirect_dma source(%dma_start3A_69 : memref<40000x128xf32, #tpu.memory_space<hbm>>) target(%arg9 : memref<80x128xf32, #tpu.memory_space<vmem>>) offsets(%dma_start3A_66 : memref<80xi32, #tpu.memory_space<vmem>>) semaphore(%arg13 : memref<!tpu.dma_semaphore, #tpu.memory_space<semaphore_mem>>)
        %mul3A_70 = arith.constant 80 : i32
        %mul3A_71 = arith.muli %mul3A_61, %mul3A_70 : i32
        %dma_wait3A = tpu.memref_slice %arg6[%mul3A_71] : memref<4000xi32, #tpu.memory_space<vmem>> -> memref<80xi32, #tpu.memory_space<vmem>>
        %dma_wait3A_72 = arith.constant 0 : i32
        %dma_wait3A_73 = arith.constant 0 : i32
        %dma_wait3A_74 = tpu.memref_slice %arg2[%dma_wait3A_72, %dma_wait3A_73] : memref<40000x128xf32, #tpu.memory_space<hbm>> -> memref<40000x128xf32, #tpu.memory_space<hbm>>
        tpu.wait_indirect_dma semaphore(%arg12 : memref<!tpu.dma_semaphore, #tpu.memory_space<semaphore_mem>>) src(%dma_wait3A_74 : memref<40000x128xf32, #tpu.memory_space<hbm>>) dst(%arg8 : memref<80x128xf32, #tpu.memory_space<vmem>>)
        %mul3A_75 = arith.constant 80 : i32
        %mul3A_76 = arith.muli %mul3A_61, %mul3A_75 : i32
        "tpu.region"() ({
          %run_scoped3A = tpu.sem_alloc : memref<!tpu.dma_semaphore, #tpu.memory_space<semaphore_mem>>
          %dma_start3A_97 = tpu.memref_slice %arg7[%mul3A_76] : memref<4000xi32, #tpu.memory_space<vmem>> -> memref<80xi32, #tpu.memory_space<vmem>>
          %dma_start3A_98 = arith.constant 0 : i32
          %dma_start3A_99 = arith.constant 0 : i32
          %dma_start3A_100 = tpu.memref_slice %arg11[%dma_start3A_98, %dma_start3A_99] : memref<10000x128xf32, #tpu.memory_space<vmem_shared>> -> memref<10000x128xf32, #tpu.memory_space<vmem_shared>>
          tpu.enqueue_indirect_dma source(%arg8 : memref<80x128xf32, #tpu.memory_space<vmem>>) target(%dma_start3A_100 : memref<10000x128xf32, #tpu.memory_space<vmem_shared>>) offsets(%dma_start3A_97 : memref<80xi32, #tpu.memory_space<vmem>>) semaphore(%run_scoped3A : memref<!tpu.dma_semaphore, #tpu.memory_space<semaphore_mem>>) {add = true}
          %dma_wait3A_101 = tpu.memref_slice %arg7[%mul3A_76] : memref<4000xi32, #tpu.memory_space<vmem>> -> memref<80xi32, #tpu.memory_space<vmem>>
          %dma_wait3A_102 = arith.constant 0 : i32
          %dma_wait3A_103 = arith.constant 0 : i32
          %dma_wait3A_104 = tpu.memref_slice %arg11[%dma_wait3A_102, %dma_wait3A_103] : memref<10000x128xf32, #tpu.memory_space<vmem_shared>> -> memref<10000x128xf32, #tpu.memory_space<vmem_shared>>
          tpu.wait_indirect_dma semaphore(%run_scoped3A : memref<!tpu.dma_semaphore, #tpu.memory_space<semaphore_mem>>) src(%arg8 : memref<80x128xf32, #tpu.memory_space<vmem>>) dst(%dma_wait3A_104 : memref<10000x128xf32, #tpu.memory_space<vmem_shared>>)
          tpu.yield
        }) : () -> ()
        %add3A_77 = arith.constant 1 : i32
        %add3A_78 = arith.addi %scan3A_58, %add3A_77 : i32
        %lt3A_79 = arith.constant 25 : i32
        %lt3A_80 = arith.cmpi slt, %add3A_78, %lt3A_79 : i32
        %convert_element_type3A_81 = arith.extui %lt3A_80 : i1 to i32
        %cond3A_82 = arith.constant 0 : i32
        %cond3A_83 = arith.cmpi ne, %convert_element_type3A_81, %cond3A_82 : i32
        scf.if %cond3A_83 {
          %add3A_97 = arith.constant 2 : i32
          %add3A_98 = arith.addi %mul3A_61, %add3A_97 : i32
          %mul3A_99 = arith.constant 80 : i32
          %mul3A_100 = arith.muli %add3A_98, %mul3A_99 : i32
          %dma_start3A_101 = tpu.memref_slice %arg6[%mul3A_100] : memref<4000xi32, #tpu.memory_space<vmem>> -> memref<80xi32, #tpu.memory_space<vmem>>
          %dma_start3A_102 = arith.constant 0 : i32
          %dma_start3A_103 = arith.constant 0 : i32
          %dma_start3A_104 = tpu.memref_slice %arg2[%dma_start3A_102, %dma_start3A_103] : memref<40000x128xf32, #tpu.memory_space<hbm>> -> memref<40000x128xf32, #tpu.memory_space<hbm>>
          tpu.enqueue_indirect_dma source(%dma_start3A_104 : memref<40000x128xf32, #tpu.memory_space<hbm>>) target(%arg8 : memref<80x128xf32, #tpu.memory_space<vmem>>) offsets(%dma_start3A_101 : memref<80xi32, #tpu.memory_space<vmem>>) semaphore(%arg12 : memref<!tpu.dma_semaphore, #tpu.memory_space<semaphore_mem>>)
        } else {
        }
        %add3A_84 = arith.constant 1 : i32
        %add3A_85 = arith.addi %mul3A_61, %add3A_84 : i32
        %mul3A_86 = arith.constant 80 : i32
        %mul3A_87 = arith.muli %add3A_85, %mul3A_86 : i32
        %dma_wait3A_88 = tpu.memref_slice %arg6[%mul3A_87] : memref<4000xi32, #tpu.memory_space<vmem>> -> memref<80xi32, #tpu.memory_space<vmem>>
        %dma_wait3A_89 = arith.constant 0 : i32
        %dma_wait3A_90 = arith.constant 0 : i32
        %dma_wait3A_91 = tpu.memref_slice %arg2[%dma_wait3A_89, %dma_wait3A_90] : memref<40000x128xf32, #tpu.memory_space<hbm>> -> memref<40000x128xf32, #tpu.memory_space<hbm>>
        tpu.wait_indirect_dma semaphore(%arg13 : memref<!tpu.dma_semaphore, #tpu.memory_space<semaphore_mem>>) src(%dma_wait3A_91 : memref<40000x128xf32, #tpu.memory_space<hbm>>) dst(%arg9 : memref<80x128xf32, #tpu.memory_space<vmem>>)
        %add3A_92 = arith.constant 1 : i32
        %add3A_93 = arith.addi %mul3A_61, %add3A_92 : i32
        %mul3A_94 = arith.constant 80 : i32
        %mul3A_95 = arith.muli %add3A_93, %mul3A_94 : i32
        "tpu.region"() ({
          %run_scoped3A = tpu.sem_alloc : memref<!tpu.dma_semaphore, #tpu.memory_space<semaphore_mem>>
          %dma_start3A_97 = tpu.memref_slice %arg7[%mul3A_95] : memref<4000xi32, #tpu.memory_space<vmem>> -> memref<80xi32, #tpu.memory_space<vmem>>
          %dma_start3A_98 = arith.constant 0 : i32
          %dma_start3A_99 = arith.constant 0 : i32
          %dma_start3A_100 = tpu.memref_slice %arg11[%dma_start3A_98, %dma_start3A_99] : memref<10000x128xf32, #tpu.memory_space<vmem_shared>> -> memref<10000x128xf32, #tpu.memory_space<vmem_shared>>
          tpu.enqueue_indirect_dma source(%arg9 : memref<80x128xf32, #tpu.memory_space<vmem>>) target(%dma_start3A_100 : memref<10000x128xf32, #tpu.memory_space<vmem_shared>>) offsets(%dma_start3A_97 : memref<80xi32, #tpu.memory_space<vmem>>) semaphore(%run_scoped3A : memref<!tpu.dma_semaphore, #tpu.memory_space<semaphore_mem>>) {add = true}
          %dma_wait3A_101 = tpu.memref_slice %arg7[%mul3A_95] : memref<4000xi32, #tpu.memory_space<vmem>> -> memref<80xi32, #tpu.memory_space<vmem>>
          %dma_wait3A_102 = arith.constant 0 : i32
          %dma_wait3A_103 = arith.constant 0 : i32
          %dma_wait3A_104 = tpu.memref_slice %arg11[%dma_wait3A_102, %dma_wait3A_103] : memref<10000x128xf32, #tpu.memory_space<vmem_shared>> -> memref<10000x128xf32, #tpu.memory_space<vmem_shared>>
          tpu.wait_indirect_dma semaphore(%run_scoped3A : memref<!tpu.dma_semaphore, #tpu.memory_space<semaphore_mem>>) src(%arg9 : memref<80x128xf32, #tpu.memory_space<vmem>>) dst(%dma_wait3A_104 : memref<10000x128xf32, #tpu.memory_space<vmem_shared>>)
          tpu.yield
        }) : () -> ()
        %scan3A_96 = arith.constant 0 : i32
        scf.yield %scan3A_96 : i32
      }
      %scan3A_56 = arith.constant 25 : i32
      %scan3A_57 = arith.constant 0 : i32
      scf.yield %scan3A_57 : i32
    }
    %scan3A_18 = arith.constant 5 : i32
    %barrier3A_19 = arith.constant 0 : index
    tpu.barrier barrier_id(%barrier3A_19)
    %lt3A_20 = arith.constant 15 : i32
    %lt3A_21 = arith.cmpi slt, %arg1, %lt3A_20 : i32
    %convert_element_type3A_22 = arith.extui %lt3A_21 : i1 to i32
    %cond3A_23 = arith.constant 0 : i32
    %cond3A_24 = arith.cmpi ne, %convert_element_type3A_22, %cond3A_23 : i32
    scf.if %cond3A_24 {
      %mul3A = arith.constant 640 : i32
      %mul3A_30 = arith.muli %arg1, %mul3A : i32
      %mul3A_31 = arith.constant 10000 : i32
      %mul3A_32 = arith.muli %arg0, %mul3A_31 : i32
      %mul3A_33 = arith.constant 640 : i32
      %mul3A_34 = arith.muli %arg1, %mul3A_33 : i32
      %add3A = arith.addi %mul3A_32, %mul3A_34 : i32
      "tpu.region"() ({
        %run_scoped3A = tpu.sem_alloc : memref<!tpu.dma_semaphore, #tpu.memory_space<semaphore_mem>>
        %dma_start3A = arith.constant 0 : i32
        %dma_start3A_35 = tpu.memref_slice %arg5[%add3A, %dma_start3A] : memref<20000x128xf32, #tpu.memory_space<hbm>> -> memref<640x128xf32, #tpu.memory_space<hbm>>
        %dma_start3A_36 = arith.constant 0 : i32
        %dma_start3A_37 = tpu.memref_slice %arg11[%mul3A_30, %dma_start3A_36] : memref<10000x128xf32, #tpu.memory_space<vmem_shared>> -> memref<640x128xf32, #tpu.memory_space<vmem_shared>>
        tpu.enqueue_dma source(%dma_start3A_37 : memref<640x128xf32, #tpu.memory_space<vmem_shared>>) target(%dma_start3A_35 : memref<640x128xf32, #tpu.memory_space<hbm>>) target_semaphore(%run_scoped3A : memref<!tpu.dma_semaphore, #tpu.memory_space<semaphore_mem>>)
        %dma_wait3A = arith.constant 0 : i32
        %dma_wait3A_38 = tpu.memref_slice %arg5[%add3A, %dma_wait3A] : memref<20000x128xf32, #tpu.memory_space<hbm>> -> memref<640x128xf32, #tpu.memory_space<hbm>>
        %dma_wait3A_39 = arith.constant 0 : i32
        %dma_wait3A_40 = tpu.memref_slice %arg11[%mul3A_30, %dma_wait3A_39] : memref<10000x128xf32, #tpu.memory_space<vmem_shared>> -> memref<640x128xf32, #tpu.memory_space<vmem_shared>>
        tpu.wait_dma2 semaphore(%run_scoped3A : memref<!tpu.dma_semaphore, #tpu.memory_space<semaphore_mem>>) src(%dma_wait3A_40 : memref<640x128xf32, #tpu.memory_space<vmem_shared>>) dst(%dma_wait3A_38 : memref<640x128xf32, #tpu.memory_space<hbm>>)
        tpu.yield
      }) : () -> ()
    } else {
    }
    %eq3A_25 = arith.constant 15 : i32
    %eq3A_26 = arith.cmpi eq, %arg1, %eq3A_25 : i32
    %convert_element_type3A_27 = arith.extui %eq3A_26 : i1 to i32
    %cond3A_28 = arith.constant 0 : i32
    %cond3A_29 = arith.cmpi ne, %convert_element_type3A_27, %cond3A_28 : i32
    scf.if %cond3A_29 {
      %mul3A = arith.constant 10000 : i32
      %mul3A_30 = arith.muli %arg0, %mul3A : i32
      %add3A = arith.constant 9600 : i32
      %add3A_31 = arith.addi %mul3A_30, %add3A : i32
      "tpu.region"() ({
        %run_scoped3A = tpu.sem_alloc : memref<!tpu.dma_semaphore, #tpu.memory_space<semaphore_mem>>
        %dma_start3A = arith.constant 0 : i32
        %dma_start3A_32 = tpu.memref_slice %arg5[%add3A_31, %dma_start3A] : memref<20000x128xf32, #tpu.memory_space<hbm>> -> memref<400x128xf32, #tpu.memory_space<hbm>>
        %dma_start3A_33 = arith.constant 9600 : i32
        %dma_start3A_34 = arith.constant 0 : i32
        %dma_start3A_35 = tpu.memref_slice %arg11[%dma_start3A_33, %dma_start3A_34] : memref<10000x128xf32, #tpu.memory_space<vmem_shared>> -> memref<400x128xf32, #tpu.memory_space<vmem_shared>>
        tpu.enqueue_dma source(%dma_start3A_35 : memref<400x128xf32, #tpu.memory_space<vmem_shared>>) target(%dma_start3A_32 : memref<400x128xf32, #tpu.memory_space<hbm>>) target_semaphore(%run_scoped3A : memref<!tpu.dma_semaphore, #tpu.memory_space<semaphore_mem>>)
        %dma_wait3A = arith.constant 0 : i32
        %dma_wait3A_36 = tpu.memref_slice %arg5[%add3A_31, %dma_wait3A] : memref<20000x128xf32, #tpu.memory_space<hbm>> -> memref<400x128xf32, #tpu.memory_space<hbm>>
        %dma_wait3A_37 = arith.constant 9600 : i32
        %dma_wait3A_38 = arith.constant 0 : i32
        %dma_wait3A_39 = tpu.memref_slice %arg11[%dma_wait3A_37, %dma_wait3A_38] : memref<10000x128xf32, #tpu.memory_space<vmem_shared>> -> memref<400x128xf32, #tpu.memory_space<vmem_shared>>
        tpu.wait_dma2 semaphore(%run_scoped3A : memref<!tpu.dma_semaphore, #tpu.memory_space<semaphore_mem>>) src(%dma_wait3A_39 : memref<400x128xf32, #tpu.memory_space<vmem_shared>>) dst(%dma_wait3A_36 : memref<400x128xf32, #tpu.memory_space<hbm>>)
        tpu.yield
      }) : () -> ()
    } else {
    }
    return
  }
}

#map = affine_map<(d0, d1) -> (0, 0)>
#map1 = affine_map<(d0, d1) -> (0)>
module attributes {stable_mosaic.version = 14 : i64} {
  func.func @_prop1(%arg0: i32, %arg1: i32, %arg2: memref<20000x128xf32, #tpu.memory_space<hbm>>, %arg3: memref<320000xi32, #tpu.memory_space<hbm>>, %arg4: memref<320000xi32, #tpu.memory_space<hbm>>, %arg5: memref<320000xi32, #tpu.memory_space<hbm>>, %arg6: memref<320000xi32, #tpu.memory_space<hbm>>, %arg7: memref<20000x128xf32, #tpu.memory_space<hbm>>, %arg8: memref<4000xi32, #tpu.memory_space<vmem>>, %arg9: memref<4000xi32, #tpu.memory_space<vmem>>, %arg10: memref<80x128xf32, #tpu.memory_space<vmem>>, %arg11: memref<80x128xf32, #tpu.memory_space<vmem>>, %arg12: memref<80x128xf32, #tpu.memory_space<vmem>>, %arg13: memref<10000x128xf32, #tpu.memory_space<vmem_shared>>, %arg14: memref<!tpu.dma_semaphore, #tpu.memory_space<semaphore_mem>>, %arg15: memref<!tpu.dma_semaphore, #tpu.memory_space<semaphore_mem>>) attributes {dimension_semantics = [#tpu.dimension_semantics<core_parallel>, #tpu.dimension_semantics<subcore_parallel>], iteration_bounds = array<i64: 2, 16>, scalar_prefetch = 0 : i64, scratch_operands = 8 : i64, tpu.core_type = #tpu.core_type<sc_vector_subcore>, window_params = [{transform_indices = #map}, {transform_indices = #map1}, {transform_indices = #map1}, {transform_indices = #map1}, {transform_indices = #map1}, {transform_indices = #map}]} {
    %scan3A = arith.constant 0 : i32
    %scan3A_0 = arith.constant 0 : i32
    %scan3A_1 = arith.constant 80 : i32
    %scan3A_2 = arith.addi %scan3A_0, %scan3A_1 : i32
    %scan3A_3 = arith.constant 1 : i32
    %scan3A_4 = scf.for %scan3A_30 = %scan3A_0 to %scan3A_2 step %scan3A_3 iter_args(%scan3A_31 = %scan3A) -> (i32)  : i32 {
      %broadcast_in_dim3A = arith.constant 0.000000e+00 : f32
      %broadcast_in_dim3A_32 = vector.broadcast %broadcast_in_dim3A : f32 to vector<16xf32>
      %swap3A = arith.index_cast %scan3A_30 : i32 to index
      %swap3A_33 = arith.constant 0 : index
      %swap3A_34 = tpu.vector_load %arg12[%swap3A, %swap3A_33] {strides = array<i32>} : memref<80x128xf32, #tpu.memory_space<vmem>>, vector<1x16xf32>,
      %swap3A_35 = vector.shape_cast %swap3A_34 : vector<1x16xf32> to vector<16xf32>
      %swap3A_36 = vector.shape_cast %broadcast_in_dim3A_32 : vector<16xf32> to vector<1x16xf32>
      tpu.vector_store %arg12[%swap3A, %swap3A_33], %swap3A_36 {strides = array<i32>} : memref<80x128xf32, #tpu.memory_space<vmem>>, vector<1x16xf32>,
      %broadcast_in_dim3A_37 = arith.constant 0.000000e+00 : f32
      %broadcast_in_dim3A_38 = vector.broadcast %broadcast_in_dim3A_37 : f32 to vector<16xf32>
      %swap3A_39 = arith.index_cast %scan3A_30 : i32 to index
      %swap3A_40 = arith.constant 16 : index
      %swap3A_41 = tpu.vector_load %arg12[%swap3A_39, %swap3A_40] {strides = array<i32>} : memref<80x128xf32, #tpu.memory_space<vmem>>, vector<1x16xf32>,
      %swap3A_42 = vector.shape_cast %swap3A_41 : vector<1x16xf32> to vector<16xf32>
      %swap3A_43 = vector.shape_cast %broadcast_in_dim3A_38 : vector<16xf32> to vector<1x16xf32>
      tpu.vector_store %arg12[%swap3A_39, %swap3A_40], %swap3A_43 {strides = array<i32>} : memref<80x128xf32, #tpu.memory_space<vmem>>, vector<1x16xf32>,
      %broadcast_in_dim3A_44 = arith.constant 0.000000e+00 : f32
      %broadcast_in_dim3A_45 = vector.broadcast %broadcast_in_dim3A_44 : f32 to vector<16xf32>
      %swap3A_46 = arith.index_cast %scan3A_30 : i32 to index
      %swap3A_47 = arith.constant 32 : index
      %swap3A_48 = tpu.vector_load %arg12[%swap3A_46, %swap3A_47] {strides = array<i32>} : memref<80x128xf32, #tpu.memory_space<vmem>>, vector<1x16xf32>,
      %swap3A_49 = vector.shape_cast %swap3A_48 : vector<1x16xf32> to vector<16xf32>
      %swap3A_50 = vector.shape_cast %broadcast_in_dim3A_45 : vector<16xf32> to vector<1x16xf32>
      tpu.vector_store %arg12[%swap3A_46, %swap3A_47], %swap3A_50 {strides = array<i32>} : memref<80x128xf32, #tpu.memory_space<vmem>>, vector<1x16xf32>,
      %broadcast_in_dim3A_51 = arith.constant 0.000000e+00 : f32
      %broadcast_in_dim3A_52 = vector.broadcast %broadcast_in_dim3A_51 : f32 to vector<16xf32>
      %swap3A_53 = arith.index_cast %scan3A_30 : i32 to index
      %swap3A_54 = arith.constant 48 : index
      %swap3A_55 = tpu.vector_load %arg12[%swap3A_53, %swap3A_54] {strides = array<i32>} : memref<80x128xf32, #tpu.memory_space<vmem>>, vector<1x16xf32>,
      %swap3A_56 = vector.shape_cast %swap3A_55 : vector<1x16xf32> to vector<16xf32>
      %swap3A_57 = vector.shape_cast %broadcast_in_dim3A_52 : vector<16xf32> to vector<1x16xf32>
      tpu.vector_store %arg12[%swap3A_53, %swap3A_54], %swap3A_57 {strides = array<i32>} : memref<80x128xf32, #tpu.memory_space<vmem>>, vector<1x16xf32>,
      %broadcast_in_dim3A_58 = arith.constant 0.000000e+00 : f32
      %broadcast_in_dim3A_59 = vector.broadcast %broadcast_in_dim3A_58 : f32 to vector<16xf32>
      %swap3A_60 = arith.index_cast %scan3A_30 : i32 to index
      %swap3A_61 = arith.constant 64 : index
      %swap3A_62 = tpu.vector_load %arg12[%swap3A_60, %swap3A_61] {strides = array<i32>} : memref<80x128xf32, #tpu.memory_space<vmem>>, vector<1x16xf32>,
      %swap3A_63 = vector.shape_cast %swap3A_62 : vector<1x16xf32> to vector<16xf32>
      %swap3A_64 = vector.shape_cast %broadcast_in_dim3A_59 : vector<16xf32> to vector<1x16xf32>
      tpu.vector_store %arg12[%swap3A_60, %swap3A_61], %swap3A_64 {strides = array<i32>} : memref<80x128xf32, #tpu.memory_space<vmem>>, vector<1x16xf32>,
      %broadcast_in_dim3A_65 = arith.constant 0.000000e+00 : f32
      %broadcast_in_dim3A_66 = vector.broadcast %broadcast_in_dim3A_65 : f32 to vector<16xf32>
      %swap3A_67 = arith.index_cast %scan3A_30 : i32 to index
      %swap3A_68 = arith.constant 80 : index
      %swap3A_69 = tpu.vector_load %arg12[%swap3A_67, %swap3A_68] {strides = array<i32>} : memref<80x128xf32, #tpu.memory_space<vmem>>, vector<1x16xf32>,
      %swap3A_70 = vector.shape_cast %swap3A_69 : vector<1x16xf32> to vector<16xf32>
      %swap3A_71 = vector.shape_cast %broadcast_in_dim3A_66 : vector<16xf32> to vector<1x16xf32>
      tpu.vector_store %arg12[%swap3A_67, %swap3A_68], %swap3A_71 {strides = array<i32>} : memref<80x128xf32, #tpu.memory_space<vmem>>, vector<1x16xf32>,
      %broadcast_in_dim3A_72 = arith.constant 0.000000e+00 : f32
      %broadcast_in_dim3A_73 = vector.broadcast %broadcast_in_dim3A_72 : f32 to vector<16xf32>
      %swap3A_74 = arith.index_cast %scan3A_30 : i32 to index
      %swap3A_75 = arith.constant 96 : index
      %swap3A_76 = tpu.vector_load %arg12[%swap3A_74, %swap3A_75] {strides = array<i32>} : memref<80x128xf32, #tpu.memory_space<vmem>>, vector<1x16xf32>,
      %swap3A_77 = vector.shape_cast %swap3A_76 : vector<1x16xf32> to vector<16xf32>
      %swap3A_78 = vector.shape_cast %broadcast_in_dim3A_73 : vector<16xf32> to vector<1x16xf32>
      tpu.vector_store %arg12[%swap3A_74, %swap3A_75], %swap3A_78 {strides = array<i32>} : memref<80x128xf32, #tpu.memory_space<vmem>>, vector<1x16xf32>,
      %broadcast_in_dim3A_79 = arith.constant 0.000000e+00 : f32
      %broadcast_in_dim3A_80 = vector.broadcast %broadcast_in_dim3A_79 : f32 to vector<16xf32>
      %swap3A_81 = arith.index_cast %scan3A_30 : i32 to index
      %swap3A_82 = arith.constant 112 : index
      %swap3A_83 = tpu.vector_load %arg12[%swap3A_81, %swap3A_82] {strides = array<i32>} : memref<80x128xf32, #tpu.memory_space<vmem>>, vector<1x16xf32>,
      %swap3A_84 = vector.shape_cast %swap3A_83 : vector<1x16xf32> to vector<16xf32>
      %swap3A_85 = vector.shape_cast %broadcast_in_dim3A_80 : vector<16xf32> to vector<1x16xf32>
      tpu.vector_store %arg12[%swap3A_81, %swap3A_82], %swap3A_85 {strides = array<i32>} : memref<80x128xf32, #tpu.memory_space<vmem>>, vector<1x16xf32>,
      %scan3A_86 = arith.constant 0 : i32
      scf.yield %scan3A_86 : i32
    }
    %scan3A_5 = arith.constant 80 : i32
    %lt3A = arith.constant 15 : i32
    %lt3A_6 = arith.cmpi slt, %arg1, %lt3A : i32
    %convert_element_type3A = arith.extui %lt3A_6 : i1 to i32
    %cond3A = arith.constant 0 : i32
    %cond3A_7 = arith.cmpi ne, %convert_element_type3A, %cond3A : i32
    scf.if %cond3A_7 {
      %mul3A = arith.constant 640 : i32
      %mul3A_30 = arith.muli %arg1, %mul3A : i32
      %add3A = arith.constant 0 : i32
      %add3A_31 = arith.addi %mul3A_30, %add3A : i32
      "tpu.region"() ({
        %run_scoped3A = tpu.sem_alloc : memref<!tpu.dma_semaphore, #tpu.memory_space<semaphore_mem>>
        %dma_start3A = arith.constant 0 : i32
        %dma_start3A_60 = tpu.memref_slice %arg13[%add3A_31, %dma_start3A] : memref<10000x128xf32, #tpu.memory_space<vmem_shared>> -> memref<80x128xf32, #tpu.memory_space<vmem_shared>>
        %dma_start3A_61 = arith.constant 0 : i32
        %dma_start3A_62 = tpu.memref_slice %arg13[%add3A_31, %dma_start3A_61] : memref<10000x128xf32, #tpu.memory_space<vmem_shared>> -> memref<80x128xf32, #tpu.memory_space<vmem_shared>>
        tpu.enqueue_dma source(%arg12 : memref<80x128xf32, #tpu.memory_space<vmem>>) target(%dma_start3A_62 : memref<80x128xf32, #tpu.memory_space<vmem_shared>>) target_semaphore(%run_scoped3A : memref<!tpu.dma_semaphore, #tpu.memory_space<semaphore_mem>>)
        %dma_wait3A = arith.constant 0 : i32
        %dma_wait3A_63 = tpu.memref_slice %arg13[%add3A_31, %dma_wait3A] : memref<10000x128xf32, #tpu.memory_space<vmem_shared>> -> memref<80x128xf32, #tpu.memory_space<vmem_shared>>
        %dma_wait3A_64 = arith.constant 0 : i32
        %dma_wait3A_65 = tpu.memref_slice %arg13[%add3A_31, %dma_wait3A_64] : memref<10000x128xf32, #tpu.memory_space<vmem_shared>> -> memref<80x128xf32, #tpu.memory_space<vmem_shared>>
        tpu.wait_dma2 semaphore(%run_scoped3A : memref<!tpu.dma_semaphore, #tpu.memory_space<semaphore_mem>>) src(%arg12 : memref<80x128xf32, #tpu.memory_space<vmem>>) dst(%dma_wait3A_65 : memref<80x128xf32, #tpu.memory_space<vmem_shared>>)
        tpu.yield
      }) : () -> ()
      %mul3A_32 = arith.constant 640 : i32
      %mul3A_33 = arith.muli %arg1, %mul3A_32 : i32
      %add3A_34 = arith.constant 80 : i32
      %add3A_35 = arith.addi %mul3A_33, %add3A_34 : i32
      "tpu.region"() ({
        %run_scoped3A = tpu.sem_alloc : memref<!tpu.dma_semaphore, #tpu.memory_space<semaphore_mem>>
        %dma_start3A = arith.constant 0 : i32
        %dma_start3A_60 = tpu.memref_slice %arg13[%add3A_35, %dma_start3A] : memref<10000x128xf32, #tpu.memory_space<vmem_shared>> -> memref<80x128xf32, #tpu.memory_space<vmem_shared>>
        %dma_start3A_61 = arith.constant 0 : i32
        %dma_start3A_62 = tpu.memref_slice %arg13[%add3A_35, %dma_start3A_61] : memref<10000x128xf32, #tpu.memory_space<vmem_shared>> -> memref<80x128xf32, #tpu.memory_space<vmem_shared>>
        tpu.enqueue_dma source(%arg12 : memref<80x128xf32, #tpu.memory_space<vmem>>) target(%dma_start3A_62 : memref<80x128xf32, #tpu.memory_space<vmem_shared>>) target_semaphore(%run_scoped3A : memref<!tpu.dma_semaphore, #tpu.memory_space<semaphore_mem>>)
        %dma_wait3A = arith.constant 0 : i32
        %dma_wait3A_63 = tpu.memref_slice %arg13[%add3A_35, %dma_wait3A] : memref<10000x128xf32, #tpu.memory_space<vmem_shared>> -> memref<80x128xf32, #tpu.memory_space<vmem_shared>>
        %dma_wait3A_64 = arith.constant 0 : i32
        %dma_wait3A_65 = tpu.memref_slice %arg13[%add3A_35, %dma_wait3A_64] : memref<10000x128xf32, #tpu.memory_space<vmem_shared>> -> memref<80x128xf32, #tpu.memory_space<vmem_shared>>
        tpu.wait_dma2 semaphore(%run_scoped3A : memref<!tpu.dma_semaphore, #tpu.memory_space<semaphore_mem>>) src(%arg12 : memref<80x128xf32, #tpu.memory_space<vmem>>) dst(%dma_wait3A_65 : memref<80x128xf32, #tpu.memory_space<vmem_shared>>)
        tpu.yield
      }) : () -> ()
      %mul3A_36 = arith.constant 640 : i32
      %mul3A_37 = arith.muli %arg1, %mul3A_36 : i32
      %add3A_38 = arith.constant 160 : i32
      %add3A_39 = arith.addi %mul3A_37, %add3A_38 : i32
      "tpu.region"() ({
        %run_scoped3A = tpu.sem_alloc : memref<!tpu.dma_semaphore, #tpu.memory_space<semaphore_mem>>
        %dma_start3A = arith.constant 0 : i32
        %dma_start3A_60 = tpu.memref_slice %arg13[%add3A_39, %dma_start3A] : memref<10000x128xf32, #tpu.memory_space<vmem_shared>> -> memref<80x128xf32, #tpu.memory_space<vmem_shared>>
        %dma_start3A_61 = arith.constant 0 : i32
        %dma_start3A_62 = tpu.memref_slice %arg13[%add3A_39, %dma_start3A_61] : memref<10000x128xf32, #tpu.memory_space<vmem_shared>> -> memref<80x128xf32, #tpu.memory_space<vmem_shared>>
        tpu.enqueue_dma source(%arg12 : memref<80x128xf32, #tpu.memory_space<vmem>>) target(%dma_start3A_62 : memref<80x128xf32, #tpu.memory_space<vmem_shared>>) target_semaphore(%run_scoped3A : memref<!tpu.dma_semaphore, #tpu.memory_space<semaphore_mem>>)
        %dma_wait3A = arith.constant 0 : i32
        %dma_wait3A_63 = tpu.memref_slice %arg13[%add3A_39, %dma_wait3A] : memref<10000x128xf32, #tpu.memory_space<vmem_shared>> -> memref<80x128xf32, #tpu.memory_space<vmem_shared>>
        %dma_wait3A_64 = arith.constant 0 : i32
        %dma_wait3A_65 = tpu.memref_slice %arg13[%add3A_39, %dma_wait3A_64] : memref<10000x128xf32, #tpu.memory_space<vmem_shared>> -> memref<80x128xf32, #tpu.memory_space<vmem_shared>>
        tpu.wait_dma2 semaphore(%run_scoped3A : memref<!tpu.dma_semaphore, #tpu.memory_space<semaphore_mem>>) src(%arg12 : memref<80x128xf32, #tpu.memory_space<vmem>>) dst(%dma_wait3A_65 : memref<80x128xf32, #tpu.memory_space<vmem_shared>>)
        tpu.yield
      }) : () -> ()
      %mul3A_40 = arith.constant 640 : i32
      %mul3A_41 = arith.muli %arg1, %mul3A_40 : i32
      %add3A_42 = arith.constant 240 : i32
      %add3A_43 = arith.addi %mul3A_41, %add3A_42 : i32
      "tpu.region"() ({
        %run_scoped3A = tpu.sem_alloc : memref<!tpu.dma_semaphore, #tpu.memory_space<semaphore_mem>>
        %dma_start3A = arith.constant 0 : i32
        %dma_start3A_60 = tpu.memref_slice %arg13[%add3A_43, %dma_start3A] : memref<10000x128xf32, #tpu.memory_space<vmem_shared>> -> memref<80x128xf32, #tpu.memory_space<vmem_shared>>
        %dma_start3A_61 = arith.constant 0 : i32
        %dma_start3A_62 = tpu.memref_slice %arg13[%add3A_43, %dma_start3A_61] : memref<10000x128xf32, #tpu.memory_space<vmem_shared>> -> memref<80x128xf32, #tpu.memory_space<vmem_shared>>
        tpu.enqueue_dma source(%arg12 : memref<80x128xf32, #tpu.memory_space<vmem>>) target(%dma_start3A_62 : memref<80x128xf32, #tpu.memory_space<vmem_shared>>) target_semaphore(%run_scoped3A : memref<!tpu.dma_semaphore, #tpu.memory_space<semaphore_mem>>)
        %dma_wait3A = arith.constant 0 : i32
        %dma_wait3A_63 = tpu.memref_slice %arg13[%add3A_43, %dma_wait3A] : memref<10000x128xf32, #tpu.memory_space<vmem_shared>> -> memref<80x128xf32, #tpu.memory_space<vmem_shared>>
        %dma_wait3A_64 = arith.constant 0 : i32
        %dma_wait3A_65 = tpu.memref_slice %arg13[%add3A_43, %dma_wait3A_64] : memref<10000x128xf32, #tpu.memory_space<vmem_shared>> -> memref<80x128xf32, #tpu.memory_space<vmem_shared>>
        tpu.wait_dma2 semaphore(%run_scoped3A : memref<!tpu.dma_semaphore, #tpu.memory_space<semaphore_mem>>) src(%arg12 : memref<80x128xf32, #tpu.memory_space<vmem>>) dst(%dma_wait3A_65 : memref<80x128xf32, #tpu.memory_space<vmem_shared>>)
        tpu.yield
      }) : () -> ()
      %mul3A_44 = arith.constant 640 : i32
      %mul3A_45 = arith.muli %arg1, %mul3A_44 : i32
      %add3A_46 = arith.constant 320 : i32
      %add3A_47 = arith.addi %mul3A_45, %add3A_46 : i32
      "tpu.region"() ({
        %run_scoped3A = tpu.sem_alloc : memref<!tpu.dma_semaphore, #tpu.memory_space<semaphore_mem>>
        %dma_start3A = arith.constant 0 : i32
        %dma_start3A_60 = tpu.memref_slice %arg13[%add3A_47, %dma_start3A] : memref<10000x128xf32, #tpu.memory_space<vmem_shared>> -> memref<80x128xf32, #tpu.memory_space<vmem_shared>>
        %dma_start3A_61 = arith.constant 0 : i32
        %dma_start3A_62 = tpu.memref_slice %arg13[%add3A_47, %dma_start3A_61] : memref<10000x128xf32, #tpu.memory_space<vmem_shared>> -> memref<80x128xf32, #tpu.memory_space<vmem_shared>>
        tpu.enqueue_dma source(%arg12 : memref<80x128xf32, #tpu.memory_space<vmem>>) target(%dma_start3A_62 : memref<80x128xf32, #tpu.memory_space<vmem_shared>>) target_semaphore(%run_scoped3A : memref<!tpu.dma_semaphore, #tpu.memory_space<semaphore_mem>>)
        %dma_wait3A = arith.constant 0 : i32
        %dma_wait3A_63 = tpu.memref_slice %arg13[%add3A_47, %dma_wait3A] : memref<10000x128xf32, #tpu.memory_space<vmem_shared>> -> memref<80x128xf32, #tpu.memory_space<vmem_shared>>
        %dma_wait3A_64 = arith.constant 0 : i32
        %dma_wait3A_65 = tpu.memref_slice %arg13[%add3A_47, %dma_wait3A_64] : memref<10000x128xf32, #tpu.memory_space<vmem_shared>> -> memref<80x128xf32, #tpu.memory_space<vmem_shared>>
        tpu.wait_dma2 semaphore(%run_scoped3A : memref<!tpu.dma_semaphore, #tpu.memory_space<semaphore_mem>>) src(%arg12 : memref<80x128xf32, #tpu.memory_space<vmem>>) dst(%dma_wait3A_65 : memref<80x128xf32, #tpu.memory_space<vmem_shared>>)
        tpu.yield
      }) : () -> ()
      %mul3A_48 = arith.constant 640 : i32
      %mul3A_49 = arith.muli %arg1, %mul3A_48 : i32
      %add3A_50 = arith.constant 400 : i32
      %add3A_51 = arith.addi %mul3A_49, %add3A_50 : i32
      "tpu.region"() ({
        %run_scoped3A = tpu.sem_alloc : memref<!tpu.dma_semaphore, #tpu.memory_space<semaphore_mem>>
        %dma_start3A = arith.constant 0 : i32
        %dma_start3A_60 = tpu.memref_slice %arg13[%add3A_51, %dma_start3A] : memref<10000x128xf32, #tpu.memory_space<vmem_shared>> -> memref<80x128xf32, #tpu.memory_space<vmem_shared>>
        %dma_start3A_61 = arith.constant 0 : i32
        %dma_start3A_62 = tpu.memref_slice %arg13[%add3A_51, %dma_start3A_61] : memref<10000x128xf32, #tpu.memory_space<vmem_shared>> -> memref<80x128xf32, #tpu.memory_space<vmem_shared>>
        tpu.enqueue_dma source(%arg12 : memref<80x128xf32, #tpu.memory_space<vmem>>) target(%dma_start3A_62 : memref<80x128xf32, #tpu.memory_space<vmem_shared>>) target_semaphore(%run_scoped3A : memref<!tpu.dma_semaphore, #tpu.memory_space<semaphore_mem>>)
        %dma_wait3A = arith.constant 0 : i32
        %dma_wait3A_63 = tpu.memref_slice %arg13[%add3A_51, %dma_wait3A] : memref<10000x128xf32, #tpu.memory_space<vmem_shared>> -> memref<80x128xf32, #tpu.memory_space<vmem_shared>>
        %dma_wait3A_64 = arith.constant 0 : i32
        %dma_wait3A_65 = tpu.memref_slice %arg13[%add3A_51, %dma_wait3A_64] : memref<10000x128xf32, #tpu.memory_space<vmem_shared>> -> memref<80x128xf32, #tpu.memory_space<vmem_shared>>
        tpu.wait_dma2 semaphore(%run_scoped3A : memref<!tpu.dma_semaphore, #tpu.memory_space<semaphore_mem>>) src(%arg12 : memref<80x128xf32, #tpu.memory_space<vmem>>) dst(%dma_wait3A_65 : memref<80x128xf32, #tpu.memory_space<vmem_shared>>)
        tpu.yield
      }) : () -> ()
      %mul3A_52 = arith.constant 640 : i32
      %mul3A_53 = arith.muli %arg1, %mul3A_52 : i32
      %add3A_54 = arith.constant 480 : i32
      %add3A_55 = arith.addi %mul3A_53, %add3A_54 : i32
      "tpu.region"() ({
        %run_scoped3A = tpu.sem_alloc : memref<!tpu.dma_semaphore, #tpu.memory_space<semaphore_mem>>
        %dma_start3A = arith.constant 0 : i32
        %dma_start3A_60 = tpu.memref_slice %arg13[%add3A_55, %dma_start3A] : memref<10000x128xf32, #tpu.memory_space<vmem_shared>> -> memref<80x128xf32, #tpu.memory_space<vmem_shared>>
        %dma_start3A_61 = arith.constant 0 : i32
        %dma_start3A_62 = tpu.memref_slice %arg13[%add3A_55, %dma_start3A_61] : memref<10000x128xf32, #tpu.memory_space<vmem_shared>> -> memref<80x128xf32, #tpu.memory_space<vmem_shared>>
        tpu.enqueue_dma source(%arg12 : memref<80x128xf32, #tpu.memory_space<vmem>>) target(%dma_start3A_62 : memref<80x128xf32, #tpu.memory_space<vmem_shared>>) target_semaphore(%run_scoped3A : memref<!tpu.dma_semaphore, #tpu.memory_space<semaphore_mem>>)
        %dma_wait3A = arith.constant 0 : i32
        %dma_wait3A_63 = tpu.memref_slice %arg13[%add3A_55, %dma_wait3A] : memref<10000x128xf32, #tpu.memory_space<vmem_shared>> -> memref<80x128xf32, #tpu.memory_space<vmem_shared>>
        %dma_wait3A_64 = arith.constant 0 : i32
        %dma_wait3A_65 = tpu.memref_slice %arg13[%add3A_55, %dma_wait3A_64] : memref<10000x128xf32, #tpu.memory_space<vmem_shared>> -> memref<80x128xf32, #tpu.memory_space<vmem_shared>>
        tpu.wait_dma2 semaphore(%run_scoped3A : memref<!tpu.dma_semaphore, #tpu.memory_space<semaphore_mem>>) src(%arg12 : memref<80x128xf32, #tpu.memory_space<vmem>>) dst(%dma_wait3A_65 : memref<80x128xf32, #tpu.memory_space<vmem_shared>>)
        tpu.yield
      }) : () -> ()
      %mul3A_56 = arith.constant 640 : i32
      %mul3A_57 = arith.muli %arg1, %mul3A_56 : i32
      %add3A_58 = arith.constant 560 : i32
      %add3A_59 = arith.addi %mul3A_57, %add3A_58 : i32
      "tpu.region"() ({
        %run_scoped3A = tpu.sem_alloc : memref<!tpu.dma_semaphore, #tpu.memory_space<semaphore_mem>>
        %dma_start3A = arith.constant 0 : i32
        %dma_start3A_60 = tpu.memref_slice %arg13[%add3A_59, %dma_start3A] : memref<10000x128xf32, #tpu.memory_space<vmem_shared>> -> memref<80x128xf32, #tpu.memory_space<vmem_shared>>
        %dma_start3A_61 = arith.constant 0 : i32
        %dma_start3A_62 = tpu.memref_slice %arg13[%add3A_59, %dma_start3A_61] : memref<10000x128xf32, #tpu.memory_space<vmem_shared>> -> memref<80x128xf32, #tpu.memory_space<vmem_shared>>
        tpu.enqueue_dma source(%arg12 : memref<80x128xf32, #tpu.memory_space<vmem>>) target(%dma_start3A_62 : memref<80x128xf32, #tpu.memory_space<vmem_shared>>) target_semaphore(%run_scoped3A : memref<!tpu.dma_semaphore, #tpu.memory_space<semaphore_mem>>)
        %dma_wait3A = arith.constant 0 : i32
        %dma_wait3A_63 = tpu.memref_slice %arg13[%add3A_59, %dma_wait3A] : memref<10000x128xf32, #tpu.memory_space<vmem_shared>> -> memref<80x128xf32, #tpu.memory_space<vmem_shared>>
        %dma_wait3A_64 = arith.constant 0 : i32
        %dma_wait3A_65 = tpu.memref_slice %arg13[%add3A_59, %dma_wait3A_64] : memref<10000x128xf32, #tpu.memory_space<vmem_shared>> -> memref<80x128xf32, #tpu.memory_space<vmem_shared>>
        tpu.wait_dma2 semaphore(%run_scoped3A : memref<!tpu.dma_semaphore, #tpu.memory_space<semaphore_mem>>) src(%arg12 : memref<80x128xf32, #tpu.memory_space<vmem>>) dst(%dma_wait3A_65 : memref<80x128xf32, #tpu.memory_space<vmem_shared>>)
        tpu.yield
      }) : () -> ()
    } else {
    }
    %eq3A = arith.constant 15 : i32
    %eq3A_8 = arith.cmpi eq, %arg1, %eq3A : i32
    %convert_element_type3A_9 = arith.extui %eq3A_8 : i1 to i32
    %cond3A_10 = arith.constant 0 : i32
    %cond3A_11 = arith.cmpi ne, %convert_element_type3A_9, %cond3A_10 : i32
    scf.if %cond3A_11 {
      "tpu.region"() ({
        %run_scoped3A = tpu.sem_alloc : memref<!tpu.dma_semaphore, #tpu.memory_space<semaphore_mem>>
        %dma_start3A = arith.constant 9600 : i32
        %dma_start3A_30 = arith.constant 0 : i32
        %dma_start3A_31 = tpu.memref_slice %arg13[%dma_start3A, %dma_start3A_30] : memref<10000x128xf32, #tpu.memory_space<vmem_shared>> -> memref<80x128xf32, #tpu.memory_space<vmem_shared>>
        %dma_start3A_32 = arith.constant 9600 : i32
        %dma_start3A_33 = arith.constant 0 : i32
        %dma_start3A_34 = tpu.memref_slice %arg13[%dma_start3A_32, %dma_start3A_33] : memref<10000x128xf32, #tpu.memory_space<vmem_shared>> -> memref<80x128xf32, #tpu.memory_space<vmem_shared>>
        tpu.enqueue_dma source(%arg12 : memref<80x128xf32, #tpu.memory_space<vmem>>) target(%dma_start3A_34 : memref<80x128xf32, #tpu.memory_space<vmem_shared>>) target_semaphore(%run_scoped3A : memref<!tpu.dma_semaphore, #tpu.memory_space<semaphore_mem>>)
        %dma_wait3A = arith.constant 9600 : i32
        %dma_wait3A_35 = arith.constant 0 : i32
        %dma_wait3A_36 = tpu.memref_slice %arg13[%dma_wait3A, %dma_wait3A_35] : memref<10000x128xf32, #tpu.memory_space<vmem_shared>> -> memref<80x128xf32, #tpu.memory_space<vmem_shared>>
        %dma_wait3A_37 = arith.constant 9600 : i32
        %dma_wait3A_38 = arith.constant 0 : i32
        %dma_wait3A_39 = tpu.memref_slice %arg13[%dma_wait3A_37, %dma_wait3A_38] : memref<10000x128xf32, #tpu.memory_space<vmem_shared>> -> memref<80x128xf32, #tpu.memory_space<vmem_shared>>
        tpu.wait_dma2 semaphore(%run_scoped3A : memref<!tpu.dma_semaphore, #tpu.memory_space<semaphore_mem>>) src(%arg12 : memref<80x128xf32, #tpu.memory_space<vmem>>) dst(%dma_wait3A_39 : memref<80x128xf32, #tpu.memory_space<vmem_shared>>)
        tpu.yield
      }) : () -> ()
      "tpu.region"() ({
        %run_scoped3A = tpu.sem_alloc : memref<!tpu.dma_semaphore, #tpu.memory_space<semaphore_mem>>
        %dma_start3A = arith.constant 9680 : i32
        %dma_start3A_30 = arith.constant 0 : i32
        %dma_start3A_31 = tpu.memref_slice %arg13[%dma_start3A, %dma_start3A_30] : memref<10000x128xf32, #tpu.memory_space<vmem_shared>> -> memref<80x128xf32, #tpu.memory_space<vmem_shared>>
        %dma_start3A_32 = arith.constant 9680 : i32
        %dma_start3A_33 = arith.constant 0 : i32
        %dma_start3A_34 = tpu.memref_slice %arg13[%dma_start3A_32, %dma_start3A_33] : memref<10000x128xf32, #tpu.memory_space<vmem_shared>> -> memref<80x128xf32, #tpu.memory_space<vmem_shared>>
        tpu.enqueue_dma source(%arg12 : memref<80x128xf32, #tpu.memory_space<vmem>>) target(%dma_start3A_34 : memref<80x128xf32, #tpu.memory_space<vmem_shared>>) target_semaphore(%run_scoped3A : memref<!tpu.dma_semaphore, #tpu.memory_space<semaphore_mem>>)
        %dma_wait3A = arith.constant 9680 : i32
        %dma_wait3A_35 = arith.constant 0 : i32
        %dma_wait3A_36 = tpu.memref_slice %arg13[%dma_wait3A, %dma_wait3A_35] : memref<10000x128xf32, #tpu.memory_space<vmem_shared>> -> memref<80x128xf32, #tpu.memory_space<vmem_shared>>
        %dma_wait3A_37 = arith.constant 9680 : i32
        %dma_wait3A_38 = arith.constant 0 : i32
        %dma_wait3A_39 = tpu.memref_slice %arg13[%dma_wait3A_37, %dma_wait3A_38] : memref<10000x128xf32, #tpu.memory_space<vmem_shared>> -> memref<80x128xf32, #tpu.memory_space<vmem_shared>>
        tpu.wait_dma2 semaphore(%run_scoped3A : memref<!tpu.dma_semaphore, #tpu.memory_space<semaphore_mem>>) src(%arg12 : memref<80x128xf32, #tpu.memory_space<vmem>>) dst(%dma_wait3A_39 : memref<80x128xf32, #tpu.memory_space<vmem_shared>>)
        tpu.yield
      }) : () -> ()
      "tpu.region"() ({
        %run_scoped3A = tpu.sem_alloc : memref<!tpu.dma_semaphore, #tpu.memory_space<semaphore_mem>>
        %dma_start3A = arith.constant 9760 : i32
        %dma_start3A_30 = arith.constant 0 : i32
        %dma_start3A_31 = tpu.memref_slice %arg13[%dma_start3A, %dma_start3A_30] : memref<10000x128xf32, #tpu.memory_space<vmem_shared>> -> memref<80x128xf32, #tpu.memory_space<vmem_shared>>
        %dma_start3A_32 = arith.constant 9760 : i32
        %dma_start3A_33 = arith.constant 0 : i32
        %dma_start3A_34 = tpu.memref_slice %arg13[%dma_start3A_32, %dma_start3A_33] : memref<10000x128xf32, #tpu.memory_space<vmem_shared>> -> memref<80x128xf32, #tpu.memory_space<vmem_shared>>
        tpu.enqueue_dma source(%arg12 : memref<80x128xf32, #tpu.memory_space<vmem>>) target(%dma_start3A_34 : memref<80x128xf32, #tpu.memory_space<vmem_shared>>) target_semaphore(%run_scoped3A : memref<!tpu.dma_semaphore, #tpu.memory_space<semaphore_mem>>)
        %dma_wait3A = arith.constant 9760 : i32
        %dma_wait3A_35 = arith.constant 0 : i32
        %dma_wait3A_36 = tpu.memref_slice %arg13[%dma_wait3A, %dma_wait3A_35] : memref<10000x128xf32, #tpu.memory_space<vmem_shared>> -> memref<80x128xf32, #tpu.memory_space<vmem_shared>>
        %dma_wait3A_37 = arith.constant 9760 : i32
        %dma_wait3A_38 = arith.constant 0 : i32
        %dma_wait3A_39 = tpu.memref_slice %arg13[%dma_wait3A_37, %dma_wait3A_38] : memref<10000x128xf32, #tpu.memory_space<vmem_shared>> -> memref<80x128xf32, #tpu.memory_space<vmem_shared>>
        tpu.wait_dma2 semaphore(%run_scoped3A : memref<!tpu.dma_semaphore, #tpu.memory_space<semaphore_mem>>) src(%arg12 : memref<80x128xf32, #tpu.memory_space<vmem>>) dst(%dma_wait3A_39 : memref<80x128xf32, #tpu.memory_space<vmem_shared>>)
        tpu.yield
      }) : () -> ()
      "tpu.region"() ({
        %run_scoped3A = tpu.sem_alloc : memref<!tpu.dma_semaphore, #tpu.memory_space<semaphore_mem>>
        %dma_start3A = arith.constant 9840 : i32
        %dma_start3A_30 = arith.constant 0 : i32
        %dma_start3A_31 = tpu.memref_slice %arg13[%dma_start3A, %dma_start3A_30] : memref<10000x128xf32, #tpu.memory_space<vmem_shared>> -> memref<80x128xf32, #tpu.memory_space<vmem_shared>>
        %dma_start3A_32 = arith.constant 9840 : i32
        %dma_start3A_33 = arith.constant 0 : i32
        %dma_start3A_34 = tpu.memref_slice %arg13[%dma_start3A_32, %dma_start3A_33] : memref<10000x128xf32, #tpu.memory_space<vmem_shared>> -> memref<80x128xf32, #tpu.memory_space<vmem_shared>>
        tpu.enqueue_dma source(%arg12 : memref<80x128xf32, #tpu.memory_space<vmem>>) target(%dma_start3A_34 : memref<80x128xf32, #tpu.memory_space<vmem_shared>>) target_semaphore(%run_scoped3A : memref<!tpu.dma_semaphore, #tpu.memory_space<semaphore_mem>>)
        %dma_wait3A = arith.constant 9840 : i32
        %dma_wait3A_35 = arith.constant 0 : i32
        %dma_wait3A_36 = tpu.memref_slice %arg13[%dma_wait3A, %dma_wait3A_35] : memref<10000x128xf32, #tpu.memory_space<vmem_shared>> -> memref<80x128xf32, #tpu.memory_space<vmem_shared>>
        %dma_wait3A_37 = arith.constant 9840 : i32
        %dma_wait3A_38 = arith.constant 0 : i32
        %dma_wait3A_39 = tpu.memref_slice %arg13[%dma_wait3A_37, %dma_wait3A_38] : memref<10000x128xf32, #tpu.memory_space<vmem_shared>> -> memref<80x128xf32, #tpu.memory_space<vmem_shared>>
        tpu.wait_dma2 semaphore(%run_scoped3A : memref<!tpu.dma_semaphore, #tpu.memory_space<semaphore_mem>>) src(%arg12 : memref<80x128xf32, #tpu.memory_space<vmem>>) dst(%dma_wait3A_39 : memref<80x128xf32, #tpu.memory_space<vmem_shared>>)
        tpu.yield
      }) : () -> ()
      "tpu.region"() ({
        %run_scoped3A = tpu.sem_alloc : memref<!tpu.dma_semaphore, #tpu.memory_space<semaphore_mem>>
        %dma_start3A = arith.constant 9920 : i32
        %dma_start3A_30 = arith.constant 0 : i32
        %dma_start3A_31 = tpu.memref_slice %arg13[%dma_start3A, %dma_start3A_30] : memref<10000x128xf32, #tpu.memory_space<vmem_shared>> -> memref<80x128xf32, #tpu.memory_space<vmem_shared>>
        %dma_start3A_32 = arith.constant 9920 : i32
        %dma_start3A_33 = arith.constant 0 : i32
        %dma_start3A_34 = tpu.memref_slice %arg13[%dma_start3A_32, %dma_start3A_33] : memref<10000x128xf32, #tpu.memory_space<vmem_shared>> -> memref<80x128xf32, #tpu.memory_space<vmem_shared>>
        tpu.enqueue_dma source(%arg12 : memref<80x128xf32, #tpu.memory_space<vmem>>) target(%dma_start3A_34 : memref<80x128xf32, #tpu.memory_space<vmem_shared>>) target_semaphore(%run_scoped3A : memref<!tpu.dma_semaphore, #tpu.memory_space<semaphore_mem>>)
        %dma_wait3A = arith.constant 9920 : i32
        %dma_wait3A_35 = arith.constant 0 : i32
        %dma_wait3A_36 = tpu.memref_slice %arg13[%dma_wait3A, %dma_wait3A_35] : memref<10000x128xf32, #tpu.memory_space<vmem_shared>> -> memref<80x128xf32, #tpu.memory_space<vmem_shared>>
        %dma_wait3A_37 = arith.constant 9920 : i32
        %dma_wait3A_38 = arith.constant 0 : i32
        %dma_wait3A_39 = tpu.memref_slice %arg13[%dma_wait3A_37, %dma_wait3A_38] : memref<10000x128xf32, #tpu.memory_space<vmem_shared>> -> memref<80x128xf32, #tpu.memory_space<vmem_shared>>
        tpu.wait_dma2 semaphore(%run_scoped3A : memref<!tpu.dma_semaphore, #tpu.memory_space<semaphore_mem>>) src(%arg12 : memref<80x128xf32, #tpu.memory_space<vmem>>) dst(%dma_wait3A_39 : memref<80x128xf32, #tpu.memory_space<vmem_shared>>)
        tpu.yield
      }) : () -> ()
    } else {
    }
    %barrier3A = arith.constant 0 : index
    tpu.barrier barrier_id(%barrier3A)
    %scan3A_12 = arith.constant 0 : i32
    %scan3A_13 = arith.constant 0 : i32
    %scan3A_14 = arith.constant 5 : i32
    %scan3A_15 = arith.addi %scan3A_13, %scan3A_14 : i32
    %scan3A_16 = arith.constant 1 : i32
    %scan3A_17 = scf.for %scan3A_30 = %scan3A_13 to %scan3A_15 step %scan3A_16 iter_args(%scan3A_31 = %scan3A_12) -> (i32)  : i32 {
      %mul3A = arith.constant 20000 : i32
      %mul3A_32 = arith.muli %arg1, %mul3A : i32
      %mul3A_33 = arith.constant 4000 : i32
      %mul3A_34 = arith.muli %scan3A_30, %mul3A_33 : i32
      %add3A = arith.addi %mul3A_32, %mul3A_34 : i32
      %eq3A_35 = arith.constant 0 : i32
      %eq3A_36 = arith.cmpi eq, %arg0, %eq3A_35 : i32
      %convert_element_type3A_37 = arith.extui %eq3A_36 : i1 to i32
      %cond3A_38 = arith.constant 0 : i32
      %cond3A_39 = arith.cmpi ne, %convert_element_type3A_37, %cond3A_38 : i32
      scf.if %cond3A_39 {
        "tpu.region"() ({
          %run_scoped3A = tpu.sem_alloc : memref<!tpu.dma_semaphore, #tpu.memory_space<semaphore_mem>>
          %dma_start3A_66 = tpu.memref_slice %arg3[%add3A] : memref<320000xi32, #tpu.memory_space<hbm>> -> memref<4000xi32, #tpu.memory_space<hbm>>
          %dma_start3A_67 = tpu.memref_slice %arg3[%add3A] : memref<320000xi32, #tpu.memory_space<hbm>> -> memref<4000xi32, #tpu.memory_space<hbm>>
          tpu.enqueue_dma source(%dma_start3A_67 : memref<4000xi32, #tpu.memory_space<hbm>>) target(%arg8 : memref<4000xi32, #tpu.memory_space<vmem>>) target_semaphore(%run_scoped3A : memref<!tpu.dma_semaphore, #tpu.memory_space<semaphore_mem>>)
          %dma_wait3A = tpu.memref_slice %arg3[%add3A] : memref<320000xi32, #tpu.memory_space<hbm>> -> memref<4000xi32, #tpu.memory_space<hbm>>
          %dma_wait3A_68 = tpu.memref_slice %arg3[%add3A] : memref<320000xi32, #tpu.memory_space<hbm>> -> memref<4000xi32, #tpu.memory_space<hbm>>
          tpu.wait_dma2 semaphore(%run_scoped3A : memref<!tpu.dma_semaphore, #tpu.memory_space<semaphore_mem>>) src(%dma_wait3A_68 : memref<4000xi32, #tpu.memory_space<hbm>>) dst(%arg8 : memref<4000xi32, #tpu.memory_space<vmem>>)
          tpu.yield
        }) : () -> ()
        "tpu.region"() ({
          %run_scoped3A = tpu.sem_alloc : memref<!tpu.dma_semaphore, #tpu.memory_space<semaphore_mem>>
          %dma_start3A_66 = tpu.memref_slice %arg4[%add3A] : memref<320000xi32, #tpu.memory_space<hbm>> -> memref<4000xi32, #tpu.memory_space<hbm>>
          %dma_start3A_67 = tpu.memref_slice %arg4[%add3A] : memref<320000xi32, #tpu.memory_space<hbm>> -> memref<4000xi32, #tpu.memory_space<hbm>>
          tpu.enqueue_dma source(%dma_start3A_67 : memref<4000xi32, #tpu.memory_space<hbm>>) target(%arg9 : memref<4000xi32, #tpu.memory_space<vmem>>) target_semaphore(%run_scoped3A : memref<!tpu.dma_semaphore, #tpu.memory_space<semaphore_mem>>)
          %dma_wait3A = tpu.memref_slice %arg4[%add3A] : memref<320000xi32, #tpu.memory_space<hbm>> -> memref<4000xi32, #tpu.memory_space<hbm>>
          %dma_wait3A_68 = tpu.memref_slice %arg4[%add3A] : memref<320000xi32, #tpu.memory_space<hbm>> -> memref<4000xi32, #tpu.memory_space<hbm>>
          tpu.wait_dma2 semaphore(%run_scoped3A : memref<!tpu.dma_semaphore, #tpu.memory_space<semaphore_mem>>) src(%dma_wait3A_68 : memref<4000xi32, #tpu.memory_space<hbm>>) dst(%arg9 : memref<4000xi32, #tpu.memory_space<vmem>>)
          tpu.yield
        }) : () -> ()
      } else {
      }
      %eq3A_40 = arith.constant 1 : i32
      %eq3A_41 = arith.cmpi eq, %arg0, %eq3A_40 : i32
      %convert_element_type3A_42 = arith.extui %eq3A_41 : i1 to i32
      %cond3A_43 = arith.constant 0 : i32
      %cond3A_44 = arith.cmpi ne, %convert_element_type3A_42, %cond3A_43 : i32
      scf.if %cond3A_44 {
        "tpu.region"() ({
          %run_scoped3A = tpu.sem_alloc : memref<!tpu.dma_semaphore, #tpu.memory_space<semaphore_mem>>
          %dma_start3A_66 = tpu.memref_slice %arg5[%add3A] : memref<320000xi32, #tpu.memory_space<hbm>> -> memref<4000xi32, #tpu.memory_space<hbm>>
          %dma_start3A_67 = tpu.memref_slice %arg5[%add3A] : memref<320000xi32, #tpu.memory_space<hbm>> -> memref<4000xi32, #tpu.memory_space<hbm>>
          tpu.enqueue_dma source(%dma_start3A_67 : memref<4000xi32, #tpu.memory_space<hbm>>) target(%arg8 : memref<4000xi32, #tpu.memory_space<vmem>>) target_semaphore(%run_scoped3A : memref<!tpu.dma_semaphore, #tpu.memory_space<semaphore_mem>>)
          %dma_wait3A = tpu.memref_slice %arg5[%add3A] : memref<320000xi32, #tpu.memory_space<hbm>> -> memref<4000xi32, #tpu.memory_space<hbm>>
          %dma_wait3A_68 = tpu.memref_slice %arg5[%add3A] : memref<320000xi32, #tpu.memory_space<hbm>> -> memref<4000xi32, #tpu.memory_space<hbm>>
          tpu.wait_dma2 semaphore(%run_scoped3A : memref<!tpu.dma_semaphore, #tpu.memory_space<semaphore_mem>>) src(%dma_wait3A_68 : memref<4000xi32, #tpu.memory_space<hbm>>) dst(%arg8 : memref<4000xi32, #tpu.memory_space<vmem>>)
          tpu.yield
        }) : () -> ()
        "tpu.region"() ({
          %run_scoped3A = tpu.sem_alloc : memref<!tpu.dma_semaphore, #tpu.memory_space<semaphore_mem>>
          %dma_start3A_66 = tpu.memref_slice %arg6[%add3A] : memref<320000xi32, #tpu.memory_space<hbm>> -> memref<4000xi32, #tpu.memory_space<hbm>>
          %dma_start3A_67 = tpu.memref_slice %arg6[%add3A] : memref<320000xi32, #tpu.memory_space<hbm>> -> memref<4000xi32, #tpu.memory_space<hbm>>
          tpu.enqueue_dma source(%dma_start3A_67 : memref<4000xi32, #tpu.memory_space<hbm>>) target(%arg9 : memref<4000xi32, #tpu.memory_space<vmem>>) target_semaphore(%run_scoped3A : memref<!tpu.dma_semaphore, #tpu.memory_space<semaphore_mem>>)
          %dma_wait3A = tpu.memref_slice %arg6[%add3A] : memref<320000xi32, #tpu.memory_space<hbm>> -> memref<4000xi32, #tpu.memory_space<hbm>>
          %dma_wait3A_68 = tpu.memref_slice %arg6[%add3A] : memref<320000xi32, #tpu.memory_space<hbm>> -> memref<4000xi32, #tpu.memory_space<hbm>>
          tpu.wait_dma2 semaphore(%run_scoped3A : memref<!tpu.dma_semaphore, #tpu.memory_space<semaphore_mem>>) src(%dma_wait3A_68 : memref<4000xi32, #tpu.memory_space<hbm>>) dst(%arg9 : memref<4000xi32, #tpu.memory_space<vmem>>)
          tpu.yield
        }) : () -> ()
      } else {
      }
      %mul3A_45 = arith.constant 10000 : i32
      %mul3A_46 = arith.muli %arg0, %mul3A_45 : i32
      %broadcast_in_dim3A = vector.broadcast %mul3A_46 : i32 to vector<16xi32>
      %scan3A_47 = arith.constant 0 : i32
      %scan3A_48 = arith.constant 0 : i32
      %scan3A_49 = arith.constant 250 : i32
      %scan3A_50 = arith.addi %scan3A_48, %scan3A_49 : i32
      %scan3A_51 = arith.constant 1 : i32
      %scan3A_52 = scf.for %scan3A_66 = %scan3A_48 to %scan3A_50 step %scan3A_51 iter_args(%scan3A_67 = %scan3A_47) -> (i32)  : i32 {
        %mul3A_68 = arith.constant 16 : i32
        %mul3A_69 = arith.muli %scan3A_66, %mul3A_68 : i32
        %get3A = arith.index_cast %mul3A_69 : i32 to index
        %get3A_70 = tpu.vector_load %arg8[%get3A] {strides = array<i32>} : memref<4000xi32, #tpu.memory_space<vmem>>, vector<16xi32>,
        %get3A_71 = vector.shape_cast %get3A_70 : vector<16xi32> to vector<16xi32>
        %add3A_72 = arith.addi %get3A_71, %broadcast_in_dim3A : vector<16xi32>
        %mul3A_73 = arith.constant 16 : i32
        %mul3A_74 = arith.muli %scan3A_66, %mul3A_73 : i32
        %swap3A = arith.index_cast %mul3A_74 : i32 to index
        %swap3A_75 = tpu.vector_load %arg8[%swap3A] {strides = array<i32>} : memref<4000xi32, #tpu.memory_space<vmem>>, vector<16xi32>,
        %swap3A_76 = vector.shape_cast %swap3A_75 : vector<16xi32> to vector<16xi32>
        %swap3A_77 = vector.shape_cast %add3A_72 : vector<16xi32> to vector<16xi32>
        tpu.vector_store %arg8[%swap3A], %swap3A_77 {strides = array<i32>} : memref<4000xi32, #tpu.memory_space<vmem>>, vector<16xi32>,
        %scan3A_78 = arith.constant 0 : i32
        scf.yield %scan3A_78 : i32
      }
      %scan3A_53 = arith.constant 250 : i32
      %dma_start3A = arith.constant 0 : i32
      %dma_start3A_54 = tpu.memref_slice %arg8[%dma_start3A] : memref<4000xi32, #tpu.memory_space<vmem>> -> memref<80xi32, #tpu.memory_space<vmem>>
      %dma_start3A_55 = arith.constant 0 : i32
      %dma_start3A_56 = arith.constant 0 : i32
      %dma_start3A_57 = tpu.memref_slice %arg2[%dma_start3A_55, %dma_start3A_56] : memref<20000x128xf32, #tpu.memory_space<hbm>> -> memref<20000x128xf32, #tpu.memory_space<hbm>>
      tpu.enqueue_indirect_dma source(%dma_start3A_57 : memref<20000x128xf32, #tpu.memory_space<hbm>>) target(%arg10 : memref<80x128xf32, #tpu.memory_space<vmem>>) offsets(%dma_start3A_54 : memref<80xi32, #tpu.memory_space<vmem>>) semaphore(%arg14 : memref<!tpu.dma_semaphore, #tpu.memory_space<semaphore_mem>>)
      %scan3A_58 = arith.constant 0 : i32
      %scan3A_59 = arith.constant 0 : i32
      %scan3A_60 = arith.constant 25 : i32
      %scan3A_61 = arith.addi %scan3A_59, %scan3A_60 : i32
      %scan3A_62 = arith.constant 1 : i32
      %scan3A_63 = scf.for %scan3A_66 = %scan3A_59 to %scan3A_61 step %scan3A_62 iter_args(%scan3A_67 = %scan3A_58) -> (i32)  : i32 {
        %mul3A_68 = arith.constant 2 : i32
        %mul3A_69 = arith.muli %mul3A_68, %scan3A_66 : i32
        %add3A_70 = arith.constant 1 : i32
        %add3A_71 = arith.addi %mul3A_69, %add3A_70 : i32
        %mul3A_72 = arith.constant 80 : i32
        %mul3A_73 = arith.muli %add3A_71, %mul3A_72 : i32
        %dma_start3A_74 = tpu.memref_slice %arg8[%mul3A_73] : memref<4000xi32, #tpu.memory_space<vmem>> -> memref<80xi32, #tpu.memory_space<vmem>>
        %dma_start3A_75 = arith.constant 0 : i32
        %dma_start3A_76 = arith.constant 0 : i32
        %dma_start3A_77 = tpu.memref_slice %arg2[%dma_start3A_75, %dma_start3A_76] : memref<20000x128xf32, #tpu.memory_space<hbm>> -> memref<20000x128xf32, #tpu.memory_space<hbm>>
        tpu.enqueue_indirect_dma source(%dma_start3A_77 : memref<20000x128xf32, #tpu.memory_space<hbm>>) target(%arg11 : memref<80x128xf32, #tpu.memory_space<vmem>>) offsets(%dma_start3A_74 : memref<80xi32, #tpu.memory_space<vmem>>) semaphore(%arg15 : memref<!tpu.dma_semaphore, #tpu.memory_space<semaphore_mem>>)
        %mul3A_78 = arith.constant 80 : i32
        %mul3A_79 = arith.muli %mul3A_69, %mul3A_78 : i32
        %dma_wait3A = tpu.memref_slice %arg8[%mul3A_79] : memref<4000xi32, #tpu.memory_space<vmem>> -> memref<80xi32, #tpu.memory_space<vmem>>
        %dma_wait3A_80 = arith.constant 0 : i32
        %dma_wait3A_81 = arith.constant 0 : i32
        %dma_wait3A_82 = tpu.memref_slice %arg2[%dma_wait3A_80, %dma_wait3A_81] : memref<20000x128xf32, #tpu.memory_space<hbm>> -> memref<20000x128xf32, #tpu.memory_space<hbm>>
        tpu.wait_indirect_dma semaphore(%arg14 : memref<!tpu.dma_semaphore, #tpu.memory_space<semaphore_mem>>) src(%dma_wait3A_82 : memref<20000x128xf32, #tpu.memory_space<hbm>>) dst(%arg10 : memref<80x128xf32, #tpu.memory_space<vmem>>)
        %mul3A_83 = arith.constant 80 : i32
        %mul3A_84 = arith.muli %mul3A_69, %mul3A_83 : i32
        "tpu.region"() ({
          %run_scoped3A = tpu.sem_alloc : memref<!tpu.dma_semaphore, #tpu.memory_space<semaphore_mem>>
          %dma_start3A_105 = tpu.memref_slice %arg9[%mul3A_84] : memref<4000xi32, #tpu.memory_space<vmem>> -> memref<80xi32, #tpu.memory_space<vmem>>
          %dma_start3A_106 = arith.constant 0 : i32
          %dma_start3A_107 = arith.constant 0 : i32
          %dma_start3A_108 = tpu.memref_slice %arg13[%dma_start3A_106, %dma_start3A_107] : memref<10000x128xf32, #tpu.memory_space<vmem_shared>> -> memref<10000x128xf32, #tpu.memory_space<vmem_shared>>
          tpu.enqueue_indirect_dma source(%arg10 : memref<80x128xf32, #tpu.memory_space<vmem>>) target(%dma_start3A_108 : memref<10000x128xf32, #tpu.memory_space<vmem_shared>>) offsets(%dma_start3A_105 : memref<80xi32, #tpu.memory_space<vmem>>) semaphore(%run_scoped3A : memref<!tpu.dma_semaphore, #tpu.memory_space<semaphore_mem>>) {add = true}
          %dma_wait3A_109 = tpu.memref_slice %arg9[%mul3A_84] : memref<4000xi32, #tpu.memory_space<vmem>> -> memref<80xi32, #tpu.memory_space<vmem>>
          %dma_wait3A_110 = arith.constant 0 : i32
          %dma_wait3A_111 = arith.constant 0 : i32
          %dma_wait3A_112 = tpu.memref_slice %arg13[%dma_wait3A_110, %dma_wait3A_111] : memref<10000x128xf32, #tpu.memory_space<vmem_shared>> -> memref<10000x128xf32, #tpu.memory_space<vmem_shared>>
          tpu.wait_indirect_dma semaphore(%run_scoped3A : memref<!tpu.dma_semaphore, #tpu.memory_space<semaphore_mem>>) src(%arg10 : memref<80x128xf32, #tpu.memory_space<vmem>>) dst(%dma_wait3A_112 : memref<10000x128xf32, #tpu.memory_space<vmem_shared>>)
          tpu.yield
        }) : () -> ()
        %add3A_85 = arith.constant 1 : i32
        %add3A_86 = arith.addi %scan3A_66, %add3A_85 : i32
        %lt3A_87 = arith.constant 25 : i32
        %lt3A_88 = arith.cmpi slt, %add3A_86, %lt3A_87 : i32
        %convert_element_type3A_89 = arith.extui %lt3A_88 : i1 to i32
        %cond3A_90 = arith.constant 0 : i32
        %cond3A_91 = arith.cmpi ne, %convert_element_type3A_89, %cond3A_90 : i32
        scf.if %cond3A_91 {
          %add3A_105 = arith.constant 2 : i32
          %add3A_106 = arith.addi %mul3A_69, %add3A_105 : i32
          %mul3A_107 = arith.constant 80 : i32
          %mul3A_108 = arith.muli %add3A_106, %mul3A_107 : i32
          %dma_start3A_109 = tpu.memref_slice %arg8[%mul3A_108] : memref<4000xi32, #tpu.memory_space<vmem>> -> memref<80xi32, #tpu.memory_space<vmem>>
          %dma_start3A_110 = arith.constant 0 : i32
          %dma_start3A_111 = arith.constant 0 : i32
          %dma_start3A_112 = tpu.memref_slice %arg2[%dma_start3A_110, %dma_start3A_111] : memref<20000x128xf32, #tpu.memory_space<hbm>> -> memref<20000x128xf32, #tpu.memory_space<hbm>>
          tpu.enqueue_indirect_dma source(%dma_start3A_112 : memref<20000x128xf32, #tpu.memory_space<hbm>>) target(%arg10 : memref<80x128xf32, #tpu.memory_space<vmem>>) offsets(%dma_start3A_109 : memref<80xi32, #tpu.memory_space<vmem>>) semaphore(%arg14 : memref<!tpu.dma_semaphore, #tpu.memory_space<semaphore_mem>>)
        } else {
        }
        %add3A_92 = arith.constant 1 : i32
        %add3A_93 = arith.addi %mul3A_69, %add3A_92 : i32
        %mul3A_94 = arith.constant 80 : i32
        %mul3A_95 = arith.muli %add3A_93, %mul3A_94 : i32
        %dma_wait3A_96 = tpu.memref_slice %arg8[%mul3A_95] : memref<4000xi32, #tpu.memory_space<vmem>> -> memref<80xi32, #tpu.memory_space<vmem>>
        %dma_wait3A_97 = arith.constant 0 : i32
        %dma_wait3A_98 = arith.constant 0 : i32
        %dma_wait3A_99 = tpu.memref_slice %arg2[%dma_wait3A_97, %dma_wait3A_98] : memref<20000x128xf32, #tpu.memory_space<hbm>> -> memref<20000x128xf32, #tpu.memory_space<hbm>>
        tpu.wait_indirect_dma semaphore(%arg15 : memref<!tpu.dma_semaphore, #tpu.memory_space<semaphore_mem>>) src(%dma_wait3A_99 : memref<20000x128xf32, #tpu.memory_space<hbm>>) dst(%arg11 : memref<80x128xf32, #tpu.memory_space<vmem>>)
        %add3A_100 = arith.constant 1 : i32
        %add3A_101 = arith.addi %mul3A_69, %add3A_100 : i32
        %mul3A_102 = arith.constant 80 : i32
        %mul3A_103 = arith.muli %add3A_101, %mul3A_102 : i32
        "tpu.region"() ({
          %run_scoped3A = tpu.sem_alloc : memref<!tpu.dma_semaphore, #tpu.memory_space<semaphore_mem>>
          %dma_start3A_105 = tpu.memref_slice %arg9[%mul3A_103] : memref<4000xi32, #tpu.memory_space<vmem>> -> memref<80xi32, #tpu.memory_space<vmem>>
          %dma_start3A_106 = arith.constant 0 : i32
          %dma_start3A_107 = arith.constant 0 : i32
          %dma_start3A_108 = tpu.memref_slice %arg13[%dma_start3A_106, %dma_start3A_107] : memref<10000x128xf32, #tpu.memory_space<vmem_shared>> -> memref<10000x128xf32, #tpu.memory_space<vmem_shared>>
          tpu.enqueue_indirect_dma source(%arg11 : memref<80x128xf32, #tpu.memory_space<vmem>>) target(%dma_start3A_108 : memref<10000x128xf32, #tpu.memory_space<vmem_shared>>) offsets(%dma_start3A_105 : memref<80xi32, #tpu.memory_space<vmem>>) semaphore(%run_scoped3A : memref<!tpu.dma_semaphore, #tpu.memory_space<semaphore_mem>>) {add = true}
          %dma_wait3A_109 = tpu.memref_slice %arg9[%mul3A_103] : memref<4000xi32, #tpu.memory_space<vmem>> -> memref<80xi32, #tpu.memory_space<vmem>>
          %dma_wait3A_110 = arith.constant 0 : i32
          %dma_wait3A_111 = arith.constant 0 : i32
          %dma_wait3A_112 = tpu.memref_slice %arg13[%dma_wait3A_110, %dma_wait3A_111] : memref<10000x128xf32, #tpu.memory_space<vmem_shared>> -> memref<10000x128xf32, #tpu.memory_space<vmem_shared>>
          tpu.wait_indirect_dma semaphore(%run_scoped3A : memref<!tpu.dma_semaphore, #tpu.memory_space<semaphore_mem>>) src(%arg11 : memref<80x128xf32, #tpu.memory_space<vmem>>) dst(%dma_wait3A_112 : memref<10000x128xf32, #tpu.memory_space<vmem_shared>>)
          tpu.yield
        }) : () -> ()
        %scan3A_104 = arith.constant 0 : i32
        scf.yield %scan3A_104 : i32
      }
      %scan3A_64 = arith.constant 25 : i32
      %scan3A_65 = arith.constant 0 : i32
      scf.yield %scan3A_65 : i32
    }
    %scan3A_18 = arith.constant 5 : i32
    %barrier3A_19 = arith.constant 0 : index
    tpu.barrier barrier_id(%barrier3A_19)
    %lt3A_20 = arith.constant 15 : i32
    %lt3A_21 = arith.cmpi slt, %arg1, %lt3A_20 : i32
    %convert_element_type3A_22 = arith.extui %lt3A_21 : i1 to i32
    %cond3A_23 = arith.constant 0 : i32
    %cond3A_24 = arith.cmpi ne, %convert_element_type3A_22, %cond3A_23 : i32
    scf.if %cond3A_24 {
      %mul3A = arith.constant 640 : i32
      %mul3A_30 = arith.muli %arg1, %mul3A : i32
      %mul3A_31 = arith.constant 10000 : i32
      %mul3A_32 = arith.muli %arg0, %mul3A_31 : i32
      %mul3A_33 = arith.constant 640 : i32
      %mul3A_34 = arith.muli %arg1, %mul3A_33 : i32
      %add3A = arith.addi %mul3A_32, %mul3A_34 : i32
      "tpu.region"() ({
        %run_scoped3A = tpu.sem_alloc : memref<!tpu.dma_semaphore, #tpu.memory_space<semaphore_mem>>
        %dma_start3A = arith.constant 0 : i32
        %dma_start3A_35 = tpu.memref_slice %arg7[%add3A, %dma_start3A] : memref<20000x128xf32, #tpu.memory_space<hbm>> -> memref<640x128xf32, #tpu.memory_space<hbm>>
        %dma_start3A_36 = arith.constant 0 : i32
        %dma_start3A_37 = tpu.memref_slice %arg13[%mul3A_30, %dma_start3A_36] : memref<10000x128xf32, #tpu.memory_space<vmem_shared>> -> memref<640x128xf32, #tpu.memory_space<vmem_shared>>
        tpu.enqueue_dma source(%dma_start3A_37 : memref<640x128xf32, #tpu.memory_space<vmem_shared>>) target(%dma_start3A_35 : memref<640x128xf32, #tpu.memory_space<hbm>>) target_semaphore(%run_scoped3A : memref<!tpu.dma_semaphore, #tpu.memory_space<semaphore_mem>>)
        %dma_wait3A = arith.constant 0 : i32
        %dma_wait3A_38 = tpu.memref_slice %arg7[%add3A, %dma_wait3A] : memref<20000x128xf32, #tpu.memory_space<hbm>> -> memref<640x128xf32, #tpu.memory_space<hbm>>
        %dma_wait3A_39 = arith.constant 0 : i32
        %dma_wait3A_40 = tpu.memref_slice %arg13[%mul3A_30, %dma_wait3A_39] : memref<10000x128xf32, #tpu.memory_space<vmem_shared>> -> memref<640x128xf32, #tpu.memory_space<vmem_shared>>
        tpu.wait_dma2 semaphore(%run_scoped3A : memref<!tpu.dma_semaphore, #tpu.memory_space<semaphore_mem>>) src(%dma_wait3A_40 : memref<640x128xf32, #tpu.memory_space<vmem_shared>>) dst(%dma_wait3A_38 : memref<640x128xf32, #tpu.memory_space<hbm>>)
        tpu.yield
      }) : () -> ()
    } else {
    }
    %eq3A_25 = arith.constant 15 : i32
    %eq3A_26 = arith.cmpi eq, %arg1, %eq3A_25 : i32
    %convert_element_type3A_27 = arith.extui %eq3A_26 : i1 to i32
    %cond3A_28 = arith.constant 0 : i32
    %cond3A_29 = arith.cmpi ne, %convert_element_type3A_27, %cond3A_28 : i32
    scf.if %cond3A_29 {
      %mul3A = arith.constant 10000 : i32
      %mul3A_30 = arith.muli %arg0, %mul3A : i32
      %add3A = arith.constant 9600 : i32
      %add3A_31 = arith.addi %mul3A_30, %add3A : i32
      "tpu.region"() ({
        %run_scoped3A = tpu.sem_alloc : memref<!tpu.dma_semaphore, #tpu.memory_space<semaphore_mem>>
        %dma_start3A = arith.constant 0 : i32
        %dma_start3A_32 = tpu.memref_slice %arg7[%add3A_31, %dma_start3A] : memref<20000x128xf32, #tpu.memory_space<hbm>> -> memref<400x128xf32, #tpu.memory_space<hbm>>
        %dma_start3A_33 = arith.constant 9600 : i32
        %dma_start3A_34 = arith.constant 0 : i32
        %dma_start3A_35 = tpu.memref_slice %arg13[%dma_start3A_33, %dma_start3A_34] : memref<10000x128xf32, #tpu.memory_space<vmem_shared>> -> memref<400x128xf32, #tpu.memory_space<vmem_shared>>
        tpu.enqueue_dma source(%dma_start3A_35 : memref<400x128xf32, #tpu.memory_space<vmem_shared>>) target(%dma_start3A_32 : memref<400x128xf32, #tpu.memory_space<hbm>>) target_semaphore(%run_scoped3A : memref<!tpu.dma_semaphore, #tpu.memory_space<semaphore_mem>>)
        %dma_wait3A = arith.constant 0 : i32
        %dma_wait3A_36 = tpu.memref_slice %arg7[%add3A_31, %dma_wait3A] : memref<20000x128xf32, #tpu.memory_space<hbm>> -> memref<400x128xf32, #tpu.memory_space<hbm>>
        %dma_wait3A_37 = arith.constant 9600 : i32
        %dma_wait3A_38 = arith.constant 0 : i32
        %dma_wait3A_39 = tpu.memref_slice %arg13[%dma_wait3A_37, %dma_wait3A_38] : memref<10000x128xf32, #tpu.memory_space<vmem_shared>> -> memref<400x128xf32, #tpu.memory_space<vmem_shared>>
        tpu.wait_dma2 semaphore(%run_scoped3A : memref<!tpu.dma_semaphore, #tpu.memory_space<semaphore_mem>>) src(%dma_wait3A_39 : memref<400x128xf32, #tpu.memory_space<vmem_shared>>) dst(%dma_wait3A_36 : memref<400x128xf32, #tpu.memory_space<hbm>>)
        tpu.yield
      }) : () -> ()
    } else {
    }
    return
  }
}

module attributes {stable_mosaic.version = 14 : i64} {
  func.func @_conv1_body(%arg0: i32, %arg1: i32, %arg2: memref<1x2000x128xf32, #tpu.memory_space<vmem>>, %arg3: memref<1x2000x128xf32, #tpu.memory_space<vmem>>, %arg4: memref<1x2000x128xf32, #tpu.memory_space<vmem>>, %arg5: memref<128x256xf32, #tpu.memory_space<vmem>>, %arg6: memref<1x256xf32, #tpu.memory_space<vmem>>, %arg7: memref<1x2x2000x128xf32, #tpu.memory_space<vmem>>) attributes {dimension_semantics = [#tpu.dimension_semantics<arbitrary>, #tpu.dimension_semantics<arbitrary>], iteration_bounds = array<i64: 2, 5>, scalar_prefetch = 0 : i64, scratch_operands = 0 : i64, tpu.core_type = #tpu.core_type<tc>, window_params = [{transform_indices = @transform_0, window_bounds = array<i64: 1, 2000, 128>}, {transform_indices = @transform_1, window_bounds = array<i64: 1, 2000, 128>}, {transform_indices = @transform_2, window_bounds = array<i64: 1, 2000, 128>}, {pipeline_mode = #tpu.pipeline_mode<synchronous>, transform_indices = @transform_3, window_bounds = array<i64: 128, 256>}, {pipeline_mode = #tpu.pipeline_mode<synchronous>, transform_indices = @transform_4, window_bounds = array<i64: 1, 256>}, {transform_indices = @transform_5, window_bounds = array<i64: 1, 2, 2000, 128>}]} {
    %get3A = arith.constant 0 : index
    %get3A_0 = arith.constant 0 : index
    %get3A_1 = arith.constant 0 : index
    %get3A_2 = vector.load %arg4[%get3A, %get3A_0, %get3A_1] : memref<1x2000x128xf32, #tpu.memory_space<vmem>>, vector<1x2000x128xf32>
    %get3A_3 = vector.shape_cast %get3A_2 : vector<1x2000x128xf32> to vector<2000x128xf32>
    %slice3A = vector.extract_strided_slice %get3A_3 {offsets = [0, 0], sizes = [2000, 1], strides = [1, 1]} : vector<2000x128xf32> to vector<2000x1xf32>
    %add3A = arith.constant 1.000000e+00 : f32
    %add3A_4 = vector.broadcast %add3A : f32 to vector<2000x1xf32>
    %add3A_5 = arith.addf %slice3A, %add3A_4 : vector<2000x1xf32>
    %rsqrt3A = math.rsqrt %add3A_5 : vector<2000x1xf32>
    %get3A_6 = arith.constant 0 : index
    %get3A_7 = arith.constant 0 : index
    %get3A_8 = arith.constant 0 : index
    %get3A_9 = vector.load %arg2[%get3A_6, %get3A_7, %get3A_8] : memref<1x2000x128xf32, #tpu.memory_space<vmem>>, vector<1x2000x128xf32>
    %get3A_10 = vector.shape_cast %get3A_9 : vector<1x2000x128xf32> to vector<2000x128xf32>
    %get3A_11 = arith.constant 0 : index
    %get3A_12 = arith.constant 0 : index
    %get3A_13 = arith.constant 0 : index
    %get3A_14 = vector.load %arg3[%get3A_11, %get3A_12, %get3A_13] : memref<1x2000x128xf32, #tpu.memory_space<vmem>>, vector<1x2000x128xf32>
    %get3A_15 = vector.shape_cast %get3A_14 : vector<1x2000x128xf32> to vector<2000x128xf32>
    %add3A_16 = arith.addf %get3A_10, %get3A_15 : vector<2000x128xf32>
    %mul3A = vector.broadcast %rsqrt3A : vector<2000x1xf32> to vector<2000x128xf32>
    %mul3A_17 = arith.mulf %mul3A, %add3A_16 : vector<2000x128xf32>
    %get3A_18 = arith.constant 0 : index
    %get3A_19 = arith.constant 0 : index
    %get3A_20 = vector.load %arg5[%get3A_18, %get3A_19] : memref<128x256xf32, #tpu.memory_space<vmem>>, vector<128x256xf32>
    %dot_general3A = arith.constant dense<0.000000e+00> : vector<2000x256xf32>
    %dot_general3A_21 = tpu.matmul %mul3A_17, %get3A_20, %dot_general3A {dimension_numbers = #tpu.dot_dimension_numbers<[1], [0], [0], [1], [0, 0, 1, 1], [], []>, precision = #tpu.contract_precision<fp32>, transpose_lhs_hint = false} : vector<2000x128xf32>, vector<128x256xf32>, vector<2000x256xf32> -> vector<2000x256xf32>
    %get3A_22 = arith.constant 0 : index
    %get3A_23 = arith.constant 0 : index
    %get3A_24 = vector.load %arg6[%get3A_22, %get3A_23] : memref<1x256xf32, #tpu.memory_space<vmem>>, vector<1x256xf32>
    %get3A_25 = vector.shape_cast %get3A_24 : vector<1x256xf32> to vector<256xf32>
    %broadcast_in_dim3A = vector.shape_cast %get3A_25 : vector<256xf32> to vector<1x256xf32>
    %add3A_26 = vector.broadcast %broadcast_in_dim3A : vector<1x256xf32> to vector<2000x256xf32>
    %add3A_27 = arith.addf %dot_general3A_21, %add3A_26 : vector<2000x256xf32>
    %max3A = arith.constant 0.000000e+00 : f32
    %max3A_28 = vector.broadcast %max3A : f32 to vector<2000x256xf32>
    %max3A_29 = arith.maximumf %add3A_27, %max3A_28 : vector<2000x256xf32>
    %mul3A_30 = vector.broadcast %rsqrt3A : vector<2000x1xf32> to vector<2000x256xf32>
    %mul3A_31 = arith.mulf %max3A_29, %mul3A_30 : vector<2000x256xf32>
    %slice3A_32 = vector.extract_strided_slice %mul3A_31 {offsets = [0, 0], sizes = [2000, 128], strides = [1, 1]} : vector<2000x256xf32> to vector<2000x128xf32>
    %swap3A = arith.constant 0 : index
    %swap3A_33 = arith.constant 0 : index
    %swap3A_34 = arith.constant 0 : index
    %swap3A_35 = arith.constant 0 : index
    %swap3A_36 = vector.load %arg7[%swap3A, %swap3A_33, %swap3A_34, %swap3A_35] : memref<1x2x2000x128xf32, #tpu.memory_space<vmem>>, vector<1x1x2000x128xf32>
    %swap3A_37 = vector.shape_cast %swap3A_36 : vector<1x1x2000x128xf32> to vector<2000x128xf32>
    %swap3A_38 = vector.shape_cast %slice3A_32 : vector<2000x128xf32> to vector<1x1x2000x128xf32>
    tpu.vector_store %arg7[%swap3A, %swap3A_33, %swap3A_34, %swap3A_35], %swap3A_38 {strides = array<i32>} : memref<1x2x2000x128xf32, #tpu.memory_space<vmem>>, vector<1x1x2000x128xf32>,
    %slice3A_39 = vector.extract_strided_slice %mul3A_31 {offsets = [0, 128], sizes = [2000, 128], strides = [1, 1]} : vector<2000x256xf32> to vector<2000x128xf32>
    %swap3A_40 = arith.constant 0 : index
    %swap3A_41 = arith.constant 1 : index
    %swap3A_42 = arith.constant 0 : index
    %swap3A_43 = arith.constant 0 : index
    %swap3A_44 = vector.load %arg7[%swap3A_40, %swap3A_41, %swap3A_42, %swap3A_43] : memref<1x2x2000x128xf32, #tpu.memory_space<vmem>>, vector<1x1x2000x128xf32>
    %swap3A_45 = vector.shape_cast %swap3A_44 : vector<1x1x2000x128xf32> to vector<2000x128xf32>
    %swap3A_46 = vector.shape_cast %slice3A_39 : vector<2000x128xf32> to vector<1x1x2000x128xf32>
    tpu.vector_store %arg7[%swap3A_40, %swap3A_41, %swap3A_42, %swap3A_43], %swap3A_46 {strides = array<i32>} : memref<1x2x2000x128xf32, #tpu.memory_space<vmem>>, vector<1x1x2000x128xf32>,
    return
  }
  func.func @transform_0(%arg0: i32, %arg1: i32) -> (i32, i32, i32) {
    %c0_i32 = arith.constant 0 : i32
    %c0_i32_0 = arith.constant 0 : i32
    return %arg0, %arg1, %c0_i32 : i32, i32, i32
  }
  func.func @transform_1(%arg0: i32, %arg1: i32) -> (i32, i32, i32) {
    %c0_i32 = arith.constant 0 : i32
    %c0_i32_0 = arith.constant 0 : i32
    return %arg0, %arg1, %c0_i32 : i32, i32, i32
  }
  func.func @transform_2(%arg0: i32, %arg1: i32) -> (i32, i32, i32) {
    %c0_i32 = arith.constant 0 : i32
    %c0_i32_0 = arith.constant 0 : i32
    return %arg0, %arg1, %c0_i32 : i32, i32, i32
  }
  func.func @transform_3(%arg0: i32, %arg1: i32) -> (i32, i32) {
    %c0_i32 = arith.constant 0 : i32
    %c0_i32_0 = arith.constant 0 : i32
    %c0_i32_1 = arith.constant 0 : i32
    return %c0_i32, %c0_i32_0 : i32, i32
  }
  func.func @transform_4(%arg0: i32, %arg1: i32) -> (i32, i32) {
    %c0_i32 = arith.constant 0 : i32
    %c0_i32_0 = arith.constant 0 : i32
    %c0_i32_1 = arith.constant 0 : i32
    return %c0_i32, %c0_i32_0 : i32, i32
  }
  func.func @transform_5(%arg0: i32, %arg1: i32) -> (i32, i32, i32, i32) {
    %c0_i32 = arith.constant 0 : i32
    %c0_i32_0 = arith.constant 0 : i32
    %c0_i32_1 = arith.constant 0 : i32
    return %arg0, %c0_i32, %arg1, %c0_i32_0 : i32, i32, i32, i32
  }
}

module attributes {stable_mosaic.version = 14 : i64} {
  func.func @_prescale_body(%arg0: i32, %arg1: i32, %arg2: memref<1x2000x128xf32, #tpu.memory_space<vmem>>, %arg3: memref<1x2000x128xf32, #tpu.memory_space<vmem>>, %arg4: memref<1x2000x128xf32, #tpu.memory_space<vmem>>) attributes {dimension_semantics = [#tpu.dimension_semantics<arbitrary>, #tpu.dimension_semantics<arbitrary>], iteration_bounds = array<i64: 2, 5>, scalar_prefetch = 0 : i64, scratch_operands = 0 : i64, tpu.core_type = #tpu.core_type<tc>, window_params = [{transform_indices = @transform_0, window_bounds = array<i64: 1, 2000, 128>}, {transform_indices = @transform_1, window_bounds = array<i64: 1, 2000, 128>}, {transform_indices = @transform_2, window_bounds = array<i64: 1, 2000, 128>}]} {
    %get3A = arith.constant 0 : index
    %get3A_0 = arith.constant 0 : index
    %get3A_1 = arith.constant 0 : index
    %get3A_2 = vector.load %arg3[%get3A, %get3A_0, %get3A_1] : memref<1x2000x128xf32, #tpu.memory_space<vmem>>, vector<1x2000x128xf32>
    %get3A_3 = vector.shape_cast %get3A_2 : vector<1x2000x128xf32> to vector<2000x128xf32>
    %slice3A = vector.extract_strided_slice %get3A_3 {offsets = [0, 0], sizes = [2000, 1], strides = [1, 1]} : vector<2000x128xf32> to vector<2000x1xf32>
    %add3A = arith.constant 1.000000e+00 : f32
    %add3A_4 = vector.broadcast %add3A : f32 to vector<2000x1xf32>
    %add3A_5 = arith.addf %slice3A, %add3A_4 : vector<2000x1xf32>
    %rsqrt3A = math.rsqrt %add3A_5 : vector<2000x1xf32>
    %get3A_6 = arith.constant 0 : index
    %get3A_7 = arith.constant 0 : index
    %get3A_8 = arith.constant 0 : index
    %get3A_9 = vector.load %arg2[%get3A_6, %get3A_7, %get3A_8] : memref<1x2000x128xf32, #tpu.memory_space<vmem>>, vector<1x2000x128xf32>
    %get3A_10 = vector.shape_cast %get3A_9 : vector<1x2000x128xf32> to vector<2000x128xf32>
    %mul3A = vector.broadcast %rsqrt3A : vector<2000x1xf32> to vector<2000x128xf32>
    %mul3A_11 = arith.mulf %get3A_10, %mul3A : vector<2000x128xf32>
    %swap3A = arith.constant 0 : index
    %swap3A_12 = arith.constant 0 : index
    %swap3A_13 = arith.constant 0 : index
    %swap3A_14 = vector.load %arg4[%swap3A, %swap3A_12, %swap3A_13] : memref<1x2000x128xf32, #tpu.memory_space<vmem>>, vector<1x2000x128xf32>
    %swap3A_15 = vector.shape_cast %swap3A_14 : vector<1x2000x128xf32> to vector<2000x128xf32>
    %swap3A_16 = vector.shape_cast %mul3A_11 : vector<2000x128xf32> to vector<1x2000x128xf32>
    tpu.vector_store %arg4[%swap3A, %swap3A_12, %swap3A_13], %swap3A_16 {strides = array<i32>} : memref<1x2000x128xf32, #tpu.memory_space<vmem>>, vector<1x2000x128xf32>,
    return
  }
  func.func @transform_0(%arg0: i32, %arg1: i32) -> (i32, i32, i32) {
    %c0_i32 = arith.constant 0 : i32
    %c0_i32_0 = arith.constant 0 : i32
    return %arg0, %arg1, %c0_i32 : i32, i32, i32
  }
  func.func @transform_1(%arg0: i32, %arg1: i32) -> (i32, i32, i32) {
    %c0_i32 = arith.constant 0 : i32
    %c0_i32_0 = arith.constant 0 : i32
    return %arg0, %arg1, %c0_i32 : i32, i32, i32
  }
  func.func @transform_2(%arg0: i32, %arg1: i32) -> (i32, i32, i32) {
    %c0_i32 = arith.constant 0 : i32
    %c0_i32_0 = arith.constant 0 : i32
    return %arg0, %arg1, %c0_i32 : i32, i32, i32
  }
}

module attributes {stable_mosaic.version = 14 : i64} {
  func.func @_conv2_pool_body(%arg0: i32, %arg1: memref<2x2000x128xf32, #tpu.memory_space<vmem>>, %arg2: memref<1x2x2000x128xf32, #tpu.memory_space<vmem>>, %arg3: memref<1x2000x128xf32, #tpu.memory_space<vmem>>, %arg4: memref<256x256xf32, #tpu.memory_space<vmem>>, %arg5: memref<1x256xf32, #tpu.memory_space<vmem>>, %arg6: memref<1x1x2000xi32, #tpu.memory_space<vmem>>, %arg7: memref<512x384xf32, #tpu.memory_space<vmem>>) attributes {dimension_semantics = [#tpu.dimension_semantics<arbitrary>], iteration_bounds = array<i64: 5>, scalar_prefetch = 0 : i64, scratch_operands = 0 : i64, tpu.core_type = #tpu.core_type<tc>, window_params = [{transform_indices = @transform_0, window_bounds = array<i64: 2, 2000, 128>}, {transform_indices = @transform_1, window_bounds = array<i64: 1, 2, 2000, 128>}, {transform_indices = @transform_2, window_bounds = array<i64: 1, 2000, 128>}, {pipeline_mode = #tpu.pipeline_mode<synchronous>, transform_indices = @transform_3, window_bounds = array<i64: 256, 256>}, {pipeline_mode = #tpu.pipeline_mode<synchronous>, transform_indices = @transform_4, window_bounds = array<i64: 1, 256>}, {transform_indices = @transform_5, window_bounds = array<i64: 1, 1, 2000>}, {pipeline_mode = #tpu.pipeline_mode<synchronous>, transform_indices = @transform_6, window_bounds = array<i64: 512, 384>}]} {
    %get3A = arith.constant 0 : index
    %get3A_0 = arith.constant 0 : index
    %get3A_1 = arith.constant 0 : index
    %get3A_2 = vector.load %arg3[%get3A, %get3A_0, %get3A_1] : memref<1x2000x128xf32, #tpu.memory_space<vmem>>, vector<1x2000x128xf32>
    %get3A_3 = vector.shape_cast %get3A_2 : vector<1x2000x128xf32> to vector<2000x128xf32>
    %slice3A = vector.extract_strided_slice %get3A_3 {offsets = [0, 0], sizes = [2000, 1], strides = [1, 1]} : vector<2000x128xf32> to vector<2000x1xf32>
    %add3A = arith.constant 1.000000e+00 : f32
    %add3A_4 = vector.broadcast %add3A : f32 to vector<2000x1xf32>
    %add3A_5 = arith.addf %slice3A, %add3A_4 : vector<2000x1xf32>
    %rsqrt3A = math.rsqrt %add3A_5 : vector<2000x1xf32>
    %get3A_6 = arith.constant 0 : index
    %get3A_7 = arith.constant 0 : index
    %get3A_8 = arith.constant 0 : index
    %get3A_9 = vector.load %arg1[%get3A_6, %get3A_7, %get3A_8] : memref<2x2000x128xf32, #tpu.memory_space<vmem>>, vector<1x2000x128xf32>
    %get3A_10 = vector.shape_cast %get3A_9 : vector<1x2000x128xf32> to vector<2000x128xf32>
    %get3A_11 = arith.constant 0 : index
    %get3A_12 = arith.constant 0 : index
    %get3A_13 = arith.constant 0 : index
    %get3A_14 = arith.constant 0 : index
    %get3A_15 = vector.load %arg2[%get3A_11, %get3A_12, %get3A_13, %get3A_14] : memref<1x2x2000x128xf32, #tpu.memory_space<vmem>>, vector<1x1x2000x128xf32>
    %get3A_16 = vector.shape_cast %get3A_15 : vector<1x1x2000x128xf32> to vector<2000x128xf32>
    %add3A_17 = arith.addf %get3A_10, %get3A_16 : vector<2000x128xf32>
    %mul3A = vector.broadcast %rsqrt3A : vector<2000x1xf32> to vector<2000x128xf32>
    %mul3A_18 = arith.mulf %mul3A, %add3A_17 : vector<2000x128xf32>
    %get3A_19 = arith.constant 1 : index
    %get3A_20 = arith.constant 0 : index
    %get3A_21 = arith.constant 0 : index
    %get3A_22 = vector.load %arg1[%get3A_19, %get3A_20, %get3A_21] : memref<2x2000x128xf32, #tpu.memory_space<vmem>>, vector<1x2000x128xf32>
    %get3A_23 = vector.shape_cast %get3A_22 : vector<1x2000x128xf32> to vector<2000x128xf32>
    %get3A_24 = arith.constant 0 : index
    %get3A_25 = arith.constant 1 : index
    %get3A_26 = arith.constant 0 : index
    %get3A_27 = arith.constant 0 : index
    %get3A_28 = vector.load %arg2[%get3A_24, %get3A_25, %get3A_26, %get3A_27] : memref<1x2x2000x128xf32, #tpu.memory_space<vmem>>, vector<1x1x2000x128xf32>
    %get3A_29 = vector.shape_cast %get3A_28 : vector<1x1x2000x128xf32> to vector<2000x128xf32>
    %add3A_30 = arith.addf %get3A_23, %get3A_29 : vector<2000x128xf32>
    %mul3A_31 = vector.broadcast %rsqrt3A : vector<2000x1xf32> to vector<2000x128xf32>
    %mul3A_32 = arith.mulf %mul3A_31, %add3A_30 : vector<2000x128xf32>
    %get3A_33 = arith.constant 0 : index
    %get3A_34 = arith.constant 0 : index
    %get3A_35 = vector.load %arg4[%get3A_33, %get3A_34] : memref<256x256xf32, #tpu.memory_space<vmem>>, vector<128x256xf32>
    %dot_general3A = arith.constant dense<0.000000e+00> : vector<2000x256xf32>
    %dot_general3A_36 = tpu.matmul %mul3A_18, %get3A_35, %dot_general3A {dimension_numbers = #tpu.dot_dimension_numbers<[1], [0], [0], [1], [0, 0, 1, 1], [], []>, precision = #tpu.contract_precision<fp32>, transpose_lhs_hint = false} : vector<2000x128xf32>, vector<128x256xf32>, vector<2000x256xf32> -> vector<2000x256xf32>
    %get3A_37 = arith.constant 128 : index
    %get3A_38 = arith.constant 0 : index
    %get3A_39 = vector.load %arg4[%get3A_37, %get3A_38] : memref<256x256xf32, #tpu.memory_space<vmem>>, vector<128x256xf32>
    %dot_general3A_40 = arith.constant dense<0.000000e+00> : vector<2000x256xf32>
    %dot_general3A_41 = tpu.matmul %mul3A_32, %get3A_39, %dot_general3A_40 {dimension_numbers = #tpu.dot_dimension_numbers<[1], [0], [0], [1], [0, 0, 1, 1], [], []>, precision = #tpu.contract_precision<fp32>, transpose_lhs_hint = false} : vector<2000x128xf32>, vector<128x256xf32>, vector<2000x256xf32> -> vector<2000x256xf32>
    %add3A_42 = arith.addf %dot_general3A_36, %dot_general3A_41 : vector<2000x256xf32>
    %get3A_43 = arith.constant 0 : index
    %get3A_44 = arith.constant 0 : index
    %get3A_45 = vector.load %arg5[%get3A_43, %get3A_44] : memref<1x256xf32, #tpu.memory_space<vmem>>, vector<1x256xf32>
    %get3A_46 = vector.shape_cast %get3A_45 : vector<1x256xf32> to vector<256xf32>
    %broadcast_in_dim3A = vector.shape_cast %get3A_46 : vector<256xf32> to vector<1x256xf32>
    %add3A_47 = vector.broadcast %broadcast_in_dim3A : vector<1x256xf32> to vector<2000x256xf32>
    %add3A_48 = arith.addf %add3A_42, %add3A_47 : vector<2000x256xf32>
    %max3A = arith.constant 0.000000e+00 : f32
    %max3A_49 = vector.broadcast %max3A : f32 to vector<2000x256xf32>
    %max3A_50 = arith.maximumf %add3A_48, %max3A_49 : vector<2000x256xf32>
    %get3A_51 = arith.constant 0 : index
    %get3A_52 = arith.constant 0 : index
    %get3A_53 = arith.constant 0 : index
    %get3A_54 = vector.load %arg6[%get3A_51, %get3A_52, %get3A_53] : memref<1x1x2000xi32, #tpu.memory_space<vmem>>, vector<1x1x2000xi32>
    %get3A_55 = vector.shape_cast %get3A_54 : vector<1x1x2000xi32> to vector<2000xi32>
    %iota3A = tpu.iota {dimensions = array<i32: 0>} : vector<512x2000xi32>
    %broadcast_in_dim3A_56 = vector.shape_cast %get3A_55 : vector<2000xi32> to vector<1x2000xi32>
    %eq3A = vector.broadcast %broadcast_in_dim3A_56 : vector<1x2000xi32> to vector<512x2000xi32>
    %eq3A_57 = arith.cmpi eq, %iota3A, %eq3A : vector<512x2000xi32>
    %convert_element_type3A = arith.extui %eq3A_57 : vector<512x2000xi1> to vector<512x2000xi32>
    %convert_element_type3A_58 = arith.sitofp %convert_element_type3A : vector<512x2000xi32> to vector<512x2000xf32>
    %convert_element_type3A_59 = arith.truncf %convert_element_type3A_58 : vector<512x2000xf32> to vector<512x2000xbf16>
    %broadcast_in_dim3A_60 = arith.constant 1.000000e+00 : f32
    %broadcast_in_dim3A_61 = vector.broadcast %broadcast_in_dim3A_60 : f32 to vector<2000x128xf32>
    %concatenate3A = tpu.concatenate %max3A_50, %broadcast_in_dim3A_61 in 1 : vector<2000x256xf32>, vector<2000x128xf32> -> vector<2000x384xf32>
    %convert_element_type3A_62 = arith.truncf %concatenate3A : vector<2000x384xf32> to vector<2000x384xbf16>
    %convert_element_type3A_63 = arith.extf %convert_element_type3A_62 : vector<2000x384xbf16> to vector<2000x384xf32>
    %sub3A = arith.subf %concatenate3A, %convert_element_type3A_63 : vector<2000x384xf32>
    %convert_element_type3A_64 = arith.truncf %sub3A : vector<2000x384xf32> to vector<2000x384xbf16>
    %dot_general3A_65 = arith.constant dense<0.000000e+00> : vector<512x384xf32>
    %dot_general3A_66 = tpu.matmul %convert_element_type3A_59, %convert_element_type3A_62, %dot_general3A_65 {dimension_numbers = #tpu.dot_dimension_numbers<[1], [0], [0], [1], [0, 0, 1, 1], [], []>, transpose_lhs_hint = false} : vector<512x2000xbf16>, vector<2000x384xbf16>, vector<512x384xf32> -> vector<512x384xf32>
    %dot_general3A_67 = arith.constant dense<0.000000e+00> : vector<512x384xf32>
    %dot_general3A_68 = tpu.matmul %convert_element_type3A_59, %convert_element_type3A_64, %dot_general3A_67 {dimension_numbers = #tpu.dot_dimension_numbers<[1], [0], [0], [1], [0, 0, 1, 1], [], []>, transpose_lhs_hint = false} : vector<512x2000xbf16>, vector<2000x384xbf16>, vector<512x384xf32> -> vector<512x384xf32>
    %add3A_69 = arith.addf %dot_general3A_66, %dot_general3A_68 : vector<512x384xf32>
    %eq3A_70 = arith.constant 0 : i32
    %eq3A_71 = arith.cmpi eq, %arg0, %eq3A_70 : i32
    %convert_element_type3A_72 = arith.extui %eq3A_71 : i1 to i32
    %cond3A = arith.constant 0 : i32
    %cond3A_73 = arith.cmpi ne, %convert_element_type3A_72, %cond3A : i32
    scf.if %cond3A_73 {
      %swap3A = arith.constant 0 : index
      %swap3A_78 = arith.constant 0 : index
      %swap3A_79 = vector.load %arg7[%swap3A, %swap3A_78] : memref<512x384xf32, #tpu.memory_space<vmem>>, vector<512x384xf32>
      tpu.vector_store %arg7[%swap3A, %swap3A_78], %add3A_69 {strides = array<i32>} : memref<512x384xf32, #tpu.memory_space<vmem>>, vector<512x384xf32>,
    } else {
    }
    %gt3A = arith.constant 0 : i32
    %gt3A_74 = arith.cmpi sgt, %arg0, %gt3A : i32
    %convert_element_type3A_75 = arith.extui %gt3A_74 : i1 to i32
    %cond3A_76 = arith.constant 0 : i32
    %cond3A_77 = arith.cmpi ne, %convert_element_type3A_75, %cond3A_76 : i32
    scf.if %cond3A_77 {
      %get3A_78 = arith.constant 0 : index
      %get3A_79 = arith.constant 0 : index
      %get3A_80 = vector.load %arg7[%get3A_78, %get3A_79] : memref<512x384xf32, #tpu.memory_space<vmem>>, vector<512x384xf32>
      %add3A_81 = arith.addf %get3A_80, %add3A_69 : vector<512x384xf32>
      %swap3A = arith.constant 0 : index
      %swap3A_82 = arith.constant 0 : index
      %swap3A_83 = vector.load %arg7[%swap3A, %swap3A_82] : memref<512x384xf32, #tpu.memory_space<vmem>>, vector<512x384xf32>
      tpu.vector_store %arg7[%swap3A, %swap3A_82], %add3A_81 {strides = array<i32>} : memref<512x384xf32, #tpu.memory_space<vmem>>, vector<512x384xf32>,
    } else {
    }
    return
  }
  func.func @transform_0(%arg0: i32) -> (i32, i32, i32) {
    %c0_i32 = arith.constant 0 : i32
    %c0_i32_0 = arith.constant 0 : i32
    %c0_i32_1 = arith.constant 0 : i32
    return %c0_i32, %arg0, %c0_i32_0 : i32, i32, i32
  }
  func.func @transform_1(%arg0: i32) -> (i32, i32, i32, i32) {
    %c1_i32 = arith.constant 1 : i32
    %c0_i32 = arith.constant 0 : i32
    %c0_i32_0 = arith.constant 0 : i32
    %c0_i32_1 = arith.constant 0 : i32
    return %c1_i32, %c0_i32, %arg0, %c0_i32_0 : i32, i32, i32, i32
  }
  func.func @transform_2(%arg0: i32) -> (i32, i32, i32) {
    %c1_i32 = arith.constant 1 : i32
    %c0_i32 = arith.constant 0 : i32
    %c0_i32_0 = arith.constant 0 : i32
    return %c1_i32, %arg0, %c0_i32 : i32, i32, i32
  }
  func.func @transform_3(%arg0: i32) -> (i32, i32) {
    %c0_i32 = arith.constant 0 : i32
    %c0_i32_0 = arith.constant 0 : i32
    %c0_i32_1 = arith.constant 0 : i32
    return %c0_i32, %c0_i32_0 : i32, i32
  }
  func.func @transform_4(%arg0: i32) -> (i32, i32) {
    %c0_i32 = arith.constant 0 : i32
    %c0_i32_0 = arith.constant 0 : i32
    %c0_i32_1 = arith.constant 0 : i32
    return %c0_i32, %c0_i32_0 : i32, i32
  }
  func.func @transform_5(%arg0: i32) -> (i32, i32, i32) {
    %c0_i32 = arith.constant 0 : i32
    %c0_i32_0 = arith.constant 0 : i32
    %c0_i32_1 = arith.constant 0 : i32
    return %arg0, %c0_i32, %c0_i32_0 : i32, i32, i32
  }
  func.func @transform_6(%arg0: i32) -> (i32, i32) {
    %c0_i32 = arith.constant 0 : i32
    %c0_i32_0 = arith.constant 0 : i32
    %c0_i32_1 = arith.constant 0 : i32
    return %c0_i32, %c0_i32_0 : i32, i32
  }
}

module attributes {stable_mosaic.version = 14 : i64} {
  func.func @_conv2_pool_body(%arg0: i32, %arg1: memref<2x2000x128xf32, #tpu.memory_space<vmem>>, %arg2: memref<1x2x2000x128xf32, #tpu.memory_space<vmem>>, %arg3: memref<1x2000x128xf32, #tpu.memory_space<vmem>>, %arg4: memref<256x256xf32, #tpu.memory_space<vmem>>, %arg5: memref<1x256xf32, #tpu.memory_space<vmem>>, %arg6: memref<1x1x2000xi32, #tpu.memory_space<vmem>>, %arg7: memref<512x384xf32, #tpu.memory_space<vmem>>) attributes {dimension_semantics = [#tpu.dimension_semantics<arbitrary>], iteration_bounds = array<i64: 5>, scalar_prefetch = 0 : i64, scratch_operands = 0 : i64, tpu.core_type = #tpu.core_type<tc>, window_params = [{transform_indices = @transform_0, window_bounds = array<i64: 2, 2000, 128>}, {transform_indices = @transform_1, window_bounds = array<i64: 1, 2, 2000, 128>}, {transform_indices = @transform_2, window_bounds = array<i64: 1, 2000, 128>}, {pipeline_mode = #tpu.pipeline_mode<synchronous>, transform_indices = @transform_3, window_bounds = array<i64: 256, 256>}, {pipeline_mode = #tpu.pipeline_mode<synchronous>, transform_indices = @transform_4, window_bounds = array<i64: 1, 256>}, {transform_indices = @transform_5, window_bounds = array<i64: 1, 1, 2000>}, {pipeline_mode = #tpu.pipeline_mode<synchronous>, transform_indices = @transform_6, window_bounds = array<i64: 512, 384>}]} {
    %get3A = arith.constant 0 : index
    %get3A_0 = arith.constant 0 : index
    %get3A_1 = arith.constant 0 : index
    %get3A_2 = vector.load %arg3[%get3A, %get3A_0, %get3A_1] : memref<1x2000x128xf32, #tpu.memory_space<vmem>>, vector<1x2000x128xf32>
    %get3A_3 = vector.shape_cast %get3A_2 : vector<1x2000x128xf32> to vector<2000x128xf32>
    %slice3A = vector.extract_strided_slice %get3A_3 {offsets = [0, 0], sizes = [2000, 1], strides = [1, 1]} : vector<2000x128xf32> to vector<2000x1xf32>
    %add3A = arith.constant 1.000000e+00 : f32
    %add3A_4 = vector.broadcast %add3A : f32 to vector<2000x1xf32>
    %add3A_5 = arith.addf %slice3A, %add3A_4 : vector<2000x1xf32>
    %rsqrt3A = math.rsqrt %add3A_5 : vector<2000x1xf32>
    %get3A_6 = arith.constant 0 : index
    %get3A_7 = arith.constant 0 : index
    %get3A_8 = arith.constant 0 : index
    %get3A_9 = vector.load %arg1[%get3A_6, %get3A_7, %get3A_8] : memref<2x2000x128xf32, #tpu.memory_space<vmem>>, vector<1x2000x128xf32>
    %get3A_10 = vector.shape_cast %get3A_9 : vector<1x2000x128xf32> to vector<2000x128xf32>
    %get3A_11 = arith.constant 0 : index
    %get3A_12 = arith.constant 0 : index
    %get3A_13 = arith.constant 0 : index
    %get3A_14 = arith.constant 0 : index
    %get3A_15 = vector.load %arg2[%get3A_11, %get3A_12, %get3A_13, %get3A_14] : memref<1x2x2000x128xf32, #tpu.memory_space<vmem>>, vector<1x1x2000x128xf32>
    %get3A_16 = vector.shape_cast %get3A_15 : vector<1x1x2000x128xf32> to vector<2000x128xf32>
    %add3A_17 = arith.addf %get3A_10, %get3A_16 : vector<2000x128xf32>
    %mul3A = vector.broadcast %rsqrt3A : vector<2000x1xf32> to vector<2000x128xf32>
    %mul3A_18 = arith.mulf %mul3A, %add3A_17 : vector<2000x128xf32>
    %get3A_19 = arith.constant 1 : index
    %get3A_20 = arith.constant 0 : index
    %get3A_21 = arith.constant 0 : index
    %get3A_22 = vector.load %arg1[%get3A_19, %get3A_20, %get3A_21] : memref<2x2000x128xf32, #tpu.memory_space<vmem>>, vector<1x2000x128xf32>
    %get3A_23 = vector.shape_cast %get3A_22 : vector<1x2000x128xf32> to vector<2000x128xf32>
    %get3A_24 = arith.constant 0 : index
    %get3A_25 = arith.constant 1 : index
    %get3A_26 = arith.constant 0 : index
    %get3A_27 = arith.constant 0 : index
    %get3A_28 = vector.load %arg2[%get3A_24, %get3A_25, %get3A_26, %get3A_27] : memref<1x2x2000x128xf32, #tpu.memory_space<vmem>>, vector<1x1x2000x128xf32>
    %get3A_29 = vector.shape_cast %get3A_28 : vector<1x1x2000x128xf32> to vector<2000x128xf32>
    %add3A_30 = arith.addf %get3A_23, %get3A_29 : vector<2000x128xf32>
    %mul3A_31 = vector.broadcast %rsqrt3A : vector<2000x1xf32> to vector<2000x128xf32>
    %mul3A_32 = arith.mulf %mul3A_31, %add3A_30 : vector<2000x128xf32>
    %get3A_33 = arith.constant 0 : index
    %get3A_34 = arith.constant 0 : index
    %get3A_35 = vector.load %arg4[%get3A_33, %get3A_34] : memref<256x256xf32, #tpu.memory_space<vmem>>, vector<128x256xf32>
    %dot_general3A = arith.constant dense<0.000000e+00> : vector<2000x256xf32>
    %dot_general3A_36 = tpu.matmul %mul3A_18, %get3A_35, %dot_general3A {dimension_numbers = #tpu.dot_dimension_numbers<[1], [0], [0], [1], [0, 0, 1, 1], [], []>, precision = #tpu.contract_precision<fp32>, transpose_lhs_hint = false} : vector<2000x128xf32>, vector<128x256xf32>, vector<2000x256xf32> -> vector<2000x256xf32>
    %get3A_37 = arith.constant 128 : index
    %get3A_38 = arith.constant 0 : index
    %get3A_39 = vector.load %arg4[%get3A_37, %get3A_38] : memref<256x256xf32, #tpu.memory_space<vmem>>, vector<128x256xf32>
    %dot_general3A_40 = arith.constant dense<0.000000e+00> : vector<2000x256xf32>
    %dot_general3A_41 = tpu.matmul %mul3A_32, %get3A_39, %dot_general3A_40 {dimension_numbers = #tpu.dot_dimension_numbers<[1], [0], [0], [1], [0, 0, 1, 1], [], []>, precision = #tpu.contract_precision<fp32>, transpose_lhs_hint = false} : vector<2000x128xf32>, vector<128x256xf32>, vector<2000x256xf32> -> vector<2000x256xf32>
    %add3A_42 = arith.addf %dot_general3A_36, %dot_general3A_41 : vector<2000x256xf32>
    %get3A_43 = arith.constant 0 : index
    %get3A_44 = arith.constant 0 : index
    %get3A_45 = vector.load %arg5[%get3A_43, %get3A_44] : memref<1x256xf32, #tpu.memory_space<vmem>>, vector<1x256xf32>
    %get3A_46 = vector.shape_cast %get3A_45 : vector<1x256xf32> to vector<256xf32>
    %broadcast_in_dim3A = vector.shape_cast %get3A_46 : vector<256xf32> to vector<1x256xf32>
    %add3A_47 = vector.broadcast %broadcast_in_dim3A : vector<1x256xf32> to vector<2000x256xf32>
    %add3A_48 = arith.addf %add3A_42, %add3A_47 : vector<2000x256xf32>
    %max3A = arith.constant 0.000000e+00 : f32
    %max3A_49 = vector.broadcast %max3A : f32 to vector<2000x256xf32>
    %max3A_50 = arith.maximumf %add3A_48, %max3A_49 : vector<2000x256xf32>
    %get3A_51 = arith.constant 0 : index
    %get3A_52 = arith.constant 0 : index
    %get3A_53 = arith.constant 0 : index
    %get3A_54 = vector.load %arg6[%get3A_51, %get3A_52, %get3A_53] : memref<1x1x2000xi32, #tpu.memory_space<vmem>>, vector<1x1x2000xi32>
    %get3A_55 = vector.shape_cast %get3A_54 : vector<1x1x2000xi32> to vector<2000xi32>
    %iota3A = tpu.iota {dimensions = array<i32: 0>} : vector<512x2000xi32>
    %broadcast_in_dim3A_56 = vector.shape_cast %get3A_55 : vector<2000xi32> to vector<1x2000xi32>
    %eq3A = vector.broadcast %broadcast_in_dim3A_56 : vector<1x2000xi32> to vector<512x2000xi32>
    %eq3A_57 = arith.cmpi eq, %iota3A, %eq3A : vector<512x2000xi32>
    %convert_element_type3A = arith.extui %eq3A_57 : vector<512x2000xi1> to vector<512x2000xi32>
    %convert_element_type3A_58 = arith.sitofp %convert_element_type3A : vector<512x2000xi32> to vector<512x2000xf32>
    %convert_element_type3A_59 = arith.truncf %convert_element_type3A_58 : vector<512x2000xf32> to vector<512x2000xbf16>
    %broadcast_in_dim3A_60 = arith.constant 1.000000e+00 : f32
    %broadcast_in_dim3A_61 = vector.broadcast %broadcast_in_dim3A_60 : f32 to vector<2000x128xf32>
    %concatenate3A = tpu.concatenate %max3A_50, %broadcast_in_dim3A_61 in 1 : vector<2000x256xf32>, vector<2000x128xf32> -> vector<2000x384xf32>
    %convert_element_type3A_62 = arith.truncf %concatenate3A : vector<2000x384xf32> to vector<2000x384xbf16>
    %convert_element_type3A_63 = arith.extf %convert_element_type3A_62 : vector<2000x384xbf16> to vector<2000x384xf32>
    %sub3A = arith.subf %concatenate3A, %convert_element_type3A_63 : vector<2000x384xf32>
    %convert_element_type3A_64 = arith.truncf %sub3A : vector<2000x384xf32> to vector<2000x384xbf16>
    %dot_general3A_65 = arith.constant dense<0.000000e+00> : vector<512x384xf32>
    %dot_general3A_66 = tpu.matmul %convert_element_type3A_59, %convert_element_type3A_62, %dot_general3A_65 {dimension_numbers = #tpu.dot_dimension_numbers<[1], [0], [0], [1], [0, 0, 1, 1], [], []>, transpose_lhs_hint = false} : vector<512x2000xbf16>, vector<2000x384xbf16>, vector<512x384xf32> -> vector<512x384xf32>
    %dot_general3A_67 = arith.constant dense<0.000000e+00> : vector<512x384xf32>
    %dot_general3A_68 = tpu.matmul %convert_element_type3A_59, %convert_element_type3A_64, %dot_general3A_67 {dimension_numbers = #tpu.dot_dimension_numbers<[1], [0], [0], [1], [0, 0, 1, 1], [], []>, transpose_lhs_hint = false} : vector<512x2000xbf16>, vector<2000x384xbf16>, vector<512x384xf32> -> vector<512x384xf32>
    %add3A_69 = arith.addf %dot_general3A_66, %dot_general3A_68 : vector<512x384xf32>
    %eq3A_70 = arith.constant 0 : i32
    %eq3A_71 = arith.cmpi eq, %arg0, %eq3A_70 : i32
    %convert_element_type3A_72 = arith.extui %eq3A_71 : i1 to i32
    %cond3A = arith.constant 0 : i32
    %cond3A_73 = arith.cmpi ne, %convert_element_type3A_72, %cond3A : i32
    scf.if %cond3A_73 {
      %swap3A = arith.constant 0 : index
      %swap3A_78 = arith.constant 0 : index
      %swap3A_79 = vector.load %arg7[%swap3A, %swap3A_78] : memref<512x384xf32, #tpu.memory_space<vmem>>, vector<512x384xf32>
      tpu.vector_store %arg7[%swap3A, %swap3A_78], %add3A_69 {strides = array<i32>} : memref<512x384xf32, #tpu.memory_space<vmem>>, vector<512x384xf32>,
    } else {
    }
    %gt3A = arith.constant 0 : i32
    %gt3A_74 = arith.cmpi sgt, %arg0, %gt3A : i32
    %convert_element_type3A_75 = arith.extui %gt3A_74 : i1 to i32
    %cond3A_76 = arith.constant 0 : i32
    %cond3A_77 = arith.cmpi ne, %convert_element_type3A_75, %cond3A_76 : i32
    scf.if %cond3A_77 {
      %get3A_78 = arith.constant 0 : index
      %get3A_79 = arith.constant 0 : index
      %get3A_80 = vector.load %arg7[%get3A_78, %get3A_79] : memref<512x384xf32, #tpu.memory_space<vmem>>, vector<512x384xf32>
      %add3A_81 = arith.addf %get3A_80, %add3A_69 : vector<512x384xf32>
      %swap3A = arith.constant 0 : index
      %swap3A_82 = arith.constant 0 : index
      %swap3A_83 = vector.load %arg7[%swap3A, %swap3A_82] : memref<512x384xf32, #tpu.memory_space<vmem>>, vector<512x384xf32>
      tpu.vector_store %arg7[%swap3A, %swap3A_82], %add3A_81 {strides = array<i32>} : memref<512x384xf32, #tpu.memory_space<vmem>>, vector<512x384xf32>,
    } else {
    }
    return
  }
  func.func @transform_0(%arg0: i32) -> (i32, i32, i32) {
    %c0_i32 = arith.constant 0 : i32
    %c0_i32_0 = arith.constant 0 : i32
    %c0_i32_1 = arith.constant 0 : i32
    return %c0_i32, %arg0, %c0_i32_0 : i32, i32, i32
  }
  func.func @transform_1(%arg0: i32) -> (i32, i32, i32, i32) {
    %c0_i32 = arith.constant 0 : i32
    %c0_i32_0 = arith.constant 0 : i32
    %c0_i32_1 = arith.constant 0 : i32
    %c0_i32_2 = arith.constant 0 : i32
    return %c0_i32, %c0_i32_0, %arg0, %c0_i32_1 : i32, i32, i32, i32
  }
  func.func @transform_2(%arg0: i32) -> (i32, i32, i32) {
    %c0_i32 = arith.constant 0 : i32
    %c0_i32_0 = arith.constant 0 : i32
    %c0_i32_1 = arith.constant 0 : i32
    return %c0_i32, %arg0, %c0_i32_0 : i32, i32, i32
  }
  func.func @transform_3(%arg0: i32) -> (i32, i32) {
    %c0_i32 = arith.constant 0 : i32
    %c0_i32_0 = arith.constant 0 : i32
    %c0_i32_1 = arith.constant 0 : i32
    return %c0_i32, %c0_i32_0 : i32, i32
  }
  func.func @transform_4(%arg0: i32) -> (i32, i32) {
    %c0_i32 = arith.constant 0 : i32
    %c0_i32_0 = arith.constant 0 : i32
    %c0_i32_1 = arith.constant 0 : i32
    return %c0_i32, %c0_i32_0 : i32, i32
  }
  func.func @transform_5(%arg0: i32) -> (i32, i32, i32) {
    %c0_i32 = arith.constant 0 : i32
    %c0_i32_0 = arith.constant 0 : i32
    %c0_i32_1 = arith.constant 0 : i32
    return %arg0, %c0_i32, %c0_i32_0 : i32, i32, i32
  }
  func.func @transform_6(%arg0: i32) -> (i32, i32) {
    %c0_i32 = arith.constant 0 : i32
    %c0_i32_0 = arith.constant 0 : i32
    %c0_i32_1 = arith.constant 0 : i32
    return %c0_i32, %c0_i32_0 : i32, i32
  }
}

module attributes {stable_mosaic.version = 14 : i64} {
  func.func @_cls_body(%arg0: memref<512x384xf32, #tpu.memory_space<vmem>>, %arg1: memref<512x384xf32, #tpu.memory_space<vmem>>, %arg2: memref<512x256xf32, #tpu.memory_space<vmem>>, %arg3: memref<1x256xf32, #tpu.memory_space<vmem>>, %arg4: memref<256x1xf32, #tpu.memory_space<vmem>>, %arg5: memref<1x1xf32, #tpu.memory_space<vmem>>, %arg6: memref<512x128xf32, #tpu.memory_space<vmem>>) attributes {dimension_semantics = [], scalar_prefetch = 0 : i64, scratch_operands = 0 : i64, tpu.core_type = #tpu.core_type<tc>} {
    %get3A = arith.constant 0 : index
    %get3A_0 = arith.constant 0 : index
    %get3A_1 = vector.load %arg0[%get3A, %get3A_0] : memref<512x384xf32, #tpu.memory_space<vmem>>, vector<512x384xf32>
    %get3A_2 = arith.constant 0 : index
    %get3A_3 = arith.constant 0 : index
    %get3A_4 = vector.load %arg1[%get3A_2, %get3A_3] : memref<512x384xf32, #tpu.memory_space<vmem>>, vector<512x384xf32>
    %slice3A = vector.extract_strided_slice %get3A_1 {offsets = [0, 0], sizes = [512, 256], strides = [1, 1]} : vector<512x384xf32> to vector<512x256xf32>
    %slice3A_5 = vector.extract_strided_slice %get3A_1 {offsets = [0, 256], sizes = [512, 1], strides = [1, 1]} : vector<512x384xf32> to vector<512x1xf32>
    %max3A = arith.constant 1.000000e+00 : f32
    %max3A_6 = vector.broadcast %max3A : f32 to vector<512x1xf32>
    %max3A_7 = arith.maximumf %slice3A_5, %max3A_6 : vector<512x1xf32>
    %div3A = vector.broadcast %max3A_7 : vector<512x1xf32> to vector<512x256xf32>
    %div3A_8 = arith.divf %slice3A, %div3A : vector<512x256xf32>
    %slice3A_9 = vector.extract_strided_slice %get3A_4 {offsets = [0, 0], sizes = [512, 256], strides = [1, 1]} : vector<512x384xf32> to vector<512x256xf32>
    %slice3A_10 = vector.extract_strided_slice %get3A_4 {offsets = [0, 256], sizes = [512, 1], strides = [1, 1]} : vector<512x384xf32> to vector<512x1xf32>
    %max3A_11 = arith.constant 1.000000e+00 : f32
    %max3A_12 = vector.broadcast %max3A_11 : f32 to vector<512x1xf32>
    %max3A_13 = arith.maximumf %slice3A_10, %max3A_12 : vector<512x1xf32>
    %div3A_14 = vector.broadcast %max3A_13 : vector<512x1xf32> to vector<512x256xf32>
    %div3A_15 = arith.divf %slice3A_9, %div3A_14 : vector<512x256xf32>
    %mul3A = arith.mulf %div3A_8, %div3A_15 : vector<512x256xf32>
    %sub3A = arith.subf %div3A_8, %div3A_15 : vector<512x256xf32>
    %abs3A = math.absf %sub3A : vector<512x256xf32>
    %concatenate3A = tpu.concatenate %mul3A, %abs3A in 1 : vector<512x256xf32>, vector<512x256xf32> -> vector<512x512xf32>
    %get3A_16 = arith.constant 0 : index
    %get3A_17 = arith.constant 0 : index
    %get3A_18 = vector.load %arg2[%get3A_16, %get3A_17] : memref<512x256xf32, #tpu.memory_space<vmem>>, vector<512x256xf32>
    %dot_general3A = arith.constant dense<0.000000e+00> : vector<512x256xf32>
    %dot_general3A_19 = tpu.matmul %concatenate3A, %get3A_18, %dot_general3A {dimension_numbers = #tpu.dot_dimension_numbers<[1], [0], [0], [1], [0, 0, 1, 1], [], []>, precision = #tpu.contract_precision<fp32>, transpose_lhs_hint = false} : vector<512x512xf32>, vector<512x256xf32>, vector<512x256xf32> -> vector<512x256xf32>
    %get3A_20 = arith.constant 0 : index
    %get3A_21 = arith.constant 0 : index
    %get3A_22 = vector.load %arg3[%get3A_20, %get3A_21] : memref<1x256xf32, #tpu.memory_space<vmem>>, vector<1x256xf32>
    %get3A_23 = vector.shape_cast %get3A_22 : vector<1x256xf32> to vector<256xf32>
    %broadcast_in_dim3A = vector.shape_cast %get3A_23 : vector<256xf32> to vector<1x256xf32>
    %add3A = vector.broadcast %broadcast_in_dim3A : vector<1x256xf32> to vector<512x256xf32>
    %add3A_24 = arith.addf %dot_general3A_19, %add3A : vector<512x256xf32>
    %max3A_25 = arith.constant 0.000000e+00 : f32
    %max3A_26 = vector.broadcast %max3A_25 : f32 to vector<512x256xf32>
    %max3A_27 = arith.maximumf %add3A_24, %max3A_26 : vector<512x256xf32>
    %get3A_28 = arith.constant 0 : index
    %get3A_29 = arith.constant 0 : index
    %get3A_30 = vector.load %arg4[%get3A_28, %get3A_29] : memref<256x1xf32, #tpu.memory_space<vmem>>, vector<256x1xf32>
    %dot_general3A_31 = arith.constant dense<0.000000e+00> : vector<512x1xf32>
    %dot_general3A_32 = tpu.matmul %max3A_27, %get3A_30, %dot_general3A_31 {dimension_numbers = #tpu.dot_dimension_numbers<[1], [0], [0], [1], [0, 0, 1, 1], [], []>, precision = #tpu.contract_precision<fp32>, transpose_lhs_hint = false} : vector<512x256xf32>, vector<256x1xf32>, vector<512x1xf32> -> vector<512x1xf32>
    %get3A_33 = arith.constant 0 : index
    %get3A_34 = arith.constant 0 : index
    %get3A_35 = vector.load %arg5[%get3A_33, %get3A_34] : memref<1x1xf32, #tpu.memory_space<vmem>>, vector<1x1xf32>
    %get3A_36 = vector.shape_cast %get3A_35 : vector<1x1xf32> to vector<1xf32>
    %broadcast_in_dim3A_37 = vector.shape_cast %get3A_36 : vector<1xf32> to vector<1x1xf32>
    %add3A_38 = vector.broadcast %broadcast_in_dim3A_37 : vector<1x1xf32> to vector<512x1xf32>
    %add3A_39 = arith.addf %dot_general3A_32, %add3A_38 : vector<512x1xf32>
    %broadcast_in_dim3A_40 = vector.shape_cast %add3A_39 : vector<512x1xf32> to vector<512x1xf32>
    %broadcast_in_dim3A_41 = vector.broadcast %broadcast_in_dim3A_40 : vector<512x1xf32> to vector<512x128xf32>
    %swap3A = arith.constant 0 : index
    %swap3A_42 = arith.constant 0 : index
    %swap3A_43 = vector.load %arg6[%swap3A, %swap3A_42] : memref<512x128xf32, #tpu.memory_space<vmem>>, vector<512x128xf32>
    tpu.vector_store %arg6[%swap3A, %swap3A_42], %broadcast_in_dim3A_41 {strides = array<i32>} : memref<512x128xf32, #tpu.memory_space<vmem>>, vector<512x128xf32>,
    return
  }
}

</mosaic_0001>

<sc_bundles>
// kernel: kernel.11.cloned.1.call-start
scs
__scs_entry_jumppad:
0x0: {  	(pc) =	sbr.rel $0x88, $3  }
0x1: {  	(tag) =	ssettag $0x0;
	lr =	simm.s32 $0x1  }
0x2: {  	[smem:$0x3F93] =	sst lr;
	_ =	strace $0xD0000000  }
0x3: {  	_ = 	snop  }
0x4: {  	_ = 	snop  }
0x5: {  	_ = 	snop  }
0x6: {  	_ = 	snop  }
0x7: {  	_ = 	snop  }
__scs_overlays_trampoline_lowered:
0x8: {  	[smem:$0x3FA2] =	sst s0  }
0x9: {  	[smem:$0x3FA3] =	sst s1  }
0xa: {  	[smem:$0x3FA4] =	sst s2  }
0xb: {  	[smem:$0x3FA5] =	sst s3  }
0xc: {  	[smem:$0x3FA6] =	sst s4  }
0xd: {  	[smem:$0x3FA7] =	sst s5  }
0xe: {  	[smem:$0x3FA8] =	sst s6  }
0xf: {  	[smem:$0x3FA9] =	sst s7  }
0x10: {  	[smem:$0x3FAA] =	sst s8  }
0x11: {  	[smem:$0x3FAB] =	sst s9;
	s0 =	simm.s32 @!p0 $0x0  }
0x12: {  	s1 =	sld [smem:$0x3F91];
	s0 =	simm.s32 @p0 $0x1  }
0x13: {  	[smem:$0x3FAC] =	sst s0;
	s0 =	simm.s32 @!p1 $0x0  }
0x14: {  	s2 =	sld [smem:$0x3F90];
	s0 =	simm.s32 @p1 $0x1  }
0x15: {  	[smem:$0x3FAD] =	sst s0;
	s0 =	simm.s32 @!p2 $0x0  }
0x16: {  	s3 =	sld [smem:$0x3FDB];
	s0 =	simm.s32 @p2 $0x1  }
0x17: {  	s4 =	simm.s32 $0x1BF5;
	[smem:$0x3FAF] =	sst s0  }
0x18: {  	s0 =	sld [smem:$0x3F92];
	_ =	swait.ge [sflag:s4], $0x0  }
0x19: {  	s7 =	sld [smem:$0x3F93]  }
0x1a: {  	s8 =	sadd.s32 $0xFFFFE003, lr  }
0x1b: {  	s9 =	sadd.s32 $0xFFFFFEF7, lr;
	s5 =	simm.s32 $0xFFFFFFFF;
	p2 =	slt.u32 s8, $0xFFFFF086  }
0x1c: {  	p1 =	slt.u32 s9, $0xF7A;
	s5 =	simm.s32 @!p2 $0x0  }
0x1d: {  	s5 =	simm.s32 @p1 $0x1;
	p0 =	seq.s32 s7, s2  }
0x1e: {  	s7 =	smul.u32 @!p0 $0xF7A, s2;
	p2 =	seq.s32 @!p0 s5, $0x0  }
0x1f: {  	s9 =	smul.u32 $0xF7A, s1;
	s8 =	simm.s32 @!p0 $0x1BF5;
	p2 =	por !p2, p0  }
0x20: {  	[sflag:s8] =	ssyncset.s32 @!p0 $0xFFFFF086;
	s6 =	sadd.s32 @!p0 s3, s7;
	s7 =	simm.s32 @!p0 $0x108  }
0x21: {  	s3 =	sadd.s32 s3, s9;
	s6 =	sadd.s32 @!p0 $0x88, s6;
	s7 =	simm.s32 @p2 $0x1082  }
0x22: {  	[simem:s7], [sflag:s8] =	dma.local @!p0 [hbm:s6], $0xF7A  }
0x23: {  	s9 =	sor.u32 $0xD0000000, s2;
	s6 =	simm.s32 $0x108;
	_ =	swait.ge @!p0 [sflag:s8], $0x0  }
0x24: {  	s3 =	sadd.s32 $0x88, s3;
	s6 =	simm.s32 @!p1 $0x1082;
	[sflag:s4] =	ssyncset.s32 $0xFFFFF086  }
0x25: {  	[simem:s6], [sflag:s4] =	dma.local [hbm:s3], $0xF7A  }
0x26: {  	[smem:$0x3F93] =	sst s1;
	(tag) =	ssettag s2;
	_ =	strace s9  }
0x27: {  	s1 =	sld [smem:$0x3FA3]  }
0x28: {  	s2 =	sld [smem:$0x3FA4]  }
0x29: {  	s4 =	sld [smem:$0x3FA6]  }
0x2a: {  	p0 =	seq.s32 s5, $0x0;
	s5 =	sld [smem:$0x3FA7]  }
0x2b: {  	s6 =	sld [smem:$0x3FA8]  }
0x2c: {  	s7 =	sld [smem:$0x3FA9]  }
0x2d: {  	s3 =	simm.s32 $0x108;
	s8 =	sld [smem:$0x3FAA]  }
0x2e: {  	s3 =	simm.s32 @!p0 $0x1082;
	s9 =	sld [smem:$0x3FAB]  }
0x2f: {  	lr =	sadd.s32 s0, s3;
	s0 =	sld [smem:$0x3FA2]  }
0x30: {  	s3 =	sld [smem:$0x3FA5]  }
0x31: {  	[smem:$0x3FAE] =	sst s10  }
0x32: {  	s10 =	sld [smem:$0x3FAC];
	_ =	sdelay $0x3  }
0x33: {  	p0 =	seq.s32 s10, $0x1;
	s10 =	sld [smem:$0x3FAE];
	_ =	sdelay $0x3  }
0x34: {  	[smem:$0x3FAE] =	sst s10  }
0x35: {  	s10 =	sld [smem:$0x3FAD];
	_ =	sdelay $0x3  }
0x36: {  	p1 =	seq.s32 s10, $0x1;
	s10 =	sld [smem:$0x3FAE];
	_ =	sdelay $0x3  }
0x37: {  	[smem:$0x3FAE] =	sst s10  }
0x38: {  	s10 =	sld [smem:$0x3FAF]  }
0x39: {  	_ = 	snop;
	(pc) =	sbr.ind lr, $3  }
0x3a: {  	_ = 	snop  }
0x3b: {  	_ = 	snop  }
0x3c: {  	p2 =	seq.s32 s10, $0x1;
	s10 =	sld [smem:$0x3FAE]  }
0x3d: {  	_ =	shalt  }
0x3e: {  	_ =	shalt  }
0x3f: {  	_ =	shalt  }
0x40: {  	_ =	shalt  }
0x41: {  	_ =	shalt  }
0x42: {  	_ =	shalt  }
0x43: {  	_ =	shalt  }
0x44: {  	_ =	shalt  }
0x45: {  	_ =	shalt  }
0x46: {  	_ =	shalt  }
0x47: {  	_ =	shalt  }
0x48: {  	_ =	shalt  }
0x49: {  	_ =	shalt  }
0x4a: {  	_ =	shalt  }
0x4b: {  	_ =	shalt  }
0x4c: {  	_ =	shalt  }
0x4d: {  	_ =	shalt  }
0x4e: {  	_ =	shalt  }
0x4f: {  	_ =	shalt  }
0x50: {  	_ =	shalt  }
0x51: {  	_ =	shalt  }
0x52: {  	_ =	shalt  }
0x53: {  	_ =	shalt  }
0x54: {  	_ =	shalt  }
0x55: {  	_ =	shalt  }
0x56: {  	_ =	shalt  }
0x57: {  	_ =	shalt  }
0x58: {  	_ =	shalt  }
0x59: {  	_ =	shalt  }
0x5a: {  	_ =	shalt  }
0x5b: {  	_ =	shalt  }
0x5c: {  	_ =	shalt  }
0x5d: {  	_ =	shalt  }
0x5e: {  	_ =	shalt  }
0x5f: {  	_ =	shalt  }
0x60: {  	_ =	shalt  }
0x61: {  	_ =	shalt  }
0x62: {  	_ =	shalt  }
0x63: {  	_ =	shalt  }
0x64: {  	_ =	shalt  }
0x65: {  	_ =	shalt  }
0x66: {  	_ =	shalt  }
0x67: {  	_ =	shalt  }
0x68: {  	_ =	shalt  }
0x69: {  	_ =	shalt  }
0x6a: {  	_ =	shalt  }
0x6b: {  	_ =	shalt  }
0x6c: {  	_ =	shalt  }
0x6d: {  	_ =	shalt  }
0x6e: {  	_ =	shalt  }
0x6f: {  	_ =	shalt  }
0x70: {  	_ =	shalt  }
0x71: {  	_ =	shalt  }
0x72: {  	_ =	shalt  }
0x73: {  	_ =	shalt  }
0x74: {  	_ =	shalt  }
0x75: {  	_ =	shalt  }
0x76: {  	_ =	shalt  }
0x77: {  	_ =	shalt  }
0x78: {  	_ =	shalt  }
0x79: {  	_ =	shalt  }
0x7a: {  	_ =	shalt  }
0x7b: {  	_ =	shalt  }
0x7c: {  	_ =	shalt  }
0x7d: {  	_ =	shalt  }
0x7e: {  	_ =	shalt  }
0x7f: {  	_ =	shalt  }
0x80: {  	_ =	shalt  }
0x81: {  	_ =	shalt  }
0x82: {  	_ =	shalt  }
0x83: {  	_ =	shalt  }
0x84: {  	_ =	shalt  }
0x85: {  	_ =	shalt  }
0x86: {  	_ =	shalt  }
0x87: {  	_ =	shalt  }
.Lfunc_end0:
.L_simem_size_0:
called_computation_lowered:
.L_overlay_start_0:
0x88: {  	s2 =	sld [smem:$0x3FD9]  }
0x89: {  	s3 =	sld [smem:$0x3FFE];
	_ =	sdelay $0x1  }
0x8a: {  	s1 =	srdreg.scid  }
0x8b: {  	s0 =	sand.u32 $0x1, s1  }
0x8c: {  	s16 =	sshll.u32 s0, $0xA;
	s2 =	sadd.s32 s3, s2  }
0x8d: {  	s2 =	sadd.s32 s2, s16  }
0x8e: {  	[smem:$0x3FBA] =	sst s2  }
0x8f: {  	_ = 	snop  }
0x90: {  	(tm) =	ssettm $0x1  }
0x91: {  	s17 =	sld [smem:$0x3FFB];
	_ =	sdelay $0x3  }
0x92: {  	_ =	strace s17  }
0x93: {  	s2 =	sld [smem:$0x3FFC];
	_ =	sdelay $0x3  }
0x94: {  	_ =	strace s2  }
0x95: {  	s2 =	sld [smem:$0x3FFD];
	_ =	sdelay $0x3  }
0x96: {  	_ =	strace s2  }
0x97: {  	_ =	strace $0x8FFFFFFF  }
0x98: {  	s18 =	sld [smem:$0x3FDB];
	_ =	sdelay $0x1  }
0x99: {  	s19 =	simm.s32 $_scs_section_size  }
0x9a: {  	s4 =	simm.s32 $_size__tile_overlayer_lowered;
	s5 =	simm.s32 $_tile_overlayer_lowered  }
0x9b: {  	s22 =	simm.s32 $0x1BFF;
	s21 =	sshll.u32 s5, $0x1;
	s2 =	sadd.s32 s19, s18  }
0x9c: {  	s6 =	simm.s32 $0x0;
	s20 =	sshll.u32 s4, $0x1;
	s4 =	sadd.s32 s21, s2  }
0x9d: {  	[timem:s6], [sflag:s22] =	dma.local [hbm:s4], s20  }
0x9e: {  	_ =	swait.ge [sflag:s22], s20  }
0x9f: {  	s3 =	ssub.s32 $0x0, s20;
	[sflag:s22] =	ssyncset.done $0x0  }
0xa0: {  	[sflag:s22] =	ssyncadd.s32 s3;
	_ =	sdelay $0x1  }
0xa1: {  	s23 =	simm.s32 $0x1B8B  }
0xa2: {  	_ =	swait.ge [sflag:s23], $0x1  }
0xa3: {  	[sflag:s23] =	ssyncset.done $0x0  }
0xa4: {  	s25 =	simm.s32 $0x1B8E;
	s24 =	sld [smem:$0x3FFE];
	[sflag:s23] =	ssyncadd.s32 $0xFFFFFFFF  }
0xa5: {  	s26 =	simm.s32 $execute0_lowered;
	[smem:$0x3FD2] =	sst s25  }
0xa6: {  	s4 =	sshll.u32 s26, $0x1;
	_ =	strace $0x80000046;
	[dreg:$0x1] =	wrdreg $0xFFFFFFFF  }
0xa7: {  	s28 =	simm.s32 $_size_execute0_lowered;
	s2 =	sadd.s32 s2, s4;
	[dreg:$0x0] =	wrdreg $0x0  }
0xa8: {  	s4 =	sshll.u32 s28, $0x1;
	[dreg:$0x2] =	wrdreg s2  }
0xa9: {  	[dreg:$0x3] =	wrdreg s4  }
0xaa: {  	[dreg:$0x4] =	wrdreg $0xC0  }
0xab: {  	_ =	task [dreg:s6], $0x5FFFF  }
0xac: {  	[dreg:$0x1] =	wrdreg $0xFFFFFFFF  }
0xad: {  	[dreg:$0x0] =	wrdreg $0x60  }
0xae: {  	[dreg:$0x2] =	wrdreg s24  }
0xaf: {  	[dreg:$0x3] =	wrdreg $0x9E800  }
0xb0: {  	[dreg:$0x4] =	wrdreg $0x9  }
0xb1: {  	_ =	task.clear_ibuf [dreg:s6], $0x5FFFF;
	_ =	strace $0x90000046  }
0xb2: {  	s29 =	simm.s32 $0x9;
	_ =	strace $0x80000048  }
0xb3: {  	_ =	swait.ge [sflag:s29], $0x1  }
0xb4: {  	[sflag:s29] =	ssyncadd.s32 $0xFFFFFFFF  }
0xb5: {  	_ =	strace $0x90000048  }
0xb6: {  	_ =	sfence  }
0xb7: {  	s30 =	sld [smem:$0x0];
	_ =	sdelay $0x2  }
0xb8: {  	s31 =	sshll.u32 s1, $0xD;
	s1 =	sshrl.u32 s1, $0x2  }
0xb9: {  	s3 =	sand.u32 $0x4000, s31;
	s1 =	sadd.s32 s1, s30  }
0xba: {  	s0 =	sor.u32 s3, s0;
	s1 =	sshll.u32 s1, $0x11  }
0xbb: {  	s0 =	sor.u32 s1, s0  }
0xbc: {  	s0 =	sadd.s32 $0x8F2B, s0  }
0xbd: {  	[sflag:s0] =	ssyncadd.remote.s32 $0x1  }
0xbe: {  	_ =	sfence.sel $0xFFFF  }
0xbf: {  	[dreg:$0x0] =	wrdreg $0xFFFFFFFF;
	(pc) =	sbr.abs _section_cstart, $3  }
0xc0: {  	[dreg:$0x1] =	wrdreg $0xFFFFFFFF  }
0xc1: {  	_ =	task.clear_ibuf [dreg:s6], $0x2FFFF;
	_ =	strace $0x9FFFFFFF  }
0xc2: {  	(tm) =	ssettm $0x7FFFFFFF  }
0xc3: {  	_ =	shalt  }
tec
execute0_lowered:
.L_overlay_start_1:
0x0: {  	(tag) =	ssettag $0x1  }
0x1: {  	s16 =	rddreg [dreg:$0x0]  }
0x2: {  	s2 =	rddreg [dreg:$0x1];
	s0 =	stileid.u32  }
0x3: {  	s4 =	srdreg.scid;
	s1 =	rddreg [dreg:$0x2]  }
0x4: {  	s3 =	simm.s32 $0x0;
	s5 =	smul.u32 $0x50000, s0;
	s13 =	sand.u32 $0x1, s4  }
0x5: {  	[smem:$0x7FF] =	sst s3;
	s14 =	sadd.s32 $0x2B000, s16;
	s18 =	sadd.s32 $0x12E800, s2  }
0x6: {  	s19 =	smul.u32 $0x2800, s0;
	s12 =	sadd.s32 $0x12C000, s2;
	s20 =	sadd.s32 $0x131000, s2  }
0x7: {  	s22 =	sadd.s32 $0x133800, s2;
	s23 =	sadd.s32 $0x136000, s2;
	s24 =	smul.u32 $0x9C4, s0  }
0x8: {  	s6 =	ssub.s32 $0x2, s13;
	_ =	strace $0x80000047;
	s17 =	smul.u32 $0x27100, s13  }
0x9: {  	s21 =	smul.u32 $0x138800, s13;
	s28 =	sshrl.u32 s5, $0x2;
	s29 =	sshrl.u32 s6, $0x1  }
0xa: {  	p0 =	seq.s32 s13, $0x1;
	s4 =	sadd.s32 s28, s2;
	s15 =	ssub.s32 s6, s29  }
0xb: {  	s30 =	sadd.s32 s19, s17;
	s31 =	sshrl.u32 s21, $0x3;
	s17 =	simm.s32 $0xD600  }
0xc: {  	s19 =	simm.s32 $0x50;
	s5 =	sadd.s32 $0x2800, s4;
	s6 =	sadd.s32 $0x5000, s4  }
0xd: {  	s7 =	sadd.s32 $0x7800, s4;
	s8 =	sadd.s32 $0xA000, s4;
	s9 =	sadd.s32 $0xC800, s4  }
0xe: {  	s10 =	sadd.s32 $0xF000, s4;
	s11 =	sadd.s32 $0x11800, s4;
	s13 =	sadd.s32 s14, s30  }
0xf: {  	s14 =	sadd.s32 s14, s31;
	s17 =	simm.s32 @!p0 $0x17400;
	p0 =	seq.s32 s0, $0xF  }
0x10: {  	s15 =	smax.u32 s15, $0x1;
	s14 =	sadd.s32 $0x25800, s14;
	s16 =	sadd.s32 s17, s16  }
0x11: {  	s7 =	smov.u32 @p0 s12;
	s8 =	smov.u32 @p0 s18;
	s9 =	smov.u32 @p0 s20  }
0x12: {  	s10 =	smov.u32 @p0 s22;
	s11 =	smov.u32 @p0 s23;
	s17 =	simm.s32 $0x7680  }
0x13: {  	v0 =	vimm.f32 $1.000000000e+00;
	v1 =	vimm.f32 $0.0e+00;
	s18 =	simm.s32 $0x1;
	s20 =	simm.s32 $0x4E80;
	s16 =	sadd.s32 s16, s24  }
.LBB2_1:
0x14: {  	s21 =	simm.s32 $0x0;
	s22 =	simm.s32 $0x200  }
.LBB2_2:
0x15: {  	p1 =	sne.s32 s22, $0x9E00;
	[tilespmem:s21+$0x76F0] =	vst v1  }
0x16: {  	[tilespmem:s21+$0x4E80] =	vst v0  }
0x17: {  	[tilespmem:s21+$0x7680] =	vst v1  }
0x18: {  	[tilespmem:s21+$0x4E90] =	vst v0  }
0x19: {  	[tilespmem:s21+$0x7690] =	vst v1  }
0x1a: {  	[tilespmem:s21+$0x4EA0] =	vst v0  }
0x1b: {  	[tilespmem:s21+$0x76A0] =	vst v1  }
0x1c: {  	[tilespmem:s21+$0x4EB0] =	vst v0  }
0x1d: {  	[tilespmem:s21+$0x76B0] =	vst v1  }
0x1e: {  	[tilespmem:s21+$0x4EC0] =	vst v0  }
0x1f: {  	[tilespmem:s21+$0x76C0] =	vst v1  }
.Ltmp0:
0x20: {  	[tilespmem:s21+$0x4ED0] =	vst v0;
	(pc) =	sbr.rel @p1 .LBB2_2-.Ltmp0, $4  }
0x21: {  	[tilespmem:s21+$0x76D0] =	vst v1  }
0x22: {  	[tilespmem:s21+$0x4EE0] =	vst v0  }
0x23: {  	[tilespmem:s21+$0x76E0] =	vst v1  }
0x24: {  	[tilespmem:s21+$0x4EF0] =	vst v0;
	s21 =	sshra.s32 s22, $0x2;
	s22 =	sadd.s32 $0x200, s22  }
0x25: {  	[tilespmem:s21+$0x76F0] =	vst v1  }
0x26: {  	[tilespmem:s21+$0x4E80] =	vst v0  }
0x27: {  	[tilespmem:s21+$0x7680] =	vst v1  }
0x28: {  	[tilespmem:s21+$0x4E90] =	vst v0  }
0x29: {  	[tilespmem:s21+$0x7690] =	vst v1  }
0x2a: {  	[tilespmem:s21+$0x4EA0] =	vst v0  }
0x2b: {  	[tilespmem:s21+$0x76A0] =	vst v1  }
0x2c: {  	[tilespmem:s21+$0x4EB0] =	vst v0  }
0x2d: {  	[tilespmem:s21+$0x76B0] =	vst v1  }
0x2e: {  	[tilespmem:s21+$0x4EC0] =	vst v0  }
0x2f: {  	[tilespmem:s21+$0x76C0] =	vst v1  }
0x30: {  	[tilespmem:s21+$0x4ED0] =	vst v0  }
0x31: {  	[tilespmem:s21+$0x76D0] =	vst v1  }
0x32: {  	[tilespmem:s21+$0x4EE0] =	vst v0  }
0x33: {  	[tilespmem:s21+$0x76E0] =	vst v1  }
0x34: {  	[tilespmem:s21+$0x4EF0] =	vst v0;
	s21 =	simm.s32 @!p0 $0x7680;
	s22 =	simm.s32 @!p0 $0x1  }
0x35: {  	[spmem:s4] =	stream.linear.scatter @!p0 [tilespmem:s21], [sflag:$0x1], $0x2800, $0x38;
	[tilespmem:$0x1D700] =	vst v63  }
0x36: {  	_ =	swait.ge @!p0 [sflag:s22], $0x2800  }
0x37: {  	[sflag:s22] =	ssyncset.done @!p0 $0x0  }
0x38: {  	[sflag:s22] =	ssyncadd.s32 @!p0 $0xFFFFD800  }
0x39: {  	[spmem:s5] =	stream.linear.scatter @!p0 [tilespmem:s21], [sflag:$0x1], $0x2800, $0x38;
	[tilespmem:$0x1D700] =	vst v63  }
0x3a: {  	_ =	swait.ge @!p0 [sflag:s22], $0x2800  }
0x3b: {  	[sflag:s22] =	ssyncset.done @!p0 $0x0  }
0x3c: {  	[sflag:s22] =	ssyncadd.s32 @!p0 $0xFFFFD800  }
0x3d: {  	[spmem:s6] =	stream.linear.scatter @!p0 [tilespmem:s21], [sflag:$0x1], $0x2800, $0x38;
	[tilespmem:$0x1D700] =	vst v63  }
0x3e: {  	_ =	swait.ge @!p0 [sflag:s22], $0x2800  }
0x3f: {  	[sflag:s22] =	ssyncset.done @!p0 $0x0  }
0x40: {  	[sflag:s22] =	ssyncadd.s32 @!p0 $0xFFFFD800  }
0x41: {  	[spmem:s7] =	stream.linear.scatter [tilespmem:s17], [sflag:$0x1], $0x2800, $0x38;
	[tilespmem:$0x1D700] =	vst v63  }
0x42: {  	_ =	swait.ge [sflag:s18], $0x2800  }
0x43: {  	[sflag:s18] =	ssyncset.done $0x0  }
0x44: {  	[sflag:s18] =	ssyncadd.s32 $0xFFFFD800  }
0x45: {  	[spmem:s8] =	stream.linear.scatter [tilespmem:s17], [sflag:$0x1], $0x2800, $0x38;
	[tilespmem:$0x1D700] =	vst v63  }
0x46: {  	_ =	swait.ge [sflag:s18], $0x2800  }
0x47: {  	[sflag:s18] =	ssyncset.done $0x0  }
0x48: {  	[sflag:s18] =	ssyncadd.s32 $0xFFFFD800  }
0x49: {  	[spmem:s9] =	stream.linear.scatter [tilespmem:s17], [sflag:$0x1], $0x2800, $0x38;
	[tilespmem:$0x1D700] =	vst v63  }
0x4a: {  	_ =	swait.ge [sflag:s18], $0x2800  }
0x4b: {  	[sflag:s18] =	ssyncset.done $0x0  }
0x4c: {  	[sflag:s18] =	ssyncadd.s32 $0xFFFFD800  }
0x4d: {  	[spmem:s10] =	stream.linear.scatter [tilespmem:s17], [sflag:$0x1], $0x2800, $0x38;
	[tilespmem:$0x1D700] =	vst v63  }
0x4e: {  	_ =	swait.ge [sflag:s18], $0x2800  }
0x4f: {  	[sflag:s18] =	ssyncset.done $0x0  }
0x50: {  	[sflag:s18] =	ssyncadd.s32 $0xFFFFD800  }
0x51: {  	[spmem:s11] =	stream.linear.scatter [tilespmem:s17], [sflag:$0x1], $0x2800, $0x38;
	[tilespmem:$0x1D700] =	vst v63  }
0x52: {  	_ =	swait.ge [sflag:s18], $0x2800  }
0x53: {  	[sflag:s18] =	ssyncset.done $0x0  }
0x54: {  	[sflag:s18] =	ssyncadd.s32 $0xFFFFD800  }
0x55: {  	s30 =	simm.s32 $0x0;
	[bflag:$0x0] =	sbarrier.arrive $0xFFFF  }
0x56: {  	[tilespmem:s30], [sflag:$0x1] =	stream.linear.gather [hbm4b:s16+s30], $0x4E20, $0x38;
	[tilespmem:$0x1D700] =	vst v63  }
0x57: {  	_ =	swait.ge [sflag:s18], $0x4E20  }
0x58: {  	[sflag:s18] =	ssyncset.done $0x0  }
0x59: {  	s31 =	simm.s32 $0x0;
	[sflag:s18] =	ssyncadd.s32 $0xFFFFB1E0  }
0x5a: {  	[spmem:s2] =	stream.indirect.scatter.add.f32 [tilespmem:s20], [sflag:$0x1], $0x80, s31, s19, $0xb8;
	[tilespmem:$0x1D700] =	vst v63  }
0x5b: {  	_ =	swait.ge [sflag:s18], $0x2800  }
0x5c: {  	s21 =	simm.s32 $0x140;
	[sflag:s18] =	ssyncset.done $0x0  }
.LBB2_4:
0x5d: {  	s22 =	sshra.s32 s21, $0x2;
	[sflag:s18] =	ssyncadd.s32 $0xFFFFD800;
	p1 =	sne.s32 s21, $0x13740  }
0x5e: {  	[spmem:s2] =	stream.indirect.scatter.add.f32 [tilespmem:s20], [sflag:$0x1], $0x80, s22, s19, $0xb8;
	[tilespmem:$0x1D700] =	vst v63  }
.Ltmp1:
0x5f: {  	_ = 	snop;
	(pc) =	sbr.rel @p1 .LBB2_4-.Ltmp1, $4  }
0x60: {  	_ = 	snop  }
0x61: {  	s21 =	sadd.s32 $0x140, s21  }
0x62: {  	_ =	swait.ge [sflag:s18], $0x2800  }
0x63: {  	[sflag:s18] =	ssyncset.done $0x0  }
0x64: {  	[sflag:s18] =	ssyncadd.s32 $0xFFFFD800  }
0x65: {  	s21 =	sshrl.u32 @p0 s12, $0x3;
	s22 =	simm.s32 @p0 $0x1FC1;
	[bflag:$0x0] =	sbarrier.arrive $0xFFFF  }
0x66: {  	[hbm:s14], [sflag:s22] =	dma.local @p0 [spmem:s21], $0x1900  }
0x67: {  	s21 =	simm.s32 @p0 $0x1  }
0x68: {  	s3 =	sadd.s32 $0x1, s3;
	_ =	swait.ge @p0 [sflag:s21], $0x1900  }
0x69: {  	p1 =	sne.s32 s3, s15;
	s22 =	sshll.u32 @!p0 s0, $0x6;
	[sflag:s21] =	ssyncset.done @p0 $0x0  }
0x6a: {  	[sflag:s21] =	ssyncadd.s32 @p0 $0xFFFFE700;
	s21 =	sor.u32 @!p0 $0x1C01, s22;
	s22 =	sshrl.u32 @!p0 s4, $0x3  }
0x6b: {  	[hbm:s13], [sflag:s21] =	dma.local @!p0 [spmem:s22], $0x2800  }
.Ltmp2:
0x6c: {  	_ = 	snop;
	(pc) =	sbr.rel @p1 .LBB2_1-.Ltmp2, $4  }
0x6d: {  	s21 =	simm.s32 @!p0 $0x1  }
0x6e: {  	_ =	swait.ge @!p0 [sflag:s21], $0x2800  }
0x6f: {  	[sflag:s21] =	ssyncset.done @!p0 $0x0  }
0x70: {  	[sflag:s21] =	ssyncadd.s32 @!p0 $0xFFFFD800  }
0x71: {  	_ =	sfence.sel $0x180000  }
0x72: {  	[bflag:$0x0] =	sbarrier.arrive $0xFFFF  }
0x73: {  	p0 =	sne.s32 s0, $0x0;
	_ =	strace $0x90000047  }
0x74: {  	s0 =	sadd.s32 @!p0 $0x100000, s1;
	[bflag:$0x2] =	sbarrier.arrive $0xFFFF  }
0x75: {  	[sflag:s0] =	ssyncadd.tile.s32 @!p0 $0x1;
	_ =	shalt  }
.Lfunc_end2:
_tile_overlayer_lowered:
.L_overlay_start_2:
0x76: {  	(tag) =	ssettag $0x2  }
0x77: {  	s0 =	rddreg [dreg:$0x0];
	s2 =	stileid.u32  }
0x78: {  	s1 =	rddreg [dreg:$0x1];
	p0 =	sne.s32 s2, $0x0  }
0x79: {  	s3 =	rddreg [dreg:$0x2];
	[bflag:$0x3] =	sbarrier.arrive $0xFFFF;
	s2 =	simm.s32 @!p0 $0x1C01  }
0x7a: {  	[timem:s3], [sflag:s2] =	dma.local @!p0 [hbm:s0], s1  }
0x7b: {  	s0 =	simm.s32 @!p0 $0x1  }
0x7c: {  	_ =	swait.ge @!p0 [sflag:s0], s1  }
0x7d: {  	s1 =	ssub.s32 @!p0 $0x0, s1;
	[sflag:s0] =	ssyncset.done @!p0 $0x0  }
0x7e: {  	[sflag:s0] =	ssyncadd.s32 @!p0 s1  }
0x7f: {  	[bflag:$0x3] =	sbarrier.arrive $0xFFFF  }
0x80: {  	_ =	shalt  }

// kernel: kernel.14.cloned.1.call-start
scs
__scs_entry_jumppad:
0x0: {  	(pc) =	sbr.rel $0x88, $3  }
0x1: {  	(tag) =	ssettag $0x0;
	lr =	simm.s32 $0x1  }
0x2: {  	[smem:$0x3F93] =	sst lr;
	_ =	strace $0xD0000000  }
0x3: {  	_ = 	snop  }
0x4: {  	_ = 	snop  }
0x5: {  	_ = 	snop  }
0x6: {  	_ = 	snop  }
0x7: {  	_ = 	snop  }
__scs_overlays_trampoline_lowered:
0x8: {  	[smem:$0x3FA2] =	sst s0  }
0x9: {  	[smem:$0x3FA3] =	sst s1  }
0xa: {  	[smem:$0x3FA4] =	sst s2  }
0xb: {  	[smem:$0x3FA5] =	sst s3  }
0xc: {  	[smem:$0x3FA6] =	sst s4  }
0xd: {  	[smem:$0x3FA7] =	sst s5  }
0xe: {  	[smem:$0x3FA8] =	sst s6  }
0xf: {  	[smem:$0x3FA9] =	sst s7  }
0x10: {  	[smem:$0x3FAA] =	sst s8  }
0x11: {  	[smem:$0x3FAB] =	sst s9;
	s0 =	simm.s32 @!p0 $0x0  }
0x12: {  	s1 =	sld [smem:$0x3F91];
	s0 =	simm.s32 @p0 $0x1  }
0x13: {  	[smem:$0x3FAC] =	sst s0;
	s0 =	simm.s32 @!p1 $0x0  }
0x14: {  	s2 =	sld [smem:$0x3F90];
	s0 =	simm.s32 @p1 $0x1  }
0x15: {  	[smem:$0x3FAD] =	sst s0;
	s0 =	simm.s32 @!p2 $0x0  }
0x16: {  	s3 =	sld [smem:$0x3FDB];
	s0 =	simm.s32 @p2 $0x1  }
0x17: {  	s4 =	simm.s32 $0x1BF5;
	[smem:$0x3FAF] =	sst s0  }
0x18: {  	s0 =	sld [smem:$0x3F92];
	_ =	swait.ge [sflag:s4], $0x0  }
0x19: {  	s7 =	sld [smem:$0x3F93]  }
0x1a: {  	s8 =	sadd.s32 $0xFFFFE003, lr  }
0x1b: {  	s9 =	sadd.s32 $0xFFFFFEF7, lr;
	s5 =	simm.s32 $0xFFFFFFFF;
	p2 =	slt.u32 s8, $0xFFFFF086  }
0x1c: {  	p1 =	slt.u32 s9, $0xF7A;
	s5 =	simm.s32 @!p2 $0x0  }
0x1d: {  	s5 =	simm.s32 @p1 $0x1;
	p0 =	seq.s32 s7, s2  }
0x1e: {  	s7 =	smul.u32 @!p0 $0xF7A, s2;
	p2 =	seq.s32 @!p0 s5, $0x0  }
0x1f: {  	s9 =	smul.u32 $0xF7A, s1;
	s8 =	simm.s32 @!p0 $0x1BF5;
	p2 =	por !p2, p0  }
0x20: {  	[sflag:s8] =	ssyncset.s32 @!p0 $0xFFFFF086;
	s6 =	sadd.s32 @!p0 s3, s7;
	s7 =	simm.s32 @!p0 $0x108  }
0x21: {  	s3 =	sadd.s32 s3, s9;
	s6 =	sadd.s32 @!p0 $0x88, s6;
	s7 =	simm.s32 @p2 $0x1082  }
0x22: {  	[simem:s7], [sflag:s8] =	dma.local @!p0 [hbm:s6], $0xF7A  }
0x23: {  	s9 =	sor.u32 $0xD0000000, s2;
	s6 =	simm.s32 $0x108;
	_ =	swait.ge @!p0 [sflag:s8], $0x0  }
0x24: {  	s3 =	sadd.s32 $0x88, s3;
	s6 =	simm.s32 @!p1 $0x1082;
	[sflag:s4] =	ssyncset.s32 $0xFFFFF086  }
0x25: {  	[simem:s6], [sflag:s4] =	dma.local [hbm:s3], $0xF7A  }
0x26: {  	[smem:$0x3F93] =	sst s1;
	(tag) =	ssettag s2;
	_ =	strace s9  }
0x27: {  	s1 =	sld [smem:$0x3FA3]  }
0x28: {  	s2 =	sld [smem:$0x3FA4]  }
0x29: {  	s4 =	sld [smem:$0x3FA6]  }
0x2a: {  	p0 =	seq.s32 s5, $0x0;
	s5 =	sld [smem:$0x3FA7]  }
0x2b: {  	s6 =	sld [smem:$0x3FA8]  }
0x2c: {  	s7 =	sld [smem:$0x3FA9]  }
0x2d: {  	s3 =	simm.s32 $0x108;
	s8 =	sld [smem:$0x3FAA]  }
0x2e: {  	s3 =	simm.s32 @!p0 $0x1082;
	s9 =	sld [smem:$0x3FAB]  }
0x2f: {  	lr =	sadd.s32 s0, s3;
	s0 =	sld [smem:$0x3FA2]  }
0x30: {  	s3 =	sld [smem:$0x3FA5]  }
0x31: {  	[smem:$0x3FAE] =	sst s10  }
0x32: {  	s10 =	sld [smem:$0x3FAC];
	_ =	sdelay $0x3  }
0x33: {  	p0 =	seq.s32 s10, $0x1;
	s10 =	sld [smem:$0x3FAE];
	_ =	sdelay $0x3  }
0x34: {  	[smem:$0x3FAE] =	sst s10  }
0x35: {  	s10 =	sld [smem:$0x3FAD];
	_ =	sdelay $0x3  }
0x36: {  	p1 =	seq.s32 s10, $0x1;
	s10 =	sld [smem:$0x3FAE];
	_ =	sdelay $0x3  }
0x37: {  	[smem:$0x3FAE] =	sst s10  }
0x38: {  	s10 =	sld [smem:$0x3FAF]  }
0x39: {  	_ = 	snop;
	(pc) =	sbr.ind lr, $3  }
0x3a: {  	_ = 	snop  }
0x3b: {  	_ = 	snop  }
0x3c: {  	p2 =	seq.s32 s10, $0x1;
	s10 =	sld [smem:$0x3FAE]  }
0x3d: {  	_ =	shalt  }
0x3e: {  	_ =	shalt  }
0x3f: {  	_ =	shalt  }
0x40: {  	_ =	shalt  }
0x41: {  	_ =	shalt  }
0x42: {  	_ =	shalt  }
0x43: {  	_ =	shalt  }
0x44: {  	_ =	shalt  }
0x45: {  	_ =	shalt  }
0x46: {  	_ =	shalt  }
0x47: {  	_ =	shalt  }
0x48: {  	_ =	shalt  }
0x49: {  	_ =	shalt  }
0x4a: {  	_ =	shalt  }
0x4b: {  	_ =	shalt  }
0x4c: {  	_ =	shalt  }
0x4d: {  	_ =	shalt  }
0x4e: {  	_ =	shalt  }
0x4f: {  	_ =	shalt  }
0x50: {  	_ =	shalt  }
0x51: {  	_ =	shalt  }
0x52: {  	_ =	shalt  }
0x53: {  	_ =	shalt  }
0x54: {  	_ =	shalt  }
0x55: {  	_ =	shalt  }
0x56: {  	_ =	shalt  }
0x57: {  	_ =	shalt  }
0x58: {  	_ =	shalt  }
0x59: {  	_ =	shalt  }
0x5a: {  	_ =	shalt  }
0x5b: {  	_ =	shalt  }
0x5c: {  	_ =	shalt  }
0x5d: {  	_ =	shalt  }
0x5e: {  	_ =	shalt  }
0x5f: {  	_ =	shalt  }
0x60: {  	_ =	shalt  }
0x61: {  	_ =	shalt  }
0x62: {  	_ =	shalt  }
0x63: {  	_ =	shalt  }
0x64: {  	_ =	shalt  }
0x65: {  	_ =	shalt  }
0x66: {  	_ =	shalt  }
0x67: {  	_ =	shalt  }
0x68: {  	_ =	shalt  }
0x69: {  	_ =	shalt  }
0x6a: {  	_ =	shalt  }
0x6b: {  	_ =	shalt  }
0x6c: {  	_ =	shalt  }
0x6d: {  	_ =	shalt  }
0x6e: {  	_ =	shalt  }
0x6f: {  	_ =	shalt  }
0x70: {  	_ =	shalt  }
0x71: {  	_ =	shalt  }
0x72: {  	_ =	shalt  }
0x73: {  	_ =	shalt  }
0x74: {  	_ =	shalt  }
0x75: {  	_ =	shalt  }
0x76: {  	_ =	shalt  }
0x77: {  	_ =	shalt  }
0x78: {  	_ =	shalt  }
0x79: {  	_ =	shalt  }
0x7a: {  	_ =	shalt  }
0x7b: {  	_ =	shalt  }
0x7c: {  	_ =	shalt  }
0x7d: {  	_ =	shalt  }
0x7e: {  	_ =	shalt  }
0x7f: {  	_ =	shalt  }
0x80: {  	_ =	shalt  }
0x81: {  	_ =	shalt  }
0x82: {  	_ =	shalt  }
0x83: {  	_ =	shalt  }
0x84: {  	_ =	shalt  }
0x85: {  	_ =	shalt  }
0x86: {  	_ =	shalt  }
0x87: {  	_ =	shalt  }
.Lfunc_end0:
.L_simem_size_0:
called_computation.1_lowered:
.L_overlay_start_0:
0x88: {  	s2 =	sld [smem:$0x3FD9]  }
0x89: {  	s3 =	sld [smem:$0x3FFE];
	_ =	sdelay $0x1  }
0x8a: {  	s1 =	srdreg.scid  }
0x8b: {  	s0 =	sand.u32 $0x1, s1  }
0x8c: {  	s16 =	sshll.u32 s0, $0xA;
	s2 =	sadd.s32 s3, s2  }
0x8d: {  	s2 =	sadd.s32 s2, s16  }
0x8e: {  	[smem:$0x3FBA] =	sst s2  }
0x8f: {  	_ = 	snop  }
0x90: {  	(tm) =	ssettm $0x1  }
0x91: {  	s17 =	sld [smem:$0x3FFB];
	_ =	sdelay $0x3  }
0x92: {  	_ =	strace s17  }
0x93: {  	s2 =	sld [smem:$0x3FFC];
	_ =	sdelay $0x3  }
0x94: {  	_ =	strace s2  }
0x95: {  	s2 =	sld [smem:$0x3FFD];
	_ =	sdelay $0x3  }
0x96: {  	_ =	strace s2  }
0x97: {  	_ =	strace $0x8FFFFFFF  }
0x98: {  	s18 =	sld [smem:$0x3FDB];
	_ =	sdelay $0x1  }
0x99: {  	s19 =	simm.s32 $_scs_section_size  }
0x9a: {  	s4 =	simm.s32 $_size__tile_overlayer_lowered;
	s5 =	simm.s32 $_tile_overlayer_lowered  }
0x9b: {  	s22 =	simm.s32 $0x1BFF;
	s21 =	sshll.u32 s5, $0x1;
	s2 =	sadd.s32 s19, s18  }
0x9c: {  	s6 =	simm.s32 $0x0;
	s20 =	sshll.u32 s4, $0x1;
	s4 =	sadd.s32 s21, s2  }
0x9d: {  	[timem:s6], [sflag:s22] =	dma.local [hbm:s4], s20  }
0x9e: {  	_ =	swait.ge [sflag:s22], s20  }
0x9f: {  	s3 =	ssub.s32 $0x0, s20;
	[sflag:s22] =	ssyncset.done $0x0  }
0xa0: {  	[sflag:s22] =	ssyncadd.s32 s3;
	_ =	sdelay $0x1  }
0xa1: {  	s23 =	simm.s32 $0x1B8B  }
0xa2: {  	_ =	swait.ge [sflag:s23], $0x1  }
0xa3: {  	[sflag:s23] =	ssyncset.done $0x0  }
0xa4: {  	s25 =	simm.s32 $0x1B8E;
	s24 =	sld [smem:$0x3FFE];
	[sflag:s23] =	ssyncadd.s32 $0xFFFFFFFF  }
0xa5: {  	s26 =	simm.s32 $execute0_lowered;
	[smem:$0x3FD2] =	sst s25  }
0xa6: {  	s4 =	sshll.u32 s26, $0x1;
	_ =	strace $0x80000049;
	[dreg:$0x1] =	wrdreg $0xFFFFFFFF  }
0xa7: {  	s28 =	simm.s32 $_size_execute0_lowered;
	s2 =	sadd.s32 s2, s4;
	[dreg:$0x0] =	wrdreg $0x0  }
0xa8: {  	s4 =	sshll.u32 s28, $0x1;
	[dreg:$0x2] =	wrdreg s2  }
0xa9: {  	[dreg:$0x3] =	wrdreg s4  }
0xaa: {  	[dreg:$0x4] =	wrdreg $0xC0  }
0xab: {  	_ =	task [dreg:s6], $0x5FFFF  }
0xac: {  	[dreg:$0x1] =	wrdreg $0xFFFFFFFF  }
0xad: {  	[dreg:$0x0] =	wrdreg $0x60  }
0xae: {  	[dreg:$0x2] =	wrdreg s24  }
0xaf: {  	[dreg:$0x3] =	wrdreg $0x98000  }
0xb0: {  	[dreg:$0x4] =	wrdreg $0x9  }
0xb1: {  	_ =	task.clear_ibuf [dreg:s6], $0x5FFFF;
	_ =	strace $0x90000049  }
0xb2: {  	s29 =	simm.s32 $0x9;
	_ =	strace $0x8000004B  }
0xb3: {  	_ =	swait.ge [sflag:s29], $0x1  }
0xb4: {  	[sflag:s29] =	ssyncadd.s32 $0xFFFFFFFF  }
0xb5: {  	_ =	strace $0x9000004B  }
0xb6: {  	_ =	sfence  }
0xb7: {  	s30 =	sld [smem:$0x0];
	_ =	sdelay $0x2  }
0xb8: {  	s31 =	sshll.u32 s1, $0xD;
	s1 =	sshrl.u32 s1, $0x2  }
0xb9: {  	s3 =	sand.u32 $0x4000, s31;
	s1 =	sadd.s32 s1, s30  }
0xba: {  	s0 =	sor.u32 s3, s0;
	s1 =	sshll.u32 s1, $0x11  }
0xbb: {  	s0 =	sor.u32 s1, s0  }
0xbc: {  	s0 =	sadd.s32 $0x8F2B, s0  }
0xbd: {  	[sflag:s0] =	ssyncadd.remote.s32 $0x1  }
0xbe: {  	_ =	sfence.sel $0xFFFF  }
0xbf: {  	[dreg:$0x0] =	wrdreg $0xFFFFFFFF;
	(pc) =	sbr.abs _section_cstart, $3  }
0xc0: {  	[dreg:$0x1] =	wrdreg $0xFFFFFFFF  }
0xc1: {  	_ =	task.clear_ibuf [dreg:s6], $0x2FFFF;
	_ =	strace $0x9FFFFFFF  }
0xc2: {  	(tm) =	ssettm $0x7FFFFFFF  }
0xc3: {  	_ =	shalt  }
tec
execute0_lowered:
.L_overlay_start_1:
0x0: {  	(tag) =	ssettag $0x1  }
0x1: {  	s0 =	rddreg [dreg:$0x0]  }
0x2: {  	s1 =	rddreg [dreg:$0x1]  }
0x3: {  	s3 =	simm.s32 $0x0;
	s15 =	stileid.u32;
	s2 =	srdreg.scid  }
0x4: {  	s28 =	simm.s32 $0x2;
	s29 =	simm.s32 $0xF50;
	s30 =	simm.s32 $0x1F00  }
0x5: {  	s31 =	simm.s32 $0x1F50;
	[smem:$0x7FF] =	sst s3;
	s4 =	sadd.s32 $0x79200, s0  }
0x6: {  	s7 =	smul.u32 $0x50000, s15;
	s5 =	sadd.s32 $0x21200, s0;
	s6 =	sadd.s32 $0x17400, s0  }
0x7: {  	s2 =	sand.u32 $0x1, s2;
	s8 =	sadd.s32 $0x3800, s0;
	s18 =	sadd.s32 $0xD600, s0  }
0x8: {  	s0 =	sadd.s32 $0xC7400, s0;
	s17 =	smul.u32 $0x2800, s15;
	s20 =	sadd.s32 $0x12E800, s1  }
0x9: {  	s24 =	sadd.s32 $0x12C000, s1;
	_ =	strace $0x8000004A;
	s16 =	smul.u32 $0x27100, s2  }
0xa: {  	s9 =	ssub.s32 $0x2, s2;
	s19 =	smul.u32 $0x138800, s2;
	p0 =	seq.s32 s2, $0x1  }
0xb: {  	s2 =	smul.u32 $0x2710, s2;
	s7 =	sshrl.u32 s7, $0x2;
	s10 =	sshrl.u32 s9, $0x1  }
0xc: {  	s5 =	smov.u32 @p0 s8;
	s6 =	smov.u32 @p0 s18;
	p0 =	seq.s32 s15, $0xF  }
0xd: {  	s7 =	sadd.s32 s7, s1;
	s9 =	ssub.s32 s9, s10;
	s16 =	sadd.s32 s17, s16  }
0xe: {  	s23 =	sshrl.u32 s19, $0x3;
	s17 =	smul.u32 $0x4E20, s15;
	s21 =	sadd.s32 $0x2800, s7  }
0xf: {  	s22 =	sadd.s32 $0x5000, s7;
	s11 =	sadd.s32 $0x7800, s7;
	s12 =	sadd.s32 $0xA000, s7  }
0x10: {  	s13 =	sadd.s32 $0xC800, s7;
	s10 =	sadd.s32 $0xF000, s7;
	s25 =	sadd.s32 $0x11800, s7  }
0x11: {  	s14 =	sadd.s32 s0, s16;
	s0 =	sadd.s32 s0, s23;
	[dreg:$0x3] =	wrdreg s21  }
0x12: {  	s23 =	sadd.s32 $0x136000, s1;
	s26 =	smax.u32 s9, $0x1;
	[dreg:$0x4] =	wrdreg s22  }
0x13: {  	s21 =	sadd.s32 $0x131000, s1;
	s22 =	sadd.s32 $0x133800, s1;
	[dreg:$0x5] =	wrdreg s14  }
0x14: {  	s0 =	sadd.s32 $0x25800, s0;
	s14 =	smov.u32 s24;
	s11 =	smov.u32 @p0 s24  }
0x15: {  	s12 =	smov.u32 @p0 s20;
	[dreg:$0x7] =	wrdreg s26;
	s25 =	smov.u32 @p0 s23  }
0x16: {  	s20 =	simm.s32 $0x7000;
	s23 =	simm.s32 $0x50;
	s24 =	simm.s32 $0x2000  }
0x17: {  	s26 =	simm.s32 $0x1;
	[dreg:$0x6] =	wrdreg s0;
	s13 =	smov.u32 @p0 s21  }
0x18: {  	s10 =	smov.u32 @p0 s22;
	s19 =	smov.u32 s25;
	s21 =	simm.s32 $0x3  }
0x19: {  	v1 =	vimm.f32 $0.0e+00;
	v0 =	vmov s2;
	s22 =	simm.s32 $0x1000;
	s25 =	simm.s32 $0x4800;
	s18 =	smov.u32 s10  }
.LBB2_1:
0x1a: {  	s0 =	simm.s32 $0x0;
	s2 =	simm.s32 $0x200  }
.LBB2_2:
0x1b: {  	p1 =	sne.s32 s2, $0x9E00;
	[tilespmem:s0+$0x7070] =	vst v1  }
0x1c: {  	[tilespmem:s0+$0x7000] =	vst v1  }
0x1d: {  	[tilespmem:s0+$0x7010] =	vst v1  }
.Ltmp0:
0x1e: {  	[tilespmem:s0+$0x7020] =	vst v1;
	(pc) =	sbr.rel @p1 .LBB2_2-.Ltmp0, $4  }
0x1f: {  	[tilespmem:s0+$0x7030] =	vst v1  }
0x20: {  	[tilespmem:s0+$0x7040] =	vst v1  }
0x21: {  	[tilespmem:s0+$0x7050] =	vst v1  }
0x22: {  	[tilespmem:s0+$0x7060] =	vst v1;
	s0 =	sshra.s32 s2, $0x2;
	s2 =	sadd.s32 $0x200, s2  }
0x23: {  	[tilespmem:s0+$0x7070] =	vst v1  }
0x24: {  	[tilespmem:s0+$0x7000] =	vst v1  }
0x25: {  	[tilespmem:s0+$0x7010] =	vst v1  }
0x26: {  	[tilespmem:s0+$0x7020] =	vst v1  }
0x27: {  	[tilespmem:s0+$0x7030] =	vst v1  }
0x28: {  	[tilespmem:s0+$0x7040] =	vst v1  }
0x29: {  	[tilespmem:s0+$0x7050] =	vst v1  }
0x2a: {  	[tilespmem:s0+$0x7060] =	vst v1;
	s0 =	simm.s32 @!p0 $0x7000;
	s2 =	simm.s32 @!p0 $0x3  }
0x2b: {  	[spmem:s7] =	stream.linear.scatter @!p0 [tilespmem:s0], [sflag:$0x3], $0x2800, $0x38;
	[tilespmem:$0x1D080] =	vst v63  }
0x2c: {  	_ =	swait.ge @!p0 [sflag:s2], $0x2800  }
0x2d: {  	[sflag:s2] =	ssyncset.done @!p0 $0x0  }
0x2e: {  	s8 =	rddreg [dreg:$0x3];
	[sflag:s2] =	ssyncadd.s32 @!p0 $0xFFFFD800  }
0x2f: {  	[spmem:s8] =	stream.linear.scatter @!p0 [tilespmem:s0], [sflag:$0x3], $0x2800, $0x38;
	[tilespmem:$0x1D080] =	vst v63  }
0x30: {  	_ =	swait.ge @!p0 [sflag:s2], $0x2800  }
0x31: {  	[sflag:s2] =	ssyncset.done @!p0 $0x0  }
0x32: {  	s8 =	rddreg [dreg:$0x4];
	[sflag:s2] =	ssyncadd.s32 @!p0 $0xFFFFD800  }
0x33: {  	[spmem:s8] =	stream.linear.scatter @!p0 [tilespmem:s0], [sflag:$0x3], $0x2800, $0x38;
	[tilespmem:$0x1D080] =	vst v63  }
0x34: {  	_ =	swait.ge @!p0 [sflag:s2], $0x2800  }
0x35: {  	[sflag:s2] =	ssyncset.done @!p0 $0x0  }
0x36: {  	[sflag:s2] =	ssyncadd.s32 @!p0 $0xFFFFD800  }
0x37: {  	[spmem:s11] =	stream.linear.scatter [tilespmem:s20], [sflag:$0x3], $0x2800, $0x38;
	[tilespmem:$0x1D080] =	vst v63  }
0x38: {  	_ =	swait.ge [sflag:s21], $0x2800  }
0x39: {  	[sflag:s21] =	ssyncset.done $0x0  }
0x3a: {  	[sflag:s21] =	ssyncadd.s32 $0xFFFFD800  }
0x3b: {  	[spmem:s12] =	stream.linear.scatter [tilespmem:s20], [sflag:$0x3], $0x2800, $0x38;
	[tilespmem:$0x1D080] =	vst v63  }
0x3c: {  	_ =	swait.ge [sflag:s21], $0x2800  }
0x3d: {  	[sflag:s21] =	ssyncset.done $0x0  }
0x3e: {  	[sflag:s21] =	ssyncadd.s32 $0xFFFFD800  }
0x3f: {  	[spmem:s13] =	stream.linear.scatter [tilespmem:s20], [sflag:$0x3], $0x2800, $0x38;
	[tilespmem:$0x1D080] =	vst v63  }
0x40: {  	_ =	swait.ge [sflag:s21], $0x2800  }
0x41: {  	[sflag:s21] =	ssyncset.done $0x0  }
0x42: {  	[sflag:s21] =	ssyncadd.s32 $0xFFFFD800  }
0x43: {  	[spmem:s18] =	stream.linear.scatter [tilespmem:s20], [sflag:$0x3], $0x2800, $0x38;
	[tilespmem:$0x1D080] =	vst v63  }
0x44: {  	_ =	swait.ge [sflag:s21], $0x2800  }
0x45: {  	[sflag:s21] =	ssyncset.done $0x0  }
0x46: {  	[sflag:s21] =	ssyncadd.s32 $0xFFFFD800  }
0x47: {  	[spmem:s19] =	stream.linear.scatter [tilespmem:s20], [sflag:$0x3], $0x2800, $0x38;
	[tilespmem:$0x1D080] =	vst v63  }
0x48: {  	_ =	swait.ge [sflag:s21], $0x2800  }
0x49: {  	[sflag:s21] =	ssyncset.done $0x0  }
0x4a: {  	[sflag:s21] =	ssyncadd.s32 $0xFFFFD800  }
0x4b: {  	s0 =	simm.s32 $0x0;
	s2 =	simm.s32 $0x0;
	[bflag:$0x0] =	sbarrier.arrive $0xFFFF  }
.LBB2_4:
0x4c: {  	s8 =	smul.u32 $0xFA0, s2;
	_ =	sdelay $0x1  }
0x4d: {  	s8 =	sadd.s32 s17, s8  }
0x4e: {  	s8 =	sshrl.u32 s8, $0x3  }
0x4f: {  	s9 =	sadd.s32 s5, s8  }
0x50: {  	[tilespmem:s0], [sflag:$0x3] =	stream.linear.gather [hbm4b:s9+s0], $0xFA0, $0x38;
	[tilespmem:$0x1D080] =	vst v63  }
0x51: {  	_ =	swait.ge [sflag:s21], $0xFA0  }
0x52: {  	[sflag:s21] =	ssyncset.done $0x0  }
0x53: {  	s8 =	sadd.s32 s6, s8;
	[sflag:s21] =	ssyncadd.s32 $0xFFFFF060  }
0x54: {  	[tilespmem:s22], [sflag:$0x3] =	stream.linear.gather [hbm4b:s8+s0], $0xFA0, $0x38;
	[tilespmem:$0x1D080] =	vst v63  }
0x55: {  	_ =	swait.ge [sflag:s21], $0xFA0  }
0x56: {  	[sflag:s21] =	ssyncset.done $0x0  }
0x57: {  	s9 =	simm.s32 $0x40;
	s8 =	simm.s32 $0x0;
	[sflag:s21] =	ssyncadd.s32 $0xFFFFF060  }
.LBB2_5:
0x58: {  	p1 =	sne.s32 s9, $0x3E40;
	v2 =	vld [tilespmem:s8+$0x0];
	_ =	sdelay $0x1  }
.Ltmp1:
0x59: {  	(pc) =	sbr.rel @p1 .LBB2_5-.Ltmp1, $3  }
0x5a: {  	_ =	sdelay $0x1  }
0x5b: {  	v2 =	vadd.s32 v0, v2  }
0x5c: {  	[tilespmem:s8+$0x0] =	vst v2;
	s8 =	sshra.s32 s9, $0x2;
	s9 =	sadd.s32 $0x40, s9  }
0x5d: {  	v2 =	vld [tilespmem:s8+$0x0];
	_ =	sdelay $0x4  }
0x5e: {  	v2 =	vadd.s32 v0, v2  }
0x5f: {  	s16 =	simm.s32 $0x0;
	[tilespmem:s8+$0x0] =	vst v2  }
0x60: {  	[tilespmem:s24], [sflag:$0x1] =	stream.indirect.gather [hbm4b:s4+s23], $0x80, s16, s23, $0xb8;
	[tilespmem:$0x1D080] =	vst v63  }
0x61: {  	s9 =	simm.s32 $0x50  }
0x62: {  	[tilespmem:s25], [sflag:$0x2] =	stream.indirect.gather [hbm4b:s4+s23], $0x80, s9, s23, $0xb8;
	[tilespmem:$0x1D080] =	vst v63  }
0x63: {  	_ =	swait.ge [sflag:s26], $0x2800  }
0x64: {  	[sflag:s26] =	ssyncset.done $0x0  }
0x65: {  	s10 =	simm.s32 $0x1000;
	[sflag:s26] =	ssyncadd.s32 $0xFFFFD800  }
0x66: {  	[spmem:s1] =	stream.indirect.scatter.add.f32 [tilespmem:s24], [sflag:$0x3], $0x80, s10, s23, $0xb8;
	[tilespmem:$0x1D080] =	vst v63  }
0x67: {  	_ =	swait.ge [sflag:s21], $0x2800  }
0x68: {  	[sflag:s21] =	ssyncset.done $0x0  }
0x69: {  	s15 =	simm.s32 $0xA0;
	[sflag:s21] =	ssyncadd.s32 $0xFFFFD800  }
0x6a: {  	[tilespmem:s24], [sflag:$0x1] =	stream.indirect.gather [hbm4b:s4+s23], $0x80, s15, s23, $0xb8;
	[tilespmem:$0x1D080] =	vst v63  }
0x6b: {  	_ =	swait.ge [sflag:s28], $0x2800  }
0x6c: {  	[sflag:s28] =	ssyncset.done $0x0  }
0x6d: {  	s16 =	simm.s32 $0x1050;
	[sflag:s28] =	ssyncadd.s32 $0xFFFFD800  }
0x6e: {  	[spmem:s1] =	stream.indirect.scatter.add.f32 [tilespmem:s25], [sflag:$0x3], $0x80, s16, s23, $0xb8;
	[tilespmem:$0x1D080] =	vst v63  }
0x6f: {  	_ =	swait.ge [sflag:s21], $0x2800  }
0x70: {  	s8 =	simm.s32 $0xA0;
	s9 =	simm.s32 $0x500;
	[sflag:s21] =	ssyncset.done $0x0  }
.LBB2_7:
0x71: {  	s16 =	sadd.s32 $0x50, s8  }
0x72: {  	[sflag:s21] =	ssyncadd.s32 $0xFFFFD800;
	s15 =	smov.u32 s9;
	s10 =	sadd.s32 $0x280, s9  }
0x73: {  	[tilespmem:s25], [sflag:$0x2] =	stream.indirect.gather [hbm4b:s4+s23], $0x80, s16, s23, $0xb8;
	[tilespmem:$0x1D080] =	vst v63  }
0x74: {  	p1 =	sne.s32 s9, $0x3980;
	_ =	swait.ge [sflag:s26], $0x2800  }
0x75: {  	[sflag:s26] =	ssyncset.done $0x0  }
0x76: {  	s9 =	sadd.s32 $0x1000, s8;
	[sflag:s26] =	ssyncadd.s32 $0xFFFFD800  }
0x77: {  	[spmem:s1] =	stream.indirect.scatter.add.f32 [tilespmem:s24], [sflag:$0x3], $0x80, s9, s23, $0xb8;
	[tilespmem:$0x1D080] =	vst v63  }
0x78: {  	_ =	swait.ge [sflag:s21], $0x2800  }
0x79: {  	[sflag:s21] =	ssyncset.done $0x0  }
0x7a: {  	s9 =	sadd.s32 $0xA0, s8;
	[sflag:s21] =	ssyncadd.s32 $0xFFFFD800  }
0x7b: {  	[tilespmem:s24], [sflag:$0x1] =	stream.indirect.gather [hbm4b:s4+s23], $0x80, s9, s23, $0xb8;
	[tilespmem:$0x1D080] =	vst v63  }
0x7c: {  	_ =	swait.ge [sflag:s28], $0x2800  }
.Ltmp2:
0x7d: {  	[sflag:s28] =	ssyncset.done $0x0;
	(pc) =	sbr.rel @p1 .LBB2_7-.Ltmp2, $4  }
0x7e: {  	s8 =	sadd.s32 $0x1050, s8;
	[sflag:s28] =	ssyncadd.s32 $0xFFFFD800  }
0x7f: {  	[spmem:s1] =	stream.indirect.scatter.add.f32 [tilespmem:s25], [sflag:$0x3], $0x80, s8, s23, $0xb8;
	[tilespmem:$0x1D080] =	vst v63  }
0x80: {  	_ =	swait.ge [sflag:s21], $0x2800  }
0x81: {  	s9 =	smov.u32 s10;
	s8 =	sshra.s32 s15, $0x2;
	[sflag:s21] =	ssyncset.done $0x0  }
0x82: {  	s9 =	sadd.s32 $0x50, s8;
	[sflag:s21] =	ssyncadd.s32 $0xFFFFD800  }
0x83: {  	[tilespmem:s25], [sflag:$0x2] =	stream.indirect.gather [hbm4b:s4+s23], $0x80, s9, s23, $0xb8;
	[tilespmem:$0x1D080] =	vst v63  }
0x84: {  	_ =	swait.ge [sflag:s26], $0x2800  }
0x85: {  	[sflag:s26] =	ssyncset.done $0x0  }
0x86: {  	s10 =	sadd.s32 $0x1000, s8;
	[sflag:s26] =	ssyncadd.s32 $0xFFFFD800  }
0x87: {  	[spmem:s1] =	stream.indirect.scatter.add.f32 [tilespmem:s24], [sflag:$0x3], $0x80, s10, s23, $0xb8;
	[tilespmem:$0x1D080] =	vst v63  }
0x88: {  	_ =	swait.ge [sflag:s21], $0x2800  }
0x89: {  	[sflag:s21] =	ssyncset.done $0x0  }
0x8a: {  	s15 =	sadd.s32 $0xA0, s8;
	[sflag:s21] =	ssyncadd.s32 $0xFFFFD800  }
0x8b: {  	[tilespmem:s24], [sflag:$0x1] =	stream.indirect.gather [hbm4b:s4+s23], $0x80, s15, s23, $0xb8;
	[tilespmem:$0x1D080] =	vst v63  }
0x8c: {  	_ =	swait.ge [sflag:s28], $0x2800  }
0x8d: {  	[sflag:s28] =	ssyncset.done $0x0  }
0x8e: {  	s16 =	sadd.s32 $0x1050, s8;
	[sflag:s28] =	ssyncadd.s32 $0xFFFFD800  }
0x8f: {  	[spmem:s1] =	stream.indirect.scatter.add.f32 [tilespmem:s25], [sflag:$0x3], $0x80, s16, s23, $0xb8;
	[tilespmem:$0x1D080] =	vst v63  }
0x90: {  	_ =	swait.ge [sflag:s21], $0x2800  }
0x91: {  	[sflag:s21] =	ssyncset.done $0x0  }
0x92: {  	[sflag:s21] =	ssyncadd.s32 $0xFFFFD800  }
0x93: {  	[tilespmem:s25], [sflag:$0x2] =	stream.indirect.gather [hbm4b:s4+s23], $0x80, s29, s23, $0xb8;
	[tilespmem:$0x1D080] =	vst v63  }
0x94: {  	_ =	swait.ge [sflag:s26], $0x2800  }
0x95: {  	[sflag:s26] =	ssyncset.done $0x0  }
0x96: {  	[sflag:s26] =	ssyncadd.s32 $0xFFFFD800  }
0x97: {  	[spmem:s1] =	stream.indirect.scatter.add.f32 [tilespmem:s24], [sflag:$0x3], $0x80, s30, s23, $0xb8;
	[tilespmem:$0x1D080] =	vst v63  }
0x98: {  	_ =	swait.ge [sflag:s21], $0x2800  }
0x99: {  	[sflag:s21] =	ssyncset.done $0x0  }
0x9a: {  	[sflag:s21] =	ssyncadd.s32 $0xFFFFD800  }
0x9b: {  	s2 =	sadd.s32 $0x1, s2;
	_ =	swait.ge [sflag:s28], $0x2800  }
0x9c: {  	p1 =	sne.s32 s2, $0x5;
	[sflag:s28] =	ssyncset.done $0x0  }
.Ltmp3:
0x9d: {  	[sflag:s28] =	ssyncadd.s32 $0xFFFFD800;
	(pc) =	sbr.rel @p1 .LBB2_4-.Ltmp3, $4  }
0x9e: {  	[spmem:s1] =	stream.indirect.scatter.add.f32 [tilespmem:s25], [sflag:$0x3], $0x80, s31, s23, $0xb8;
	[tilespmem:$0x1D080] =	vst v63  }
0x9f: {  	_ =	swait.ge [sflag:s21], $0x2800  }
0xa0: {  	[sflag:s21] =	ssyncset.done $0x0  }
0xa1: {  	[sflag:s21] =	ssyncadd.s32 $0xFFFFD800  }
0xa2: {  	[bflag:$0x0] =	sbarrier.arrive $0xFFFF  }
0xa3: {  	s0 =	sshrl.u32 @p0 s14, $0x3;
	s2 =	simm.s32 @p0 $0x1FC3;
	s8 =	rddreg [dreg:$0x6]  }
0xa4: {  	[hbm:s8], [sflag:s2] =	dma.local @p0 [spmem:s0], $0x1900  }
0xa5: {  	s0 =	simm.s32 @p0 $0x3  }
0xa6: {  	s2 =	stileid.u32;
	_ =	swait.ge @p0 [sflag:s0], $0x1900  }
0xa7: {  	s2 =	sshll.u32 @!p0 s2, $0x6;
	[sflag:s0] =	ssyncset.done @p0 $0x0;
	s8 =	rddreg [dreg:$0x5]  }
0xa8: {  	[sflag:s0] =	ssyncadd.s32 @p0 $0xFFFFE700;
	s0 =	sor.u32 @!p0 $0x1C03, s2;
	s2 =	sshrl.u32 @!p0 s7, $0x3  }
0xa9: {  	[hbm:s8], [sflag:s0] =	dma.local @!p0 [spmem:s2], $0x2800  }
0xaa: {  	s0 =	simm.s32 @!p0 $0x3  }
0xab: {  	_ =	swait.ge @!p0 [sflag:s0], $0x2800  }
0xac: {  	s3 =	sadd.s32 $0x1, s3;
	s16 =	rddreg [dreg:$0x7]  }
0xad: {  	p1 =	sne.s32 s3, s16  }
.Ltmp4:
0xae: {  	_ = 	snop;
	(pc) =	sbr.rel @p1 .LBB2_1-.Ltmp4, $3  }
0xaf: {  	_ =	sdelay $0x1  }
0xb0: {  	[sflag:s0] =	ssyncset.done @!p0 $0x0  }
0xb1: {  	[sflag:s0] =	ssyncadd.s32 @!p0 $0xFFFFD800  }
0xb2: {  	_ =	sfence.sel $0x180000  }
0xb3: {  	[bflag:$0x0] =	sbarrier.arrive $0xFFFF  }
0xb4: {  	_ =	strace $0x9000004A  }
0xb5: {  	s0 =	stileid.u32;
	[bflag:$0x2] =	sbarrier.arrive $0xFFFF  }
0xb6: {  	p0 =	sne.s32 s0, $0x0;
	s0 =	rddreg [dreg:$0x2]  }
0xb7: {  	s0 =	sadd.s32 @!p0 $0x100000, s0  }
0xb8: {  	[sflag:s0] =	ssyncadd.tile.s32 @!p0 $0x1;
	_ =	shalt  }
.Lfunc_end2:
_tile_overlayer_lowered:
.L_overlay_start_2:
0xb9: {  	(tag) =	ssettag $0x2  }
0xba: {  	s0 =	rddreg [dreg:$0x0];
	s2 =	stileid.u32  }
0xbb: {  	s1 =	rddreg [dreg:$0x1];
	p0 =	sne.s32 s2, $0x0  }
0xbc: {  	s3 =	rddreg [dreg:$0x2];
	[bflag:$0x3] =	sbarrier.arrive $0xFFFF;
	s2 =	simm.s32 @!p0 $0x1C03  }
0xbd: {  	[timem:s3], [sflag:s2] =	dma.local @!p0 [hbm:s0], s1  }
0xbe: {  	s0 =	simm.s32 @!p0 $0x3  }
0xbf: {  	_ =	swait.ge @!p0 [sflag:s0], s1  }
0xc0: {  	s1 =	ssub.s32 @!p0 $0x0, s1;
	[sflag:s0] =	ssyncset.done @!p0 $0x0  }
0xc1: {  	[sflag:s0] =	ssyncadd.s32 @!p0 s1  }
0xc2: {  	[bflag:$0x3] =	sbarrier.arrive $0xFFFF  }
0xc3: {  	_ =	shalt  }

// kernel: kernel.17.cloned.1.call-start
scs
__scs_entry_jumppad:
0x0: {  	(pc) =	sbr.rel $0x88, $3  }
0x1: {  	(tag) =	ssettag $0x0;
	lr =	simm.s32 $0x1  }
0x2: {  	[smem:$0x3F93] =	sst lr;
	_ =	strace $0xD0000000  }
0x3: {  	_ = 	snop  }
0x4: {  	_ = 	snop  }
0x5: {  	_ = 	snop  }
0x6: {  	_ = 	snop  }
0x7: {  	_ = 	snop  }
__scs_overlays_trampoline_lowered:
0x8: {  	[smem:$0x3FA2] =	sst s0  }
0x9: {  	[smem:$0x3FA3] =	sst s1  }
0xa: {  	[smem:$0x3FA4] =	sst s2  }
0xb: {  	[smem:$0x3FA5] =	sst s3  }
0xc: {  	[smem:$0x3FA6] =	sst s4  }
0xd: {  	[smem:$0x3FA7] =	sst s5  }
0xe: {  	[smem:$0x3FA8] =	sst s6  }
0xf: {  	[smem:$0x3FA9] =	sst s7  }
0x10: {  	[smem:$0x3FAA] =	sst s8  }
0x11: {  	[smem:$0x3FAB] =	sst s9;
	s0 =	simm.s32 @!p0 $0x0  }
0x12: {  	s1 =	sld [smem:$0x3F91];
	s0 =	simm.s32 @p0 $0x1  }
0x13: {  	[smem:$0x3FAC] =	sst s0;
	s0 =	simm.s32 @!p1 $0x0  }
0x14: {  	s2 =	sld [smem:$0x3F90];
	s0 =	simm.s32 @p1 $0x1  }
0x15: {  	[smem:$0x3FAD] =	sst s0;
	s0 =	simm.s32 @!p2 $0x0  }
0x16: {  	s3 =	sld [smem:$0x3FDB];
	s0 =	simm.s32 @p2 $0x1  }
0x17: {  	s4 =	simm.s32 $0x1BF5;
	[smem:$0x3FAF] =	sst s0  }
0x18: {  	s0 =	sld [smem:$0x3F92];
	_ =	swait.ge [sflag:s4], $0x0  }
0x19: {  	s7 =	sld [smem:$0x3F93]  }
0x1a: {  	s8 =	sadd.s32 $0xFFFFE003, lr  }
0x1b: {  	s9 =	sadd.s32 $0xFFFFFEF7, lr;
	s5 =	simm.s32 $0xFFFFFFFF;
	p2 =	slt.u32 s8, $0xFFFFF086  }
0x1c: {  	p1 =	slt.u32 s9, $0xF7A;
	s5 =	simm.s32 @!p2 $0x0  }
0x1d: {  	s5 =	simm.s32 @p1 $0x1;
	p0 =	seq.s32 s7, s2  }
0x1e: {  	s7 =	smul.u32 @!p0 $0xF7A, s2;
	p2 =	seq.s32 @!p0 s5, $0x0  }
0x1f: {  	s9 =	smul.u32 $0xF7A, s1;
	s8 =	simm.s32 @!p0 $0x1BF5;
	p2 =	por !p2, p0  }
0x20: {  	[sflag:s8] =	ssyncset.s32 @!p0 $0xFFFFF086;
	s6 =	sadd.s32 @!p0 s3, s7;
	s7 =	simm.s32 @!p0 $0x108  }
0x21: {  	s3 =	sadd.s32 s3, s9;
	s6 =	sadd.s32 @!p0 $0x88, s6;
	s7 =	simm.s32 @p2 $0x1082  }
0x22: {  	[simem:s7], [sflag:s8] =	dma.local @!p0 [hbm:s6], $0xF7A  }
0x23: {  	s9 =	sor.u32 $0xD0000000, s2;
	s6 =	simm.s32 $0x108;
	_ =	swait.ge @!p0 [sflag:s8], $0x0  }
0x24: {  	s3 =	sadd.s32 $0x88, s3;
	s6 =	simm.s32 @!p1 $0x1082;
	[sflag:s4] =	ssyncset.s32 $0xFFFFF086  }
0x25: {  	[simem:s6], [sflag:s4] =	dma.local [hbm:s3], $0xF7A  }
0x26: {  	[smem:$0x3F93] =	sst s1;
	(tag) =	ssettag s2;
	_ =	strace s9  }
0x27: {  	s1 =	sld [smem:$0x3FA3]  }
0x28: {  	s2 =	sld [smem:$0x3FA4]  }
0x29: {  	s4 =	sld [smem:$0x3FA6]  }
0x2a: {  	p0 =	seq.s32 s5, $0x0;
	s5 =	sld [smem:$0x3FA7]  }
0x2b: {  	s6 =	sld [smem:$0x3FA8]  }
0x2c: {  	s7 =	sld [smem:$0x3FA9]  }
0x2d: {  	s3 =	simm.s32 $0x108;
	s8 =	sld [smem:$0x3FAA]  }
0x2e: {  	s3 =	simm.s32 @!p0 $0x1082;
	s9 =	sld [smem:$0x3FAB]  }
0x2f: {  	lr =	sadd.s32 s0, s3;
	s0 =	sld [smem:$0x3FA2]  }
0x30: {  	s3 =	sld [smem:$0x3FA5]  }
0x31: {  	[smem:$0x3FAE] =	sst s10  }
0x32: {  	s10 =	sld [smem:$0x3FAC];
	_ =	sdelay $0x3  }
0x33: {  	p0 =	seq.s32 s10, $0x1;
	s10 =	sld [smem:$0x3FAE];
	_ =	sdelay $0x3  }
0x34: {  	[smem:$0x3FAE] =	sst s10  }
0x35: {  	s10 =	sld [smem:$0x3FAD];
	_ =	sdelay $0x3  }
0x36: {  	p1 =	seq.s32 s10, $0x1;
	s10 =	sld [smem:$0x3FAE];
	_ =	sdelay $0x3  }
0x37: {  	[smem:$0x3FAE] =	sst s10  }
0x38: {  	s10 =	sld [smem:$0x3FAF]  }
0x39: {  	_ = 	snop;
	(pc) =	sbr.ind lr, $3  }
0x3a: {  	_ = 	snop  }
0x3b: {  	_ = 	snop  }
0x3c: {  	p2 =	seq.s32 s10, $0x1;
	s10 =	sld [smem:$0x3FAE]  }
0x3d: {  	_ =	shalt  }
0x3e: {  	_ =	shalt  }
0x3f: {  	_ =	shalt  }
0x40: {  	_ =	shalt  }
0x41: {  	_ =	shalt  }
0x42: {  	_ =	shalt  }
0x43: {  	_ =	shalt  }
0x44: {  	_ =	shalt  }
0x45: {  	_ =	shalt  }
0x46: {  	_ =	shalt  }
0x47: {  	_ =	shalt  }
0x48: {  	_ =	shalt  }
0x49: {  	_ =	shalt  }
0x4a: {  	_ =	shalt  }
0x4b: {  	_ =	shalt  }
0x4c: {  	_ =	shalt  }
0x4d: {  	_ =	shalt  }
0x4e: {  	_ =	shalt  }
0x4f: {  	_ =	shalt  }
0x50: {  	_ =	shalt  }
0x51: {  	_ =	shalt  }
0x52: {  	_ =	shalt  }
0x53: {  	_ =	shalt  }
0x54: {  	_ =	shalt  }
0x55: {  	_ =	shalt  }
0x56: {  	_ =	shalt  }
0x57: {  	_ =	shalt  }
0x58: {  	_ =	shalt  }
0x59: {  	_ =	shalt  }
0x5a: {  	_ =	shalt  }
0x5b: {  	_ =	shalt  }
0x5c: {  	_ =	shalt  }
0x5d: {  	_ =	shalt  }
0x5e: {  	_ =	shalt  }
0x5f: {  	_ =	shalt  }
0x60: {  	_ =	shalt  }
0x61: {  	_ =	shalt  }
0x62: {  	_ =	shalt  }
0x63: {  	_ =	shalt  }
0x64: {  	_ =	shalt  }
0x65: {  	_ =	shalt  }
0x66: {  	_ =	shalt  }
0x67: {  	_ =	shalt  }
0x68: {  	_ =	shalt  }
0x69: {  	_ =	shalt  }
0x6a: {  	_ =	shalt  }
0x6b: {  	_ =	shalt  }
0x6c: {  	_ =	shalt  }
0x6d: {  	_ =	shalt  }
0x6e: {  	_ =	shalt  }
0x6f: {  	_ =	shalt  }
0x70: {  	_ =	shalt  }
0x71: {  	_ =	shalt  }
0x72: {  	_ =	shalt  }
0x73: {  	_ =	shalt  }
0x74: {  	_ =	shalt  }
0x75: {  	_ =	shalt  }
0x76: {  	_ =	shalt  }
0x77: {  	_ =	shalt  }
0x78: {  	_ =	shalt  }
0x79: {  	_ =	shalt  }
0x7a: {  	_ =	shalt  }
0x7b: {  	_ =	shalt  }
0x7c: {  	_ =	shalt  }
0x7d: {  	_ =	shalt  }
0x7e: {  	_ =	shalt  }
0x7f: {  	_ =	shalt  }
0x80: {  	_ =	shalt  }
0x81: {  	_ =	shalt  }
0x82: {  	_ =	shalt  }
0x83: {  	_ =	shalt  }
0x84: {  	_ =	shalt  }
0x85: {  	_ =	shalt  }
0x86: {  	_ =	shalt  }
0x87: {  	_ =	shalt  }
.Lfunc_end0:
.L_simem_size_0:
called_computation.2_lowered:
.L_overlay_start_0:
0x88: {  	s2 =	sld [smem:$0x3FD9]  }
0x89: {  	s3 =	sld [smem:$0x3FFE];
	_ =	sdelay $0x1  }
0x8a: {  	s1 =	srdreg.scid  }
0x8b: {  	s0 =	sand.u32 $0x1, s1  }
0x8c: {  	s17 =	sshll.u32 s0, $0xA;
	s2 =	sadd.s32 s3, s2  }
0x8d: {  	s2 =	sadd.s32 s2, s17  }
0x8e: {  	[smem:$0x3FBA] =	sst s2  }
0x8f: {  	_ = 	snop  }
0x90: {  	(tm) =	ssettm $0x1  }
0x91: {  	s18 =	sld [smem:$0x3FFB];
	_ =	sdelay $0x3  }
0x92: {  	_ =	strace s18  }
0x93: {  	s2 =	sld [smem:$0x3FFC];
	_ =	sdelay $0x3  }
0x94: {  	_ =	strace s2  }
0x95: {  	s2 =	sld [smem:$0x3FFD];
	_ =	sdelay $0x3  }
0x96: {  	_ =	strace s2  }
0x97: {  	_ =	strace $0x8FFFFFFF  }
0x98: {  	s19 =	sld [smem:$0x3FDB];
	_ =	sdelay $0x1  }
0x99: {  	s20 =	simm.s32 $_scs_section_size  }
0x9a: {  	s4 =	simm.s32 $_size__tile_overlayer_lowered;
	s5 =	simm.s32 $_tile_overlayer_lowered  }
0x9b: {  	s6 =	simm.s32 $0x1BFF;
	s21 =	sshll.u32 s5, $0x1;
	s3 =	sadd.s32 s20, s19  }
0x9c: {  	s22 =	simm.s32 $0x0;
	s4 =	sshll.u32 s4, $0x1;
	s5 =	sadd.s32 s21, s3  }
0x9d: {  	[timem:s22], [sflag:s6] =	dma.local [hbm:s5], s4  }
0x9e: {  	_ =	swait.ge [sflag:s6], s4  }
0x9f: {  	s4 =	ssub.s32 $0x0, s4;
	[sflag:s6] =	ssyncset.done $0x0  }
0xa0: {  	[sflag:s6] =	ssyncadd.s32 s4;
	_ =	sdelay $0x1  }
0xa1: {  	s23 =	simm.s32 $0x1B8B  }
0xa2: {  	_ =	swait.ge [sflag:s23], $0x1  }
0xa3: {  	[sflag:s23] =	ssyncset.done $0x0  }
0xa4: {  	[sflag:s23] =	ssyncadd.s32 $0xFFFFFFFF  }
0xa5: {  	s4 =	sld [smem:$0x0]  }
0xa6: {  	s5 =	sand.u32 $0xFFFFFFFE, s1  }
0xa7: {  	p0 =	sne.s32 s1, s5  }
0xa8: {  	s5 =	sshll.u32 @p0 s5, $0xE  }
0xa9: {  	s5 =	sadd.s32 @p0 $0x11B8D, s5;
	s6 =	sshll.u32 @p0 s4, $0x11  }
0xaa: {  	s5 =	sor.u32 @p0 s6, s5  }
0xab: {  	[sflag:s5] =	ssyncadd.remote.s32 @p0 $0x1;
	_ =	sdelay $0x1  }
0xac: {  	s5 =	simm.s32 @p0 $0x1B8D  }
0xad: {  	_ =	swait.eq @p0 [sflag:s5], $0x1  }
0xae: {  	[sflag:s5] =	ssyncadd.s32 @p0 $0xFFFFFFFF  }
0xaf: {  	s6 =	sshll.u32 @!p0 s1, $0xE  }
0xb0: {  	s6 =	sor.u32 @!p0 $0x4000, s6;
	s5 =	simm.s32 @!p0 $0x1B8D  }
0xb1: {  	s4 =	sshll.u32 @!p0 s4, $0x11;
	s6 =	sadd.s32 @!p0 $0x11B8D, s6;
	_ =	swait.eq @!p0 [sflag:s5], $0x1  }
0xb2: {  	s4 =	sor.u32 @!p0 s4, s6;
	[sflag:s5] =	ssyncadd.s32 @!p0 $0xFFFFFFFF  }
0xb3: {  	s25 =	simm.s32 $0x1B8E;
	s24 =	sld [smem:$0x3FFE];
	[sflag:s4] =	ssyncadd.remote.s32 @!p0 $0x1  }
0xb4: {  	s26 =	simm.s32 $execute0_lowered;
	[smem:$0x3FD2] =	sst s25  }
0xb5: {  	s5 =	sshll.u32 s26, $0x1;
	_ =	strace $0x8000004F;
	[dreg:$0x1] =	wrdreg $0xFFFFFFFF  }
0xb6: {  	s28 =	simm.s32 $_size_execute0_lowered;
	s3 =	sadd.s32 s3, s5;
	[dreg:$0x0] =	wrdreg $0x0  }
0xb7: {  	s5 =	sshll.u32 s28, $0x1;
	[dreg:$0x2] =	wrdreg s3  }
0xb8: {  	[dreg:$0x3] =	wrdreg s5  }
0xb9: {  	[dreg:$0x4] =	wrdreg $0xC0  }
0xba: {  	_ =	task [dreg:s22], $0x5FFFF  }
0xbb: {  	[dreg:$0x1] =	wrdreg $0xFFFFFFFF  }
0xbc: {  	[dreg:$0x0] =	wrdreg $0x60  }
0xbd: {  	[dreg:$0x2] =	wrdreg s24  }
0xbe: {  	[dreg:$0x3] =	wrdreg $0x98000  }
0xbf: {  	[dreg:$0x4] =	wrdreg $0x9  }
0xc0: {  	_ =	task.clear_ibuf [dreg:s22], $0x5FFFF;
	_ =	strace $0x9000004F  }
0xc1: {  	s29 =	simm.s32 $0x9;
	_ =	strace $0x80000051  }
0xc2: {  	_ =	swait.ge [sflag:s29], $0x1  }
0xc3: {  	[sflag:s29] =	ssyncadd.s32 $0xFFFFFFFF  }
0xc4: {  	_ =	strace $0x90000051  }
0xc5: {  	_ =	sfence  }
0xc6: {  	s30 =	sld [smem:$0x0];
	_ =	sdelay $0x2  }
0xc7: {  	s31 =	sshll.u32 s1, $0xD;
	s1 =	sshrl.u32 s1, $0x2  }
0xc8: {  	s4 =	sand.u32 $0x4000, s31;
	s1 =	sadd.s32 s1, s30  }
0xc9: {  	s0 =	sor.u32 s4, s0;
	s1 =	sshll.u32 s1, $0x11  }
0xca: {  	s0 =	sor.u32 s1, s0  }
0xcb: {  	s0 =	sadd.s32 $0x8F2B, s0  }
0xcc: {  	[sflag:s0] =	ssyncadd.remote.s32 $0x1  }
0xcd: {  	_ =	sfence.sel $0xFFFF  }
0xce: {  	[dreg:$0x0] =	wrdreg $0xFFFFFFFF;
	(pc) =	sbr.abs _section_cstart, $3  }
0xcf: {  	[dreg:$0x1] =	wrdreg $0xFFFFFFFF  }
0xd0: {  	_ =	task.clear_ibuf [dreg:s22], $0x2FFFF;
	_ =	strace $0x9FFFFFFF  }
0xd1: {  	(tm) =	ssettm $0x7FFFFFFF  }
tec
execute0_lowered:
.L_overlay_start_1:
0x0: {  	(tag) =	ssettag $0x1  }
0x1: {  	s0 =	rddreg [dreg:$0x0]  }
0x2: {  	s2 =	rddreg [dreg:$0x1];
	s3 =	simm.s32 $0x0  }
0x3: {  	s10 =	stileid.u32;
	s1 =	srdreg.scid;
	s29 =	simm.s32 $0xF50  }
0x4: {  	s30 =	simm.s32 $0x1F00;
	s31 =	simm.s32 $0x1F50;
	[smem:$0x7FF] =	sst s3  }
0x5: {  	s6 =	smul.u32 $0x50000, s10;
	s4 =	sadd.s32 $0x79200, s0;
	s1 =	sand.u32 $0x1, s1  }
0x6: {  	s5 =	sadd.s32 $0x21200, s0;
	s19 =	sadd.s32 $0x12E800, s2;
	s17 =	smul.u32 $0x2800, s10  }
0x7: {  	s20 =	sadd.s32 $0x131000, s2;
	s21 =	sadd.s32 $0x133800, s2;
	s16 =	smul.u32 $0x4E20, s10  }
0x8: {  	s22 =	sadd.s32 $0x136000, s2;
	p0 =	seq.s32 s10, $0xF;
	s25 =	smul.u32 $0x27100, s1  }
0x9: {  	s28 =	simm.s32 $0x2;
	_ =	strace $0x80000050;
	s18 =	smul.u32 $0x138800, s1  }
0xa: {  	s8 =	ssub.s32 $0x2, s1;
	s1 =	smul.u32 $0x2710, s1;
	s7 =	sshrl.u32 s6, $0x2  }
0xb: {  	s6 =	sadd.s32 $0x17400, s0;
	s9 =	sshrl.u32 s8, $0x1;
	s0 =	sadd.s32 $0x163800, s0  }
0xc: {  	s7 =	sadd.s32 s7, s2;
	s8 =	ssub.s32 s8, s9;
	s9 =	sadd.s32 s17, s25  }
0xd: {  	s18 =	sshrl.u32 s18, $0x3;
	s25 =	simm.s32 $0x4800;
	s23 =	sadd.s32 $0x2800, s7  }
0xe: {  	s24 =	sadd.s32 $0x5000, s7;
	s11 =	sadd.s32 $0x7800, s7;
	s12 =	sadd.s32 $0xA000, s7  }
0xf: {  	s15 =	sadd.s32 $0xC800, s7;
	s14 =	sadd.s32 $0xF000, s7;
	s9 =	sadd.s32 s0, s9  }
0x10: {  	s0 =	sadd.s32 s0, s18;
	s26 =	smax.u32 s8, $0x1;
	[dreg:$0x3] =	wrdreg s23  }
0x11: {  	[dreg:$0x4] =	wrdreg s24;
	s24 =	sadd.s32 $0x11800, s7;
	s23 =	sadd.s32 $0x12C000, s2  }
0x12: {  	[dreg:$0x5] =	wrdreg s9;
	s0 =	sadd.s32 $0x25800, s0;
	s12 =	smov.u32 @p0 s19  }
0x13: {  	[dreg:$0x7] =	wrdreg s26;
	s15 =	smov.u32 @p0 s20;
	s14 =	smov.u32 @p0 s21  }
0x14: {  	s20 =	simm.s32 $0x7000;
	s21 =	simm.s32 $0x3;
	s26 =	simm.s32 $0x1  }
0x15: {  	[dreg:$0x6] =	wrdreg s0;
	s13 =	smov.u32 s23;
	s11 =	smov.u32 @p0 s23  }
0x16: {  	s18 =	smov.u32 s15;
	s24 =	smov.u32 @p0 s22;
	s22 =	simm.s32 $0x1000  }
0x17: {  	v1 =	vimm.f32 $0.0e+00;
	v0 =	vmov s1;
	s23 =	simm.s32 $0x50;
	s19 =	smov.u32 s24;
	s24 =	simm.s32 $0x2000  }
.LBB2_1:
0x18: {  	s0 =	simm.s32 $0x0;
	s1 =	simm.s32 $0x200  }
.LBB2_2:
0x19: {  	p1 =	sne.s32 s1, $0x9E00;
	[tilespmem:s0+$0x7070] =	vst v1  }
0x1a: {  	[tilespmem:s0+$0x7000] =	vst v1  }
0x1b: {  	[tilespmem:s0+$0x7010] =	vst v1  }
.Ltmp0:
0x1c: {  	[tilespmem:s0+$0x7020] =	vst v1;
	(pc) =	sbr.rel @p1 .LBB2_2-.Ltmp0, $4  }
0x1d: {  	[tilespmem:s0+$0x7030] =	vst v1  }
0x1e: {  	[tilespmem:s0+$0x7040] =	vst v1  }
0x1f: {  	[tilespmem:s0+$0x7050] =	vst v1  }
0x20: {  	[tilespmem:s0+$0x7060] =	vst v1;
	s0 =	sshra.s32 s1, $0x2;
	s1 =	sadd.s32 $0x200, s1  }
0x21: {  	[tilespmem:s0+$0x7070] =	vst v1  }
0x22: {  	[tilespmem:s0+$0x7000] =	vst v1  }
0x23: {  	[tilespmem:s0+$0x7010] =	vst v1  }
0x24: {  	[tilespmem:s0+$0x7020] =	vst v1  }
0x25: {  	[tilespmem:s0+$0x7030] =	vst v1  }
0x26: {  	[tilespmem:s0+$0x7040] =	vst v1  }
0x27: {  	[tilespmem:s0+$0x7050] =	vst v1  }
0x28: {  	[tilespmem:s0+$0x7060] =	vst v1;
	s0 =	simm.s32 @!p0 $0x7000;
	s1 =	simm.s32 @!p0 $0x3  }
0x29: {  	[spmem:s7] =	stream.linear.scatter @!p0 [tilespmem:s0], [sflag:$0x3], $0x2800, $0x38;
	[tilespmem:$0x1D080] =	vst v63  }
0x2a: {  	_ =	swait.ge @!p0 [sflag:s1], $0x2800  }
0x2b: {  	[sflag:s1] =	ssyncset.done @!p0 $0x0  }
0x2c: {  	s8 =	rddreg [dreg:$0x3];
	[sflag:s1] =	ssyncadd.s32 @!p0 $0xFFFFD800  }
0x2d: {  	[spmem:s8] =	stream.linear.scatter @!p0 [tilespmem:s0], [sflag:$0x3], $0x2800, $0x38;
	[tilespmem:$0x1D080] =	vst v63  }
0x2e: {  	_ =	swait.ge @!p0 [sflag:s1], $0x2800  }
0x2f: {  	[sflag:s1] =	ssyncset.done @!p0 $0x0  }
0x30: {  	s8 =	rddreg [dreg:$0x4];
	[sflag:s1] =	ssyncadd.s32 @!p0 $0xFFFFD800  }
0x31: {  	[spmem:s8] =	stream.linear.scatter @!p0 [tilespmem:s0], [sflag:$0x3], $0x2800, $0x38;
	[tilespmem:$0x1D080] =	vst v63  }
0x32: {  	_ =	swait.ge @!p0 [sflag:s1], $0x2800  }
0x33: {  	[sflag:s1] =	ssyncset.done @!p0 $0x0  }
0x34: {  	[sflag:s1] =	ssyncadd.s32 @!p0 $0xFFFFD800  }
0x35: {  	[spmem:s11] =	stream.linear.scatter [tilespmem:s20], [sflag:$0x3], $0x2800, $0x38;
	[tilespmem:$0x1D080] =	vst v63  }
0x36: {  	_ =	swait.ge [sflag:s21], $0x2800  }
0x37: {  	[sflag:s21] =	ssyncset.done $0x0  }
0x38: {  	[sflag:s21] =	ssyncadd.s32 $0xFFFFD800  }
0x39: {  	[spmem:s12] =	stream.linear.scatter [tilespmem:s20], [sflag:$0x3], $0x2800, $0x38;
	[tilespmem:$0x1D080] =	vst v63  }
0x3a: {  	_ =	swait.ge [sflag:s21], $0x2800  }
0x3b: {  	[sflag:s21] =	ssyncset.done $0x0  }
0x3c: {  	[sflag:s21] =	ssyncadd.s32 $0xFFFFD800  }
0x3d: {  	[spmem:s18] =	stream.linear.scatter [tilespmem:s20], [sflag:$0x3], $0x2800, $0x38;
	[tilespmem:$0x1D080] =	vst v63  }
0x3e: {  	_ =	swait.ge [sflag:s21], $0x2800  }
0x3f: {  	[sflag:s21] =	ssyncset.done $0x0  }
0x40: {  	[sflag:s21] =	ssyncadd.s32 $0xFFFFD800  }
0x41: {  	[spmem:s14] =	stream.linear.scatter [tilespmem:s20], [sflag:$0x3], $0x2800, $0x38;
	[tilespmem:$0x1D080] =	vst v63  }
0x42: {  	_ =	swait.ge [sflag:s21], $0x2800  }
0x43: {  	[sflag:s21] =	ssyncset.done $0x0  }
0x44: {  	[sflag:s21] =	ssyncadd.s32 $0xFFFFD800  }
0x45: {  	[spmem:s19] =	stream.linear.scatter [tilespmem:s20], [sflag:$0x3], $0x2800, $0x38;
	[tilespmem:$0x1D080] =	vst v63  }
0x46: {  	_ =	swait.ge [sflag:s21], $0x2800  }
0x47: {  	[sflag:s21] =	ssyncset.done $0x0  }
0x48: {  	[sflag:s21] =	ssyncadd.s32 $0xFFFFD800  }
0x49: {  	s0 =	simm.s32 $0x0;
	s1 =	simm.s32 $0x0;
	[bflag:$0x0] =	sbarrier.arrive $0xFFFF  }
.LBB2_4:
0x4a: {  	s8 =	smul.u32 $0xFA0, s1;
	_ =	sdelay $0x1  }
0x4b: {  	s8 =	sadd.s32 s16, s8  }
0x4c: {  	s8 =	sshrl.u32 s8, $0x3  }
0x4d: {  	s9 =	sadd.s32 s5, s8  }
0x4e: {  	[tilespmem:s0], [sflag:$0x3] =	stream.linear.gather [hbm4b:s9+s0], $0xFA0, $0x38;
	[tilespmem:$0x1D080] =	vst v63  }
0x4f: {  	_ =	swait.ge [sflag:s21], $0xFA0  }
0x50: {  	[sflag:s21] =	ssyncset.done $0x0  }
0x51: {  	s8 =	sadd.s32 s6, s8;
	[sflag:s21] =	ssyncadd.s32 $0xFFFFF060  }
0x52: {  	[tilespmem:s22], [sflag:$0x3] =	stream.linear.gather [hbm4b:s8+s0], $0xFA0, $0x38;
	[tilespmem:$0x1D080] =	vst v63  }
0x53: {  	_ =	swait.ge [sflag:s21], $0xFA0  }
0x54: {  	[sflag:s21] =	ssyncset.done $0x0  }
0x55: {  	s9 =	simm.s32 $0x40;
	s8 =	simm.s32 $0x0;
	[sflag:s21] =	ssyncadd.s32 $0xFFFFF060  }
.LBB2_5:
0x56: {  	p1 =	sne.s32 s9, $0x3E40;
	v2 =	vld [tilespmem:s8+$0x0];
	_ =	sdelay $0x1  }
.Ltmp1:
0x57: {  	(pc) =	sbr.rel @p1 .LBB2_5-.Ltmp1, $3  }
0x58: {  	_ =	sdelay $0x1  }
0x59: {  	v2 =	vadd.s32 v0, v2  }
0x5a: {  	[tilespmem:s8+$0x0] =	vst v2;
	s8 =	sshra.s32 s9, $0x2;
	s9 =	sadd.s32 $0x40, s9  }
0x5b: {  	v2 =	vld [tilespmem:s8+$0x0];
	_ =	sdelay $0x4  }
0x5c: {  	v2 =	vadd.s32 v0, v2  }
0x5d: {  	s17 =	simm.s32 $0x0;
	[tilespmem:s8+$0x0] =	vst v2  }
0x5e: {  	[tilespmem:s24], [sflag:$0x1] =	stream.indirect.gather [hbm4b:s4+s23], $0x80, s17, s23, $0xb8;
	[tilespmem:$0x1D080] =	vst v63  }
0x5f: {  	s9 =	simm.s32 $0x50  }
0x60: {  	[tilespmem:s25], [sflag:$0x2] =	stream.indirect.gather [hbm4b:s4+s23], $0x80, s9, s23, $0xb8;
	[tilespmem:$0x1D080] =	vst v63  }
0x61: {  	_ =	swait.ge [sflag:s26], $0x2800  }
0x62: {  	[sflag:s26] =	ssyncset.done $0x0  }
0x63: {  	s10 =	simm.s32 $0x1000;
	[sflag:s26] =	ssyncadd.s32 $0xFFFFD800  }
0x64: {  	[spmem:s2] =	stream.indirect.scatter.add.f32 [tilespmem:s24], [sflag:$0x3], $0x80, s10, s23, $0xb8;
	[tilespmem:$0x1D080] =	vst v63  }
0x65: {  	_ =	swait.ge [sflag:s21], $0x2800  }
0x66: {  	[sflag:s21] =	ssyncset.done $0x0  }
0x67: {  	s15 =	simm.s32 $0xA0;
	[sflag:s21] =	ssyncadd.s32 $0xFFFFD800  }
0x68: {  	[tilespmem:s24], [sflag:$0x1] =	stream.indirect.gather [hbm4b:s4+s23], $0x80, s15, s23, $0xb8;
	[tilespmem:$0x1D080] =	vst v63  }
0x69: {  	_ =	swait.ge [sflag:s28], $0x2800  }
0x6a: {  	[sflag:s28] =	ssyncset.done $0x0  }
0x6b: {  	s17 =	simm.s32 $0x1050;
	[sflag:s28] =	ssyncadd.s32 $0xFFFFD800  }
0x6c: {  	[spmem:s2] =	stream.indirect.scatter.add.f32 [tilespmem:s25], [sflag:$0x3], $0x80, s17, s23, $0xb8;
	[tilespmem:$0x1D080] =	vst v63  }
0x6d: {  	_ =	swait.ge [sflag:s21], $0x2800  }
0x6e: {  	s8 =	simm.s32 $0xA0;
	s9 =	simm.s32 $0x500;
	[sflag:s21] =	ssyncset.done $0x0  }
.LBB2_7:
0x6f: {  	s15 =	sadd.s32 $0x50, s8  }
0x70: {  	[sflag:s21] =	ssyncadd.s32 $0xFFFFD800;
	s17 =	smov.u32 s9;
	s10 =	sadd.s32 $0x280, s9  }
0x71: {  	[tilespmem:s25], [sflag:$0x2] =	stream.indirect.gather [hbm4b:s4+s23], $0x80, s15, s23, $0xb8;
	[tilespmem:$0x1D080] =	vst v63  }
0x72: {  	p1 =	sne.s32 s9, $0x3980;
	_ =	swait.ge [sflag:s26], $0x2800  }
0x73: {  	[sflag:s26] =	ssyncset.done $0x0  }
0x74: {  	s9 =	sadd.s32 $0x1000, s8;
	[sflag:s26] =	ssyncadd.s32 $0xFFFFD800  }
0x75: {  	[spmem:s2] =	stream.indirect.scatter.add.f32 [tilespmem:s24], [sflag:$0x3], $0x80, s9, s23, $0xb8;
	[tilespmem:$0x1D080] =	vst v63  }
0x76: {  	_ =	swait.ge [sflag:s21], $0x2800  }
0x77: {  	[sflag:s21] =	ssyncset.done $0x0  }
0x78: {  	s9 =	sadd.s32 $0xA0, s8;
	[sflag:s21] =	ssyncadd.s32 $0xFFFFD800  }
0x79: {  	[tilespmem:s24], [sflag:$0x1] =	stream.indirect.gather [hbm4b:s4+s23], $0x80, s9, s23, $0xb8;
	[tilespmem:$0x1D080] =	vst v63  }
0x7a: {  	_ =	swait.ge [sflag:s28], $0x2800  }
.Ltmp2:
0x7b: {  	[sflag:s28] =	ssyncset.done $0x0;
	(pc) =	sbr.rel @p1 .LBB2_7-.Ltmp2, $4  }
0x7c: {  	s8 =	sadd.s32 $0x1050, s8;
	[sflag:s28] =	ssyncadd.s32 $0xFFFFD800  }
0x7d: {  	[spmem:s2] =	stream.indirect.scatter.add.f32 [tilespmem:s25], [sflag:$0x3], $0x80, s8, s23, $0xb8;
	[tilespmem:$0x1D080] =	vst v63  }
0x7e: {  	_ =	swait.ge [sflag:s21], $0x2800  }
0x7f: {  	s9 =	smov.u32 s10;
	s8 =	sshra.s32 s17, $0x2;
	[sflag:s21] =	ssyncset.done $0x0  }
0x80: {  	s9 =	sadd.s32 $0x50, s8;
	[sflag:s21] =	ssyncadd.s32 $0xFFFFD800  }
0x81: {  	[tilespmem:s25], [sflag:$0x2] =	stream.indirect.gather [hbm4b:s4+s23], $0x80, s9, s23, $0xb8;
	[tilespmem:$0x1D080] =	vst v63  }
0x82: {  	_ =	swait.ge [sflag:s26], $0x2800  }
0x83: {  	[sflag:s26] =	ssyncset.done $0x0  }
0x84: {  	s10 =	sadd.s32 $0x1000, s8;
	[sflag:s26] =	ssyncadd.s32 $0xFFFFD800  }
0x85: {  	[spmem:s2] =	stream.indirect.scatter.add.f32 [tilespmem:s24], [sflag:$0x3], $0x80, s10, s23, $0xb8;
	[tilespmem:$0x1D080] =	vst v63  }
0x86: {  	_ =	swait.ge [sflag:s21], $0x2800  }
0x87: {  	[sflag:s21] =	ssyncset.done $0x0  }
0x88: {  	s15 =	sadd.s32 $0xA0, s8;
	[sflag:s21] =	ssyncadd.s32 $0xFFFFD800  }
0x89: {  	[tilespmem:s24], [sflag:$0x1] =	stream.indirect.gather [hbm4b:s4+s23], $0x80, s15, s23, $0xb8;
	[tilespmem:$0x1D080] =	vst v63  }
0x8a: {  	_ =	swait.ge [sflag:s28], $0x2800  }
0x8b: {  	[sflag:s28] =	ssyncset.done $0x0  }
0x8c: {  	s17 =	sadd.s32 $0x1050, s8;
	[sflag:s28] =	ssyncadd.s32 $0xFFFFD800  }
0x8d: {  	[spmem:s2] =	stream.indirect.scatter.add.f32 [tilespmem:s25], [sflag:$0x3], $0x80, s17, s23, $0xb8;
	[tilespmem:$0x1D080] =	vst v63  }
0x8e: {  	_ =	swait.ge [sflag:s21], $0x2800  }
0x8f: {  	[sflag:s21] =	ssyncset.done $0x0  }
0x90: {  	[sflag:s21] =	ssyncadd.s32 $0xFFFFD800  }
0x91: {  	[tilespmem:s25], [sflag:$0x2] =	stream.indirect.gather [hbm4b:s4+s23], $0x80, s29, s23, $0xb8;
	[tilespmem:$0x1D080] =	vst v63  }
0x92: {  	_ =	swait.ge [sflag:s26], $0x2800  }
0x93: {  	[sflag:s26] =	ssyncset.done $0x0  }
0x94: {  	[sflag:s26] =	ssyncadd.s32 $0xFFFFD800  }
0x95: {  	[spmem:s2] =	stream.indirect.scatter.add.f32 [tilespmem:s24], [sflag:$0x3], $0x80, s30, s23, $0xb8;
	[tilespmem:$0x1D080] =	vst v63  }
0x96: {  	_ =	swait.ge [sflag:s21], $0x2800  }
0x97: {  	[sflag:s21] =	ssyncset.done $0x0  }
0x98: {  	[sflag:s21] =	ssyncadd.s32 $0xFFFFD800  }
0x99: {  	s1 =	sadd.s32 $0x1, s1;
	_ =	swait.ge [sflag:s28], $0x2800  }
0x9a: {  	p1 =	sne.s32 s1, $0x5;
	[sflag:s28] =	ssyncset.done $0x0  }
.Ltmp3:
0x9b: {  	[sflag:s28] =	ssyncadd.s32 $0xFFFFD800;
	(pc) =	sbr.rel @p1 .LBB2_4-.Ltmp3, $4  }
0x9c: {  	[spmem:s2] =	stream.indirect.scatter.add.f32 [tilespmem:s25], [sflag:$0x3], $0x80, s31, s23, $0xb8;
	[tilespmem:$0x1D080] =	vst v63  }
0x9d: {  	_ =	swait.ge [sflag:s21], $0x2800  }
0x9e: {  	[sflag:s21] =	ssyncset.done $0x0  }
0x9f: {  	[sflag:s21] =	ssyncadd.s32 $0xFFFFD800  }
0xa0: {  	[bflag:$0x0] =	sbarrier.arrive $0xFFFF  }
0xa1: {  	s0 =	sshrl.u32 @p0 s13, $0x3;
	s1 =	simm.s32 @p0 $0x1FC3;
	s8 =	rddreg [dreg:$0x6]  }
0xa2: {  	[hbm:s8], [sflag:s1] =	dma.local @p0 [spmem:s0], $0x1900  }
0xa3: {  	s0 =	simm.s32 @p0 $0x3  }
0xa4: {  	s1 =	stileid.u32;
	_ =	swait.ge @p0 [sflag:s0], $0x1900  }
0xa5: {  	s1 =	sshll.u32 @!p0 s1, $0x6;
	[sflag:s0] =	ssyncset.done @p0 $0x0;
	s8 =	rddreg [dreg:$0x5]  }
0xa6: {  	[sflag:s0] =	ssyncadd.s32 @p0 $0xFFFFE700;
	s0 =	sor.u32 @!p0 $0x1C03, s1;
	s1 =	sshrl.u32 @!p0 s7, $0x3  }
0xa7: {  	[hbm:s8], [sflag:s0] =	dma.local @!p0 [spmem:s1], $0x2800  }
0xa8: {  	s0 =	simm.s32 @!p0 $0x3  }
0xa9: {  	_ =	swait.ge @!p0 [sflag:s0], $0x2800  }
0xaa: {  	s3 =	sadd.s32 $0x1, s3;
	s17 =	rddreg [dreg:$0x7]  }
0xab: {  	p1 =	sne.s32 s3, s17  }
.Ltmp4:
0xac: {  	_ = 	snop;
	(pc) =	sbr.rel @p1 .LBB2_1-.Ltmp4, $3  }
0xad: {  	_ =	sdelay $0x1  }
0xae: {  	[sflag:s0] =	ssyncset.done @!p0 $0x0  }
0xaf: {  	[sflag:s0] =	ssyncadd.s32 @!p0 $0xFFFFD800  }
0xb0: {  	_ =	sfence.sel $0x180000  }
0xb1: {  	[bflag:$0x0] =	sbarrier.arrive $0xFFFF  }
0xb2: {  	_ =	strace $0x90000050  }
0xb3: {  	s0 =	stileid.u32;
	[bflag:$0x2] =	sbarrier.arrive $0xFFFF  }
0xb4: {  	p0 =	sne.s32 s0, $0x0;
	s0 =	rddreg [dreg:$0x2]  }
0xb5: {  	s0 =	sadd.s32 @!p0 $0x100000, s0  }
0xb6: {  	[sflag:s0] =	ssyncadd.tile.s32 @!p0 $0x1;
	_ =	shalt  }
.Lfunc_end2:
_tile_overlayer_lowered:
.L_overlay_start_2:
0xb7: {  	(tag) =	ssettag $0x2  }
0xb8: {  	s0 =	rddreg [dreg:$0x0];
	s2 =	stileid.u32  }
0xb9: {  	s1 =	rddreg [dreg:$0x1];
	p0 =	sne.s32 s2, $0x0  }
0xba: {  	s3 =	rddreg [dreg:$0x2];
	[bflag:$0x3] =	sbarrier.arrive $0xFFFF;
	s2 =	simm.s32 @!p0 $0x1C03  }
0xbb: {  	[timem:s3], [sflag:s2] =	dma.local @!p0 [hbm:s0], s1  }
0xbc: {  	s0 =	simm.s32 @!p0 $0x3  }
0xbd: {  	_ =	swait.ge @!p0 [sflag:s0], s1  }
0xbe: {  	s1 =	ssub.s32 @!p0 $0x0, s1;
	[sflag:s0] =	ssyncset.done @!p0 $0x0  }
0xbf: {  	[sflag:s0] =	ssyncadd.s32 @!p0 s1  }
0xc0: {  	[bflag:$0x3] =	sbarrier.arrive $0xFFFF  }
0xc1: {  	_ =	shalt  }

// kernel: kernel.20.cloned.1.call-start
scs
__scs_entry_jumppad:
0x0: {  	(pc) =	sbr.rel $0x88, $3  }
0x1: {  	(tag) =	ssettag $0x0;
	lr =	simm.s32 $0x1  }
0x2: {  	[smem:$0x3F93] =	sst lr;
	_ =	strace $0xD0000000  }
0x3: {  	_ = 	snop  }
0x4: {  	_ = 	snop  }
0x5: {  	_ = 	snop  }
0x6: {  	_ = 	snop  }
0x7: {  	_ = 	snop  }
__scs_overlays_trampoline_lowered:
0x8: {  	[smem:$0x3FA2] =	sst s0  }
0x9: {  	[smem:$0x3FA3] =	sst s1  }
0xa: {  	[smem:$0x3FA4] =	sst s2  }
0xb: {  	[smem:$0x3FA5] =	sst s3  }
0xc: {  	[smem:$0x3FA6] =	sst s4  }
0xd: {  	[smem:$0x3FA7] =	sst s5  }
0xe: {  	[smem:$0x3FA8] =	sst s6  }
0xf: {  	[smem:$0x3FA9] =	sst s7  }
0x10: {  	[smem:$0x3FAA] =	sst s8  }
0x11: {  	[smem:$0x3FAB] =	sst s9;
	s0 =	simm.s32 @!p0 $0x0  }
0x12: {  	s1 =	sld [smem:$0x3F91];
	s0 =	simm.s32 @p0 $0x1  }
0x13: {  	[smem:$0x3FAC] =	sst s0;
	s0 =	simm.s32 @!p1 $0x0  }
0x14: {  	s2 =	sld [smem:$0x3F90];
	s0 =	simm.s32 @p1 $0x1  }
0x15: {  	[smem:$0x3FAD] =	sst s0;
	s0 =	simm.s32 @!p2 $0x0  }
0x16: {  	s3 =	sld [smem:$0x3FDB];
	s0 =	simm.s32 @p2 $0x1  }
0x17: {  	s4 =	simm.s32 $0x1BF5;
	[smem:$0x3FAF] =	sst s0  }
0x18: {  	s0 =	sld [smem:$0x3F92];
	_ =	swait.ge [sflag:s4], $0x0  }
0x19: {  	s7 =	sld [smem:$0x3F93]  }
0x1a: {  	s8 =	sadd.s32 $0xFFFFE003, lr  }
0x1b: {  	s9 =	sadd.s32 $0xFFFFFEF7, lr;
	s5 =	simm.s32 $0xFFFFFFFF;
	p2 =	slt.u32 s8, $0xFFFFF086  }
0x1c: {  	p1 =	slt.u32 s9, $0xF7A;
	s5 =	simm.s32 @!p2 $0x0  }
0x1d: {  	s5 =	simm.s32 @p1 $0x1;
	p0 =	seq.s32 s7, s2  }
0x1e: {  	s7 =	smul.u32 @!p0 $0xF7A, s2;
	p2 =	seq.s32 @!p0 s5, $0x0  }
0x1f: {  	s9 =	smul.u32 $0xF7A, s1;
	s8 =	simm.s32 @!p0 $0x1BF5;
	p2 =	por !p2, p0  }
0x20: {  	[sflag:s8] =	ssyncset.s32 @!p0 $0xFFFFF086;
	s6 =	sadd.s32 @!p0 s3, s7;
	s7 =	simm.s32 @!p0 $0x108  }
0x21: {  	s3 =	sadd.s32 s3, s9;
	s6 =	sadd.s32 @!p0 $0x88, s6;
	s7 =	simm.s32 @p2 $0x1082  }
0x22: {  	[simem:s7], [sflag:s8] =	dma.local @!p0 [hbm:s6], $0xF7A  }
0x23: {  	s9 =	sor.u32 $0xD0000000, s2;
	s6 =	simm.s32 $0x108;
	_ =	swait.ge @!p0 [sflag:s8], $0x0  }
0x24: {  	s3 =	sadd.s32 $0x88, s3;
	s6 =	simm.s32 @!p1 $0x1082;
	[sflag:s4] =	ssyncset.s32 $0xFFFFF086  }
0x25: {  	[simem:s6], [sflag:s4] =	dma.local [hbm:s3], $0xF7A  }
0x26: {  	[smem:$0x3F93] =	sst s1;
	(tag) =	ssettag s2;
	_ =	strace s9  }
0x27: {  	s1 =	sld [smem:$0x3FA3]  }
0x28: {  	s2 =	sld [smem:$0x3FA4]  }
0x29: {  	s4 =	sld [smem:$0x3FA6]  }
0x2a: {  	p0 =	seq.s32 s5, $0x0;
	s5 =	sld [smem:$0x3FA7]  }
0x2b: {  	s6 =	sld [smem:$0x3FA8]  }
0x2c: {  	s7 =	sld [smem:$0x3FA9]  }
0x2d: {  	s3 =	simm.s32 $0x108;
	s8 =	sld [smem:$0x3FAA]  }
0x2e: {  	s3 =	simm.s32 @!p0 $0x1082;
	s9 =	sld [smem:$0x3FAB]  }
0x2f: {  	lr =	sadd.s32 s0, s3;
	s0 =	sld [smem:$0x3FA2]  }
0x30: {  	s3 =	sld [smem:$0x3FA5]  }
0x31: {  	[smem:$0x3FAE] =	sst s10  }
0x32: {  	s10 =	sld [smem:$0x3FAC];
	_ =	sdelay $0x3  }
0x33: {  	p0 =	seq.s32 s10, $0x1;
	s10 =	sld [smem:$0x3FAE];
	_ =	sdelay $0x3  }
0x34: {  	[smem:$0x3FAE] =	sst s10  }
0x35: {  	s10 =	sld [smem:$0x3FAD];
	_ =	sdelay $0x3  }
0x36: {  	p1 =	seq.s32 s10, $0x1;
	s10 =	sld [smem:$0x3FAE];
	_ =	sdelay $0x3  }
0x37: {  	[smem:$0x3FAE] =	sst s10  }
0x38: {  	s10 =	sld [smem:$0x3FAF]  }
0x39: {  	_ = 	snop;
	(pc) =	sbr.ind lr, $3  }
0x3a: {  	_ = 	snop  }
0x3b: {  	_ = 	snop  }
0x3c: {  	p2 =	seq.s32 s10, $0x1;
	s10 =	sld [smem:$0x3FAE]  }
0x3d: {  	_ =	shalt  }
0x3e: {  	_ =	shalt  }
0x3f: {  	_ =	shalt  }
0x40: {  	_ =	shalt  }
0x41: {  	_ =	shalt  }
0x42: {  	_ =	shalt  }
0x43: {  	_ =	shalt  }
0x44: {  	_ =	shalt  }
0x45: {  	_ =	shalt  }
0x46: {  	_ =	shalt  }
0x47: {  	_ =	shalt  }
0x48: {  	_ =	shalt  }
0x49: {  	_ =	shalt  }
0x4a: {  	_ =	shalt  }
0x4b: {  	_ =	shalt  }
0x4c: {  	_ =	shalt  }
0x4d: {  	_ =	shalt  }
0x4e: {  	_ =	shalt  }
0x4f: {  	_ =	shalt  }
0x50: {  	_ =	shalt  }
0x51: {  	_ =	shalt  }
0x52: {  	_ =	shalt  }
0x53: {  	_ =	shalt  }
0x54: {  	_ =	shalt  }
0x55: {  	_ =	shalt  }
0x56: {  	_ =	shalt  }
0x57: {  	_ =	shalt  }
0x58: {  	_ =	shalt  }
0x59: {  	_ =	shalt  }
0x5a: {  	_ =	shalt  }
0x5b: {  	_ =	shalt  }
0x5c: {  	_ =	shalt  }
0x5d: {  	_ =	shalt  }
0x5e: {  	_ =	shalt  }
0x5f: {  	_ =	shalt  }
0x60: {  	_ =	shalt  }
0x61: {  	_ =	shalt  }
0x62: {  	_ =	shalt  }
0x63: {  	_ =	shalt  }
0x64: {  	_ =	shalt  }
0x65: {  	_ =	shalt  }
0x66: {  	_ =	shalt  }
0x67: {  	_ =	shalt  }
0x68: {  	_ =	shalt  }
0x69: {  	_ =	shalt  }
0x6a: {  	_ =	shalt  }
0x6b: {  	_ =	shalt  }
0x6c: {  	_ =	shalt  }
0x6d: {  	_ =	shalt  }
0x6e: {  	_ =	shalt  }
0x6f: {  	_ =	shalt  }
0x70: {  	_ =	shalt  }
0x71: {  	_ =	shalt  }
0x72: {  	_ =	shalt  }
0x73: {  	_ =	shalt  }
0x74: {  	_ =	shalt  }
0x75: {  	_ =	shalt  }
0x76: {  	_ =	shalt  }
0x77: {  	_ =	shalt  }
0x78: {  	_ =	shalt  }
0x79: {  	_ =	shalt  }
0x7a: {  	_ =	shalt  }
0x7b: {  	_ =	shalt  }
0x7c: {  	_ =	shalt  }
0x7d: {  	_ =	shalt  }
0x7e: {  	_ =	shalt  }
0x7f: {  	_ =	shalt  }
0x80: {  	_ =	shalt  }
0x81: {  	_ =	shalt  }
0x82: {  	_ =	shalt  }
0x83: {  	_ =	shalt  }
0x84: {  	_ =	shalt  }
0x85: {  	_ =	shalt  }
0x86: {  	_ =	shalt  }
0x87: {  	_ =	shalt  }
.Lfunc_end0:
.L_simem_size_0:
called_computation.3_lowered:
.L_overlay_start_0:
0x88: {  	s2 =	sld [smem:$0x3FD9]  }
0x89: {  	s3 =	sld [smem:$0x3FFE];
	_ =	sdelay $0x1  }
0x8a: {  	s1 =	srdreg.scid  }
0x8b: {  	s0 =	sand.u32 $0x1, s1  }
0x8c: {  	s16 =	sshll.u32 s0, $0xA;
	s2 =	sadd.s32 s3, s2  }
0x8d: {  	s2 =	sadd.s32 s2, s16  }
0x8e: {  	[smem:$0x3FBA] =	sst s2  }
0x8f: {  	_ = 	snop  }
0x90: {  	(tm) =	ssettm $0x1  }
0x91: {  	s17 =	sld [smem:$0x3FFB];
	_ =	sdelay $0x3  }
0x92: {  	_ =	strace s17  }
0x93: {  	s2 =	sld [smem:$0x3FFC];
	_ =	sdelay $0x3  }
0x94: {  	_ =	strace s2  }
0x95: {  	s2 =	sld [smem:$0x3FFD];
	_ =	sdelay $0x3  }
0x96: {  	_ =	strace s2  }
0x97: {  	_ =	strace $0x8FFFFFFF  }
0x98: {  	s18 =	sld [smem:$0x3FDB];
	_ =	sdelay $0x1  }
0x99: {  	s19 =	simm.s32 $_scs_section_size  }
0x9a: {  	s4 =	simm.s32 $_size__tile_overlayer_lowered;
	s5 =	simm.s32 $_tile_overlayer_lowered  }
0x9b: {  	s22 =	simm.s32 $0x1BFF;
	s21 =	sshll.u32 s5, $0x1;
	s2 =	sadd.s32 s19, s18  }
0x9c: {  	s6 =	simm.s32 $0x0;
	s20 =	sshll.u32 s4, $0x1;
	s4 =	sadd.s32 s21, s2  }
0x9d: {  	[timem:s6], [sflag:s22] =	dma.local [hbm:s4], s20  }
0x9e: {  	_ =	swait.ge [sflag:s22], s20  }
0x9f: {  	s3 =	ssub.s32 $0x0, s20;
	[sflag:s22] =	ssyncset.done $0x0  }
0xa0: {  	[sflag:s22] =	ssyncadd.s32 s3;
	_ =	sdelay $0x1  }
0xa1: {  	s23 =	simm.s32 $0x1B8B  }
0xa2: {  	_ =	swait.ge [sflag:s23], $0x1  }
0xa3: {  	[sflag:s23] =	ssyncset.done $0x0  }
0xa4: {  	s25 =	simm.s32 $0x1B8E;
	s24 =	sld [smem:$0x3FFE];
	[sflag:s23] =	ssyncadd.s32 $0xFFFFFFFF  }
0xa5: {  	s26 =	simm.s32 $execute0_lowered;
	[smem:$0x3FD2] =	sst s25  }
0xa6: {  	s4 =	sshll.u32 s26, $0x1;
	_ =	strace $0x8000004C;
	[dreg:$0x1] =	wrdreg $0xFFFFFFFF  }
0xa7: {  	s28 =	simm.s32 $_size_execute0_lowered;
	s2 =	sadd.s32 s2, s4;
	[dreg:$0x0] =	wrdreg $0x0  }
0xa8: {  	s4 =	sshll.u32 s28, $0x1;
	[dreg:$0x2] =	wrdreg s2  }
0xa9: {  	[dreg:$0x3] =	wrdreg s4  }
0xaa: {  	[dreg:$0x4] =	wrdreg $0xC0  }
0xab: {  	_ =	task [dreg:s6], $0x5FFFF  }
0xac: {  	[dreg:$0x1] =	wrdreg $0xFFFFFFFF  }
0xad: {  	[dreg:$0x0] =	wrdreg $0x60  }
0xae: {  	[dreg:$0x2] =	wrdreg s24  }
0xaf: {  	[dreg:$0x3] =	wrdreg $0x98000  }
0xb0: {  	[dreg:$0x4] =	wrdreg $0xA  }
0xb1: {  	_ =	task.clear_ibuf [dreg:s6], $0x5FFFF;
	_ =	strace $0x9000004C  }
0xb2: {  	s29 =	simm.s32 $0xA;
	_ =	strace $0x8000004E  }
0xb3: {  	_ =	swait.ge [sflag:s29], $0x1  }
0xb4: {  	[sflag:s29] =	ssyncadd.s32 $0xFFFFFFFF  }
0xb5: {  	_ =	strace $0x9000004E  }
0xb6: {  	_ =	sfence  }
0xb7: {  	s30 =	sld [smem:$0x0];
	_ =	sdelay $0x2  }
0xb8: {  	s31 =	sshll.u32 s1, $0xD;
	s1 =	sshrl.u32 s1, $0x2  }
0xb9: {  	s3 =	sand.u32 $0x4000, s31;
	s1 =	sadd.s32 s1, s30  }
0xba: {  	s0 =	sor.u32 s3, s0;
	s1 =	sshll.u32 s1, $0x11  }
0xbb: {  	s0 =	sor.u32 s1, s0  }
0xbc: {  	s0 =	sadd.s32 $0x8F2B, s0  }
0xbd: {  	[sflag:s0] =	ssyncadd.remote.s32 $0x1  }
0xbe: {  	_ =	sfence.sel $0xFFFF  }
0xbf: {  	[dreg:$0x0] =	wrdreg $0xFFFFFFFF;
	(pc) =	sbr.abs _section_cstart, $3  }
0xc0: {  	[dreg:$0x1] =	wrdreg $0xFFFFFFFF  }
0xc1: {  	_ =	task.clear_ibuf [dreg:s6], $0x2FFFF;
	_ =	strace $0x9FFFFFFF  }
0xc2: {  	(tm) =	ssettm $0x7FFFFFFF  }
0xc3: {  	_ =	shalt  }
tec
execute0_lowered:
.L_overlay_start_1:
0x0: {  	(tag) =	ssettag $0x1  }
0x1: {  	s0 =	rddreg [dreg:$0x0]  }
0x2: {  	s2 =	rddreg [dreg:$0x1];
	s3 =	simm.s32 $0x0  }
0x3: {  	s10 =	stileid.u32;
	s1 =	srdreg.scid;
	s28 =	simm.s32 $0x2  }
0x4: {  	s29 =	simm.s32 $0xF50;
	s30 =	simm.s32 $0x1F00;
	s31 =	simm.s32 $0x1F50  }
0x5: {  	[smem:$0x7FF] =	sst s3;
	s7 =	smul.u32 $0x50000, s10;
	s4 =	sadd.s32 $0x79200, s0  }
0x6: {  	s5 =	sadd.s32 $0x3800, s0;
	s6 =	sadd.s32 $0xD600, s0;
	s0 =	sadd.s32 $0x115600, s0  }
0x7: {  	s1 =	sand.u32 $0x1, s1;
	s19 =	sadd.s32 $0x12E800, s2;
	s17 =	smul.u32 $0x2800, s10  }
0x8: {  	s15 =	sadd.s32 $0x12C000, s2;
	s20 =	sadd.s32 $0x131000, s2;
	s21 =	sadd.s32 $0x133800, s2  }
0x9: {  	s22 =	sadd.s32 $0x136000, s2;
	p0 =	seq.s32 s10, $0xF;
	s25 =	smul.u32 $0x2710, s1  }
0xa: {  	_ =	strace $0x8000004D;
	s8 =	ssub.s32 $0x2, s1;
	s16 =	smul.u32 $0x27100, s1  }
0xb: {  	s1 =	smul.u32 $0x138800, s1;
	s7 =	sshrl.u32 s7, $0x2;
	s9 =	sshrl.u32 s8, $0x1  }
0xc: {  	s7 =	sadd.s32 s7, s2;
	s8 =	ssub.s32 s8, s9;
	s17 =	sadd.s32 s17, s16  }
0xd: {  	s16 =	smul.u32 $0x4E20, s10;
	s9 =	sadd.s32 $0x4E20, s25;
	s1 =	sshrl.u32 s1, $0x3  }
0xe: {  	s25 =	simm.s32 $0x4800;
	s23 =	sadd.s32 $0x2800, s7;
	s24 =	sadd.s32 $0x5000, s7  }
0xf: {  	s11 =	sadd.s32 $0x7800, s7;
	s12 =	sadd.s32 $0xA000, s7;
	s18 =	sadd.s32 $0xC800, s7  }
0x10: {  	s14 =	sadd.s32 $0xF000, s7;
	s13 =	sadd.s32 s0, s17;
	[dreg:$0x3] =	wrdreg s23  }
0x11: {  	s0 =	sadd.s32 s0, s1;
	s26 =	smax.u32 s8, $0x1;
	[dreg:$0x4] =	wrdreg s24  }
0x12: {  	s23 =	sadd.s32 $0x11800, s7;
	[dreg:$0x5] =	wrdreg s13;
	s0 =	sadd.s32 $0x25800, s0  }
0x13: {  	s13 =	smov.u32 s15;
	s11 =	smov.u32 @p0 s15;
	s12 =	smov.u32 @p0 s19  }
0x14: {  	[dreg:$0x7] =	wrdreg s26;
	s18 =	smov.u32 @p0 s20;
	s14 =	smov.u32 @p0 s21  }
0x15: {  	s20 =	simm.s32 $0x7000;
	s21 =	simm.s32 $0x3;
	s24 =	simm.s32 $0x2000  }
0x16: {  	s26 =	simm.s32 $0x1;
	[dreg:$0x6] =	wrdreg s0;
	s23 =	smov.u32 @p0 s22  }
0x17: {  	v1 =	vimm.f32 $0.0e+00;
	v0 =	vmov s9;
	s22 =	simm.s32 $0x1000;
	s19 =	smov.u32 s23;
	s23 =	simm.s32 $0x50  }
.LBB2_1:
0x18: {  	s0 =	simm.s32 $0x0;
	s1 =	simm.s32 $0x200  }
.LBB2_2:
0x19: {  	p1 =	sne.s32 s1, $0x9E00;
	[tilespmem:s0+$0x7070] =	vst v1  }
0x1a: {  	[tilespmem:s0+$0x7000] =	vst v1  }
0x1b: {  	[tilespmem:s0+$0x7010] =	vst v1  }
.Ltmp0:
0x1c: {  	[tilespmem:s0+$0x7020] =	vst v1;
	(pc) =	sbr.rel @p1 .LBB2_2-.Ltmp0, $4  }
0x1d: {  	[tilespmem:s0+$0x7030] =	vst v1  }
0x1e: {  	[tilespmem:s0+$0x7040] =	vst v1  }
0x1f: {  	[tilespmem:s0+$0x7050] =	vst v1  }
0x20: {  	[tilespmem:s0+$0x7060] =	vst v1;
	s0 =	sshra.s32 s1, $0x2;
	s1 =	sadd.s32 $0x200, s1  }
0x21: {  	[tilespmem:s0+$0x7070] =	vst v1  }
0x22: {  	[tilespmem:s0+$0x7000] =	vst v1  }
0x23: {  	[tilespmem:s0+$0x7010] =	vst v1  }
0x24: {  	[tilespmem:s0+$0x7020] =	vst v1  }
0x25: {  	[tilespmem:s0+$0x7030] =	vst v1  }
0x26: {  	[tilespmem:s0+$0x7040] =	vst v1  }
0x27: {  	[tilespmem:s0+$0x7050] =	vst v1  }
0x28: {  	[tilespmem:s0+$0x7060] =	vst v1;
	s0 =	simm.s32 @!p0 $0x7000;
	s1 =	simm.s32 @!p0 $0x3  }
0x29: {  	[spmem:s7] =	stream.linear.scatter @!p0 [tilespmem:s0], [sflag:$0x3], $0x2800, $0x38;
	[tilespmem:$0x1D080] =	vst v63  }
0x2a: {  	_ =	swait.ge @!p0 [sflag:s1], $0x2800  }
0x2b: {  	[sflag:s1] =	ssyncset.done @!p0 $0x0  }
0x2c: {  	s8 =	rddreg [dreg:$0x3];
	[sflag:s1] =	ssyncadd.s32 @!p0 $0xFFFFD800  }
0x2d: {  	[spmem:s8] =	stream.linear.scatter @!p0 [tilespmem:s0], [sflag:$0x3], $0x2800, $0x38;
	[tilespmem:$0x1D080] =	vst v63  }
0x2e: {  	_ =	swait.ge @!p0 [sflag:s1], $0x2800  }
0x2f: {  	[sflag:s1] =	ssyncset.done @!p0 $0x0  }
0x30: {  	s8 =	rddreg [dreg:$0x4];
	[sflag:s1] =	ssyncadd.s32 @!p0 $0xFFFFD800  }
0x31: {  	[spmem:s8] =	stream.linear.scatter @!p0 [tilespmem:s0], [sflag:$0x3], $0x2800, $0x38;
	[tilespmem:$0x1D080] =	vst v63  }
0x32: {  	_ =	swait.ge @!p0 [sflag:s1], $0x2800  }
0x33: {  	[sflag:s1] =	ssyncset.done @!p0 $0x0  }
0x34: {  	[sflag:s1] =	ssyncadd.s32 @!p0 $0xFFFFD800  }
0x35: {  	[spmem:s11] =	stream.linear.scatter [tilespmem:s20], [sflag:$0x3], $0x2800, $0x38;
	[tilespmem:$0x1D080] =	vst v63  }
0x36: {  	_ =	swait.ge [sflag:s21], $0x2800  }
0x37: {  	[sflag:s21] =	ssyncset.done $0x0  }
0x38: {  	[sflag:s21] =	ssyncadd.s32 $0xFFFFD800  }
0x39: {  	[spmem:s12] =	stream.linear.scatter [tilespmem:s20], [sflag:$0x3], $0x2800, $0x38;
	[tilespmem:$0x1D080] =	vst v63  }
0x3a: {  	_ =	swait.ge [sflag:s21], $0x2800  }
0x3b: {  	[sflag:s21] =	ssyncset.done $0x0  }
0x3c: {  	[sflag:s21] =	ssyncadd.s32 $0xFFFFD800  }
0x3d: {  	[spmem:s18] =	stream.linear.scatter [tilespmem:s20], [sflag:$0x3], $0x2800, $0x38;
	[tilespmem:$0x1D080] =	vst v63  }
0x3e: {  	_ =	swait.ge [sflag:s21], $0x2800  }
0x3f: {  	[sflag:s21] =	ssyncset.done $0x0  }
0x40: {  	[sflag:s21] =	ssyncadd.s32 $0xFFFFD800  }
0x41: {  	[spmem:s14] =	stream.linear.scatter [tilespmem:s20], [sflag:$0x3], $0x2800, $0x38;
	[tilespmem:$0x1D080] =	vst v63  }
0x42: {  	_ =	swait.ge [sflag:s21], $0x2800  }
0x43: {  	[sflag:s21] =	ssyncset.done $0x0  }
0x44: {  	[sflag:s21] =	ssyncadd.s32 $0xFFFFD800  }
0x45: {  	[spmem:s19] =	stream.linear.scatter [tilespmem:s20], [sflag:$0x3], $0x2800, $0x38;
	[tilespmem:$0x1D080] =	vst v63  }
0x46: {  	_ =	swait.ge [sflag:s21], $0x2800  }
0x47: {  	[sflag:s21] =	ssyncset.done $0x0  }
0x48: {  	[sflag:s21] =	ssyncadd.s32 $0xFFFFD800  }
0x49: {  	s0 =	simm.s32 $0x0;
	s1 =	simm.s32 $0x0;
	[bflag:$0x0] =	sbarrier.arrive $0xFFFF  }
.LBB2_4:
0x4a: {  	s8 =	smul.u32 $0xFA0, s1;
	_ =	sdelay $0x1  }
0x4b: {  	s8 =	sadd.s32 s16, s8  }
0x4c: {  	s8 =	sshrl.u32 s8, $0x3  }
0x4d: {  	s9 =	sadd.s32 s5, s8  }
0x4e: {  	[tilespmem:s0], [sflag:$0x3] =	stream.linear.gather [hbm4b:s9+s0], $0xFA0, $0x38;
	[tilespmem:$0x1D080] =	vst v63  }
0x4f: {  	_ =	swait.ge [sflag:s21], $0xFA0  }
0x50: {  	[sflag:s21] =	ssyncset.done $0x0  }
0x51: {  	s8 =	sadd.s32 s6, s8;
	[sflag:s21] =	ssyncadd.s32 $0xFFFFF060  }
0x52: {  	[tilespmem:s22], [sflag:$0x3] =	stream.linear.gather [hbm4b:s8+s0], $0xFA0, $0x38;
	[tilespmem:$0x1D080] =	vst v63  }
0x53: {  	_ =	swait.ge [sflag:s21], $0xFA0  }
0x54: {  	[sflag:s21] =	ssyncset.done $0x0  }
0x55: {  	s9 =	simm.s32 $0x40;
	s8 =	simm.s32 $0x0;
	[sflag:s21] =	ssyncadd.s32 $0xFFFFF060  }
.LBB2_5:
0x56: {  	p1 =	sne.s32 s9, $0x3E40;
	v2 =	vld [tilespmem:s8+$0x0];
	_ =	sdelay $0x1  }
.Ltmp1:
0x57: {  	(pc) =	sbr.rel @p1 .LBB2_5-.Ltmp1, $3  }
0x58: {  	_ =	sdelay $0x1  }
0x59: {  	v2 =	vadd.s32 v0, v2  }
0x5a: {  	[tilespmem:s8+$0x0] =	vst v2;
	s8 =	sshra.s32 s9, $0x2;
	s9 =	sadd.s32 $0x40, s9  }
0x5b: {  	v2 =	vld [tilespmem:s8+$0x0];
	_ =	sdelay $0x4  }
0x5c: {  	v2 =	vadd.s32 v0, v2  }
0x5d: {  	s17 =	simm.s32 $0x0;
	[tilespmem:s8+$0x0] =	vst v2  }
0x5e: {  	[tilespmem:s24], [sflag:$0x1] =	stream.indirect.gather [hbm4b:s4+s23], $0x80, s17, s23, $0xb8;
	[tilespmem:$0x1D080] =	vst v63  }
0x5f: {  	s9 =	simm.s32 $0x50  }
0x60: {  	[tilespmem:s25], [sflag:$0x2] =	stream.indirect.gather [hbm4b:s4+s23], $0x80, s9, s23, $0xb8;
	[tilespmem:$0x1D080] =	vst v63  }
0x61: {  	_ =	swait.ge [sflag:s26], $0x2800  }
0x62: {  	[sflag:s26] =	ssyncset.done $0x0  }
0x63: {  	s10 =	simm.s32 $0x1000;
	[sflag:s26] =	ssyncadd.s32 $0xFFFFD800  }
0x64: {  	[spmem:s2] =	stream.indirect.scatter.add.f32 [tilespmem:s24], [sflag:$0x3], $0x80, s10, s23, $0xb8;
	[tilespmem:$0x1D080] =	vst v63  }
0x65: {  	_ =	swait.ge [sflag:s21], $0x2800  }
0x66: {  	[sflag:s21] =	ssyncset.done $0x0  }
0x67: {  	s15 =	simm.s32 $0xA0;
	[sflag:s21] =	ssyncadd.s32 $0xFFFFD800  }
0x68: {  	[tilespmem:s24], [sflag:$0x1] =	stream.indirect.gather [hbm4b:s4+s23], $0x80, s15, s23, $0xb8;
	[tilespmem:$0x1D080] =	vst v63  }
0x69: {  	_ =	swait.ge [sflag:s28], $0x2800  }
0x6a: {  	[sflag:s28] =	ssyncset.done $0x0  }
0x6b: {  	s17 =	simm.s32 $0x1050;
	[sflag:s28] =	ssyncadd.s32 $0xFFFFD800  }
0x6c: {  	[spmem:s2] =	stream.indirect.scatter.add.f32 [tilespmem:s25], [sflag:$0x3], $0x80, s17, s23, $0xb8;
	[tilespmem:$0x1D080] =	vst v63  }
0x6d: {  	_ =	swait.ge [sflag:s21], $0x2800  }
0x6e: {  	s8 =	simm.s32 $0xA0;
	s9 =	simm.s32 $0x500;
	[sflag:s21] =	ssyncset.done $0x0  }
.LBB2_7:
0x6f: {  	s10 =	sadd.s32 $0x50, s8  }
0x70: {  	[sflag:s21] =	ssyncadd.s32 $0xFFFFD800;
	s15 =	smov.u32 s9;
	s17 =	sadd.s32 $0x280, s9  }
0x71: {  	[tilespmem:s25], [sflag:$0x2] =	stream.indirect.gather [hbm4b:s4+s23], $0x80, s10, s23, $0xb8;
	[tilespmem:$0x1D080] =	vst v63  }
0x72: {  	p1 =	sne.s32 s9, $0x3980;
	_ =	swait.ge [sflag:s26], $0x2800  }
0x73: {  	[sflag:s26] =	ssyncset.done $0x0  }
0x74: {  	s9 =	sadd.s32 $0x1000, s8;
	[sflag:s26] =	ssyncadd.s32 $0xFFFFD800  }
0x75: {  	[spmem:s2] =	stream.indirect.scatter.add.f32 [tilespmem:s24], [sflag:$0x3], $0x80, s9, s23, $0xb8;
	[tilespmem:$0x1D080] =	vst v63  }
0x76: {  	_ =	swait.ge [sflag:s21], $0x2800  }
0x77: {  	[sflag:s21] =	ssyncset.done $0x0  }
0x78: {  	s9 =	sadd.s32 $0xA0, s8;
	[sflag:s21] =	ssyncadd.s32 $0xFFFFD800  }
0x79: {  	[tilespmem:s24], [sflag:$0x1] =	stream.indirect.gather [hbm4b:s4+s23], $0x80, s9, s23, $0xb8;
	[tilespmem:$0x1D080] =	vst v63  }
0x7a: {  	_ =	swait.ge [sflag:s28], $0x2800  }
.Ltmp2:
0x7b: {  	[sflag:s28] =	ssyncset.done $0x0;
	(pc) =	sbr.rel @p1 .LBB2_7-.Ltmp2, $4  }
0x7c: {  	s8 =	sadd.s32 $0x1050, s8;
	[sflag:s28] =	ssyncadd.s32 $0xFFFFD800  }
0x7d: {  	[spmem:s2] =	stream.indirect.scatter.add.f32 [tilespmem:s25], [sflag:$0x3], $0x80, s8, s23, $0xb8;
	[tilespmem:$0x1D080] =	vst v63  }
0x7e: {  	_ =	swait.ge [sflag:s21], $0x2800  }
0x7f: {  	s9 =	smov.u32 s17;
	s8 =	sshra.s32 s15, $0x2;
	[sflag:s21] =	ssyncset.done $0x0  }
0x80: {  	s9 =	sadd.s32 $0x50, s8;
	[sflag:s21] =	ssyncadd.s32 $0xFFFFD800  }
0x81: {  	[tilespmem:s25], [sflag:$0x2] =	stream.indirect.gather [hbm4b:s4+s23], $0x80, s9, s23, $0xb8;
	[tilespmem:$0x1D080] =	vst v63  }
0x82: {  	_ =	swait.ge [sflag:s26], $0x2800  }
0x83: {  	[sflag:s26] =	ssyncset.done $0x0  }
0x84: {  	s10 =	sadd.s32 $0x1000, s8;
	[sflag:s26] =	ssyncadd.s32 $0xFFFFD800  }
0x85: {  	[spmem:s2] =	stream.indirect.scatter.add.f32 [tilespmem:s24], [sflag:$0x3], $0x80, s10, s23, $0xb8;
	[tilespmem:$0x1D080] =	vst v63  }
0x86: {  	_ =	swait.ge [sflag:s21], $0x2800  }
0x87: {  	[sflag:s21] =	ssyncset.done $0x0  }
0x88: {  	s15 =	sadd.s32 $0xA0, s8;
	[sflag:s21] =	ssyncadd.s32 $0xFFFFD800  }
0x89: {  	[tilespmem:s24], [sflag:$0x1] =	stream.indirect.gather [hbm4b:s4+s23], $0x80, s15, s23, $0xb8;
	[tilespmem:$0x1D080] =	vst v63  }
0x8a: {  	_ =	swait.ge [sflag:s28], $0x2800  }
0x8b: {  	[sflag:s28] =	ssyncset.done $0x0  }
0x8c: {  	s17 =	sadd.s32 $0x1050, s8;
	[sflag:s28] =	ssyncadd.s32 $0xFFFFD800  }
0x8d: {  	[spmem:s2] =	stream.indirect.scatter.add.f32 [tilespmem:s25], [sflag:$0x3], $0x80, s17, s23, $0xb8;
	[tilespmem:$0x1D080] =	vst v63  }
0x8e: {  	_ =	swait.ge [sflag:s21], $0x2800  }
0x8f: {  	[sflag:s21] =	ssyncset.done $0x0  }
0x90: {  	[sflag:s21] =	ssyncadd.s32 $0xFFFFD800  }
0x91: {  	[tilespmem:s25], [sflag:$0x2] =	stream.indirect.gather [hbm4b:s4+s23], $0x80, s29, s23, $0xb8;
	[tilespmem:$0x1D080] =	vst v63  }
0x92: {  	_ =	swait.ge [sflag:s26], $0x2800  }
0x93: {  	[sflag:s26] =	ssyncset.done $0x0  }
0x94: {  	[sflag:s26] =	ssyncadd.s32 $0xFFFFD800  }
0x95: {  	[spmem:s2] =	stream.indirect.scatter.add.f32 [tilespmem:s24], [sflag:$0x3], $0x80, s30, s23, $0xb8;
	[tilespmem:$0x1D080] =	vst v63  }
0x96: {  	_ =	swait.ge [sflag:s21], $0x2800  }
0x97: {  	[sflag:s21] =	ssyncset.done $0x0  }
0x98: {  	[sflag:s21] =	ssyncadd.s32 $0xFFFFD800  }
0x99: {  	s1 =	sadd.s32 $0x1, s1;
	_ =	swait.ge [sflag:s28], $0x2800  }
0x9a: {  	p1 =	sne.s32 s1, $0x5;
	[sflag:s28] =	ssyncset.done $0x0  }
.Ltmp3:
0x9b: {  	[sflag:s28] =	ssyncadd.s32 $0xFFFFD800;
	(pc) =	sbr.rel @p1 .LBB2_4-.Ltmp3, $4  }
0x9c: {  	[spmem:s2] =	stream.indirect.scatter.add.f32 [tilespmem:s25], [sflag:$0x3], $0x80, s31, s23, $0xb8;
	[tilespmem:$0x1D080] =	vst v63  }
0x9d: {  	_ =	swait.ge [sflag:s21], $0x2800  }
0x9e: {  	[sflag:s21] =	ssyncset.done $0x0  }
0x9f: {  	[sflag:s21] =	ssyncadd.s32 $0xFFFFD800  }
0xa0: {  	[bflag:$0x0] =	sbarrier.arrive $0xFFFF  }
0xa1: {  	s0 =	sshrl.u32 @p0 s13, $0x3;
	s1 =	simm.s32 @p0 $0x1FC3;
	s8 =	rddreg [dreg:$0x6]  }
0xa2: {  	[hbm:s8], [sflag:s1] =	dma.local @p0 [spmem:s0], $0x1900  }
0xa3: {  	s0 =	simm.s32 @p0 $0x3  }
0xa4: {  	s1 =	stileid.u32;
	_ =	swait.ge @p0 [sflag:s0], $0x1900  }
0xa5: {  	s1 =	sshll.u32 @!p0 s1, $0x6;
	[sflag:s0] =	ssyncset.done @p0 $0x0;
	s8 =	rddreg [dreg:$0x5]  }
0xa6: {  	[sflag:s0] =	ssyncadd.s32 @p0 $0xFFFFE700;
	s0 =	sor.u32 @!p0 $0x1C03, s1;
	s1 =	sshrl.u32 @!p0 s7, $0x3  }
0xa7: {  	[hbm:s8], [sflag:s0] =	dma.local @!p0 [spmem:s1], $0x2800  }
0xa8: {  	s0 =	simm.s32 @!p0 $0x3  }
0xa9: {  	_ =	swait.ge @!p0 [sflag:s0], $0x2800  }
0xaa: {  	s3 =	sadd.s32 $0x1, s3;
	s17 =	rddreg [dreg:$0x7]  }
0xab: {  	p1 =	sne.s32 s3, s17  }
.Ltmp4:
0xac: {  	_ = 	snop;
	(pc) =	sbr.rel @p1 .LBB2_1-.Ltmp4, $3  }
0xad: {  	_ =	sdelay $0x1  }
0xae: {  	[sflag:s0] =	ssyncset.done @!p0 $0x0  }
0xaf: {  	[sflag:s0] =	ssyncadd.s32 @!p0 $0xFFFFD800  }
0xb0: {  	_ =	sfence.sel $0x180000  }
0xb1: {  	[bflag:$0x0] =	sbarrier.arrive $0xFFFF  }
0xb2: {  	_ =	strace $0x9000004D  }
0xb3: {  	s0 =	stileid.u32;
	[bflag:$0x2] =	sbarrier.arrive $0xFFFF  }
0xb4: {  	p0 =	sne.s32 s0, $0x0;
	s0 =	rddreg [dreg:$0x2]  }
0xb5: {  	s0 =	sadd.s32 @!p0 $0x100000, s0  }
0xb6: {  	[sflag:s0] =	ssyncadd.tile.s32 @!p0 $0x1;
	_ =	shalt  }
.Lfunc_end2:
_tile_overlayer_lowered:
.L_overlay_start_2:
0xb7: {  	(tag) =	ssettag $0x2  }
0xb8: {  	s0 =	rddreg [dreg:$0x0];
	s2 =	stileid.u32  }
0xb9: {  	s1 =	rddreg [dreg:$0x1];
	p0 =	sne.s32 s2, $0x0  }
0xba: {  	s3 =	rddreg [dreg:$0x2];
	[bflag:$0x3] =	sbarrier.arrive $0xFFFF;
	s2 =	simm.s32 @!p0 $0x1C03  }
0xbb: {  	[timem:s3], [sflag:s2] =	dma.local @!p0 [hbm:s0], s1  }
0xbc: {  	s0 =	simm.s32 @!p0 $0x3  }
0xbd: {  	_ =	swait.ge @!p0 [sflag:s0], s1  }
0xbe: {  	s1 =	ssub.s32 @!p0 $0x0, s1;
	[sflag:s0] =	ssyncset.done @!p0 $0x0  }
0xbf: {  	[sflag:s0] =	ssyncadd.s32 @!p0 s1  }
0xc0: {  	[bflag:$0x3] =	sbarrier.arrive $0xFFFF  }
0xc1: {  	_ =	shalt  }

</sc_bundles>
